<compile_context>
chip_gen: v7x
topology: tpu7x:2x2x1
jax: 0.10.2.dev20260603
libtpu: 0.0.44.dev20260713+nightly
codegen_flags: <defaults>
</compile_context>

<pallas_src>
import functools

import jax
import jax.numpy as jnp
from jax import lax
from jax.experimental import pallas as pl
from jax.experimental.pallas import tpu as pltpu
from jax.experimental.pallas import tpu_sc as plsc

NSEQ = 64
BS = 2048
N_NODES = 10000
D = 128
HGRU = 64
E_EDGES = 320000

NC, NS = 2, 16
NW = NC * NS
HD = D // 2
EPS = 20480
ECH = 128
NCHUNK = EPS // ECH
ACC_ROWS = 10240
ROWS_PW = ACC_ROWS // NS
PACK_ROWS = BS * NSEQ

_mesh = plsc.VectorSubcoreMesh(core_axis_name="c", subcore_axis_name="s")


def _wid():
    return lax.axis_index("s") * NC + lax.axis_index("c")


@functools.partial(
    pl.kernel,
    mesh=_mesh,
    out_type=jax.ShapeDtypeStruct((PACK_ROWS, D), jnp.float32),
    scratch_types=[
        pltpu.VMEM((BS // NW,), jnp.int32),
        pltpu.VMEM((BS // NW, D), jnp.float32),
        pltpu.SemaphoreType.DMA,
    ],
)
def _sc_pack(x_hbm, ridx_hbm, out_hbm, idx_v, rows_v, sem):
    w = _wid()
    base = w * (BS // NW)
    pltpu.sync_copy(ridx_hbm.at[pl.ds(base, BS // NW)], idx_v)
    pltpu.sync_copy(x_hbm.at[pl.ds(base, BS // NW)], rows_v)
    pltpu.async_copy(rows_v, out_hbm.at[idx_v], sem).wait()


@functools.partial(
    pl.kernel,
    mesh=_mesh,
    out_type=(
        jax.ShapeDtypeStruct((BS, HGRU), jnp.float32),
        jax.ShapeDtypeStruct((BS, HGRU), jnp.float32),
    ),
    scratch_types=[
        pltpu.VMEM((BS // NW,), jnp.int32),
        pltpu.VMEM((BS // NW, HGRU), jnp.float32),
        pltpu.VMEM((BS // NW, HGRU), jnp.float32),
        pltpu.SemaphoreType.DMA,
        pltpu.SemaphoreType.DMA,
    ],
    compiler_params=pltpu.CompilerParams(use_tc_tiling_on_sc=False),
)
def _sc_unpack(yf_hbm, yb_hbm, gidx_hbm, of_hbm, ob_hbm, idx_v, gf_v, gb_v,
               semf, semb):
    w = _wid()
    k = BS // NW
    base = w * k
    pltpu.sync_copy(gidx_hbm.at[pl.ds(base, k)], idx_v)
    cf = pltpu.async_copy(yf_hbm.at[idx_v], gf_v, semf)
    cb = pltpu.async_copy(yb_hbm.at[idx_v], gb_v, semb)
    cf.wait()
    cb.wait()
    pltpu.sync_copy(gf_v, of_hbm.at[pl.ds(base, k)])
    pltpu.sync_copy(gb_v, ob_hbm.at[pl.ds(base, k)])


def _edge_body(with_cnt, h_hbm, src_hbm, dst_hbm, zrow_hbm, zc_hbm, ones_hbm,
               acc_out, cnt_out, sidx_v, didx_v, rows_v, ones_v, acc_sh,
               cnt_sh, gsem0, gsem1, gsem2, gsem3, ssem0, ssem1, ssem2,
               ssem3):
    c = lax.axis_index("c")
    s = lax.axis_index("s")

    pltpu.sync_copy(zrow_hbm, rows_v.at[0])
    if with_cnt:
        pltpu.sync_copy(zc_hbm, ones_v)
    for j in range(ROWS_PW // ECH):
        pltpu.sync_copy(rows_v.at[0],
                        acc_sh.at[pl.ds(s * ROWS_PW + j * ECH, ECH)])
        if with_cnt:
            pltpu.sync_copy(ones_v,
                            cnt_sh.at[pl.ds(s * ROWS_PW + j * ECH, ECH)])
    if with_cnt:
        pltpu.sync_copy(ones_hbm, ones_v)
    pltpu.sync_copy(src_hbm.at[c, s], sidx_v)
    pltpu.sync_copy(dst_hbm.at[s], didx_v)
    plsc.subcore_barrier()

    gsems = (gsem0, gsem1, gsem2, gsem3)
    ssems = (ssem0, ssem1, ssem2, ssem3)
    pltpu.async_copy(h_hbm.at[sidx_v.at[0]], rows_v.at[0], gsems[0])
    pltpu.async_copy(h_hbm.at[sidx_v.at[1]], rows_v.at[1], gsems[1])

    def quad(i, carry):
        for b in range(4):
            j = 4 * i + b
            pltpu.make_async_copy(h_hbm.at[sidx_v.at[j]], rows_v.at[b],
                                  gsems[b]).wait()
            pltpu.async_copy(rows_v.at[b], acc_sh.at[didx_v.at[j]], ssems[b],
                             add=True)
            if with_cnt:
                pltpu.sync_copy(ones_v, cnt_sh.at[didx_v.at[j]], add=True)
            bg = (b + 2) % 4

            @pl.when(j >= 2)
            def _():
                pltpu.make_async_copy(rows_v.at[bg],
                                      acc_sh.at[didx_v.at[0]],
                                      ssems[bg]).wait()

            @pl.when(j + 2 < NCHUNK)
            def _():
                pltpu.async_copy(h_hbm.at[sidx_v.at[j + 2]], rows_v.at[bg],
                                 gsems[bg])
        return carry

    lax.fori_loop(0, NCHUNK // 4, quad, 0)
    for b in ((NCHUNK - 2) % 4, (NCHUNK - 1) % 4):
        pltpu.make_async_copy(rows_v.at[b], acc_sh.at[didx_v.at[0]],
                              ssems[b]).wait()
    plsc.subcore_barrier()

    rbase = s * ROWS_PW
    pltpu.sync_copy(acc_sh.at[pl.ds(rbase, ROWS_PW)],
                    acc_out.at[c, pl.ds(rbase, ROWS_PW)])
    if with_cnt:
        pltpu.sync_copy(cnt_sh.at[pl.ds(rbase, ROWS_PW)],
                        cnt_out.at[c, pl.ds(rbase, ROWS_PW)])


@functools.partial(
    pl.kernel,
    mesh=_mesh,
    out_type=(
        jax.ShapeDtypeStruct((NC, ACC_ROWS, HD), jnp.float32),
        jax.ShapeDtypeStruct((NC, ACC_ROWS, 16), jnp.float32),
    ),
    scratch_types=[
        pltpu.VMEM((NCHUNK, ECH), jnp.int32),
        pltpu.VMEM((NCHUNK, ECH), jnp.int32),
        pltpu.VMEM((4, ECH, HD), jnp.float32),
        pltpu.VMEM((ECH, 16), jnp.float32),
        pltpu.VMEM_SHARED((ACC_ROWS, HD), jnp.float32),
        pltpu.VMEM_SHARED((ACC_ROWS, 16), jnp.float32),
    ] + [pltpu.SemaphoreType.DMA] * 8,
    compiler_params=pltpu.CompilerParams(use_tc_tiling_on_sc=False),
)
def _sc_edges_cnt(h_hbm, src_hbm, dst_hbm, zrow_hbm, zc_hbm, ones_hbm,
                  acc_out, cnt_out, sidx_v, didx_v, rows_v, ones_v, acc_sh,
                  cnt_sh, *sems):
    _edge_body(True, h_hbm, src_hbm, dst_hbm, zrow_hbm, zc_hbm, ones_hbm,
               acc_out, cnt_out, sidx_v, didx_v, rows_v, ones_v, acc_sh,
               cnt_sh, *sems)


@functools.partial(
    pl.kernel,
    mesh=_mesh,
    out_type=jax.ShapeDtypeStruct((NC, ACC_ROWS, HD), jnp.float32),
    scratch_types=[
        pltpu.VMEM((NCHUNK, ECH), jnp.int32),
        pltpu.VMEM((NCHUNK, ECH), jnp.int32),
        pltpu.VMEM((4, ECH, HD), jnp.float32),
        pltpu.VMEM_SHARED((ACC_ROWS, HD), jnp.float32),
    ] + [pltpu.SemaphoreType.DMA] * 8,
    compiler_params=pltpu.CompilerParams(use_tc_tiling_on_sc=False),
)
def _sc_edges(h_hbm, src_hbm, dst_hbm, zrow_hbm, acc_out, sidx_v, didx_v,
              rows_v, acc_sh, *sems):
    _edge_body(False, h_hbm, src_hbm, dst_hbm, zrow_hbm, None, None,
               acc_out, None, sidx_v, didx_v, rows_v, None, acc_sh, None,
               *sems)


def _proj_body(x_ref, w_ref, b_ref, o_ref):
    o_ref[...] = jax.nn.relu(
        jnp.dot(x_ref[...], w_ref[...], preferred_element_type=jnp.float32)
        + b_ref[...])


def _proj(x, wT, b):
    return pl.pallas_call(
        _proj_body,
        grid=(10,),
        in_specs=[
            pl.BlockSpec((1000, D), lambda i: (i, 0)),
            pl.BlockSpec((D, D), lambda i: (0, 0)),
            pl.BlockSpec((1, D), lambda i: (0, 0)),
        ],
        out_specs=pl.BlockSpec((1000, D), lambda i: (i, 0)),
        out_shape=jax.ShapeDtypeStruct((N_NODES, D), jnp.float32),
    )(x, wT, b)


def _comb0_body(s_ref, c_ref, x_ref, wlT_ref, bl_ref, wrT_ref, g_ref, be_ref,
                o_ref):
    ssum = jnp.concatenate([s_ref[0], s_ref[1]], axis=-1)
    cnt = c_ref[0, :, 0:1]
    agg = ssum / jnp.maximum(cnt, 1.0)
    out = (jnp.dot(agg, wlT_ref[...], preferred_element_type=jnp.float32)
           + bl_ref[...]
           + jnp.dot(x_ref[...], wrT_ref[...],
                     preferred_element_type=jnp.float32))
    nrm = jnp.maximum(
        jnp.sqrt(jnp.sum(out * out, axis=-1, keepdims=True)), 1e-12)
    out = jax.nn.relu(out / nrm)
    m = jnp.mean(out, axis=-1, keepdims=True)
    v = jnp.mean((out - m) ** 2, axis=-1, keepdims=True)
    o_ref[...] = (out - m) / jnp.sqrt(v + 1e-5) * g_ref[...] + be_ref[...]


def _combine0(sparts, cparts, x, wlT, bl, wrT, g, be):
    return pl.pallas_call(
        _comb0_body,
        grid=(10,),
        in_specs=[
            pl.BlockSpec((NC, 1000, HD), lambda i: (0, i, 0)),
            pl.BlockSpec((1, 1000, 16), lambda i: (0, i, 0)),
            pl.BlockSpec((1000, D), lambda i: (i, 0)),
            pl.BlockSpec((D, D), lambda i: (0, 0)),
            pl.BlockSpec((1, D), lambda i: (0, 0)),
            pl.BlockSpec((D, D), lambda i: (0, 0)),
            pl.BlockSpec((1, D), lambda i: (0, 0)),
            pl.BlockSpec((1, D), lambda i: (0, 0)),
        ],
        out_specs=pl.BlockSpec((1000, D), lambda i: (i, 0)),
        out_shape=jax.ShapeDtypeStruct((N_NODES, D), jnp.float32),
    )(sparts, cparts, x, wlT, bl, wrT, g, be)


def _comb1_body(s_ref, c_ref, h_ref, wlT_ref, bl_ref, wrT_ref, o_ref):
    ssum = jnp.concatenate([s_ref[0], s_ref[1]], axis=-1)
    cnt = c_ref[0, :, 0:1]
    agg = ssum / jnp.maximum(cnt, 1.0)
    o_ref[...] = (jnp.dot(agg, wlT_ref[...], preferred_element_type=jnp.float32)
                  + bl_ref[...]
                  + jnp.dot(h_ref[...], wrT_ref[...],
                            preferred_element_type=jnp.float32))


def _combine1(sparts, cparts, h1, wlT, bl, wrT):
    return pl.pallas_call(
        _comb1_body,
        grid=(2,),
        in_specs=[
            pl.BlockSpec((NC, 1024, HD), lambda i: (0, i, 0)),
            pl.BlockSpec((1, 1024, 16), lambda i: (0, i, 0)),
            pl.BlockSpec((1024, D), lambda i: (i, 0)),
            pl.BlockSpec((D, D), lambda i: (0, 0)),
            pl.BlockSpec((1, D), lambda i: (0, 0)),
            pl.BlockSpec((D, D), lambda i: (0, 0)),
        ],
        out_specs=pl.BlockSpec((1024, D), lambda i: (i, 0)),
        out_shape=jax.ShapeDtypeStruct((BS, D), jnp.float32),
    )(sparts, cparts, h1, wlT, bl, wrT)


CT = 64


def _gru_body(lmax_ref, lens_ref, xpad, w0f, wh0f, b0f, bh0f, w0b, wh0b, b0b,
              bh0b, w1f, wh1f, b1f, bh1f, w1b, wh1b, b1b, bh1b,
              y0f, y0b, y1f, y1b, xch_v, af_v, ab_v, ych_v, h_v, sem, wsem):
    lmax = lmax_ref[0]
    lens = lens_ref[...]
    nch = (lmax + CT - 1) // CT

    def gru_pass(in_f, in_b, wi, wh, bi, bh, out_ref, reverse, mask_inputs):
        h_v[...] = jnp.zeros((NSEQ, HGRU), jnp.float32)

        def chunk(ci, carry):
            cc = (nch - 1 - ci) if reverse else ci
            base_t = cc * CT
            rem = jnp.minimum(lmax - base_t, CT)
            rows0 = pl.multiple_of(base_t * NSEQ, NSEQ)
            if in_b is None:
                cpf = pltpu.make_async_copy(
                    in_f.at[pl.ds(rows0, CT * NSEQ), :], xch_v, sem)
                cpf.start()
                cpf.wait()
            else:
                cpf = pltpu.make_async_copy(
                    in_f.at[pl.ds(rows0, CT * NSEQ), :], af_v, sem)
                cpb = pltpu.make_async_copy(
                    in_b.at[pl.ds(rows0, CT * NSEQ), :], ab_v, sem)
                cpf.start()
                cpb.start()
                cpf.wait()
                cpb.wait()

            def step(tt, c2):
                si = (rem - 1 - tt) if reverse else tt
                r0 = si * NSEQ
                if in_b is None:
                    xt = xch_v[pl.ds(r0, NSEQ), :]
                else:
                    xt = jnp.concatenate(
                        [af_v[pl.ds(r0, NSEQ), :], ab_v[pl.ds(r0, NSEQ), :]],
                        axis=1)
                if mask_inputs:
                    xt = jnp.where(lens > base_t + si, xt, 0.0)
                h = h_v[...]
                gi = jnp.dot(xt, wi[...],
                             preferred_element_type=jnp.float32) + bi[...]
                gh = jnp.dot(h, wh[...],
                             preferred_element_type=jnp.float32) + bh[...]
                r = jax.nn.sigmoid(gi[:, :HGRU] + gh[:, :HGRU])
                z = jax.nn.sigmoid(gi[:, HGRU:2 * HGRU]
                                   + gh[:, HGRU:2 * HGRU])
                n = jnp.tanh(gi[:, 2 * HGRU:] + r * gh[:, 2 * HGRU:])
                hn = (1.0 - z) * n + z * h
                h_v[...] = hn
                ych_v[pl.ds(r0, NSEQ), :] = hn
                return c2

            lax.fori_loop(0, rem, step, 0)
            cpo = pltpu.make_async_copy(
                ych_v, out_ref.at[pl.ds(rows0, CT * NSEQ), :], wsem)
            cpo.start()
            cpo.wait()
            return carry

        lax.fori_loop(0, nch, chunk, 0)

    gru_pass(xpad, None, w0f, wh0f, b0f, bh0f, y0f, False, True)
    gru_pass(xpad, None, w0b, wh0b, b0b, bh0b, y0b, True, True)
    gru_pass(y0f, y0b, w1f, wh1f, b1f, bh1f, y1f, False, False)
    gru_pass(y0f, y0b, w1b, wh1b, b1b, bh1b, y1b, True, False)


def _gru(lmax, lens, xpad, weights):
    yshape = jax.ShapeDtypeStruct((PACK_ROWS, HGRU), jnp.float32)
    vspec = pl.BlockSpec(memory_space=pltpu.VMEM)
    return pl.pallas_call(
        _gru_body,
        in_specs=[pl.BlockSpec(memory_space=pltpu.SMEM),
                  vspec,
                  pl.BlockSpec(memory_space=pl.ANY)]
        + [vspec] * 16,
        out_specs=[pl.BlockSpec(memory_space=pl.ANY)] * 4,
        out_shape=[yshape] * 4,
        scratch_shapes=[
            pltpu.VMEM((CT * NSEQ, D), jnp.float32),
            pltpu.VMEM((CT * NSEQ, HGRU), jnp.float32),
            pltpu.VMEM((CT * NSEQ, HGRU), jnp.float32),
            pltpu.VMEM((CT * NSEQ, HGRU), jnp.float32),
            pltpu.VMEM((NSEQ, HGRU), jnp.float32),
            pltpu.SemaphoreType.DMA,
            pltpu.SemaphoreType.DMA,
        ],
    )(lmax, lens, xpad, *weights)


def _head_body(xf_ref, xb_ref, xg_ref, rg_ref, rb_ref, w1T_ref, b1_ref,
               mg_ref, mb_ref, w2T_ref, b2_ref, waT_ref, wbT_ref, bc_ref,
               o_ref):
    u = jnp.concatenate([xf_ref[...], xb_ref[...]], axis=1)
    m = jnp.mean(u, axis=-1, keepdims=True)
    v = jnp.mean((u - m) ** 2, axis=-1, keepdims=True)
    u = (u - m) / jnp.sqrt(v + 1e-5) * rg_ref[...] + rb_ref[...]
    u = jax.nn.relu(
        jnp.dot(u, w1T_ref[...], preferred_element_type=jnp.float32)
        + b1_ref[...])
    m = jnp.mean(u, axis=-1, keepdims=True)
    v = jnp.mean((u - m) ** 2, axis=-1, keepdims=True)
    u = (u - m) / jnp.sqrt(v + 1e-5) * mg_ref[...] + mb_ref[...]
    u = jnp.dot(u, w2T_ref[...], preferred_element_type=jnp.float32) \
        + b2_ref[...]
    o_ref[...] = (jnp.dot(u, waT_ref[...], preferred_element_type=jnp.float32)
                  + jnp.dot(xg_ref[...], wbT_ref[...],
                            preferred_element_type=jnp.float32)
                  + bc_ref[...])


def _head(xf, xb, xg, rg, rb, w1T, b1, mg, mb, w2T, b2, waT, wbT, bc):
    row = pl.BlockSpec((1024, D), lambda i: (i, 0))
    half = pl.BlockSpec((1024, HGRU), lambda i: (i, 0))
    wfull = pl.BlockSpec((D, D), lambda i: (0, 0))
    bfull = pl.BlockSpec((1, D), lambda i: (0, 0))
    return pl.pallas_call(
        _head_body,
        grid=(2,),
        in_specs=[half, half, row, bfull, bfull, wfull, bfull, bfull, bfull,
                  wfull, bfull, wfull, wfull, bfull],
        out_specs=row,
        out_shape=jax.ShapeDtypeStruct((BS, D), jnp.float32),
    )(xf, xb, xg, rg, rb, w1T, b1, mg, mb, w2T, b2, waT, wbT, bc)


def kernel(x, edge_index, batch, batch_size, neighbor_mask_node,
           neighbor_mask_edge, W_proj, b_proj, Wl0, bl0, Wr0, Wl1, bl1, Wr1,
           ln0_g, ln0_b, Wih0f, Whh0f, bih0f, bhh0f, Wih0b, Whh0b, bih0b,
           bhh0b, Wih1f, Whh1f, bih1f, bhh1f, Wih1b, Whh1b, bih1b, bhh1b,
           rnn_g, rnn_b, Wm1, bm1, mlp_g, mlp_b, Wm2, bm2, Wcat, bcat):
    f32 = jnp.float32
    x = x.astype(f32)
    bs = batch.shape[0]
    batch = batch.astype(jnp.int32)

    lengths = jnp.bincount(batch, length=NSEQ).astype(jnp.int32)
    starts = jnp.concatenate(
        [jnp.zeros((1,), jnp.int32), jnp.cumsum(lengths)[:-1].astype(jnp.int32)])
    pos = jnp.arange(bs, dtype=jnp.int32) - starts[batch]
    ridx = pos * NSEQ + batch
    lmax = jnp.max(lengths).reshape(1)
    sel = jnp.arange(bs) < batch_size
    x_t = jnp.where(sel[:, None], x[:bs], 0.0)

    xpad = _sc_pack(x_t, ridx)
    gw = (Wih0f.T, Whh0f.T, (bih0f).reshape(1, -1), (bhh0f).reshape(1, -1),
          Wih0b.T, Whh0b.T, (bih0b).reshape(1, -1), (bhh0b).reshape(1, -1),
          Wih1f.T, Whh1f.T, (bih1f).reshape(1, -1), (bhh1f).reshape(1, -1),
          Wih1b.T, Whh1b.T, (bih1b).reshape(1, -1), (bhh1b).reshape(1, -1))
    y0f, y0b, y1f, y1b = _gru(lmax.astype(jnp.int32),
                              lengths.reshape(NSEQ, 1), xpad,
                              [w.astype(f32) for w in gw])
    xrf, xrb = _sc_unpack(y1f, y1b, ridx)

    src = edge_index[0].astype(jnp.int32)
    dst = edge_index[1].astype(jnp.int32)
    epad = NS * EPS
    src_p = jnp.concatenate(
        [src, jnp.zeros((epad - src.shape[0],), jnp.int32)])
    dst_p = jnp.concatenate(
        [dst, jnp.full((epad - dst.shape[0],), N_NODES, jnp.int32)])
    src_r = src_p.reshape(NS, NCHUNK, ECH)
    src_p = jnp.stack([src_r, src_r + N_NODES])
    dst_p = dst_p.reshape(NS, NCHUNK, ECH)
    zrow = jnp.zeros((ECH, HD), f32)
    zc = jnp.zeros((ECH, 16), f32)
    ones = jnp.ones((ECH, 16), f32)

    def halves(h):
        return jnp.concatenate([h[:, :HD], h[:, HD:]], axis=0)

    h0 = _proj(x, W_proj.T.astype(f32), b_proj.reshape(1, -1).astype(f32))
    s0, cnt = _sc_edges_cnt(halves(h0), src_p, dst_p, zrow, zc, ones)
    h1 = _combine0(s0, cnt, x, Wl0.T.astype(f32), bl0.reshape(1, -1),
                   Wr0.T.astype(f32), ln0_g.reshape(1, -1),
                   ln0_b.reshape(1, -1))
    s1 = _sc_edges(halves(h1), src_p, dst_p, zrow)
    x_gnn = _combine1(s1, cnt, h1[:BS], Wl1.T.astype(f32), bl1.reshape(1, -1),
                      Wr1.T.astype(f32))
    x_gnn = jnp.where(sel[:, None], x_gnn, 0.0)

    waT = Wcat[:, :D].T.astype(f32)
    wbT = Wcat[:, D:].T.astype(f32)
    return _head(xrf, xrb, x_gnn, rnn_g.reshape(1, -1), rnn_b.reshape(1, -1),
                 Wm1.T.astype(f32), bm1.reshape(1, -1), mlp_g.reshape(1, -1),
                 mlp_b.reshape(1, -1), Wm2.T.astype(f32), bm2.reshape(1, -1),
                 waT, wbT, bcat.reshape(1, -1))

# --- scband reference (transcript-rebuilt; emitter-appended) ---
"""Pipeline reference for scband-hybrid-gnn-64338610094392 (READ-ONLY COPY).

The authoritative reference and input builder live on the scoring server;
editing this copy changes nothing except your own understanding.
"""

import jax, jax.numpy as jnp
import numpy as np

NUM_SEQS = 64


def _layer_norm(h, g, b, eps=1e-5):
    m = jnp.mean(h, axis=-1, keepdims=True)
    v = jnp.mean((h - m) ** 2, axis=-1, keepdims=True)
    return (h - m) / jnp.sqrt(v + eps) * g + b


def _gru_dir(xs, mask, Wih, Whh, bih, bhh, reverse):
    # xs: [T, B, D]
    Hh = Whh.shape[1]
    if reverse:
        xs = xs[::-1]
        mask = mask[::-1]

    def step(h, xm):
        xt, mt = xm
        gi = xt @ Wih.T + bih
        gh = h @ Whh.T + bhh
        ir, iz, inn = jnp.split(gi, 3, axis=-1)
        hr, hz, hn = jnp.split(gh, 3, axis=-1)
        r = jax.nn.sigmoid(ir + hr)
        z = jax.nn.sigmoid(iz + hz)
        n = jnp.tanh(inn + r * hn)
        hnew = ((1.0 - z) * n + z * h) * mt
        return hnew, hnew

    h0 = jnp.zeros((xs.shape[1], Hh), dtype=xs.dtype)
    _, ys = jax.lax.scan(step, h0, (xs, mask))
    if reverse:
        ys = ys[::-1]
    return ys


def _bigru(xseq, mask, Wf, Whf, bf, bhf, Wb, Whb, bb, bhb):
    xs = jnp.swapaxes(xseq, 0, 1)
    yf = _gru_dir(xs, mask, Wf, Whf, bf, bhf, False)
    yb = _gru_dir(xs, mask, Wb, Whb, bb, bhb, True)
    return jnp.swapaxes(jnp.concatenate([yf, yb], axis=-1), 0, 1)


def _sage(x, src, dst, Wl, bl, Wr, Wp, bp, normalize):
    n = x.shape[0]
    h = x
    if Wp is not None:
        h = jax.nn.relu(h @ Wp.T + bp)
    msg = h[src]
    s = jax.ops.segment_sum(msg, dst, num_segments=n)
    cnt = jax.ops.segment_sum(jnp.ones((src.shape[0],), dtype=x.dtype), dst, num_segments=n)
    agg = s / jnp.maximum(cnt, 1.0)[:, None]
    out = agg @ Wl.T + bl + x @ Wr.T
    if normalize:
        nrm = jnp.maximum(jnp.linalg.norm(out, axis=-1, keepdims=True), 1e-12)
        out = out / nrm
    return out


def setup_inputs(seed: int = 0) -> dict:
    key = jax.random.key(seed)
    ks = jax.random.split(key, 40)
    N, D, H, E, B = 10000, 128, 64, 320000, 2048
    inp = {}
    inp['x'] = jax.random.normal(ks[0], (N, D), dtype=jnp.float32)
    inp['edge_index'] = jax.random.randint(ks[1], (2, E), 0, N)
    inp['batch'] = jnp.sort(jax.random.randint(ks[2], (B,), 0, NUM_SEQS))
    inp['batch_size'] = B
    inp['neighbor_mask_node'] = 0
    inp['neighbor_mask_edge'] = 0
    inp['W_proj'] = 0.05 * jax.random.normal(ks[3], (D, D), dtype=jnp.float32)
    inp['b_proj'] = jnp.zeros((D,), dtype=jnp.float32)
    inp['Wl0'] = 0.05 * jax.random.normal(ks[4], (D, D), dtype=jnp.float32)
    inp['bl0'] = jnp.zeros((D,), dtype=jnp.float32)
    inp['Wr0'] = 0.05 * jax.random.normal(ks[5], (D, D), dtype=jnp.float32)
    inp['Wl1'] = 0.05 * jax.random.normal(ks[6], (D, D), dtype=jnp.float32)
    inp['bl1'] = jnp.zeros((D,), dtype=jnp.float32)
    inp['Wr1'] = 0.05 * jax.random.normal(ks[7], (D, D), dtype=jnp.float32)
    inp['ln0_g'] = jnp.ones((D,), dtype=jnp.float32)
    inp['ln0_b'] = jnp.zeros((D,), dtype=jnp.float32)
    inp['Wih0f'] = 0.05 * jax.random.normal(ks[8], (3 * H, D), dtype=jnp.float32)
    inp['Whh0f'] = 0.05 * jax.random.normal(ks[9], (3 * H, H), dtype=jnp.float32)
    inp['bih0f'] = jnp.zeros((3 * H,), dtype=jnp.float32)
    inp['bhh0f'] = jnp.zeros((3 * H,), dtype=jnp.float32)
    inp['Wih0b'] = 0.05 * jax.random.normal(ks[10], (3 * H, D), dtype=jnp.float32)
    inp['Whh0b'] = 0.05 * jax.random.normal(ks[11], (3 * H, H), dtype=jnp.float32)
    inp['bih0b'] = jnp.zeros((3 * H,), dtype=jnp.float32)
    inp['bhh0b'] = jnp.zeros((3 * H,), dtype=jnp.float32)
    inp['Wih1f'] = 0.05 * jax.random.normal(ks[12], (3 * H, D), dtype=jnp.float32)
    inp['Whh1f'] = 0.05 * jax.random.normal(ks[13], (3 * H, H), dtype=jnp.float32)
    inp['bih1f'] = jnp.zeros((3 * H,), dtype=jnp.float32)
    inp['bhh1f'] = jnp.zeros((3 * H,), dtype=jnp.float32)
    inp['Wih1b'] = 0.05 * jax.random.normal(ks[14], (3 * H, D), dtype=jnp.float32)
    inp['Whh1b'] = 0.05 * jax.random.normal(ks[15], (3 * H, H), dtype=jnp.float32)
    inp['bih1b'] = jnp.zeros((3 * H,), dtype=jnp.float32)
    inp['bhh1b'] = jnp.zeros((3 * H,), dtype=jnp.float32)
    inp['rnn_g'] = jnp.ones((D,), dtype=jnp.float32)
    inp['rnn_b'] = jnp.zeros((D,), dtype=jnp.float32)
    inp['Wm1'] = 0.05 * jax.random.normal(ks[16], (D, D), dtype=jnp.float32)
    inp['bm1'] = jnp.zeros((D,), dtype=jnp.float32)
    inp['mlp_g'] = jnp.ones((D,), dtype=jnp.float32)
    inp['mlp_b'] = jnp.zeros((D,), dtype=jnp.float32)
    inp['Wm2'] = 0.05 * jax.random.normal(ks[17], (D, D), dtype=jnp.float32)
    inp['bm2'] = jnp.zeros((D,), dtype=jnp.float32)
    inp['Wcat'] = 0.05 * jax.random.normal(ks[18], (D, 2 * D), dtype=jnp.float32)
    inp['bcat'] = jnp.zeros((D,), dtype=jnp.float32)
    return inp


def reference(x, edge_index, batch, batch_size, neighbor_mask_node, neighbor_mask_edge,
              W_proj, b_proj, Wl0, bl0, Wr0, Wl1, bl1, Wr1, ln0_g, ln0_b,
              Wih0f, Whh0f, bih0f, bhh0f, Wih0b, Whh0b, bih0b, bhh0b,
              Wih1f, Whh1f, bih1f, bhh1f, Wih1b, Whh1b, bih1b, bhh1b,
              rnn_g, rnn_b, Wm1, bm1, mlp_g, mlp_b, Wm2, bm2, Wcat, bcat):
    # hybrid (GRU) branch over the batch_size target 'note' nodes
    bs = batch.shape[0]
    lengths = jnp.bincount(batch, length=NUM_SEQS)
    starts = jnp.concatenate([jnp.zeros((1,), dtype=lengths.dtype), jnp.cumsum(lengths)[:-1]])
    pos = jnp.arange(bs) - starts[batch]
    Tmax = bs
    mask = (jnp.arange(Tmax) < lengths.max()).astype(x.dtype)
    bidx = batch
    pidx = pos
    sel = jnp.arange(bs) < batch_size
    x_t = jnp.where(sel[:, None], x[:bs], jnp.zeros((), dtype=x.dtype))
    padded = jnp.zeros((NUM_SEQS, Tmax, x.shape[1]), dtype=x.dtype).at[bidx, pidx].set(x_t)
    y = _bigru(padded, mask, Wih0f, Whh0f, bih0f, bhh0f, Wih0b, Whh0b, bih0b, bhh0b)
    y = _bigru(y, mask, Wih1f, Whh1f, bih1f, bhh1f, Wih1b, Whh1b, bih1b, bhh1b)
    y = _layer_norm(y, rnn_g, rnn_b)
    y = jax.nn.relu(y @ Wm1.T + bm1)
    y = _layer_norm(y, mlp_g, mlp_b)
    y = y @ Wm2.T + bm2
    x_rnn = y[bidx, pidx]
    # GNN branch: two SAGEConv layers on the ('note','to','note') edge type
    src = edge_index[0]
    dst = edge_index[1]
    h = _sage(x, src, dst, Wl0, bl0, Wr0, W_proj, b_proj, True)
    h = jax.nn.relu(h)
    h = _layer_norm(h, ln0_g, ln0_b)
    h = _sage(h, src, dst, Wl1, bl1, Wr1, None, None, False)
    x_gnn = jnp.where(sel[:, None], h[:bs], jnp.zeros((), dtype=h.dtype))
    return jnp.concatenate([x_rnn, x_gnn], axis=-1) @ Wcat.T + bcat

if __name__ == "__main__":
    import jax
    _d = setup_inputs()
    print(jax.jit(kernel)(*tuple(_d.values())))

</pallas_src>

<mosaic_0001>
#map = affine_map<(d0, d1) -> (0, 0)>
#map1 = affine_map<(d0, d1) -> (0, 0, 0, 0)>
#map2 = affine_map<(d0, d1) -> (0, 0, 0)>
module attributes {stable_mosaic.version = 14 : i64} {
  func.func @_sc_edges(%arg0: i32, %arg1: i32, %arg2: memref<20000x64xf32, #tpu.memory_space<hbm>>, %arg3: memref<2x16x160x128xi32, #tpu.memory_space<hbm>>, %arg4: memref<16x160x128xi32, #tpu.memory_space<hbm>>, %arg5: memref<128x64xf32, #tpu.memory_space<hbm>>, %arg6: memref<2x10240x64xf32, #tpu.memory_space<hbm>>, %arg7: memref<160x128xi32, #tpu.memory_space<vmem>>, %arg8: memref<160x128xi32, #tpu.memory_space<vmem>>, %arg9: memref<4x128x64xf32, #tpu.memory_space<vmem>>, %arg10: memref<10240x64xf32, #tpu.memory_space<vmem_shared>>, %arg11: memref<!tpu.dma_semaphore, #tpu.memory_space<semaphore_mem>>, %arg12: memref<!tpu.dma_semaphore, #tpu.memory_space<semaphore_mem>>, %arg13: memref<!tpu.dma_semaphore, #tpu.memory_space<semaphore_mem>>, %arg14: memref<!tpu.dma_semaphore, #tpu.memory_space<semaphore_mem>>, %arg15: memref<!tpu.dma_semaphore, #tpu.memory_space<semaphore_mem>>, %arg16: memref<!tpu.dma_semaphore, #tpu.memory_space<semaphore_mem>>, %arg17: memref<!tpu.dma_semaphore, #tpu.memory_space<semaphore_mem>>, %arg18: memref<!tpu.dma_semaphore, #tpu.memory_space<semaphore_mem>>) attributes {dimension_semantics = [#tpu.dimension_semantics<core_parallel>, #tpu.dimension_semantics<subcore_parallel>], iteration_bounds = array<i64: 2, 16>, scalar_prefetch = 0 : i64, scratch_operands = 12 : i64, tpu.core_type = #tpu.core_type<sc_vector_subcore>, window_params = [{transform_indices = #map}, {transform_indices = #map1}, {transform_indices = #map2}, {transform_indices = #map}, {transform_indices = #map2}]} {
    %run_scoped3A = arith.constant 0 : i32
    "tpu.region"() ({
      %run_scoped3A_77 = tpu.sem_alloc : memref<!tpu.dma_semaphore, #tpu.memory_space<semaphore_mem>>
      %dma_start3A_78 = arith.constant 0 : i32
      %dma_start3A_79 = arith.constant 0 : i32
      %dma_start3A_80 = tpu.memref_slice %arg9[%run_scoped3A, %dma_start3A_78, %dma_start3A_79] : memref<4x128x64xf32, #tpu.memory_space<vmem>> -> memref<1x128x64xf32, #tpu.memory_space<vmem>>
      %dma_start3A_81 = tpu.memref_squeeze %dma_start3A_80 : memref<1x128x64xf32, #tpu.memory_space<vmem>> -> memref<128x64xf32, #tpu.memory_space<vmem>>
      %dma_start3A_82 = arith.constant 0 : i32
      %dma_start3A_83 = arith.constant 0 : i32
      %dma_start3A_84 = tpu.memref_slice %arg9[%run_scoped3A, %dma_start3A_82, %dma_start3A_83] : memref<4x128x64xf32, #tpu.memory_space<vmem>> -> memref<1x128x64xf32, #tpu.memory_space<vmem>>
      %dma_start3A_85 = tpu.memref_squeeze %dma_start3A_84 : memref<1x128x64xf32, #tpu.memory_space<vmem>> -> memref<128x64xf32, #tpu.memory_space<vmem>>
      tpu.enqueue_dma source(%arg5 : memref<128x64xf32, #tpu.memory_space<hbm>>) target(%dma_start3A_85 : memref<128x64xf32, #tpu.memory_space<vmem>>) target_semaphore(%run_scoped3A_77 : memref<!tpu.dma_semaphore, #tpu.memory_space<semaphore_mem>>)
      %dma_wait3A_86 = arith.constant 0 : i32
      %dma_wait3A_87 = arith.constant 0 : i32
      %dma_wait3A_88 = tpu.memref_slice %arg9[%run_scoped3A, %dma_wait3A_86, %dma_wait3A_87] : memref<4x128x64xf32, #tpu.memory_space<vmem>> -> memref<1x128x64xf32, #tpu.memory_space<vmem>>
      %dma_wait3A_89 = tpu.memref_squeeze %dma_wait3A_88 : memref<1x128x64xf32, #tpu.memory_space<vmem>> -> memref<128x64xf32, #tpu.memory_space<vmem>>
      %dma_wait3A_90 = arith.constant 0 : i32
      %dma_wait3A_91 = arith.constant 0 : i32
      %dma_wait3A_92 = tpu.memref_slice %arg9[%run_scoped3A, %dma_wait3A_90, %dma_wait3A_91] : memref<4x128x64xf32, #tpu.memory_space<vmem>> -> memref<1x128x64xf32, #tpu.memory_space<vmem>>
      %dma_wait3A_93 = tpu.memref_squeeze %dma_wait3A_92 : memref<1x128x64xf32, #tpu.memory_space<vmem>> -> memref<128x64xf32, #tpu.memory_space<vmem>>
      tpu.wait_dma2 semaphore(%run_scoped3A_77 : memref<!tpu.dma_semaphore, #tpu.memory_space<semaphore_mem>>) src(%arg5 : memref<128x64xf32, #tpu.memory_space<hbm>>) dst(%dma_wait3A_93 : memref<128x64xf32, #tpu.memory_space<vmem>>)
      tpu.yield
    }) : () -> ()
    %mul3A = arith.constant 640 : i32
    %mul3A_0 = arith.muli %arg1, %mul3A : i32
    %add3A = arith.constant 0 : i32
    %add3A_1 = arith.addi %mul3A_0, %add3A : i32
    %run_scoped3A_2 = arith.constant 0 : i32
    "tpu.region"() ({
      %run_scoped3A_77 = tpu.sem_alloc : memref<!tpu.dma_semaphore, #tpu.memory_space<semaphore_mem>>
      %dma_start3A_78 = arith.constant 0 : i32
      %dma_start3A_79 = arith.constant 0 : i32
      %dma_start3A_80 = tpu.memref_slice %arg9[%run_scoped3A_2, %dma_start3A_78, %dma_start3A_79] : memref<4x128x64xf32, #tpu.memory_space<vmem>> -> memref<1x128x64xf32, #tpu.memory_space<vmem>>
      %dma_start3A_81 = tpu.memref_squeeze %dma_start3A_80 : memref<1x128x64xf32, #tpu.memory_space<vmem>> -> memref<128x64xf32, #tpu.memory_space<vmem>>
      %dma_start3A_82 = arith.constant 0 : i32
      %dma_start3A_83 = tpu.memref_slice %arg10[%add3A_1, %dma_start3A_82] : memref<10240x64xf32, #tpu.memory_space<vmem_shared>> -> memref<128x64xf32, #tpu.memory_space<vmem_shared>>
      %dma_start3A_84 = arith.constant 0 : i32
      %dma_start3A_85 = tpu.memref_slice %arg10[%add3A_1, %dma_start3A_84] : memref<10240x64xf32, #tpu.memory_space<vmem_shared>> -> memref<128x64xf32, #tpu.memory_space<vmem_shared>>
      %dma_start3A_86 = arith.constant 0 : i32
      %dma_start3A_87 = arith.constant 0 : i32
      %dma_start3A_88 = tpu.memref_slice %arg9[%run_scoped3A_2, %dma_start3A_86, %dma_start3A_87] : memref<4x128x64xf32, #tpu.memory_space<vmem>> -> memref<1x128x64xf32, #tpu.memory_space<vmem>>
      %dma_start3A_89 = tpu.memref_squeeze %dma_start3A_88 : memref<1x128x64xf32, #tpu.memory_space<vmem>> -> memref<128x64xf32, #tpu.memory_space<vmem>>
      tpu.enqueue_dma source(%dma_start3A_89 : memref<128x64xf32, #tpu.memory_space<vmem>>) target(%dma_start3A_85 : memref<128x64xf32, #tpu.memory_space<vmem_shared>>) target_semaphore(%run_scoped3A_77 : memref<!tpu.dma_semaphore, #tpu.memory_space<semaphore_mem>>)
      %dma_wait3A_90 = arith.constant 0 : i32
      %dma_wait3A_91 = arith.constant 0 : i32
      %dma_wait3A_92 = tpu.memref_slice %arg9[%run_scoped3A_2, %dma_wait3A_90, %dma_wait3A_91] : memref<4x128x64xf32, #tpu.memory_space<vmem>> -> memref<1x128x64xf32, #tpu.memory_space<vmem>>
      %dma_wait3A_93 = tpu.memref_squeeze %dma_wait3A_92 : memref<1x128x64xf32, #tpu.memory_space<vmem>> -> memref<128x64xf32, #tpu.memory_space<vmem>>
      %dma_wait3A_94 = arith.constant 0 : i32
      %dma_wait3A_95 = tpu.memref_slice %arg10[%add3A_1, %dma_wait3A_94] : memref<10240x64xf32, #tpu.memory_space<vmem_shared>> -> memref<128x64xf32, #tpu.memory_space<vmem_shared>>
      %dma_wait3A_96 = arith.constant 0 : i32
      %dma_wait3A_97 = tpu.memref_slice %arg10[%add3A_1, %dma_wait3A_96] : memref<10240x64xf32, #tpu.memory_space<vmem_shared>> -> memref<128x64xf32, #tpu.memory_space<vmem_shared>>
      %dma_wait3A_98 = arith.constant 0 : i32
      %dma_wait3A_99 = arith.constant 0 : i32
      %dma_wait3A_100 = tpu.memref_slice %arg9[%run_scoped3A_2, %dma_wait3A_98, %dma_wait3A_99] : memref<4x128x64xf32, #tpu.memory_space<vmem>> -> memref<1x128x64xf32, #tpu.memory_space<vmem>>
      %dma_wait3A_101 = tpu.memref_squeeze %dma_wait3A_100 : memref<1x128x64xf32, #tpu.memory_space<vmem>> -> memref<128x64xf32, #tpu.memory_space<vmem>>
      tpu.wait_dma2 semaphore(%run_scoped3A_77 : memref<!tpu.dma_semaphore, #tpu.memory_space<semaphore_mem>>) src(%dma_wait3A_101 : memref<128x64xf32, #tpu.memory_space<vmem>>) dst(%dma_wait3A_97 : memref<128x64xf32, #tpu.memory_space<vmem_shared>>)
      tpu.yield
    }) : () -> ()
    %mul3A_3 = arith.constant 640 : i32
    %mul3A_4 = arith.muli %arg1, %mul3A_3 : i32
    %add3A_5 = arith.constant 128 : i32
    %add3A_6 = arith.addi %mul3A_4, %add3A_5 : i32
    %run_scoped3A_7 = arith.constant 0 : i32
    "tpu.region"() ({
      %run_scoped3A_77 = tpu.sem_alloc : memref<!tpu.dma_semaphore, #tpu.memory_space<semaphore_mem>>
      %dma_start3A_78 = arith.constant 0 : i32
      %dma_start3A_79 = arith.constant 0 : i32
      %dma_start3A_80 = tpu.memref_slice %arg9[%run_scoped3A_7, %dma_start3A_78, %dma_start3A_79] : memref<4x128x64xf32, #tpu.memory_space<vmem>> -> memref<1x128x64xf32, #tpu.memory_space<vmem>>
      %dma_start3A_81 = tpu.memref_squeeze %dma_start3A_80 : memref<1x128x64xf32, #tpu.memory_space<vmem>> -> memref<128x64xf32, #tpu.memory_space<vmem>>
      %dma_start3A_82 = arith.constant 0 : i32
      %dma_start3A_83 = tpu.memref_slice %arg10[%add3A_6, %dma_start3A_82] : memref<10240x64xf32, #tpu.memory_space<vmem_shared>> -> memref<128x64xf32, #tpu.memory_space<vmem_shared>>
      %dma_start3A_84 = arith.constant 0 : i32
      %dma_start3A_85 = tpu.memref_slice %arg10[%add3A_6, %dma_start3A_84] : memref<10240x64xf32, #tpu.memory_space<vmem_shared>> -> memref<128x64xf32, #tpu.memory_space<vmem_shared>>
      %dma_start3A_86 = arith.constant 0 : i32
      %dma_start3A_87 = arith.constant 0 : i32
      %dma_start3A_88 = tpu.memref_slice %arg9[%run_scoped3A_7, %dma_start3A_86, %dma_start3A_87] : memref<4x128x64xf32, #tpu.memory_space<vmem>> -> memref<1x128x64xf32, #tpu.memory_space<vmem>>
      %dma_start3A_89 = tpu.memref_squeeze %dma_start3A_88 : memref<1x128x64xf32, #tpu.memory_space<vmem>> -> memref<128x64xf32, #tpu.memory_space<vmem>>
      tpu.enqueue_dma source(%dma_start3A_89 : memref<128x64xf32, #tpu.memory_space<vmem>>) target(%dma_start3A_85 : memref<128x64xf32, #tpu.memory_space<vmem_shared>>) target_semaphore(%run_scoped3A_77 : memref<!tpu.dma_semaphore, #tpu.memory_space<semaphore_mem>>)
      %dma_wait3A_90 = arith.constant 0 : i32
      %dma_wait3A_91 = arith.constant 0 : i32
      %dma_wait3A_92 = tpu.memref_slice %arg9[%run_scoped3A_7, %dma_wait3A_90, %dma_wait3A_91] : memref<4x128x64xf32, #tpu.memory_space<vmem>> -> memref<1x128x64xf32, #tpu.memory_space<vmem>>
      %dma_wait3A_93 = tpu.memref_squeeze %dma_wait3A_92 : memref<1x128x64xf32, #tpu.memory_space<vmem>> -> memref<128x64xf32, #tpu.memory_space<vmem>>
      %dma_wait3A_94 = arith.constant 0 : i32
      %dma_wait3A_95 = tpu.memref_slice %arg10[%add3A_6, %dma_wait3A_94] : memref<10240x64xf32, #tpu.memory_space<vmem_shared>> -> memref<128x64xf32, #tpu.memory_space<vmem_shared>>
      %dma_wait3A_96 = arith.constant 0 : i32
      %dma_wait3A_97 = tpu.memref_slice %arg10[%add3A_6, %dma_wait3A_96] : memref<10240x64xf32, #tpu.memory_space<vmem_shared>> -> memref<128x64xf32, #tpu.memory_space<vmem_shared>>
      %dma_wait3A_98 = arith.constant 0 : i32
      %dma_wait3A_99 = arith.constant 0 : i32
      %dma_wait3A_100 = tpu.memref_slice %arg9[%run_scoped3A_7, %dma_wait3A_98, %dma_wait3A_99] : memref<4x128x64xf32, #tpu.memory_space<vmem>> -> memref<1x128x64xf32, #tpu.memory_space<vmem>>
      %dma_wait3A_101 = tpu.memref_squeeze %dma_wait3A_100 : memref<1x128x64xf32, #tpu.memory_space<vmem>> -> memref<128x64xf32, #tpu.memory_space<vmem>>
      tpu.wait_dma2 semaphore(%run_scoped3A_77 : memref<!tpu.dma_semaphore, #tpu.memory_space<semaphore_mem>>) src(%dma_wait3A_101 : memref<128x64xf32, #tpu.memory_space<vmem>>) dst(%dma_wait3A_97 : memref<128x64xf32, #tpu.memory_space<vmem_shared>>)
      tpu.yield
    }) : () -> ()
    %mul3A_8 = arith.constant 640 : i32
    %mul3A_9 = arith.muli %arg1, %mul3A_8 : i32
    %add3A_10 = arith.constant 256 : i32
    %add3A_11 = arith.addi %mul3A_9, %add3A_10 : i32
    %run_scoped3A_12 = arith.constant 0 : i32
    "tpu.region"() ({
      %run_scoped3A_77 = tpu.sem_alloc : memref<!tpu.dma_semaphore, #tpu.memory_space<semaphore_mem>>
      %dma_start3A_78 = arith.constant 0 : i32
      %dma_start3A_79 = arith.constant 0 : i32
      %dma_start3A_80 = tpu.memref_slice %arg9[%run_scoped3A_12, %dma_start3A_78, %dma_start3A_79] : memref<4x128x64xf32, #tpu.memory_space<vmem>> -> memref<1x128x64xf32, #tpu.memory_space<vmem>>
      %dma_start3A_81 = tpu.memref_squeeze %dma_start3A_80 : memref<1x128x64xf32, #tpu.memory_space<vmem>> -> memref<128x64xf32, #tpu.memory_space<vmem>>
      %dma_start3A_82 = arith.constant 0 : i32
      %dma_start3A_83 = tpu.memref_slice %arg10[%add3A_11, %dma_start3A_82] : memref<10240x64xf32, #tpu.memory_space<vmem_shared>> -> memref<128x64xf32, #tpu.memory_space<vmem_shared>>
      %dma_start3A_84 = arith.constant 0 : i32
      %dma_start3A_85 = tpu.memref_slice %arg10[%add3A_11, %dma_start3A_84] : memref<10240x64xf32, #tpu.memory_space<vmem_shared>> -> memref<128x64xf32, #tpu.memory_space<vmem_shared>>
      %dma_start3A_86 = arith.constant 0 : i32
      %dma_start3A_87 = arith.constant 0 : i32
      %dma_start3A_88 = tpu.memref_slice %arg9[%run_scoped3A_12, %dma_start3A_86, %dma_start3A_87] : memref<4x128x64xf32, #tpu.memory_space<vmem>> -> memref<1x128x64xf32, #tpu.memory_space<vmem>>
      %dma_start3A_89 = tpu.memref_squeeze %dma_start3A_88 : memref<1x128x64xf32, #tpu.memory_space<vmem>> -> memref<128x64xf32, #tpu.memory_space<vmem>>
      tpu.enqueue_dma source(%dma_start3A_89 : memref<128x64xf32, #tpu.memory_space<vmem>>) target(%dma_start3A_85 : memref<128x64xf32, #tpu.memory_space<vmem_shared>>) target_semaphore(%run_scoped3A_77 : memref<!tpu.dma_semaphore, #tpu.memory_space<semaphore_mem>>)
      %dma_wait3A_90 = arith.constant 0 : i32
      %dma_wait3A_91 = arith.constant 0 : i32
      %dma_wait3A_92 = tpu.memref_slice %arg9[%run_scoped3A_12, %dma_wait3A_90, %dma_wait3A_91] : memref<4x128x64xf32, #tpu.memory_space<vmem>> -> memref<1x128x64xf32, #tpu.memory_space<vmem>>
      %dma_wait3A_93 = tpu.memref_squeeze %dma_wait3A_92 : memref<1x128x64xf32, #tpu.memory_space<vmem>> -> memref<128x64xf32, #tpu.memory_space<vmem>>
      %dma_wait3A_94 = arith.constant 0 : i32
      %dma_wait3A_95 = tpu.memref_slice %arg10[%add3A_11, %dma_wait3A_94] : memref<10240x64xf32, #tpu.memory_space<vmem_shared>> -> memref<128x64xf32, #tpu.memory_space<vmem_shared>>
      %dma_wait3A_96 = arith.constant 0 : i32
      %dma_wait3A_97 = tpu.memref_slice %arg10[%add3A_11, %dma_wait3A_96] : memref<10240x64xf32, #tpu.memory_space<vmem_shared>> -> memref<128x64xf32, #tpu.memory_space<vmem_shared>>
      %dma_wait3A_98 = arith.constant 0 : i32
      %dma_wait3A_99 = arith.constant 0 : i32
      %dma_wait3A_100 = tpu.memref_slice %arg9[%run_scoped3A_12, %dma_wait3A_98, %dma_wait3A_99] : memref<4x128x64xf32, #tpu.memory_space<vmem>> -> memref<1x128x64xf32, #tpu.memory_space<vmem>>
      %dma_wait3A_101 = tpu.memref_squeeze %dma_wait3A_100 : memref<1x128x64xf32, #tpu.memory_space<vmem>> -> memref<128x64xf32, #tpu.memory_space<vmem>>
      tpu.wait_dma2 semaphore(%run_scoped3A_77 : memref<!tpu.dma_semaphore, #tpu.memory_space<semaphore_mem>>) src(%dma_wait3A_101 : memref<128x64xf32, #tpu.memory_space<vmem>>) dst(%dma_wait3A_97 : memref<128x64xf32, #tpu.memory_space<vmem_shared>>)
      tpu.yield
    }) : () -> ()
    %mul3A_13 = arith.constant 640 : i32
    %mul3A_14 = arith.muli %arg1, %mul3A_13 : i32
    %add3A_15 = arith.constant 384 : i32
    %add3A_16 = arith.addi %mul3A_14, %add3A_15 : i32
    %run_scoped3A_17 = arith.constant 0 : i32
    "tpu.region"() ({
      %run_scoped3A_77 = tpu.sem_alloc : memref<!tpu.dma_semaphore, #tpu.memory_space<semaphore_mem>>
      %dma_start3A_78 = arith.constant 0 : i32
      %dma_start3A_79 = arith.constant 0 : i32
      %dma_start3A_80 = tpu.memref_slice %arg9[%run_scoped3A_17, %dma_start3A_78, %dma_start3A_79] : memref<4x128x64xf32, #tpu.memory_space<vmem>> -> memref<1x128x64xf32, #tpu.memory_space<vmem>>
      %dma_start3A_81 = tpu.memref_squeeze %dma_start3A_80 : memref<1x128x64xf32, #tpu.memory_space<vmem>> -> memref<128x64xf32, #tpu.memory_space<vmem>>
      %dma_start3A_82 = arith.constant 0 : i32
      %dma_start3A_83 = tpu.memref_slice %arg10[%add3A_16, %dma_start3A_82] : memref<10240x64xf32, #tpu.memory_space<vmem_shared>> -> memref<128x64xf32, #tpu.memory_space<vmem_shared>>
      %dma_start3A_84 = arith.constant 0 : i32
      %dma_start3A_85 = tpu.memref_slice %arg10[%add3A_16, %dma_start3A_84] : memref<10240x64xf32, #tpu.memory_space<vmem_shared>> -> memref<128x64xf32, #tpu.memory_space<vmem_shared>>
      %dma_start3A_86 = arith.constant 0 : i32
      %dma_start3A_87 = arith.constant 0 : i32
      %dma_start3A_88 = tpu.memref_slice %arg9[%run_scoped3A_17, %dma_start3A_86, %dma_start3A_87] : memref<4x128x64xf32, #tpu.memory_space<vmem>> -> memref<1x128x64xf32, #tpu.memory_space<vmem>>
      %dma_start3A_89 = tpu.memref_squeeze %dma_start3A_88 : memref<1x128x64xf32, #tpu.memory_space<vmem>> -> memref<128x64xf32, #tpu.memory_space<vmem>>
      tpu.enqueue_dma source(%dma_start3A_89 : memref<128x64xf32, #tpu.memory_space<vmem>>) target(%dma_start3A_85 : memref<128x64xf32, #tpu.memory_space<vmem_shared>>) target_semaphore(%run_scoped3A_77 : memref<!tpu.dma_semaphore, #tpu.memory_space<semaphore_mem>>)
      %dma_wait3A_90 = arith.constant 0 : i32
      %dma_wait3A_91 = arith.constant 0 : i32
      %dma_wait3A_92 = tpu.memref_slice %arg9[%run_scoped3A_17, %dma_wait3A_90, %dma_wait3A_91] : memref<4x128x64xf32, #tpu.memory_space<vmem>> -> memref<1x128x64xf32, #tpu.memory_space<vmem>>
      %dma_wait3A_93 = tpu.memref_squeeze %dma_wait3A_92 : memref<1x128x64xf32, #tpu.memory_space<vmem>> -> memref<128x64xf32, #tpu.memory_space<vmem>>
      %dma_wait3A_94 = arith.constant 0 : i32
      %dma_wait3A_95 = tpu.memref_slice %arg10[%add3A_16, %dma_wait3A_94] : memref<10240x64xf32, #tpu.memory_space<vmem_shared>> -> memref<128x64xf32, #tpu.memory_space<vmem_shared>>
      %dma_wait3A_96 = arith.constant 0 : i32
      %dma_wait3A_97 = tpu.memref_slice %arg10[%add3A_16, %dma_wait3A_96] : memref<10240x64xf32, #tpu.memory_space<vmem_shared>> -> memref<128x64xf32, #tpu.memory_space<vmem_shared>>
      %dma_wait3A_98 = arith.constant 0 : i32
      %dma_wait3A_99 = arith.constant 0 : i32
      %dma_wait3A_100 = tpu.memref_slice %arg9[%run_scoped3A_17, %dma_wait3A_98, %dma_wait3A_99] : memref<4x128x64xf32, #tpu.memory_space<vmem>> -> memref<1x128x64xf32, #tpu.memory_space<vmem>>
      %dma_wait3A_101 = tpu.memref_squeeze %dma_wait3A_100 : memref<1x128x64xf32, #tpu.memory_space<vmem>> -> memref<128x64xf32, #tpu.memory_space<vmem>>
      tpu.wait_dma2 semaphore(%run_scoped3A_77 : memref<!tpu.dma_semaphore, #tpu.memory_space<semaphore_mem>>) src(%dma_wait3A_101 : memref<128x64xf32, #tpu.memory_space<vmem>>) dst(%dma_wait3A_97 : memref<128x64xf32, #tpu.memory_space<vmem_shared>>)
      tpu.yield
    }) : () -> ()
    %mul3A_18 = arith.constant 640 : i32
    %mul3A_19 = arith.muli %arg1, %mul3A_18 : i32
    %add3A_20 = arith.constant 512 : i32
    %add3A_21 = arith.addi %mul3A_19, %add3A_20 : i32
    %run_scoped3A_22 = arith.constant 0 : i32
    "tpu.region"() ({
      %run_scoped3A_77 = tpu.sem_alloc : memref<!tpu.dma_semaphore, #tpu.memory_space<semaphore_mem>>
      %dma_start3A_78 = arith.constant 0 : i32
      %dma_start3A_79 = arith.constant 0 : i32
      %dma_start3A_80 = tpu.memref_slice %arg9[%run_scoped3A_22, %dma_start3A_78, %dma_start3A_79] : memref<4x128x64xf32, #tpu.memory_space<vmem>> -> memref<1x128x64xf32, #tpu.memory_space<vmem>>
      %dma_start3A_81 = tpu.memref_squeeze %dma_start3A_80 : memref<1x128x64xf32, #tpu.memory_space<vmem>> -> memref<128x64xf32, #tpu.memory_space<vmem>>
      %dma_start3A_82 = arith.constant 0 : i32
      %dma_start3A_83 = tpu.memref_slice %arg10[%add3A_21, %dma_start3A_82] : memref<10240x64xf32, #tpu.memory_space<vmem_shared>> -> memref<128x64xf32, #tpu.memory_space<vmem_shared>>
      %dma_start3A_84 = arith.constant 0 : i32
      %dma_start3A_85 = tpu.memref_slice %arg10[%add3A_21, %dma_start3A_84] : memref<10240x64xf32, #tpu.memory_space<vmem_shared>> -> memref<128x64xf32, #tpu.memory_space<vmem_shared>>
      %dma_start3A_86 = arith.constant 0 : i32
      %dma_start3A_87 = arith.constant 0 : i32
      %dma_start3A_88 = tpu.memref_slice %arg9[%run_scoped3A_22, %dma_start3A_86, %dma_start3A_87] : memref<4x128x64xf32, #tpu.memory_space<vmem>> -> memref<1x128x64xf32, #tpu.memory_space<vmem>>
      %dma_start3A_89 = tpu.memref_squeeze %dma_start3A_88 : memref<1x128x64xf32, #tpu.memory_space<vmem>> -> memref<128x64xf32, #tpu.memory_space<vmem>>
      tpu.enqueue_dma source(%dma_start3A_89 : memref<128x64xf32, #tpu.memory_space<vmem>>) target(%dma_start3A_85 : memref<128x64xf32, #tpu.memory_space<vmem_shared>>) target_semaphore(%run_scoped3A_77 : memref<!tpu.dma_semaphore, #tpu.memory_space<semaphore_mem>>)
      %dma_wait3A_90 = arith.constant 0 : i32
      %dma_wait3A_91 = arith.constant 0 : i32
      %dma_wait3A_92 = tpu.memref_slice %arg9[%run_scoped3A_22, %dma_wait3A_90, %dma_wait3A_91] : memref<4x128x64xf32, #tpu.memory_space<vmem>> -> memref<1x128x64xf32, #tpu.memory_space<vmem>>
      %dma_wait3A_93 = tpu.memref_squeeze %dma_wait3A_92 : memref<1x128x64xf32, #tpu.memory_space<vmem>> -> memref<128x64xf32, #tpu.memory_space<vmem>>
      %dma_wait3A_94 = arith.constant 0 : i32
      %dma_wait3A_95 = tpu.memref_slice %arg10[%add3A_21, %dma_wait3A_94] : memref<10240x64xf32, #tpu.memory_space<vmem_shared>> -> memref<128x64xf32, #tpu.memory_space<vmem_shared>>
      %dma_wait3A_96 = arith.constant 0 : i32
      %dma_wait3A_97 = tpu.memref_slice %arg10[%add3A_21, %dma_wait3A_96] : memref<10240x64xf32, #tpu.memory_space<vmem_shared>> -> memref<128x64xf32, #tpu.memory_space<vmem_shared>>
      %dma_wait3A_98 = arith.constant 0 : i32
      %dma_wait3A_99 = arith.constant 0 : i32
      %dma_wait3A_100 = tpu.memref_slice %arg9[%run_scoped3A_22, %dma_wait3A_98, %dma_wait3A_99] : memref<4x128x64xf32, #tpu.memory_space<vmem>> -> memref<1x128x64xf32, #tpu.memory_space<vmem>>
      %dma_wait3A_101 = tpu.memref_squeeze %dma_wait3A_100 : memref<1x128x64xf32, #tpu.memory_space<vmem>> -> memref<128x64xf32, #tpu.memory_space<vmem>>
      tpu.wait_dma2 semaphore(%run_scoped3A_77 : memref<!tpu.dma_semaphore, #tpu.memory_space<semaphore_mem>>) src(%dma_wait3A_101 : memref<128x64xf32, #tpu.memory_space<vmem>>) dst(%dma_wait3A_97 : memref<128x64xf32, #tpu.memory_space<vmem_shared>>)
      tpu.yield
    }) : () -> ()
    "tpu.region"() ({
      %run_scoped3A_77 = tpu.sem_alloc : memref<!tpu.dma_semaphore, #tpu.memory_space<semaphore_mem>>
      %dma_start3A_78 = arith.constant 0 : i32
      %dma_start3A_79 = arith.constant 0 : i32
      %dma_start3A_80 = tpu.memref_slice %arg3[%arg0, %arg1, %dma_start3A_78, %dma_start3A_79] : memref<2x16x160x128xi32, #tpu.memory_space<hbm>> -> memref<1x1x160x128xi32, #tpu.memory_space<hbm>>
      %dma_start3A_81 = tpu.memref_squeeze %dma_start3A_80 : memref<1x1x160x128xi32, #tpu.memory_space<hbm>> -> memref<160x128xi32, #tpu.memory_space<hbm>>
      %dma_start3A_82 = arith.constant 0 : i32
      %dma_start3A_83 = arith.constant 0 : i32
      %dma_start3A_84 = tpu.memref_slice %arg3[%arg0, %arg1, %dma_start3A_82, %dma_start3A_83] : memref<2x16x160x128xi32, #tpu.memory_space<hbm>> -> memref<1x1x160x128xi32, #tpu.memory_space<hbm>>
      %dma_start3A_85 = tpu.memref_squeeze %dma_start3A_84 : memref<1x1x160x128xi32, #tpu.memory_space<hbm>> -> memref<160x128xi32, #tpu.memory_space<hbm>>
      tpu.enqueue_dma source(%dma_start3A_85 : memref<160x128xi32, #tpu.memory_space<hbm>>) target(%arg7 : memref<160x128xi32, #tpu.memory_space<vmem>>) target_semaphore(%run_scoped3A_77 : memref<!tpu.dma_semaphore, #tpu.memory_space<semaphore_mem>>)
      %dma_wait3A_86 = arith.constant 0 : i32
      %dma_wait3A_87 = arith.constant 0 : i32
      %dma_wait3A_88 = tpu.memref_slice %arg3[%arg0, %arg1, %dma_wait3A_86, %dma_wait3A_87] : memref<2x16x160x128xi32, #tpu.memory_space<hbm>> -> memref<1x1x160x128xi32, #tpu.memory_space<hbm>>
      %dma_wait3A_89 = tpu.memref_squeeze %dma_wait3A_88 : memref<1x1x160x128xi32, #tpu.memory_space<hbm>> -> memref<160x128xi32, #tpu.memory_space<hbm>>
      %dma_wait3A_90 = arith.constant 0 : i32
      %dma_wait3A_91 = arith.constant 0 : i32
      %dma_wait3A_92 = tpu.memref_slice %arg3[%arg0, %arg1, %dma_wait3A_90, %dma_wait3A_91] : memref<2x16x160x128xi32, #tpu.memory_space<hbm>> -> memref<1x1x160x128xi32, #tpu.memory_space<hbm>>
      %dma_wait3A_93 = tpu.memref_squeeze %dma_wait3A_92 : memref<1x1x160x128xi32, #tpu.memory_space<hbm>> -> memref<160x128xi32, #tpu.memory_space<hbm>>
      tpu.wait_dma2 semaphore(%run_scoped3A_77 : memref<!tpu.dma_semaphore, #tpu.memory_space<semaphore_mem>>) src(%dma_wait3A_93 : memref<160x128xi32, #tpu.memory_space<hbm>>) dst(%arg7 : memref<160x128xi32, #tpu.memory_space<vmem>>)
      tpu.yield
    }) : () -> ()
    "tpu.region"() ({
      %run_scoped3A_77 = tpu.sem_alloc : memref<!tpu.dma_semaphore, #tpu.memory_space<semaphore_mem>>
      %dma_start3A_78 = arith.constant 0 : i32
      %dma_start3A_79 = arith.constant 0 : i32
      %dma_start3A_80 = tpu.memref_slice %arg4[%arg1, %dma_start3A_78, %dma_start3A_79] : memref<16x160x128xi32, #tpu.memory_space<hbm>> -> memref<1x160x128xi32, #tpu.memory_space<hbm>>
      %dma_start3A_81 = tpu.memref_squeeze %dma_start3A_80 : memref<1x160x128xi32, #tpu.memory_space<hbm>> -> memref<160x128xi32, #tpu.memory_space<hbm>>
      %dma_start3A_82 = arith.constant 0 : i32
      %dma_start3A_83 = arith.constant 0 : i32
      %dma_start3A_84 = tpu.memref_slice %arg4[%arg1, %dma_start3A_82, %dma_start3A_83] : memref<16x160x128xi32, #tpu.memory_space<hbm>> -> memref<1x160x128xi32, #tpu.memory_space<hbm>>
      %dma_start3A_85 = tpu.memref_squeeze %dma_start3A_84 : memref<1x160x128xi32, #tpu.memory_space<hbm>> -> memref<160x128xi32, #tpu.memory_space<hbm>>
      tpu.enqueue_dma source(%dma_start3A_85 : memref<160x128xi32, #tpu.memory_space<hbm>>) target(%arg8 : memref<160x128xi32, #tpu.memory_space<vmem>>) target_semaphore(%run_scoped3A_77 : memref<!tpu.dma_semaphore, #tpu.memory_space<semaphore_mem>>)
      %dma_wait3A_86 = arith.constant 0 : i32
      %dma_wait3A_87 = arith.constant 0 : i32
      %dma_wait3A_88 = tpu.memref_slice %arg4[%arg1, %dma_wait3A_86, %dma_wait3A_87] : memref<16x160x128xi32, #tpu.memory_space<hbm>> -> memref<1x160x128xi32, #tpu.memory_space<hbm>>
      %dma_wait3A_89 = tpu.memref_squeeze %dma_wait3A_88 : memref<1x160x128xi32, #tpu.memory_space<hbm>> -> memref<160x128xi32, #tpu.memory_space<hbm>>
      %dma_wait3A_90 = arith.constant 0 : i32
      %dma_wait3A_91 = arith.constant 0 : i32
      %dma_wait3A_92 = tpu.memref_slice %arg4[%arg1, %dma_wait3A_90, %dma_wait3A_91] : memref<16x160x128xi32, #tpu.memory_space<hbm>> -> memref<1x160x128xi32, #tpu.memory_space<hbm>>
      %dma_wait3A_93 = tpu.memref_squeeze %dma_wait3A_92 : memref<1x160x128xi32, #tpu.memory_space<hbm>> -> memref<160x128xi32, #tpu.memory_space<hbm>>
      tpu.wait_dma2 semaphore(%run_scoped3A_77 : memref<!tpu.dma_semaphore, #tpu.memory_space<semaphore_mem>>) src(%dma_wait3A_93 : memref<160x128xi32, #tpu.memory_space<hbm>>) dst(%arg8 : memref<160x128xi32, #tpu.memory_space<vmem>>)
      tpu.yield
    }) : () -> ()
    %barrier3A = arith.constant 0 : index
    tpu.barrier barrier_id(%barrier3A)
    %dma_start3A = arith.constant 0 : i32
    %dma_start3A_23 = arith.constant 0 : i32
    %dma_start3A_24 = arith.constant 0 : i32
    %dma_start3A_25 = arith.constant 0 : i32
    %dma_start3A_26 = tpu.memref_slice %arg9[%dma_start3A_23, %dma_start3A_24, %dma_start3A_25] : memref<4x128x64xf32, #tpu.memory_space<vmem>> -> memref<1x128x64xf32, #tpu.memory_space<vmem>>
    %dma_start3A_27 = tpu.memref_squeeze %dma_start3A_26 : memref<1x128x64xf32, #tpu.memory_space<vmem>> -> memref<128x64xf32, #tpu.memory_space<vmem>>
    %dma_start3A_28 = arith.constant 0 : i32
    %dma_start3A_29 = tpu.memref_slice %arg7[%dma_start3A, %dma_start3A_28] : memref<160x128xi32, #tpu.memory_space<vmem>> -> memref<1x128xi32, #tpu.memory_space<vmem>>
    %dma_start3A_30 = tpu.memref_squeeze %dma_start3A_29 : memref<1x128xi32, #tpu.memory_space<vmem>> -> memref<128xi32, #tpu.memory_space<vmem>>
    %dma_start3A_31 = arith.constant 0 : i32
    %dma_start3A_32 = arith.constant 0 : i32
    %dma_start3A_33 = tpu.memref_slice %arg2[%dma_start3A_31, %dma_start3A_32] : memref<20000x64xf32, #tpu.memory_space<hbm>> -> memref<20000x64xf32, #tpu.memory_space<hbm>>
    tpu.enqueue_indirect_dma source(%dma_start3A_33 : memref<20000x64xf32, #tpu.memory_space<hbm>>) target(%dma_start3A_27 : memref<128x64xf32, #tpu.memory_space<vmem>>) offsets(%dma_start3A_30 : memref<128xi32, #tpu.memory_space<vmem>>) semaphore(%arg11 : memref<!tpu.dma_semaphore, #tpu.memory_space<semaphore_mem>>)
    %dma_start3A_34 = arith.constant 1 : i32
    %dma_start3A_35 = arith.constant 1 : i32
    %dma_start3A_36 = arith.constant 0 : i32
    %dma_start3A_37 = arith.constant 0 : i32
    %dma_start3A_38 = tpu.memref_slice %arg9[%dma_start3A_35, %dma_start3A_36, %dma_start3A_37] : memref<4x128x64xf32, #tpu.memory_space<vmem>> -> memref<1x128x64xf32, #tpu.memory_space<vmem>>
    %dma_start3A_39 = tpu.memref_squeeze %dma_start3A_38 : memref<1x128x64xf32, #tpu.memory_space<vmem>> -> memref<128x64xf32, #tpu.memory_space<vmem>>
    %dma_start3A_40 = arith.constant 0 : i32
    %dma_start3A_41 = tpu.memref_slice %arg7[%dma_start3A_34, %dma_start3A_40] : memref<160x128xi32, #tpu.memory_space<vmem>> -> memref<1x128xi32, #tpu.memory_space<vmem>>
    %dma_start3A_42 = tpu.memref_squeeze %dma_start3A_41 : memref<1x128xi32, #tpu.memory_space<vmem>> -> memref<128xi32, #tpu.memory_space<vmem>>
    %dma_start3A_43 = arith.constant 0 : i32
    %dma_start3A_44 = arith.constant 0 : i32
    %dma_start3A_45 = tpu.memref_slice %arg2[%dma_start3A_43, %dma_start3A_44] : memref<20000x64xf32, #tpu.memory_space<hbm>> -> memref<20000x64xf32, #tpu.memory_space<hbm>>
    tpu.enqueue_indirect_dma source(%dma_start3A_45 : memref<20000x64xf32, #tpu.memory_space<hbm>>) target(%dma_start3A_39 : memref<128x64xf32, #tpu.memory_space<vmem>>) offsets(%dma_start3A_42 : memref<128xi32, #tpu.memory_space<vmem>>) semaphore(%arg12 : memref<!tpu.dma_semaphore, #tpu.memory_space<semaphore_mem>>)
    %scan3A = arith.constant 0 : i32
    %scan3A_46 = arith.constant 0 : i32
    %scan3A_47 = arith.constant 40 : i32
    %scan3A_48 = arith.addi %scan3A_46, %scan3A_47 : i32
    %scan3A_49 = arith.constant 1 : i32
    scf.for %scan3A_77 = %scan3A_46 to %scan3A_48 step %scan3A_49  : i32 {
      %mul3A_78 = arith.constant 4 : i32
      %mul3A_79 = arith.muli %mul3A_78, %scan3A_77 : i32
      %add3A_80 = arith.constant 0 : i32
      %add3A_81 = arith.addi %mul3A_79, %add3A_80 : i32
      %dma_wait3A_82 = arith.constant 0 : i32
      %dma_wait3A_83 = arith.constant 0 : i32
      %dma_wait3A_84 = arith.constant 0 : i32
      %dma_wait3A_85 = tpu.memref_slice %arg9[%dma_wait3A_82, %dma_wait3A_83, %dma_wait3A_84] : memref<4x128x64xf32, #tpu.memory_space<vmem>> -> memref<1x128x64xf32, #tpu.memory_space<vmem>>
      %dma_wait3A_86 = tpu.memref_squeeze %dma_wait3A_85 : memref<1x128x64xf32, #tpu.memory_space<vmem>> -> memref<128x64xf32, #tpu.memory_space<vmem>>
      %dma_wait3A_87 = arith.constant 0 : i32
      %dma_wait3A_88 = tpu.memref_slice %arg7[%add3A_81, %dma_wait3A_87] : memref<160x128xi32, #tpu.memory_space<vmem>> -> memref<1x128xi32, #tpu.memory_space<vmem>>
      %dma_wait3A_89 = tpu.memref_squeeze %dma_wait3A_88 : memref<1x128xi32, #tpu.memory_space<vmem>> -> memref<128xi32, #tpu.memory_space<vmem>>
      %dma_wait3A_90 = arith.constant 0 : i32
      %dma_wait3A_91 = arith.constant 0 : i32
      %dma_wait3A_92 = tpu.memref_slice %arg2[%dma_wait3A_90, %dma_wait3A_91] : memref<20000x64xf32, #tpu.memory_space<hbm>> -> memref<20000x64xf32, #tpu.memory_space<hbm>>
      tpu.wait_indirect_dma semaphore(%arg11 : memref<!tpu.dma_semaphore, #tpu.memory_space<semaphore_mem>>) src(%dma_wait3A_92 : memref<20000x64xf32, #tpu.memory_space<hbm>>) dst(%dma_wait3A_86 : memref<128x64xf32, #tpu.memory_space<vmem>>)
      %dma_start3A_93 = arith.constant 0 : i32
      %dma_start3A_94 = arith.constant 0 : i32
      %dma_start3A_95 = arith.constant 0 : i32
      %dma_start3A_96 = tpu.memref_slice %arg9[%dma_start3A_93, %dma_start3A_94, %dma_start3A_95] : memref<4x128x64xf32, #tpu.memory_space<vmem>> -> memref<1x128x64xf32, #tpu.memory_space<vmem>>
      %dma_start3A_97 = tpu.memref_squeeze %dma_start3A_96 : memref<1x128x64xf32, #tpu.memory_space<vmem>> -> memref<128x64xf32, #tpu.memory_space<vmem>>
      %dma_start3A_98 = arith.constant 0 : i32
      %dma_start3A_99 = tpu.memref_slice %arg8[%add3A_81, %dma_start3A_98] : memref<160x128xi32, #tpu.memory_space<vmem>> -> memref<1x128xi32, #tpu.memory_space<vmem>>
      %dma_start3A_100 = tpu.memref_squeeze %dma_start3A_99 : memref<1x128xi32, #tpu.memory_space<vmem>> -> memref<128xi32, #tpu.memory_space<vmem>>
      %dma_start3A_101 = arith.constant 0 : i32
      %dma_start3A_102 = arith.constant 0 : i32
      %dma_start3A_103 = tpu.memref_slice %arg10[%dma_start3A_101, %dma_start3A_102] : memref<10240x64xf32, #tpu.memory_space<vmem_shared>> -> memref<10240x64xf32, #tpu.memory_space<vmem_shared>>
      tpu.enqueue_indirect_dma source(%dma_start3A_97 : memref<128x64xf32, #tpu.memory_space<vmem>>) target(%dma_start3A_103 : memref<10240x64xf32, #tpu.memory_space<vmem_shared>>) offsets(%dma_start3A_100 : memref<128xi32, #tpu.memory_space<vmem>>) semaphore(%arg15 : memref<!tpu.dma_semaphore, #tpu.memory_space<semaphore_mem>>) {add = true}
      %ge3A = arith.constant 2 : i32
      %ge3A_104 = arith.cmpi sge, %add3A_81, %ge3A : i32
      %convert_element_type3A = arith.extui %ge3A_104 : i1 to i32
      %cond3A = arith.constant 0 : i32
      %cond3A_105 = arith.cmpi ne, %convert_element_type3A, %cond3A : i32
      scf.if %cond3A_105 {
        %dma_wait3A_226 = arith.constant 2 : i32
        %dma_wait3A_227 = arith.constant 0 : i32
        %dma_wait3A_228 = arith.constant 0 : i32
        %dma_wait3A_229 = arith.constant 0 : i32
        %dma_wait3A_230 = tpu.memref_slice %arg9[%dma_wait3A_226, %dma_wait3A_228, %dma_wait3A_229] : memref<4x128x64xf32, #tpu.memory_space<vmem>> -> memref<1x128x64xf32, #tpu.memory_space<vmem>>
        %dma_wait3A_231 = tpu.memref_squeeze %dma_wait3A_230 : memref<1x128x64xf32, #tpu.memory_space<vmem>> -> memref<128x64xf32, #tpu.memory_space<vmem>>
        %dma_wait3A_232 = arith.constant 0 : i32
        %dma_wait3A_233 = tpu.memref_slice %arg8[%dma_wait3A_227, %dma_wait3A_232] : memref<160x128xi32, #tpu.memory_space<vmem>> -> memref<1x128xi32, #tpu.memory_space<vmem>>
        %dma_wait3A_234 = tpu.memref_squeeze %dma_wait3A_233 : memref<1x128xi32, #tpu.memory_space<vmem>> -> memref<128xi32, #tpu.memory_space<vmem>>
        %dma_wait3A_235 = arith.constant 0 : i32
        %dma_wait3A_236 = arith.constant 0 : i32
        %dma_wait3A_237 = tpu.memref_slice %arg10[%dma_wait3A_235, %dma_wait3A_236] : memref<10240x64xf32, #tpu.memory_space<vmem_shared>> -> memref<10240x64xf32, #tpu.memory_space<vmem_shared>>
        tpu.wait_indirect_dma semaphore(%arg17 : memref<!tpu.dma_semaphore, #tpu.memory_space<semaphore_mem>>) src(%dma_wait3A_231 : memref<128x64xf32, #tpu.memory_space<vmem>>) dst(%dma_wait3A_237 : memref<10240x64xf32, #tpu.memory_space<vmem_shared>>)
      } else {
      }
      %add3A_106 = arith.constant 2 : i32
      %add3A_107 = arith.addi %add3A_81, %add3A_106 : i32
      %lt3A = arith.constant 160 : i32
      %lt3A_108 = arith.cmpi slt, %add3A_107, %lt3A : i32
      %convert_element_type3A_109 = arith.extui %lt3A_108 : i1 to i32
      %cond3A_110 = arith.constant 0 : i32
      %cond3A_111 = arith.cmpi ne, %convert_element_type3A_109, %cond3A_110 : i32
      scf.if %cond3A_111 {
        %add3A_226 = arith.constant 2 : i32
        %add3A_227 = arith.addi %add3A_81, %add3A_226 : i32
        %dma_start3A_228 = arith.constant 2 : i32
        %dma_start3A_229 = arith.constant 0 : i32
        %dma_start3A_230 = arith.constant 0 : i32
        %dma_start3A_231 = tpu.memref_slice %arg9[%dma_start3A_228, %dma_start3A_229, %dma_start3A_230] : memref<4x128x64xf32, #tpu.memory_space<vmem>> -> memref<1x128x64xf32, #tpu.memory_space<vmem>>
        %dma_start3A_232 = tpu.memref_squeeze %dma_start3A_231 : memref<1x128x64xf32, #tpu.memory_space<vmem>> -> memref<128x64xf32, #tpu.memory_space<vmem>>
        %dma_start3A_233 = arith.constant 0 : i32
        %dma_start3A_234 = tpu.memref_slice %arg7[%add3A_227, %dma_start3A_233] : memref<160x128xi32, #tpu.memory_space<vmem>> -> memref<1x128xi32, #tpu.memory_space<vmem>>
        %dma_start3A_235 = tpu.memref_squeeze %dma_start3A_234 : memref<1x128xi32, #tpu.memory_space<vmem>> -> memref<128xi32, #tpu.memory_space<vmem>>
        %dma_start3A_236 = arith.constant 0 : i32
        %dma_start3A_237 = arith.constant 0 : i32
        %dma_start3A_238 = tpu.memref_slice %arg2[%dma_start3A_236, %dma_start3A_237] : memref<20000x64xf32, #tpu.memory_space<hbm>> -> memref<20000x64xf32, #tpu.memory_space<hbm>>
        tpu.enqueue_indirect_dma source(%dma_start3A_238 : memref<20000x64xf32, #tpu.memory_space<hbm>>) target(%dma_start3A_232 : memref<128x64xf32, #tpu.memory_space<vmem>>) offsets(%dma_start3A_235 : memref<128xi32, #tpu.memory_space<vmem>>) semaphore(%arg13 : memref<!tpu.dma_semaphore, #tpu.memory_space<semaphore_mem>>)
      } else {
      }
      %mul3A_112 = arith.constant 4 : i32
      %mul3A_113 = arith.muli %mul3A_112, %scan3A_77 : i32
      %add3A_114 = arith.constant 1 : i32
      %add3A_115 = arith.addi %mul3A_113, %add3A_114 : i32
      %dma_wait3A_116 = arith.constant 1 : i32
      %dma_wait3A_117 = arith.constant 0 : i32
      %dma_wait3A_118 = arith.constant 0 : i32
      %dma_wait3A_119 = tpu.memref_slice %arg9[%dma_wait3A_116, %dma_wait3A_117, %dma_wait3A_118] : memref<4x128x64xf32, #tpu.memory_space<vmem>> -> memref<1x128x64xf32, #tpu.memory_space<vmem>>
      %dma_wait3A_120 = tpu.memref_squeeze %dma_wait3A_119 : memref<1x128x64xf32, #tpu.memory_space<vmem>> -> memref<128x64xf32, #tpu.memory_space<vmem>>
      %dma_wait3A_121 = arith.constant 0 : i32
      %dma_wait3A_122 = tpu.memref_slice %arg7[%add3A_115, %dma_wait3A_121] : memref<160x128xi32, #tpu.memory_space<vmem>> -> memref<1x128xi32, #tpu.memory_space<vmem>>
      %dma_wait3A_123 = tpu.memref_squeeze %dma_wait3A_122 : memref<1x128xi32, #tpu.memory_space<vmem>> -> memref<128xi32, #tpu.memory_space<vmem>>
      %dma_wait3A_124 = arith.constant 0 : i32
      %dma_wait3A_125 = arith.constant 0 : i32
      %dma_wait3A_126 = tpu.memref_slice %arg2[%dma_wait3A_124, %dma_wait3A_125] : memref<20000x64xf32, #tpu.memory_space<hbm>> -> memref<20000x64xf32, #tpu.memory_space<hbm>>
      tpu.wait_indirect_dma semaphore(%arg12 : memref<!tpu.dma_semaphore, #tpu.memory_space<semaphore_mem>>) src(%dma_wait3A_126 : memref<20000x64xf32, #tpu.memory_space<hbm>>) dst(%dma_wait3A_120 : memref<128x64xf32, #tpu.memory_space<vmem>>)
      %dma_start3A_127 = arith.constant 1 : i32
      %dma_start3A_128 = arith.constant 0 : i32
      %dma_start3A_129 = arith.constant 0 : i32
      %dma_start3A_130 = tpu.memref_slice %arg9[%dma_start3A_127, %dma_start3A_128, %dma_start3A_129] : memref<4x128x64xf32, #tpu.memory_space<vmem>> -> memref<1x128x64xf32, #tpu.memory_space<vmem>>
      %dma_start3A_131 = tpu.memref_squeeze %dma_start3A_130 : memref<1x128x64xf32, #tpu.memory_space<vmem>> -> memref<128x64xf32, #tpu.memory_space<vmem>>
      %dma_start3A_132 = arith.constant 0 : i32
      %dma_start3A_133 = tpu.memref_slice %arg8[%add3A_115, %dma_start3A_132] : memref<160x128xi32, #tpu.memory_space<vmem>> -> memref<1x128xi32, #tpu.memory_space<vmem>>
      %dma_start3A_134 = tpu.memref_squeeze %dma_start3A_133 : memref<1x128xi32, #tpu.memory_space<vmem>> -> memref<128xi32, #tpu.memory_space<vmem>>
      %dma_start3A_135 = arith.constant 0 : i32
      %dma_start3A_136 = arith.constant 0 : i32
      %dma_start3A_137 = tpu.memref_slice %arg10[%dma_start3A_135, %dma_start3A_136] : memref<10240x64xf32, #tpu.memory_space<vmem_shared>> -> memref<10240x64xf32, #tpu.memory_space<vmem_shared>>
      tpu.enqueue_indirect_dma source(%dma_start3A_131 : memref<128x64xf32, #tpu.memory_space<vmem>>) target(%dma_start3A_137 : memref<10240x64xf32, #tpu.memory_space<vmem_shared>>) offsets(%dma_start3A_134 : memref<128xi32, #tpu.memory_space<vmem>>) semaphore(%arg16 : memref<!tpu.dma_semaphore, #tpu.memory_space<semaphore_mem>>) {add = true}
      %ge3A_138 = arith.constant 2 : i32
      %ge3A_139 = arith.cmpi sge, %add3A_115, %ge3A_138 : i32
      %convert_element_type3A_140 = arith.extui %ge3A_139 : i1 to i32
      %cond3A_141 = arith.constant 0 : i32
      %cond3A_142 = arith.cmpi ne, %convert_element_type3A_140, %cond3A_141 : i32
      scf.if %cond3A_142 {
        %dma_wait3A_226 = arith.constant 3 : i32
        %dma_wait3A_227 = arith.constant 0 : i32
        %dma_wait3A_228 = arith.constant 0 : i32
        %dma_wait3A_229 = arith.constant 0 : i32
        %dma_wait3A_230 = tpu.memref_slice %arg9[%dma_wait3A_226, %dma_wait3A_228, %dma_wait3A_229] : memref<4x128x64xf32, #tpu.memory_space<vmem>> -> memref<1x128x64xf32, #tpu.memory_space<vmem>>
        %dma_wait3A_231 = tpu.memref_squeeze %dma_wait3A_230 : memref<1x128x64xf32, #tpu.memory_space<vmem>> -> memref<128x64xf32, #tpu.memory_space<vmem>>
        %dma_wait3A_232 = arith.constant 0 : i32
        %dma_wait3A_233 = tpu.memref_slice %arg8[%dma_wait3A_227, %dma_wait3A_232] : memref<160x128xi32, #tpu.memory_space<vmem>> -> memref<1x128xi32, #tpu.memory_space<vmem>>
        %dma_wait3A_234 = tpu.memref_squeeze %dma_wait3A_233 : memref<1x128xi32, #tpu.memory_space<vmem>> -> memref<128xi32, #tpu.memory_space<vmem>>
        %dma_wait3A_235 = arith.constant 0 : i32
        %dma_wait3A_236 = arith.constant 0 : i32
        %dma_wait3A_237 = tpu.memref_slice %arg10[%dma_wait3A_235, %dma_wait3A_236] : memref<10240x64xf32, #tpu.memory_space<vmem_shared>> -> memref<10240x64xf32, #tpu.memory_space<vmem_shared>>
        tpu.wait_indirect_dma semaphore(%arg18 : memref<!tpu.dma_semaphore, #tpu.memory_space<semaphore_mem>>) src(%dma_wait3A_231 : memref<128x64xf32, #tpu.memory_space<vmem>>) dst(%dma_wait3A_237 : memref<10240x64xf32, #tpu.memory_space<vmem_shared>>)
      } else {
      }
      %add3A_143 = arith.constant 2 : i32
      %add3A_144 = arith.addi %add3A_115, %add3A_143 : i32
      %lt3A_145 = arith.constant 160 : i32
      %lt3A_146 = arith.cmpi slt, %add3A_144, %lt3A_145 : i32
      %convert_element_type3A_147 = arith.extui %lt3A_146 : i1 to i32
      %cond3A_148 = arith.constant 0 : i32
      %cond3A_149 = arith.cmpi ne, %convert_element_type3A_147, %cond3A_148 : i32
      scf.if %cond3A_149 {
        %add3A_226 = arith.constant 2 : i32
        %add3A_227 = arith.addi %add3A_115, %add3A_226 : i32
        %dma_start3A_228 = arith.constant 3 : i32
        %dma_start3A_229 = arith.constant 0 : i32
        %dma_start3A_230 = arith.constant 0 : i32
        %dma_start3A_231 = tpu.memref_slice %arg9[%dma_start3A_228, %dma_start3A_229, %dma_start3A_230] : memref<4x128x64xf32, #tpu.memory_space<vmem>> -> memref<1x128x64xf32, #tpu.memory_space<vmem>>
        %dma_start3A_232 = tpu.memref_squeeze %dma_start3A_231 : memref<1x128x64xf32, #tpu.memory_space<vmem>> -> memref<128x64xf32, #tpu.memory_space<vmem>>
        %dma_start3A_233 = arith.constant 0 : i32
        %dma_start3A_234 = tpu.memref_slice %arg7[%add3A_227, %dma_start3A_233] : memref<160x128xi32, #tpu.memory_space<vmem>> -> memref<1x128xi32, #tpu.memory_space<vmem>>
        %dma_start3A_235 = tpu.memref_squeeze %dma_start3A_234 : memref<1x128xi32, #tpu.memory_space<vmem>> -> memref<128xi32, #tpu.memory_space<vmem>>
        %dma_start3A_236 = arith.constant 0 : i32
        %dma_start3A_237 = arith.constant 0 : i32
        %dma_start3A_238 = tpu.memref_slice %arg2[%dma_start3A_236, %dma_start3A_237] : memref<20000x64xf32, #tpu.memory_space<hbm>> -> memref<20000x64xf32, #tpu.memory_space<hbm>>
        tpu.enqueue_indirect_dma source(%dma_start3A_238 : memref<20000x64xf32, #tpu.memory_space<hbm>>) target(%dma_start3A_232 : memref<128x64xf32, #tpu.memory_space<vmem>>) offsets(%dma_start3A_235 : memref<128xi32, #tpu.memory_space<vmem>>) semaphore(%arg14 : memref<!tpu.dma_semaphore, #tpu.memory_space<semaphore_mem>>)
      } else {
      }
      %mul3A_150 = arith.constant 4 : i32
      %mul3A_151 = arith.muli %mul3A_150, %scan3A_77 : i32
      %add3A_152 = arith.constant 2 : i32
      %add3A_153 = arith.addi %mul3A_151, %add3A_152 : i32
      %dma_wait3A_154 = arith.constant 2 : i32
      %dma_wait3A_155 = arith.constant 0 : i32
      %dma_wait3A_156 = arith.constant 0 : i32
      %dma_wait3A_157 = tpu.memref_slice %arg9[%dma_wait3A_154, %dma_wait3A_155, %dma_wait3A_156] : memref<4x128x64xf32, #tpu.memory_space<vmem>> -> memref<1x128x64xf32, #tpu.memory_space<vmem>>
      %dma_wait3A_158 = tpu.memref_squeeze %dma_wait3A_157 : memref<1x128x64xf32, #tpu.memory_space<vmem>> -> memref<128x64xf32, #tpu.memory_space<vmem>>
      %dma_wait3A_159 = arith.constant 0 : i32
      %dma_wait3A_160 = tpu.memref_slice %arg7[%add3A_153, %dma_wait3A_159] : memref<160x128xi32, #tpu.memory_space<vmem>> -> memref<1x128xi32, #tpu.memory_space<vmem>>
      %dma_wait3A_161 = tpu.memref_squeeze %dma_wait3A_160 : memref<1x128xi32, #tpu.memory_space<vmem>> -> memref<128xi32, #tpu.memory_space<vmem>>
      %dma_wait3A_162 = arith.constant 0 : i32
      %dma_wait3A_163 = arith.constant 0 : i32
      %dma_wait3A_164 = tpu.memref_slice %arg2[%dma_wait3A_162, %dma_wait3A_163] : memref<20000x64xf32, #tpu.memory_space<hbm>> -> memref<20000x64xf32, #tpu.memory_space<hbm>>
      tpu.wait_indirect_dma semaphore(%arg13 : memref<!tpu.dma_semaphore, #tpu.memory_space<semaphore_mem>>) src(%dma_wait3A_164 : memref<20000x64xf32, #tpu.memory_space<hbm>>) dst(%dma_wait3A_158 : memref<128x64xf32, #tpu.memory_space<vmem>>)
      %dma_start3A_165 = arith.constant 2 : i32
      %dma_start3A_166 = arith.constant 0 : i32
      %dma_start3A_167 = arith.constant 0 : i32
      %dma_start3A_168 = tpu.memref_slice %arg9[%dma_start3A_165, %dma_start3A_166, %dma_start3A_167] : memref<4x128x64xf32, #tpu.memory_space<vmem>> -> memref<1x128x64xf32, #tpu.memory_space<vmem>>
      %dma_start3A_169 = tpu.memref_squeeze %dma_start3A_168 : memref<1x128x64xf32, #tpu.memory_space<vmem>> -> memref<128x64xf32, #tpu.memory_space<vmem>>
      %dma_start3A_170 = arith.constant 0 : i32
      %dma_start3A_171 = tpu.memref_slice %arg8[%add3A_153, %dma_start3A_170] : memref<160x128xi32, #tpu.memory_space<vmem>> -> memref<1x128xi32, #tpu.memory_space<vmem>>
      %dma_start3A_172 = tpu.memref_squeeze %dma_start3A_171 : memref<1x128xi32, #tpu.memory_space<vmem>> -> memref<128xi32, #tpu.memory_space<vmem>>
      %dma_start3A_173 = arith.constant 0 : i32
      %dma_start3A_174 = arith.constant 0 : i32
      %dma_start3A_175 = tpu.memref_slice %arg10[%dma_start3A_173, %dma_start3A_174] : memref<10240x64xf32, #tpu.memory_space<vmem_shared>> -> memref<10240x64xf32, #tpu.memory_space<vmem_shared>>
      tpu.enqueue_indirect_dma source(%dma_start3A_169 : memref<128x64xf32, #tpu.memory_space<vmem>>) target(%dma_start3A_175 : memref<10240x64xf32, #tpu.memory_space<vmem_shared>>) offsets(%dma_start3A_172 : memref<128xi32, #tpu.memory_space<vmem>>) semaphore(%arg17 : memref<!tpu.dma_semaphore, #tpu.memory_space<semaphore_mem>>) {add = true}
      %ge3A_176 = arith.constant 2 : i32
      %ge3A_177 = arith.cmpi sge, %add3A_153, %ge3A_176 : i32
      %convert_element_type3A_178 = arith.extui %ge3A_177 : i1 to i32
      %cond3A_179 = arith.constant 0 : i32
      %cond3A_180 = arith.cmpi ne, %convert_element_type3A_178, %cond3A_179 : i32
      scf.if %cond3A_180 {
        %dma_wait3A_226 = arith.constant 0 : i32
        %dma_wait3A_227 = arith.constant 0 : i32
        %dma_wait3A_228 = arith.constant 0 : i32
        %dma_wait3A_229 = arith.constant 0 : i32
        %dma_wait3A_230 = tpu.memref_slice %arg9[%dma_wait3A_226, %dma_wait3A_228, %dma_wait3A_229] : memref<4x128x64xf32, #tpu.memory_space<vmem>> -> memref<1x128x64xf32, #tpu.memory_space<vmem>>
        %dma_wait3A_231 = tpu.memref_squeeze %dma_wait3A_230 : memref<1x128x64xf32, #tpu.memory_space<vmem>> -> memref<128x64xf32, #tpu.memory_space<vmem>>
        %dma_wait3A_232 = arith.constant 0 : i32
        %dma_wait3A_233 = tpu.memref_slice %arg8[%dma_wait3A_227, %dma_wait3A_232] : memref<160x128xi32, #tpu.memory_space<vmem>> -> memref<1x128xi32, #tpu.memory_space<vmem>>
        %dma_wait3A_234 = tpu.memref_squeeze %dma_wait3A_233 : memref<1x128xi32, #tpu.memory_space<vmem>> -> memref<128xi32, #tpu.memory_space<vmem>>
        %dma_wait3A_235 = arith.constant 0 : i32
        %dma_wait3A_236 = arith.constant 0 : i32
        %dma_wait3A_237 = tpu.memref_slice %arg10[%dma_wait3A_235, %dma_wait3A_236] : memref<10240x64xf32, #tpu.memory_space<vmem_shared>> -> memref<10240x64xf32, #tpu.memory_space<vmem_shared>>
        tpu.wait_indirect_dma semaphore(%arg15 : memref<!tpu.dma_semaphore, #tpu.memory_space<semaphore_mem>>) src(%dma_wait3A_231 : memref<128x64xf32, #tpu.memory_space<vmem>>) dst(%dma_wait3A_237 : memref<10240x64xf32, #tpu.memory_space<vmem_shared>>)
      } else {
      }
      %add3A_181 = arith.constant 2 : i32
      %add3A_182 = arith.addi %add3A_153, %add3A_181 : i32
      %lt3A_183 = arith.constant 160 : i32
      %lt3A_184 = arith.cmpi slt, %add3A_182, %lt3A_183 : i32
      %convert_element_type3A_185 = arith.extui %lt3A_184 : i1 to i32
      %cond3A_186 = arith.constant 0 : i32
      %cond3A_187 = arith.cmpi ne, %convert_element_type3A_185, %cond3A_186 : i32
      scf.if %cond3A_187 {
        %add3A_226 = arith.constant 2 : i32
        %add3A_227 = arith.addi %add3A_153, %add3A_226 : i32
        %dma_start3A_228 = arith.constant 0 : i32
        %dma_start3A_229 = arith.constant 0 : i32
        %dma_start3A_230 = arith.constant 0 : i32
        %dma_start3A_231 = tpu.memref_slice %arg9[%dma_start3A_228, %dma_start3A_229, %dma_start3A_230] : memref<4x128x64xf32, #tpu.memory_space<vmem>> -> memref<1x128x64xf32, #tpu.memory_space<vmem>>
        %dma_start3A_232 = tpu.memref_squeeze %dma_start3A_231 : memref<1x128x64xf32, #tpu.memory_space<vmem>> -> memref<128x64xf32, #tpu.memory_space<vmem>>
        %dma_start3A_233 = arith.constant 0 : i32
        %dma_start3A_234 = tpu.memref_slice %arg7[%add3A_227, %dma_start3A_233] : memref<160x128xi32, #tpu.memory_space<vmem>> -> memref<1x128xi32, #tpu.memory_space<vmem>>
        %dma_start3A_235 = tpu.memref_squeeze %dma_start3A_234 : memref<1x128xi32, #tpu.memory_space<vmem>> -> memref<128xi32, #tpu.memory_space<vmem>>
        %dma_start3A_236 = arith.constant 0 : i32
        %dma_start3A_237 = arith.constant 0 : i32
        %dma_start3A_238 = tpu.memref_slice %arg2[%dma_start3A_236, %dma_start3A_237] : memref<20000x64xf32, #tpu.memory_space<hbm>> -> memref<20000x64xf32, #tpu.memory_space<hbm>>
        tpu.enqueue_indirect_dma source(%dma_start3A_238 : memref<20000x64xf32, #tpu.memory_space<hbm>>) target(%dma_start3A_232 : memref<128x64xf32, #tpu.memory_space<vmem>>) offsets(%dma_start3A_235 : memref<128xi32, #tpu.memory_space<vmem>>) semaphore(%arg11 : memref<!tpu.dma_semaphore, #tpu.memory_space<semaphore_mem>>)
      } else {
      }
      %mul3A_188 = arith.constant 4 : i32
      %mul3A_189 = arith.muli %mul3A_188, %scan3A_77 : i32
      %add3A_190 = arith.constant 3 : i32
      %add3A_191 = arith.addi %mul3A_189, %add3A_190 : i32
      %dma_wait3A_192 = arith.constant 3 : i32
      %dma_wait3A_193 = arith.constant 0 : i32
      %dma_wait3A_194 = arith.constant 0 : i32
      %dma_wait3A_195 = tpu.memref_slice %arg9[%dma_wait3A_192, %dma_wait3A_193, %dma_wait3A_194] : memref<4x128x64xf32, #tpu.memory_space<vmem>> -> memref<1x128x64xf32, #tpu.memory_space<vmem>>
      %dma_wait3A_196 = tpu.memref_squeeze %dma_wait3A_195 : memref<1x128x64xf32, #tpu.memory_space<vmem>> -> memref<128x64xf32, #tpu.memory_space<vmem>>
      %dma_wait3A_197 = arith.constant 0 : i32
      %dma_wait3A_198 = tpu.memref_slice %arg7[%add3A_191, %dma_wait3A_197] : memref<160x128xi32, #tpu.memory_space<vmem>> -> memref<1x128xi32, #tpu.memory_space<vmem>>
      %dma_wait3A_199 = tpu.memref_squeeze %dma_wait3A_198 : memref<1x128xi32, #tpu.memory_space<vmem>> -> memref<128xi32, #tpu.memory_space<vmem>>
      %dma_wait3A_200 = arith.constant 0 : i32
      %dma_wait3A_201 = arith.constant 0 : i32
      %dma_wait3A_202 = tpu.memref_slice %arg2[%dma_wait3A_200, %dma_wait3A_201] : memref<20000x64xf32, #tpu.memory_space<hbm>> -> memref<20000x64xf32, #tpu.memory_space<hbm>>
      tpu.wait_indirect_dma semaphore(%arg14 : memref<!tpu.dma_semaphore, #tpu.memory_space<semaphore_mem>>) src(%dma_wait3A_202 : memref<20000x64xf32, #tpu.memory_space<hbm>>) dst(%dma_wait3A_196 : memref<128x64xf32, #tpu.memory_space<vmem>>)
      %dma_start3A_203 = arith.constant 3 : i32
      %dma_start3A_204 = arith.constant 0 : i32
      %dma_start3A_205 = arith.constant 0 : i32
      %dma_start3A_206 = tpu.memref_slice %arg9[%dma_start3A_203, %dma_start3A_204, %dma_start3A_205] : memref<4x128x64xf32, #tpu.memory_space<vmem>> -> memref<1x128x64xf32, #tpu.memory_space<vmem>>
      %dma_start3A_207 = tpu.memref_squeeze %dma_start3A_206 : memref<1x128x64xf32, #tpu.memory_space<vmem>> -> memref<128x64xf32, #tpu.memory_space<vmem>>
      %dma_start3A_208 = arith.constant 0 : i32
      %dma_start3A_209 = tpu.memref_slice %arg8[%add3A_191, %dma_start3A_208] : memref<160x128xi32, #tpu.memory_space<vmem>> -> memref<1x128xi32, #tpu.memory_space<vmem>>
      %dma_start3A_210 = tpu.memref_squeeze %dma_start3A_209 : memref<1x128xi32, #tpu.memory_space<vmem>> -> memref<128xi32, #tpu.memory_space<vmem>>
      %dma_start3A_211 = arith.constant 0 : i32
      %dma_start3A_212 = arith.constant 0 : i32
      %dma_start3A_213 = tpu.memref_slice %arg10[%dma_start3A_211, %dma_start3A_212] : memref<10240x64xf32, #tpu.memory_space<vmem_shared>> -> memref<10240x64xf32, #tpu.memory_space<vmem_shared>>
      tpu.enqueue_indirect_dma source(%dma_start3A_207 : memref<128x64xf32, #tpu.memory_space<vmem>>) target(%dma_start3A_213 : memref<10240x64xf32, #tpu.memory_space<vmem_shared>>) offsets(%dma_start3A_210 : memref<128xi32, #tpu.memory_space<vmem>>) semaphore(%arg18 : memref<!tpu.dma_semaphore, #tpu.memory_space<semaphore_mem>>) {add = true}
      %ge3A_214 = arith.constant 2 : i32
      %ge3A_215 = arith.cmpi sge, %add3A_191, %ge3A_214 : i32
      %convert_element_type3A_216 = arith.extui %ge3A_215 : i1 to i32
      %cond3A_217 = arith.constant 0 : i32
      %cond3A_218 = arith.cmpi ne, %convert_element_type3A_216, %cond3A_217 : i32
      scf.if %cond3A_218 {
        %dma_wait3A_226 = arith.constant 1 : i32
        %dma_wait3A_227 = arith.constant 0 : i32
        %dma_wait3A_228 = arith.constant 0 : i32
        %dma_wait3A_229 = arith.constant 0 : i32
        %dma_wait3A_230 = tpu.memref_slice %arg9[%dma_wait3A_226, %dma_wait3A_228, %dma_wait3A_229] : memref<4x128x64xf32, #tpu.memory_space<vmem>> -> memref<1x128x64xf32, #tpu.memory_space<vmem>>
        %dma_wait3A_231 = tpu.memref_squeeze %dma_wait3A_230 : memref<1x128x64xf32, #tpu.memory_space<vmem>> -> memref<128x64xf32, #tpu.memory_space<vmem>>
        %dma_wait3A_232 = arith.constant 0 : i32
        %dma_wait3A_233 = tpu.memref_slice %arg8[%dma_wait3A_227, %dma_wait3A_232] : memref<160x128xi32, #tpu.memory_space<vmem>> -> memref<1x128xi32, #tpu.memory_space<vmem>>
        %dma_wait3A_234 = tpu.memref_squeeze %dma_wait3A_233 : memref<1x128xi32, #tpu.memory_space<vmem>> -> memref<128xi32, #tpu.memory_space<vmem>>
        %dma_wait3A_235 = arith.constant 0 : i32
        %dma_wait3A_236 = arith.constant 0 : i32
        %dma_wait3A_237 = tpu.memref_slice %arg10[%dma_wait3A_235, %dma_wait3A_236] : memref<10240x64xf32, #tpu.memory_space<vmem_shared>> -> memref<10240x64xf32, #tpu.memory_space<vmem_shared>>
        tpu.wait_indirect_dma semaphore(%arg16 : memref<!tpu.dma_semaphore, #tpu.memory_space<semaphore_mem>>) src(%dma_wait3A_231 : memref<128x64xf32, #tpu.memory_space<vmem>>) dst(%dma_wait3A_237 : memref<10240x64xf32, #tpu.memory_space<vmem_shared>>)
      } else {
      }
      %add3A_219 = arith.constant 2 : i32
      %add3A_220 = arith.addi %add3A_191, %add3A_219 : i32
      %lt3A_221 = arith.constant 160 : i32
      %lt3A_222 = arith.cmpi slt, %add3A_220, %lt3A_221 : i32
      %convert_element_type3A_223 = arith.extui %lt3A_222 : i1 to i32
      %cond3A_224 = arith.constant 0 : i32
      %cond3A_225 = arith.cmpi ne, %convert_element_type3A_223, %cond3A_224 : i32
      scf.if %cond3A_225 {
        %add3A_226 = arith.constant 2 : i32
        %add3A_227 = arith.addi %add3A_191, %add3A_226 : i32
        %dma_start3A_228 = arith.constant 1 : i32
        %dma_start3A_229 = arith.constant 0 : i32
        %dma_start3A_230 = arith.constant 0 : i32
        %dma_start3A_231 = tpu.memref_slice %arg9[%dma_start3A_228, %dma_start3A_229, %dma_start3A_230] : memref<4x128x64xf32, #tpu.memory_space<vmem>> -> memref<1x128x64xf32, #tpu.memory_space<vmem>>
        %dma_start3A_232 = tpu.memref_squeeze %dma_start3A_231 : memref<1x128x64xf32, #tpu.memory_space<vmem>> -> memref<128x64xf32, #tpu.memory_space<vmem>>
        %dma_start3A_233 = arith.constant 0 : i32
        %dma_start3A_234 = tpu.memref_slice %arg7[%add3A_227, %dma_start3A_233] : memref<160x128xi32, #tpu.memory_space<vmem>> -> memref<1x128xi32, #tpu.memory_space<vmem>>
        %dma_start3A_235 = tpu.memref_squeeze %dma_start3A_234 : memref<1x128xi32, #tpu.memory_space<vmem>> -> memref<128xi32, #tpu.memory_space<vmem>>
        %dma_start3A_236 = arith.constant 0 : i32
        %dma_start3A_237 = arith.constant 0 : i32
        %dma_start3A_238 = tpu.memref_slice %arg2[%dma_start3A_236, %dma_start3A_237] : memref<20000x64xf32, #tpu.memory_space<hbm>> -> memref<20000x64xf32, #tpu.memory_space<hbm>>
        tpu.enqueue_indirect_dma source(%dma_start3A_238 : memref<20000x64xf32, #tpu.memory_space<hbm>>) target(%dma_start3A_232 : memref<128x64xf32, #tpu.memory_space<vmem>>) offsets(%dma_start3A_235 : memref<128xi32, #tpu.memory_space<vmem>>) semaphore(%arg12 : memref<!tpu.dma_semaphore, #tpu.memory_space<semaphore_mem>>)
      } else {
      }
    }
    %scan3A_50 = arith.constant 40 : i32
    %dma_wait3A = arith.constant 2 : i32
    %dma_wait3A_51 = arith.constant 0 : i32
    %dma_wait3A_52 = arith.constant 0 : i32
    %dma_wait3A_53 = arith.constant 0 : i32
    %dma_wait3A_54 = tpu.memref_slice %arg9[%dma_wait3A, %dma_wait3A_52, %dma_wait3A_53] : memref<4x128x64xf32, #tpu.memory_space<vmem>> -> memref<1x128x64xf32, #tpu.memory_space<vmem>>
    %dma_wait3A_55 = tpu.memref_squeeze %dma_wait3A_54 : memref<1x128x64xf32, #tpu.memory_space<vmem>> -> memref<128x64xf32, #tpu.memory_space<vmem>>
    %dma_wait3A_56 = arith.constant 0 : i32
    %dma_wait3A_57 = tpu.memref_slice %arg8[%dma_wait3A_51, %dma_wait3A_56] : memref<160x128xi32, #tpu.memory_space<vmem>> -> memref<1x128xi32, #tpu.memory_space<vmem>>
    %dma_wait3A_58 = tpu.memref_squeeze %dma_wait3A_57 : memref<1x128xi32, #tpu.memory_space<vmem>> -> memref<128xi32, #tpu.memory_space<vmem>>
    %dma_wait3A_59 = arith.constant 0 : i32
    %dma_wait3A_60 = arith.constant 0 : i32
    %dma_wait3A_61 = tpu.memref_slice %arg10[%dma_wait3A_59, %dma_wait3A_60] : memref<10240x64xf32, #tpu.memory_space<vmem_shared>> -> memref<10240x64xf32, #tpu.memory_space<vmem_shared>>
    tpu.wait_indirect_dma semaphore(%arg17 : memref<!tpu.dma_semaphore, #tpu.memory_space<semaphore_mem>>) src(%dma_wait3A_55 : memref<128x64xf32, #tpu.memory_space<vmem>>) dst(%dma_wait3A_61 : memref<10240x64xf32, #tpu.memory_space<vmem_shared>>)
    %dma_wait3A_62 = arith.constant 3 : i32
    %dma_wait3A_63 = arith.constant 0 : i32
    %dma_wait3A_64 = arith.constant 0 : i32
    %dma_wait3A_65 = arith.constant 0 : i32
    %dma_wait3A_66 = tpu.memref_slice %arg9[%dma_wait3A_62, %dma_wait3A_64, %dma_wait3A_65] : memref<4x128x64xf32, #tpu.memory_space<vmem>> -> memref<1x128x64xf32, #tpu.memory_space<vmem>>
    %dma_wait3A_67 = tpu.memref_squeeze %dma_wait3A_66 : memref<1x128x64xf32, #tpu.memory_space<vmem>> -> memref<128x64xf32, #tpu.memory_space<vmem>>
    %dma_wait3A_68 = arith.constant 0 : i32
    %dma_wait3A_69 = tpu.memref_slice %arg8[%dma_wait3A_63, %dma_wait3A_68] : memref<160x128xi32, #tpu.memory_space<vmem>> -> memref<1x128xi32, #tpu.memory_space<vmem>>
    %dma_wait3A_70 = tpu.memref_squeeze %dma_wait3A_69 : memref<1x128xi32, #tpu.memory_space<vmem>> -> memref<128xi32, #tpu.memory_space<vmem>>
    %dma_wait3A_71 = arith.constant 0 : i32
    %dma_wait3A_72 = arith.constant 0 : i32
    %dma_wait3A_73 = tpu.memref_slice %arg10[%dma_wait3A_71, %dma_wait3A_72] : memref<10240x64xf32, #tpu.memory_space<vmem_shared>> -> memref<10240x64xf32, #tpu.memory_space<vmem_shared>>
    tpu.wait_indirect_dma semaphore(%arg18 : memref<!tpu.dma_semaphore, #tpu.memory_space<semaphore_mem>>) src(%dma_wait3A_67 : memref<128x64xf32, #tpu.memory_space<vmem>>) dst(%dma_wait3A_73 : memref<10240x64xf32, #tpu.memory_space<vmem_shared>>)
    %barrier3A_74 = arith.constant 0 : index
    tpu.barrier barrier_id(%barrier3A_74)
    %mul3A_75 = arith.constant 640 : i32
    %mul3A_76 = arith.muli %arg1, %mul3A_75 : i32
    "tpu.region"() ({
      %run_scoped3A_77 = tpu.sem_alloc : memref<!tpu.dma_semaphore, #tpu.memory_space<semaphore_mem>>
      %dma_start3A_78 = arith.constant 0 : i32
      %dma_start3A_79 = tpu.memref_slice %arg6[%arg0, %mul3A_76, %dma_start3A_78] : memref<2x10240x64xf32, #tpu.memory_space<hbm>> -> memref<1x640x64xf32, #tpu.memory_space<hbm>>
      %dma_start3A_80 = tpu.memref_squeeze %dma_start3A_79 : memref<1x640x64xf32, #tpu.memory_space<hbm>> -> memref<640x64xf32, #tpu.memory_space<hbm>>
      %dma_start3A_81 = arith.constant 0 : i32
      %dma_start3A_82 = tpu.memref_slice %arg10[%mul3A_76, %dma_start3A_81] : memref<10240x64xf32, #tpu.memory_space<vmem_shared>> -> memref<640x64xf32, #tpu.memory_space<vmem_shared>>
      tpu.enqueue_dma source(%dma_start3A_82 : memref<640x64xf32, #tpu.memory_space<vmem_shared>>) target(%dma_start3A_80 : memref<640x64xf32, #tpu.memory_space<hbm>>) target_semaphore(%run_scoped3A_77 : memref<!tpu.dma_semaphore, #tpu.memory_space<semaphore_mem>>)
      %dma_wait3A_83 = arith.constant 0 : i32
      %dma_wait3A_84 = tpu.memref_slice %arg6[%arg0, %mul3A_76, %dma_wait3A_83] : memref<2x10240x64xf32, #tpu.memory_space<hbm>> -> memref<1x640x64xf32, #tpu.memory_space<hbm>>
      %dma_wait3A_85 = tpu.memref_squeeze %dma_wait3A_84 : memref<1x640x64xf32, #tpu.memory_space<hbm>> -> memref<640x64xf32, #tpu.memory_space<hbm>>
      %dma_wait3A_86 = arith.constant 0 : i32
      %dma_wait3A_87 = tpu.memref_slice %arg10[%mul3A_76, %dma_wait3A_86] : memref<10240x64xf32, #tpu.memory_space<vmem_shared>> -> memref<640x64xf32, #tpu.memory_space<vmem_shared>>
      tpu.wait_dma2 semaphore(%run_scoped3A_77 : memref<!tpu.dma_semaphore, #tpu.memory_space<semaphore_mem>>) src(%dma_wait3A_87 : memref<640x64xf32, #tpu.memory_space<vmem_shared>>) dst(%dma_wait3A_85 : memref<640x64xf32, #tpu.memory_space<hbm>>)
      tpu.yield
    }) : () -> ()
    return
  }
}

#map = affine_map<(d0, d1) -> (0, 0)>
#map1 = affine_map<(d0, d1) -> (0, 0, 0, 0)>
#map2 = affine_map<(d0, d1) -> (0, 0, 0)>
module attributes {stable_mosaic.version = 14 : i64} {
  func.func @_sc_edges_cnt(%arg0: i32, %arg1: i32, %arg2: memref<20000x64xf32, #tpu.memory_space<hbm>>, %arg3: memref<2x16x160x128xi32, #tpu.memory_space<hbm>>, %arg4: memref<16x160x128xi32, #tpu.memory_space<hbm>>, %arg5: memref<128x64xf32, #tpu.memory_space<hbm>>, %arg6: memref<128x16xf32, #tpu.memory_space<hbm>>, %arg7: memref<128x16xf32, #tpu.memory_space<hbm>>, %arg8: memref<2x10240x64xf32, #tpu.memory_space<hbm>>, %arg9: memref<2x10240x16xf32, #tpu.memory_space<hbm>>, %arg10: memref<160x128xi32, #tpu.memory_space<vmem>>, %arg11: memref<160x128xi32, #tpu.memory_space<vmem>>, %arg12: memref<4x128x64xf32, #tpu.memory_space<vmem>>, %arg13: memref<128x16xf32, #tpu.memory_space<vmem>>, %arg14: memref<10240x64xf32, #tpu.memory_space<vmem_shared>>, %arg15: memref<10240x16xf32, #tpu.memory_space<vmem_shared>>, %arg16: memref<!tpu.dma_semaphore, #tpu.memory_space<semaphore_mem>>, %arg17: memref<!tpu.dma_semaphore, #tpu.memory_space<semaphore_mem>>, %arg18: memref<!tpu.dma_semaphore, #tpu.memory_space<semaphore_mem>>, %arg19: memref<!tpu.dma_semaphore, #tpu.memory_space<semaphore_mem>>, %arg20: memref<!tpu.dma_semaphore, #tpu.memory_space<semaphore_mem>>, %arg21: memref<!tpu.dma_semaphore, #tpu.memory_space<semaphore_mem>>, %arg22: memref<!tpu.dma_semaphore, #tpu.memory_space<semaphore_mem>>, %arg23: memref<!tpu.dma_semaphore, #tpu.memory_space<semaphore_mem>>) attributes {dimension_semantics = [#tpu.dimension_semantics<core_parallel>, #tpu.dimension_semantics<subcore_parallel>], iteration_bounds = array<i64: 2, 16>, scalar_prefetch = 0 : i64, scratch_operands = 14 : i64, tpu.core_type = #tpu.core_type<sc_vector_subcore>, window_params = [{transform_indices = #map}, {transform_indices = #map1}, {transform_indices = #map2}, {transform_indices = #map}, {transform_indices = #map}, {transform_indices = #map}, {transform_indices = #map2}, {transform_indices = #map2}]} {
    %run_scoped3A = arith.constant 0 : i32
    "tpu.region"() ({
      %run_scoped3A_97 = tpu.sem_alloc : memref<!tpu.dma_semaphore, #tpu.memory_space<semaphore_mem>>
      %dma_start3A_98 = arith.constant 0 : i32
      %dma_start3A_99 = arith.constant 0 : i32
      %dma_start3A_100 = tpu.memref_slice %arg12[%run_scoped3A, %dma_start3A_98, %dma_start3A_99] : memref<4x128x64xf32, #tpu.memory_space<vmem>> -> memref<1x128x64xf32, #tpu.memory_space<vmem>>
      %dma_start3A_101 = tpu.memref_squeeze %dma_start3A_100 : memref<1x128x64xf32, #tpu.memory_space<vmem>> -> memref<128x64xf32, #tpu.memory_space<vmem>>
      %dma_start3A_102 = arith.constant 0 : i32
      %dma_start3A_103 = arith.constant 0 : i32
      %dma_start3A_104 = tpu.memref_slice %arg12[%run_scoped3A, %dma_start3A_102, %dma_start3A_103] : memref<4x128x64xf32, #tpu.memory_space<vmem>> -> memref<1x128x64xf32, #tpu.memory_space<vmem>>
      %dma_start3A_105 = tpu.memref_squeeze %dma_start3A_104 : memref<1x128x64xf32, #tpu.memory_space<vmem>> -> memref<128x64xf32, #tpu.memory_space<vmem>>
      tpu.enqueue_dma source(%arg5 : memref<128x64xf32, #tpu.memory_space<hbm>>) target(%dma_start3A_105 : memref<128x64xf32, #tpu.memory_space<vmem>>) target_semaphore(%run_scoped3A_97 : memref<!tpu.dma_semaphore, #tpu.memory_space<semaphore_mem>>)
      %dma_wait3A_106 = arith.constant 0 : i32
      %dma_wait3A_107 = arith.constant 0 : i32
      %dma_wait3A_108 = tpu.memref_slice %arg12[%run_scoped3A, %dma_wait3A_106, %dma_wait3A_107] : memref<4x128x64xf32, #tpu.memory_space<vmem>> -> memref<1x128x64xf32, #tpu.memory_space<vmem>>
      %dma_wait3A_109 = tpu.memref_squeeze %dma_wait3A_108 : memref<1x128x64xf32, #tpu.memory_space<vmem>> -> memref<128x64xf32, #tpu.memory_space<vmem>>
      %dma_wait3A_110 = arith.constant 0 : i32
      %dma_wait3A_111 = arith.constant 0 : i32
      %dma_wait3A_112 = tpu.memref_slice %arg12[%run_scoped3A, %dma_wait3A_110, %dma_wait3A_111] : memref<4x128x64xf32, #tpu.memory_space<vmem>> -> memref<1x128x64xf32, #tpu.memory_space<vmem>>
      %dma_wait3A_113 = tpu.memref_squeeze %dma_wait3A_112 : memref<1x128x64xf32, #tpu.memory_space<vmem>> -> memref<128x64xf32, #tpu.memory_space<vmem>>
      tpu.wait_dma2 semaphore(%run_scoped3A_97 : memref<!tpu.dma_semaphore, #tpu.memory_space<semaphore_mem>>) src(%arg5 : memref<128x64xf32, #tpu.memory_space<hbm>>) dst(%dma_wait3A_113 : memref<128x64xf32, #tpu.memory_space<vmem>>)
      tpu.yield
    }) : () -> ()
    "tpu.region"() ({
      %run_scoped3A_97 = tpu.sem_alloc : memref<!tpu.dma_semaphore, #tpu.memory_space<semaphore_mem>>
      tpu.enqueue_dma source(%arg6 : memref<128x16xf32, #tpu.memory_space<hbm>>) target(%arg13 : memref<128x16xf32, #tpu.memory_space<vmem>>) target_semaphore(%run_scoped3A_97 : memref<!tpu.dma_semaphore, #tpu.memory_space<semaphore_mem>>)
      tpu.wait_dma2 semaphore(%run_scoped3A_97 : memref<!tpu.dma_semaphore, #tpu.memory_space<semaphore_mem>>) src(%arg6 : memref<128x16xf32, #tpu.memory_space<hbm>>) dst(%arg13 : memref<128x16xf32, #tpu.memory_space<vmem>>)
      tpu.yield
    }) : () -> ()
    %mul3A = arith.constant 640 : i32
    %mul3A_0 = arith.muli %arg1, %mul3A : i32
    %add3A = arith.constant 0 : i32
    %add3A_1 = arith.addi %mul3A_0, %add3A : i32
    %run_scoped3A_2 = arith.constant 0 : i32
    "tpu.region"() ({
      %run_scoped3A_97 = tpu.sem_alloc : memref<!tpu.dma_semaphore, #tpu.memory_space<semaphore_mem>>
      %dma_start3A_98 = arith.constant 0 : i32
      %dma_start3A_99 = arith.constant 0 : i32
      %dma_start3A_100 = tpu.memref_slice %arg12[%run_scoped3A_2, %dma_start3A_98, %dma_start3A_99] : memref<4x128x64xf32, #tpu.memory_space<vmem>> -> memref<1x128x64xf32, #tpu.memory_space<vmem>>
      %dma_start3A_101 = tpu.memref_squeeze %dma_start3A_100 : memref<1x128x64xf32, #tpu.memory_space<vmem>> -> memref<128x64xf32, #tpu.memory_space<vmem>>
      %dma_start3A_102 = arith.constant 0 : i32
      %dma_start3A_103 = tpu.memref_slice %arg14[%add3A_1, %dma_start3A_102] : memref<10240x64xf32, #tpu.memory_space<vmem_shared>> -> memref<128x64xf32, #tpu.memory_space<vmem_shared>>
      %dma_start3A_104 = arith.constant 0 : i32
      %dma_start3A_105 = tpu.memref_slice %arg14[%add3A_1, %dma_start3A_104] : memref<10240x64xf32, #tpu.memory_space<vmem_shared>> -> memref<128x64xf32, #tpu.memory_space<vmem_shared>>
      %dma_start3A_106 = arith.constant 0 : i32
      %dma_start3A_107 = arith.constant 0 : i32
      %dma_start3A_108 = tpu.memref_slice %arg12[%run_scoped3A_2, %dma_start3A_106, %dma_start3A_107] : memref<4x128x64xf32, #tpu.memory_space<vmem>> -> memref<1x128x64xf32, #tpu.memory_space<vmem>>
      %dma_start3A_109 = tpu.memref_squeeze %dma_start3A_108 : memref<1x128x64xf32, #tpu.memory_space<vmem>> -> memref<128x64xf32, #tpu.memory_space<vmem>>
      tpu.enqueue_dma source(%dma_start3A_109 : memref<128x64xf32, #tpu.memory_space<vmem>>) target(%dma_start3A_105 : memref<128x64xf32, #tpu.memory_space<vmem_shared>>) target_semaphore(%run_scoped3A_97 : memref<!tpu.dma_semaphore, #tpu.memory_space<semaphore_mem>>)
      %dma_wait3A_110 = arith.constant 0 : i32
      %dma_wait3A_111 = arith.constant 0 : i32
      %dma_wait3A_112 = tpu.memref_slice %arg12[%run_scoped3A_2, %dma_wait3A_110, %dma_wait3A_111] : memref<4x128x64xf32, #tpu.memory_space<vmem>> -> memref<1x128x64xf32, #tpu.memory_space<vmem>>
      %dma_wait3A_113 = tpu.memref_squeeze %dma_wait3A_112 : memref<1x128x64xf32, #tpu.memory_space<vmem>> -> memref<128x64xf32, #tpu.memory_space<vmem>>
      %dma_wait3A_114 = arith.constant 0 : i32
      %dma_wait3A_115 = tpu.memref_slice %arg14[%add3A_1, %dma_wait3A_114] : memref<10240x64xf32, #tpu.memory_space<vmem_shared>> -> memref<128x64xf32, #tpu.memory_space<vmem_shared>>
      %dma_wait3A_116 = arith.constant 0 : i32
      %dma_wait3A_117 = tpu.memref_slice %arg14[%add3A_1, %dma_wait3A_116] : memref<10240x64xf32, #tpu.memory_space<vmem_shared>> -> memref<128x64xf32, #tpu.memory_space<vmem_shared>>
      %dma_wait3A_118 = arith.constant 0 : i32
      %dma_wait3A_119 = arith.constant 0 : i32
      %dma_wait3A_120 = tpu.memref_slice %arg12[%run_scoped3A_2, %dma_wait3A_118, %dma_wait3A_119] : memref<4x128x64xf32, #tpu.memory_space<vmem>> -> memref<1x128x64xf32, #tpu.memory_space<vmem>>
      %dma_wait3A_121 = tpu.memref_squeeze %dma_wait3A_120 : memref<1x128x64xf32, #tpu.memory_space<vmem>> -> memref<128x64xf32, #tpu.memory_space<vmem>>
      tpu.wait_dma2 semaphore(%run_scoped3A_97 : memref<!tpu.dma_semaphore, #tpu.memory_space<semaphore_mem>>) src(%dma_wait3A_121 : memref<128x64xf32, #tpu.memory_space<vmem>>) dst(%dma_wait3A_117 : memref<128x64xf32, #tpu.memory_space<vmem_shared>>)
      tpu.yield
    }) : () -> ()
    %mul3A_3 = arith.constant 640 : i32
    %mul3A_4 = arith.muli %arg1, %mul3A_3 : i32
    %add3A_5 = arith.constant 0 : i32
    %add3A_6 = arith.addi %mul3A_4, %add3A_5 : i32
    "tpu.region"() ({
      %run_scoped3A_97 = tpu.sem_alloc : memref<!tpu.dma_semaphore, #tpu.memory_space<semaphore_mem>>
      %dma_start3A_98 = arith.constant 0 : i32
      %dma_start3A_99 = tpu.memref_slice %arg15[%add3A_6, %dma_start3A_98] : memref<10240x16xf32, #tpu.memory_space<vmem_shared>> -> memref<128x16xf32, #tpu.memory_space<vmem_shared>>
      %dma_start3A_100 = arith.constant 0 : i32
      %dma_start3A_101 = tpu.memref_slice %arg15[%add3A_6, %dma_start3A_100] : memref<10240x16xf32, #tpu.memory_space<vmem_shared>> -> memref<128x16xf32, #tpu.memory_space<vmem_shared>>
      tpu.enqueue_dma source(%arg13 : memref<128x16xf32, #tpu.memory_space<vmem>>) target(%dma_start3A_101 : memref<128x16xf32, #tpu.memory_space<vmem_shared>>) target_semaphore(%run_scoped3A_97 : memref<!tpu.dma_semaphore, #tpu.memory_space<semaphore_mem>>)
      %dma_wait3A_102 = arith.constant 0 : i32
      %dma_wait3A_103 = tpu.memref_slice %arg15[%add3A_6, %dma_wait3A_102] : memref<10240x16xf32, #tpu.memory_space<vmem_shared>> -> memref<128x16xf32, #tpu.memory_space<vmem_shared>>
      %dma_wait3A_104 = arith.constant 0 : i32
      %dma_wait3A_105 = tpu.memref_slice %arg15[%add3A_6, %dma_wait3A_104] : memref<10240x16xf32, #tpu.memory_space<vmem_shared>> -> memref<128x16xf32, #tpu.memory_space<vmem_shared>>
      tpu.wait_dma2 semaphore(%run_scoped3A_97 : memref<!tpu.dma_semaphore, #tpu.memory_space<semaphore_mem>>) src(%arg13 : memref<128x16xf32, #tpu.memory_space<vmem>>) dst(%dma_wait3A_105 : memref<128x16xf32, #tpu.memory_space<vmem_shared>>)
      tpu.yield
    }) : () -> ()
    %mul3A_7 = arith.constant 640 : i32
    %mul3A_8 = arith.muli %arg1, %mul3A_7 : i32
    %add3A_9 = arith.constant 128 : i32
    %add3A_10 = arith.addi %mul3A_8, %add3A_9 : i32
    %run_scoped3A_11 = arith.constant 0 : i32
    "tpu.region"() ({
      %run_scoped3A_97 = tpu.sem_alloc : memref<!tpu.dma_semaphore, #tpu.memory_space<semaphore_mem>>
      %dma_start3A_98 = arith.constant 0 : i32
      %dma_start3A_99 = arith.constant 0 : i32
      %dma_start3A_100 = tpu.memref_slice %arg12[%run_scoped3A_11, %dma_start3A_98, %dma_start3A_99] : memref<4x128x64xf32, #tpu.memory_space<vmem>> -> memref<1x128x64xf32, #tpu.memory_space<vmem>>
      %dma_start3A_101 = tpu.memref_squeeze %dma_start3A_100 : memref<1x128x64xf32, #tpu.memory_space<vmem>> -> memref<128x64xf32, #tpu.memory_space<vmem>>
      %dma_start3A_102 = arith.constant 0 : i32
      %dma_start3A_103 = tpu.memref_slice %arg14[%add3A_10, %dma_start3A_102] : memref<10240x64xf32, #tpu.memory_space<vmem_shared>> -> memref<128x64xf32, #tpu.memory_space<vmem_shared>>
      %dma_start3A_104 = arith.constant 0 : i32
      %dma_start3A_105 = tpu.memref_slice %arg14[%add3A_10, %dma_start3A_104] : memref<10240x64xf32, #tpu.memory_space<vmem_shared>> -> memref<128x64xf32, #tpu.memory_space<vmem_shared>>
      %dma_start3A_106 = arith.constant 0 : i32
      %dma_start3A_107 = arith.constant 0 : i32
      %dma_start3A_108 = tpu.memref_slice %arg12[%run_scoped3A_11, %dma_start3A_106, %dma_start3A_107] : memref<4x128x64xf32, #tpu.memory_space<vmem>> -> memref<1x128x64xf32, #tpu.memory_space<vmem>>
      %dma_start3A_109 = tpu.memref_squeeze %dma_start3A_108 : memref<1x128x64xf32, #tpu.memory_space<vmem>> -> memref<128x64xf32, #tpu.memory_space<vmem>>
      tpu.enqueue_dma source(%dma_start3A_109 : memref<128x64xf32, #tpu.memory_space<vmem>>) target(%dma_start3A_105 : memref<128x64xf32, #tpu.memory_space<vmem_shared>>) target_semaphore(%run_scoped3A_97 : memref<!tpu.dma_semaphore, #tpu.memory_space<semaphore_mem>>)
      %dma_wait3A_110 = arith.constant 0 : i32
      %dma_wait3A_111 = arith.constant 0 : i32
      %dma_wait3A_112 = tpu.memref_slice %arg12[%run_scoped3A_11, %dma_wait3A_110, %dma_wait3A_111] : memref<4x128x64xf32, #tpu.memory_space<vmem>> -> memref<1x128x64xf32, #tpu.memory_space<vmem>>
      %dma_wait3A_113 = tpu.memref_squeeze %dma_wait3A_112 : memref<1x128x64xf32, #tpu.memory_space<vmem>> -> memref<128x64xf32, #tpu.memory_space<vmem>>
      %dma_wait3A_114 = arith.constant 0 : i32
      %dma_wait3A_115 = tpu.memref_slice %arg14[%add3A_10, %dma_wait3A_114] : memref<10240x64xf32, #tpu.memory_space<vmem_shared>> -> memref<128x64xf32, #tpu.memory_space<vmem_shared>>
      %dma_wait3A_116 = arith.constant 0 : i32
      %dma_wait3A_117 = tpu.memref_slice %arg14[%add3A_10, %dma_wait3A_116] : memref<10240x64xf32, #tpu.memory_space<vmem_shared>> -> memref<128x64xf32, #tpu.memory_space<vmem_shared>>
      %dma_wait3A_118 = arith.constant 0 : i32
      %dma_wait3A_119 = arith.constant 0 : i32
      %dma_wait3A_120 = tpu.memref_slice %arg12[%run_scoped3A_11, %dma_wait3A_118, %dma_wait3A_119] : memref<4x128x64xf32, #tpu.memory_space<vmem>> -> memref<1x128x64xf32, #tpu.memory_space<vmem>>
      %dma_wait3A_121 = tpu.memref_squeeze %dma_wait3A_120 : memref<1x128x64xf32, #tpu.memory_space<vmem>> -> memref<128x64xf32, #tpu.memory_space<vmem>>
      tpu.wait_dma2 semaphore(%run_scoped3A_97 : memref<!tpu.dma_semaphore, #tpu.memory_space<semaphore_mem>>) src(%dma_wait3A_121 : memref<128x64xf32, #tpu.memory_space<vmem>>) dst(%dma_wait3A_117 : memref<128x64xf32, #tpu.memory_space<vmem_shared>>)
      tpu.yield
    }) : () -> ()
    %mul3A_12 = arith.constant 640 : i32
    %mul3A_13 = arith.muli %arg1, %mul3A_12 : i32
    %add3A_14 = arith.constant 128 : i32
    %add3A_15 = arith.addi %mul3A_13, %add3A_14 : i32
    "tpu.region"() ({
      %run_scoped3A_97 = tpu.sem_alloc : memref<!tpu.dma_semaphore, #tpu.memory_space<semaphore_mem>>
      %dma_start3A_98 = arith.constant 0 : i32
      %dma_start3A_99 = tpu.memref_slice %arg15[%add3A_15, %dma_start3A_98] : memref<10240x16xf32, #tpu.memory_space<vmem_shared>> -> memref<128x16xf32, #tpu.memory_space<vmem_shared>>
      %dma_start3A_100 = arith.constant 0 : i32
      %dma_start3A_101 = tpu.memref_slice %arg15[%add3A_15, %dma_start3A_100] : memref<10240x16xf32, #tpu.memory_space<vmem_shared>> -> memref<128x16xf32, #tpu.memory_space<vmem_shared>>
      tpu.enqueue_dma source(%arg13 : memref<128x16xf32, #tpu.memory_space<vmem>>) target(%dma_start3A_101 : memref<128x16xf32, #tpu.memory_space<vmem_shared>>) target_semaphore(%run_scoped3A_97 : memref<!tpu.dma_semaphore, #tpu.memory_space<semaphore_mem>>)
      %dma_wait3A_102 = arith.constant 0 : i32
      %dma_wait3A_103 = tpu.memref_slice %arg15[%add3A_15, %dma_wait3A_102] : memref<10240x16xf32, #tpu.memory_space<vmem_shared>> -> memref<128x16xf32, #tpu.memory_space<vmem_shared>>
      %dma_wait3A_104 = arith.constant 0 : i32
      %dma_wait3A_105 = tpu.memref_slice %arg15[%add3A_15, %dma_wait3A_104] : memref<10240x16xf32, #tpu.memory_space<vmem_shared>> -> memref<128x16xf32, #tpu.memory_space<vmem_shared>>
      tpu.wait_dma2 semaphore(%run_scoped3A_97 : memref<!tpu.dma_semaphore, #tpu.memory_space<semaphore_mem>>) src(%arg13 : memref<128x16xf32, #tpu.memory_space<vmem>>) dst(%dma_wait3A_105 : memref<128x16xf32, #tpu.memory_space<vmem_shared>>)
      tpu.yield
    }) : () -> ()
    %mul3A_16 = arith.constant 640 : i32
    %mul3A_17 = arith.muli %arg1, %mul3A_16 : i32
    %add3A_18 = arith.constant 256 : i32
    %add3A_19 = arith.addi %mul3A_17, %add3A_18 : i32
    %run_scoped3A_20 = arith.constant 0 : i32
    "tpu.region"() ({
      %run_scoped3A_97 = tpu.sem_alloc : memref<!tpu.dma_semaphore, #tpu.memory_space<semaphore_mem>>
      %dma_start3A_98 = arith.constant 0 : i32
      %dma_start3A_99 = arith.constant 0 : i32
      %dma_start3A_100 = tpu.memref_slice %arg12[%run_scoped3A_20, %dma_start3A_98, %dma_start3A_99] : memref<4x128x64xf32, #tpu.memory_space<vmem>> -> memref<1x128x64xf32, #tpu.memory_space<vmem>>
      %dma_start3A_101 = tpu.memref_squeeze %dma_start3A_100 : memref<1x128x64xf32, #tpu.memory_space<vmem>> -> memref<128x64xf32, #tpu.memory_space<vmem>>
      %dma_start3A_102 = arith.constant 0 : i32
      %dma_start3A_103 = tpu.memref_slice %arg14[%add3A_19, %dma_start3A_102] : memref<10240x64xf32, #tpu.memory_space<vmem_shared>> -> memref<128x64xf32, #tpu.memory_space<vmem_shared>>
      %dma_start3A_104 = arith.constant 0 : i32
      %dma_start3A_105 = tpu.memref_slice %arg14[%add3A_19, %dma_start3A_104] : memref<10240x64xf32, #tpu.memory_space<vmem_shared>> -> memref<128x64xf32, #tpu.memory_space<vmem_shared>>
      %dma_start3A_106 = arith.constant 0 : i32
      %dma_start3A_107 = arith.constant 0 : i32
      %dma_start3A_108 = tpu.memref_slice %arg12[%run_scoped3A_20, %dma_start3A_106, %dma_start3A_107] : memref<4x128x64xf32, #tpu.memory_space<vmem>> -> memref<1x128x64xf32, #tpu.memory_space<vmem>>
      %dma_start3A_109 = tpu.memref_squeeze %dma_start3A_108 : memref<1x128x64xf32, #tpu.memory_space<vmem>> -> memref<128x64xf32, #tpu.memory_space<vmem>>
      tpu.enqueue_dma source(%dma_start3A_109 : memref<128x64xf32, #tpu.memory_space<vmem>>) target(%dma_start3A_105 : memref<128x64xf32, #tpu.memory_space<vmem_shared>>) target_semaphore(%run_scoped3A_97 : memref<!tpu.dma_semaphore, #tpu.memory_space<semaphore_mem>>)
      %dma_wait3A_110 = arith.constant 0 : i32
      %dma_wait3A_111 = arith.constant 0 : i32
      %dma_wait3A_112 = tpu.memref_slice %arg12[%run_scoped3A_20, %dma_wait3A_110, %dma_wait3A_111] : memref<4x128x64xf32, #tpu.memory_space<vmem>> -> memref<1x128x64xf32, #tpu.memory_space<vmem>>
      %dma_wait3A_113 = tpu.memref_squeeze %dma_wait3A_112 : memref<1x128x64xf32, #tpu.memory_space<vmem>> -> memref<128x64xf32, #tpu.memory_space<vmem>>
      %dma_wait3A_114 = arith.constant 0 : i32
      %dma_wait3A_115 = tpu.memref_slice %arg14[%add3A_19, %dma_wait3A_114] : memref<10240x64xf32, #tpu.memory_space<vmem_shared>> -> memref<128x64xf32, #tpu.memory_space<vmem_shared>>
      %dma_wait3A_116 = arith.constant 0 : i32
      %dma_wait3A_117 = tpu.memref_slice %arg14[%add3A_19, %dma_wait3A_116] : memref<10240x64xf32, #tpu.memory_space<vmem_shared>> -> memref<128x64xf32, #tpu.memory_space<vmem_shared>>
      %dma_wait3A_118 = arith.constant 0 : i32
      %dma_wait3A_119 = arith.constant 0 : i32
      %dma_wait3A_120 = tpu.memref_slice %arg12[%run_scoped3A_20, %dma_wait3A_118, %dma_wait3A_119] : memref<4x128x64xf32, #tpu.memory_space<vmem>> -> memref<1x128x64xf32, #tpu.memory_space<vmem>>
      %dma_wait3A_121 = tpu.memref_squeeze %dma_wait3A_120 : memref<1x128x64xf32, #tpu.memory_space<vmem>> -> memref<128x64xf32, #tpu.memory_space<vmem>>
      tpu.wait_dma2 semaphore(%run_scoped3A_97 : memref<!tpu.dma_semaphore, #tpu.memory_space<semaphore_mem>>) src(%dma_wait3A_121 : memref<128x64xf32, #tpu.memory_space<vmem>>) dst(%dma_wait3A_117 : memref<128x64xf32, #tpu.memory_space<vmem_shared>>)
      tpu.yield
    }) : () -> ()
    %mul3A_21 = arith.constant 640 : i32
    %mul3A_22 = arith.muli %arg1, %mul3A_21 : i32
    %add3A_23 = arith.constant 256 : i32
    %add3A_24 = arith.addi %mul3A_22, %add3A_23 : i32
    "tpu.region"() ({
      %run_scoped3A_97 = tpu.sem_alloc : memref<!tpu.dma_semaphore, #tpu.memory_space<semaphore_mem>>
      %dma_start3A_98 = arith.constant 0 : i32
      %dma_start3A_99 = tpu.memref_slice %arg15[%add3A_24, %dma_start3A_98] : memref<10240x16xf32, #tpu.memory_space<vmem_shared>> -> memref<128x16xf32, #tpu.memory_space<vmem_shared>>
      %dma_start3A_100 = arith.constant 0 : i32
      %dma_start3A_101 = tpu.memref_slice %arg15[%add3A_24, %dma_start3A_100] : memref<10240x16xf32, #tpu.memory_space<vmem_shared>> -> memref<128x16xf32, #tpu.memory_space<vmem_shared>>
      tpu.enqueue_dma source(%arg13 : memref<128x16xf32, #tpu.memory_space<vmem>>) target(%dma_start3A_101 : memref<128x16xf32, #tpu.memory_space<vmem_shared>>) target_semaphore(%run_scoped3A_97 : memref<!tpu.dma_semaphore, #tpu.memory_space<semaphore_mem>>)
      %dma_wait3A_102 = arith.constant 0 : i32
      %dma_wait3A_103 = tpu.memref_slice %arg15[%add3A_24, %dma_wait3A_102] : memref<10240x16xf32, #tpu.memory_space<vmem_shared>> -> memref<128x16xf32, #tpu.memory_space<vmem_shared>>
      %dma_wait3A_104 = arith.constant 0 : i32
      %dma_wait3A_105 = tpu.memref_slice %arg15[%add3A_24, %dma_wait3A_104] : memref<10240x16xf32, #tpu.memory_space<vmem_shared>> -> memref<128x16xf32, #tpu.memory_space<vmem_shared>>
      tpu.wait_dma2 semaphore(%run_scoped3A_97 : memref<!tpu.dma_semaphore, #tpu.memory_space<semaphore_mem>>) src(%arg13 : memref<128x16xf32, #tpu.memory_space<vmem>>) dst(%dma_wait3A_105 : memref<128x16xf32, #tpu.memory_space<vmem_shared>>)
      tpu.yield
    }) : () -> ()
    %mul3A_25 = arith.constant 640 : i32
    %mul3A_26 = arith.muli %arg1, %mul3A_25 : i32
    %add3A_27 = arith.constant 384 : i32
    %add3A_28 = arith.addi %mul3A_26, %add3A_27 : i32
    %run_scoped3A_29 = arith.constant 0 : i32
    "tpu.region"() ({
      %run_scoped3A_97 = tpu.sem_alloc : memref<!tpu.dma_semaphore, #tpu.memory_space<semaphore_mem>>
      %dma_start3A_98 = arith.constant 0 : i32
      %dma_start3A_99 = arith.constant 0 : i32
      %dma_start3A_100 = tpu.memref_slice %arg12[%run_scoped3A_29, %dma_start3A_98, %dma_start3A_99] : memref<4x128x64xf32, #tpu.memory_space<vmem>> -> memref<1x128x64xf32, #tpu.memory_space<vmem>>
      %dma_start3A_101 = tpu.memref_squeeze %dma_start3A_100 : memref<1x128x64xf32, #tpu.memory_space<vmem>> -> memref<128x64xf32, #tpu.memory_space<vmem>>
      %dma_start3A_102 = arith.constant 0 : i32
      %dma_start3A_103 = tpu.memref_slice %arg14[%add3A_28, %dma_start3A_102] : memref<10240x64xf32, #tpu.memory_space<vmem_shared>> -> memref<128x64xf32, #tpu.memory_space<vmem_shared>>
      %dma_start3A_104 = arith.constant 0 : i32
      %dma_start3A_105 = tpu.memref_slice %arg14[%add3A_28, %dma_start3A_104] : memref<10240x64xf32, #tpu.memory_space<vmem_shared>> -> memref<128x64xf32, #tpu.memory_space<vmem_shared>>
      %dma_start3A_106 = arith.constant 0 : i32
      %dma_start3A_107 = arith.constant 0 : i32
      %dma_start3A_108 = tpu.memref_slice %arg12[%run_scoped3A_29, %dma_start3A_106, %dma_start3A_107] : memref<4x128x64xf32, #tpu.memory_space<vmem>> -> memref<1x128x64xf32, #tpu.memory_space<vmem>>
      %dma_start3A_109 = tpu.memref_squeeze %dma_start3A_108 : memref<1x128x64xf32, #tpu.memory_space<vmem>> -> memref<128x64xf32, #tpu.memory_space<vmem>>
      tpu.enqueue_dma source(%dma_start3A_109 : memref<128x64xf32, #tpu.memory_space<vmem>>) target(%dma_start3A_105 : memref<128x64xf32, #tpu.memory_space<vmem_shared>>) target_semaphore(%run_scoped3A_97 : memref<!tpu.dma_semaphore, #tpu.memory_space<semaphore_mem>>)
      %dma_wait3A_110 = arith.constant 0 : i32
      %dma_wait3A_111 = arith.constant 0 : i32
      %dma_wait3A_112 = tpu.memref_slice %arg12[%run_scoped3A_29, %dma_wait3A_110, %dma_wait3A_111] : memref<4x128x64xf32, #tpu.memory_space<vmem>> -> memref<1x128x64xf32, #tpu.memory_space<vmem>>
      %dma_wait3A_113 = tpu.memref_squeeze %dma_wait3A_112 : memref<1x128x64xf32, #tpu.memory_space<vmem>> -> memref<128x64xf32, #tpu.memory_space<vmem>>
      %dma_wait3A_114 = arith.constant 0 : i32
      %dma_wait3A_115 = tpu.memref_slice %arg14[%add3A_28, %dma_wait3A_114] : memref<10240x64xf32, #tpu.memory_space<vmem_shared>> -> memref<128x64xf32, #tpu.memory_space<vmem_shared>>
      %dma_wait3A_116 = arith.constant 0 : i32
      %dma_wait3A_117 = tpu.memref_slice %arg14[%add3A_28, %dma_wait3A_116] : memref<10240x64xf32, #tpu.memory_space<vmem_shared>> -> memref<128x64xf32, #tpu.memory_space<vmem_shared>>
      %dma_wait3A_118 = arith.constant 0 : i32
      %dma_wait3A_119 = arith.constant 0 : i32
      %dma_wait3A_120 = tpu.memref_slice %arg12[%run_scoped3A_29, %dma_wait3A_118, %dma_wait3A_119] : memref<4x128x64xf32, #tpu.memory_space<vmem>> -> memref<1x128x64xf32, #tpu.memory_space<vmem>>
      %dma_wait3A_121 = tpu.memref_squeeze %dma_wait3A_120 : memref<1x128x64xf32, #tpu.memory_space<vmem>> -> memref<128x64xf32, #tpu.memory_space<vmem>>
      tpu.wait_dma2 semaphore(%run_scoped3A_97 : memref<!tpu.dma_semaphore, #tpu.memory_space<semaphore_mem>>) src(%dma_wait3A_121 : memref<128x64xf32, #tpu.memory_space<vmem>>) dst(%dma_wait3A_117 : memref<128x64xf32, #tpu.memory_space<vmem_shared>>)
      tpu.yield
    }) : () -> ()
    %mul3A_30 = arith.constant 640 : i32
    %mul3A_31 = arith.muli %arg1, %mul3A_30 : i32
    %add3A_32 = arith.constant 384 : i32
    %add3A_33 = arith.addi %mul3A_31, %add3A_32 : i32
    "tpu.region"() ({
      %run_scoped3A_97 = tpu.sem_alloc : memref<!tpu.dma_semaphore, #tpu.memory_space<semaphore_mem>>
      %dma_start3A_98 = arith.constant 0 : i32
      %dma_start3A_99 = tpu.memref_slice %arg15[%add3A_33, %dma_start3A_98] : memref<10240x16xf32, #tpu.memory_space<vmem_shared>> -> memref<128x16xf32, #tpu.memory_space<vmem_shared>>
      %dma_start3A_100 = arith.constant 0 : i32
      %dma_start3A_101 = tpu.memref_slice %arg15[%add3A_33, %dma_start3A_100] : memref<10240x16xf32, #tpu.memory_space<vmem_shared>> -> memref<128x16xf32, #tpu.memory_space<vmem_shared>>
      tpu.enqueue_dma source(%arg13 : memref<128x16xf32, #tpu.memory_space<vmem>>) target(%dma_start3A_101 : memref<128x16xf32, #tpu.memory_space<vmem_shared>>) target_semaphore(%run_scoped3A_97 : memref<!tpu.dma_semaphore, #tpu.memory_space<semaphore_mem>>)
      %dma_wait3A_102 = arith.constant 0 : i32
      %dma_wait3A_103 = tpu.memref_slice %arg15[%add3A_33, %dma_wait3A_102] : memref<10240x16xf32, #tpu.memory_space<vmem_shared>> -> memref<128x16xf32, #tpu.memory_space<vmem_shared>>
      %dma_wait3A_104 = arith.constant 0 : i32
      %dma_wait3A_105 = tpu.memref_slice %arg15[%add3A_33, %dma_wait3A_104] : memref<10240x16xf32, #tpu.memory_space<vmem_shared>> -> memref<128x16xf32, #tpu.memory_space<vmem_shared>>
      tpu.wait_dma2 semaphore(%run_scoped3A_97 : memref<!tpu.dma_semaphore, #tpu.memory_space<semaphore_mem>>) src(%arg13 : memref<128x16xf32, #tpu.memory_space<vmem>>) dst(%dma_wait3A_105 : memref<128x16xf32, #tpu.memory_space<vmem_shared>>)
      tpu.yield
    }) : () -> ()
    %mul3A_34 = arith.constant 640 : i32
    %mul3A_35 = arith.muli %arg1, %mul3A_34 : i32
    %add3A_36 = arith.constant 512 : i32
    %add3A_37 = arith.addi %mul3A_35, %add3A_36 : i32
    %run_scoped3A_38 = arith.constant 0 : i32
    "tpu.region"() ({
      %run_scoped3A_97 = tpu.sem_alloc : memref<!tpu.dma_semaphore, #tpu.memory_space<semaphore_mem>>
      %dma_start3A_98 = arith.constant 0 : i32
      %dma_start3A_99 = arith.constant 0 : i32
      %dma_start3A_100 = tpu.memref_slice %arg12[%run_scoped3A_38, %dma_start3A_98, %dma_start3A_99] : memref<4x128x64xf32, #tpu.memory_space<vmem>> -> memref<1x128x64xf32, #tpu.memory_space<vmem>>
      %dma_start3A_101 = tpu.memref_squeeze %dma_start3A_100 : memref<1x128x64xf32, #tpu.memory_space<vmem>> -> memref<128x64xf32, #tpu.memory_space<vmem>>
      %dma_start3A_102 = arith.constant 0 : i32
      %dma_start3A_103 = tpu.memref_slice %arg14[%add3A_37, %dma_start3A_102] : memref<10240x64xf32, #tpu.memory_space<vmem_shared>> -> memref<128x64xf32, #tpu.memory_space<vmem_shared>>
      %dma_start3A_104 = arith.constant 0 : i32
      %dma_start3A_105 = tpu.memref_slice %arg14[%add3A_37, %dma_start3A_104] : memref<10240x64xf32, #tpu.memory_space<vmem_shared>> -> memref<128x64xf32, #tpu.memory_space<vmem_shared>>
      %dma_start3A_106 = arith.constant 0 : i32
      %dma_start3A_107 = arith.constant 0 : i32
      %dma_start3A_108 = tpu.memref_slice %arg12[%run_scoped3A_38, %dma_start3A_106, %dma_start3A_107] : memref<4x128x64xf32, #tpu.memory_space<vmem>> -> memref<1x128x64xf32, #tpu.memory_space<vmem>>
      %dma_start3A_109 = tpu.memref_squeeze %dma_start3A_108 : memref<1x128x64xf32, #tpu.memory_space<vmem>> -> memref<128x64xf32, #tpu.memory_space<vmem>>
      tpu.enqueue_dma source(%dma_start3A_109 : memref<128x64xf32, #tpu.memory_space<vmem>>) target(%dma_start3A_105 : memref<128x64xf32, #tpu.memory_space<vmem_shared>>) target_semaphore(%run_scoped3A_97 : memref<!tpu.dma_semaphore, #tpu.memory_space<semaphore_mem>>)
      %dma_wait3A_110 = arith.constant 0 : i32
      %dma_wait3A_111 = arith.constant 0 : i32
      %dma_wait3A_112 = tpu.memref_slice %arg12[%run_scoped3A_38, %dma_wait3A_110, %dma_wait3A_111] : memref<4x128x64xf32, #tpu.memory_space<vmem>> -> memref<1x128x64xf32, #tpu.memory_space<vmem>>
      %dma_wait3A_113 = tpu.memref_squeeze %dma_wait3A_112 : memref<1x128x64xf32, #tpu.memory_space<vmem>> -> memref<128x64xf32, #tpu.memory_space<vmem>>
      %dma_wait3A_114 = arith.constant 0 : i32
      %dma_wait3A_115 = tpu.memref_slice %arg14[%add3A_37, %dma_wait3A_114] : memref<10240x64xf32, #tpu.memory_space<vmem_shared>> -> memref<128x64xf32, #tpu.memory_space<vmem_shared>>
      %dma_wait3A_116 = arith.constant 0 : i32
      %dma_wait3A_117 = tpu.memref_slice %arg14[%add3A_37, %dma_wait3A_116] : memref<10240x64xf32, #tpu.memory_space<vmem_shared>> -> memref<128x64xf32, #tpu.memory_space<vmem_shared>>
      %dma_wait3A_118 = arith.constant 0 : i32
      %dma_wait3A_119 = arith.constant 0 : i32
      %dma_wait3A_120 = tpu.memref_slice %arg12[%run_scoped3A_38, %dma_wait3A_118, %dma_wait3A_119] : memref<4x128x64xf32, #tpu.memory_space<vmem>> -> memref<1x128x64xf32, #tpu.memory_space<vmem>>
      %dma_wait3A_121 = tpu.memref_squeeze %dma_wait3A_120 : memref<1x128x64xf32, #tpu.memory_space<vmem>> -> memref<128x64xf32, #tpu.memory_space<vmem>>
      tpu.wait_dma2 semaphore(%run_scoped3A_97 : memref<!tpu.dma_semaphore, #tpu.memory_space<semaphore_mem>>) src(%dma_wait3A_121 : memref<128x64xf32, #tpu.memory_space<vmem>>) dst(%dma_wait3A_117 : memref<128x64xf32, #tpu.memory_space<vmem_shared>>)
      tpu.yield
    }) : () -> ()
    %mul3A_39 = arith.constant 640 : i32
    %mul3A_40 = arith.muli %arg1, %mul3A_39 : i32
    %add3A_41 = arith.constant 512 : i32
    %add3A_42 = arith.addi %mul3A_40, %add3A_41 : i32
    "tpu.region"() ({
      %run_scoped3A_97 = tpu.sem_alloc : memref<!tpu.dma_semaphore, #tpu.memory_space<semaphore_mem>>
      %dma_start3A_98 = arith.constant 0 : i32
      %dma_start3A_99 = tpu.memref_slice %arg15[%add3A_42, %dma_start3A_98] : memref<10240x16xf32, #tpu.memory_space<vmem_shared>> -> memref<128x16xf32, #tpu.memory_space<vmem_shared>>
      %dma_start3A_100 = arith.constant 0 : i32
      %dma_start3A_101 = tpu.memref_slice %arg15[%add3A_42, %dma_start3A_100] : memref<10240x16xf32, #tpu.memory_space<vmem_shared>> -> memref<128x16xf32, #tpu.memory_space<vmem_shared>>
      tpu.enqueue_dma source(%arg13 : memref<128x16xf32, #tpu.memory_space<vmem>>) target(%dma_start3A_101 : memref<128x16xf32, #tpu.memory_space<vmem_shared>>) target_semaphore(%run_scoped3A_97 : memref<!tpu.dma_semaphore, #tpu.memory_space<semaphore_mem>>)
      %dma_wait3A_102 = arith.constant 0 : i32
      %dma_wait3A_103 = tpu.memref_slice %arg15[%add3A_42, %dma_wait3A_102] : memref<10240x16xf32, #tpu.memory_space<vmem_shared>> -> memref<128x16xf32, #tpu.memory_space<vmem_shared>>
      %dma_wait3A_104 = arith.constant 0 : i32
      %dma_wait3A_105 = tpu.memref_slice %arg15[%add3A_42, %dma_wait3A_104] : memref<10240x16xf32, #tpu.memory_space<vmem_shared>> -> memref<128x16xf32, #tpu.memory_space<vmem_shared>>
      tpu.wait_dma2 semaphore(%run_scoped3A_97 : memref<!tpu.dma_semaphore, #tpu.memory_space<semaphore_mem>>) src(%arg13 : memref<128x16xf32, #tpu.memory_space<vmem>>) dst(%dma_wait3A_105 : memref<128x16xf32, #tpu.memory_space<vmem_shared>>)
      tpu.yield
    }) : () -> ()
    "tpu.region"() ({
      %run_scoped3A_97 = tpu.sem_alloc : memref<!tpu.dma_semaphore, #tpu.memory_space<semaphore_mem>>
      tpu.enqueue_dma source(%arg7 : memref<128x16xf32, #tpu.memory_space<hbm>>) target(%arg13 : memref<128x16xf32, #tpu.memory_space<vmem>>) target_semaphore(%run_scoped3A_97 : memref<!tpu.dma_semaphore, #tpu.memory_space<semaphore_mem>>)
      tpu.wait_dma2 semaphore(%run_scoped3A_97 : memref<!tpu.dma_semaphore, #tpu.memory_space<semaphore_mem>>) src(%arg7 : memref<128x16xf32, #tpu.memory_space<hbm>>) dst(%arg13 : memref<128x16xf32, #tpu.memory_space<vmem>>)
      tpu.yield
    }) : () -> ()
    "tpu.region"() ({
      %run_scoped3A_97 = tpu.sem_alloc : memref<!tpu.dma_semaphore, #tpu.memory_space<semaphore_mem>>
      %dma_start3A_98 = arith.constant 0 : i32
      %dma_start3A_99 = arith.constant 0 : i32
      %dma_start3A_100 = tpu.memref_slice %arg3[%arg0, %arg1, %dma_start3A_98, %dma_start3A_99] : memref<2x16x160x128xi32, #tpu.memory_space<hbm>> -> memref<1x1x160x128xi32, #tpu.memory_space<hbm>>
      %dma_start3A_101 = tpu.memref_squeeze %dma_start3A_100 : memref<1x1x160x128xi32, #tpu.memory_space<hbm>> -> memref<160x128xi32, #tpu.memory_space<hbm>>
      %dma_start3A_102 = arith.constant 0 : i32
      %dma_start3A_103 = arith.constant 0 : i32
      %dma_start3A_104 = tpu.memref_slice %arg3[%arg0, %arg1, %dma_start3A_102, %dma_start3A_103] : memref<2x16x160x128xi32, #tpu.memory_space<hbm>> -> memref<1x1x160x128xi32, #tpu.memory_space<hbm>>
      %dma_start3A_105 = tpu.memref_squeeze %dma_start3A_104 : memref<1x1x160x128xi32, #tpu.memory_space<hbm>> -> memref<160x128xi32, #tpu.memory_space<hbm>>
      tpu.enqueue_dma source(%dma_start3A_105 : memref<160x128xi32, #tpu.memory_space<hbm>>) target(%arg10 : memref<160x128xi32, #tpu.memory_space<vmem>>) target_semaphore(%run_scoped3A_97 : memref<!tpu.dma_semaphore, #tpu.memory_space<semaphore_mem>>)
      %dma_wait3A_106 = arith.constant 0 : i32
      %dma_wait3A_107 = arith.constant 0 : i32
      %dma_wait3A_108 = tpu.memref_slice %arg3[%arg0, %arg1, %dma_wait3A_106, %dma_wait3A_107] : memref<2x16x160x128xi32, #tpu.memory_space<hbm>> -> memref<1x1x160x128xi32, #tpu.memory_space<hbm>>
      %dma_wait3A_109 = tpu.memref_squeeze %dma_wait3A_108 : memref<1x1x160x128xi32, #tpu.memory_space<hbm>> -> memref<160x128xi32, #tpu.memory_space<hbm>>
      %dma_wait3A_110 = arith.constant 0 : i32
      %dma_wait3A_111 = arith.constant 0 : i32
      %dma_wait3A_112 = tpu.memref_slice %arg3[%arg0, %arg1, %dma_wait3A_110, %dma_wait3A_111] : memref<2x16x160x128xi32, #tpu.memory_space<hbm>> -> memref<1x1x160x128xi32, #tpu.memory_space<hbm>>
      %dma_wait3A_113 = tpu.memref_squeeze %dma_wait3A_112 : memref<1x1x160x128xi32, #tpu.memory_space<hbm>> -> memref<160x128xi32, #tpu.memory_space<hbm>>
      tpu.wait_dma2 semaphore(%run_scoped3A_97 : memref<!tpu.dma_semaphore, #tpu.memory_space<semaphore_mem>>) src(%dma_wait3A_113 : memref<160x128xi32, #tpu.memory_space<hbm>>) dst(%arg10 : memref<160x128xi32, #tpu.memory_space<vmem>>)
      tpu.yield
    }) : () -> ()
    "tpu.region"() ({
      %run_scoped3A_97 = tpu.sem_alloc : memref<!tpu.dma_semaphore, #tpu.memory_space<semaphore_mem>>
      %dma_start3A_98 = arith.constant 0 : i32
      %dma_start3A_99 = arith.constant 0 : i32
      %dma_start3A_100 = tpu.memref_slice %arg4[%arg1, %dma_start3A_98, %dma_start3A_99] : memref<16x160x128xi32, #tpu.memory_space<hbm>> -> memref<1x160x128xi32, #tpu.memory_space<hbm>>
      %dma_start3A_101 = tpu.memref_squeeze %dma_start3A_100 : memref<1x160x128xi32, #tpu.memory_space<hbm>> -> memref<160x128xi32, #tpu.memory_space<hbm>>
      %dma_start3A_102 = arith.constant 0 : i32
      %dma_start3A_103 = arith.constant 0 : i32
      %dma_start3A_104 = tpu.memref_slice %arg4[%arg1, %dma_start3A_102, %dma_start3A_103] : memref<16x160x128xi32, #tpu.memory_space<hbm>> -> memref<1x160x128xi32, #tpu.memory_space<hbm>>
      %dma_start3A_105 = tpu.memref_squeeze %dma_start3A_104 : memref<1x160x128xi32, #tpu.memory_space<hbm>> -> memref<160x128xi32, #tpu.memory_space<hbm>>
      tpu.enqueue_dma source(%dma_start3A_105 : memref<160x128xi32, #tpu.memory_space<hbm>>) target(%arg11 : memref<160x128xi32, #tpu.memory_space<vmem>>) target_semaphore(%run_scoped3A_97 : memref<!tpu.dma_semaphore, #tpu.memory_space<semaphore_mem>>)
      %dma_wait3A_106 = arith.constant 0 : i32
      %dma_wait3A_107 = arith.constant 0 : i32
      %dma_wait3A_108 = tpu.memref_slice %arg4[%arg1, %dma_wait3A_106, %dma_wait3A_107] : memref<16x160x128xi32, #tpu.memory_space<hbm>> -> memref<1x160x128xi32, #tpu.memory_space<hbm>>
      %dma_wait3A_109 = tpu.memref_squeeze %dma_wait3A_108 : memref<1x160x128xi32, #tpu.memory_space<hbm>> -> memref<160x128xi32, #tpu.memory_space<hbm>>
      %dma_wait3A_110 = arith.constant 0 : i32
      %dma_wait3A_111 = arith.constant 0 : i32
      %dma_wait3A_112 = tpu.memref_slice %arg4[%arg1, %dma_wait3A_110, %dma_wait3A_111] : memref<16x160x128xi32, #tpu.memory_space<hbm>> -> memref<1x160x128xi32, #tpu.memory_space<hbm>>
      %dma_wait3A_113 = tpu.memref_squeeze %dma_wait3A_112 : memref<1x160x128xi32, #tpu.memory_space<hbm>> -> memref<160x128xi32, #tpu.memory_space<hbm>>
      tpu.wait_dma2 semaphore(%run_scoped3A_97 : memref<!tpu.dma_semaphore, #tpu.memory_space<semaphore_mem>>) src(%dma_wait3A_113 : memref<160x128xi32, #tpu.memory_space<hbm>>) dst(%arg11 : memref<160x128xi32, #tpu.memory_space<vmem>>)
      tpu.yield
    }) : () -> ()
    %barrier3A = arith.constant 0 : index
    tpu.barrier barrier_id(%barrier3A)
    %dma_start3A = arith.constant 0 : i32
    %dma_start3A_43 = arith.constant 0 : i32
    %dma_start3A_44 = arith.constant 0 : i32
    %dma_start3A_45 = arith.constant 0 : i32
    %dma_start3A_46 = tpu.memref_slice %arg12[%dma_start3A_43, %dma_start3A_44, %dma_start3A_45] : memref<4x128x64xf32, #tpu.memory_space<vmem>> -> memref<1x128x64xf32, #tpu.memory_space<vmem>>
    %dma_start3A_47 = tpu.memref_squeeze %dma_start3A_46 : memref<1x128x64xf32, #tpu.memory_space<vmem>> -> memref<128x64xf32, #tpu.memory_space<vmem>>
    %dma_start3A_48 = arith.constant 0 : i32
    %dma_start3A_49 = tpu.memref_slice %arg10[%dma_start3A, %dma_start3A_48] : memref<160x128xi32, #tpu.memory_space<vmem>> -> memref<1x128xi32, #tpu.memory_space<vmem>>
    %dma_start3A_50 = tpu.memref_squeeze %dma_start3A_49 : memref<1x128xi32, #tpu.memory_space<vmem>> -> memref<128xi32, #tpu.memory_space<vmem>>
    %dma_start3A_51 = arith.constant 0 : i32
    %dma_start3A_52 = arith.constant 0 : i32
    %dma_start3A_53 = tpu.memref_slice %arg2[%dma_start3A_51, %dma_start3A_52] : memref<20000x64xf32, #tpu.memory_space<hbm>> -> memref<20000x64xf32, #tpu.memory_space<hbm>>
    tpu.enqueue_indirect_dma source(%dma_start3A_53 : memref<20000x64xf32, #tpu.memory_space<hbm>>) target(%dma_start3A_47 : memref<128x64xf32, #tpu.memory_space<vmem>>) offsets(%dma_start3A_50 : memref<128xi32, #tpu.memory_space<vmem>>) semaphore(%arg16 : memref<!tpu.dma_semaphore, #tpu.memory_space<semaphore_mem>>)
    %dma_start3A_54 = arith.constant 1 : i32
    %dma_start3A_55 = arith.constant 1 : i32
    %dma_start3A_56 = arith.constant 0 : i32
    %dma_start3A_57 = arith.constant 0 : i32
    %dma_start3A_58 = tpu.memref_slice %arg12[%dma_start3A_55, %dma_start3A_56, %dma_start3A_57] : memref<4x128x64xf32, #tpu.memory_space<vmem>> -> memref<1x128x64xf32, #tpu.memory_space<vmem>>
    %dma_start3A_59 = tpu.memref_squeeze %dma_start3A_58 : memref<1x128x64xf32, #tpu.memory_space<vmem>> -> memref<128x64xf32, #tpu.memory_space<vmem>>
    %dma_start3A_60 = arith.constant 0 : i32
    %dma_start3A_61 = tpu.memref_slice %arg10[%dma_start3A_54, %dma_start3A_60] : memref<160x128xi32, #tpu.memory_space<vmem>> -> memref<1x128xi32, #tpu.memory_space<vmem>>
    %dma_start3A_62 = tpu.memref_squeeze %dma_start3A_61 : memref<1x128xi32, #tpu.memory_space<vmem>> -> memref<128xi32, #tpu.memory_space<vmem>>
    %dma_start3A_63 = arith.constant 0 : i32
    %dma_start3A_64 = arith.constant 0 : i32
    %dma_start3A_65 = tpu.memref_slice %arg2[%dma_start3A_63, %dma_start3A_64] : memref<20000x64xf32, #tpu.memory_space<hbm>> -> memref<20000x64xf32, #tpu.memory_space<hbm>>
    tpu.enqueue_indirect_dma source(%dma_start3A_65 : memref<20000x64xf32, #tpu.memory_space<hbm>>) target(%dma_start3A_59 : memref<128x64xf32, #tpu.memory_space<vmem>>) offsets(%dma_start3A_62 : memref<128xi32, #tpu.memory_space<vmem>>) semaphore(%arg17 : memref<!tpu.dma_semaphore, #tpu.memory_space<semaphore_mem>>)
    %scan3A = arith.constant 0 : i32
    %scan3A_66 = arith.constant 0 : i32
    %scan3A_67 = arith.constant 40 : i32
    %scan3A_68 = arith.addi %scan3A_66, %scan3A_67 : i32
    %scan3A_69 = arith.constant 1 : i32
    scf.for %scan3A_97 = %scan3A_66 to %scan3A_68 step %scan3A_69  : i32 {
      %mul3A_98 = arith.constant 4 : i32
      %mul3A_99 = arith.muli %mul3A_98, %scan3A_97 : i32
      %add3A_100 = arith.constant 0 : i32
      %add3A_101 = arith.addi %mul3A_99, %add3A_100 : i32
      %dma_wait3A_102 = arith.constant 0 : i32
      %dma_wait3A_103 = arith.constant 0 : i32
      %dma_wait3A_104 = arith.constant 0 : i32
      %dma_wait3A_105 = tpu.memref_slice %arg12[%dma_wait3A_102, %dma_wait3A_103, %dma_wait3A_104] : memref<4x128x64xf32, #tpu.memory_space<vmem>> -> memref<1x128x64xf32, #tpu.memory_space<vmem>>
      %dma_wait3A_106 = tpu.memref_squeeze %dma_wait3A_105 : memref<1x128x64xf32, #tpu.memory_space<vmem>> -> memref<128x64xf32, #tpu.memory_space<vmem>>
      %dma_wait3A_107 = arith.constant 0 : i32
      %dma_wait3A_108 = tpu.memref_slice %arg10[%add3A_101, %dma_wait3A_107] : memref<160x128xi32, #tpu.memory_space<vmem>> -> memref<1x128xi32, #tpu.memory_space<vmem>>
      %dma_wait3A_109 = tpu.memref_squeeze %dma_wait3A_108 : memref<1x128xi32, #tpu.memory_space<vmem>> -> memref<128xi32, #tpu.memory_space<vmem>>
      %dma_wait3A_110 = arith.constant 0 : i32
      %dma_wait3A_111 = arith.constant 0 : i32
      %dma_wait3A_112 = tpu.memref_slice %arg2[%dma_wait3A_110, %dma_wait3A_111] : memref<20000x64xf32, #tpu.memory_space<hbm>> -> memref<20000x64xf32, #tpu.memory_space<hbm>>
      tpu.wait_indirect_dma semaphore(%arg16 : memref<!tpu.dma_semaphore, #tpu.memory_space<semaphore_mem>>) src(%dma_wait3A_112 : memref<20000x64xf32, #tpu.memory_space<hbm>>) dst(%dma_wait3A_106 : memref<128x64xf32, #tpu.memory_space<vmem>>)
      %dma_start3A_113 = arith.constant 0 : i32
      %dma_start3A_114 = arith.constant 0 : i32
      %dma_start3A_115 = arith.constant 0 : i32
      %dma_start3A_116 = tpu.memref_slice %arg12[%dma_start3A_113, %dma_start3A_114, %dma_start3A_115] : memref<4x128x64xf32, #tpu.memory_space<vmem>> -> memref<1x128x64xf32, #tpu.memory_space<vmem>>
      %dma_start3A_117 = tpu.memref_squeeze %dma_start3A_116 : memref<1x128x64xf32, #tpu.memory_space<vmem>> -> memref<128x64xf32, #tpu.memory_space<vmem>>
      %dma_start3A_118 = arith.constant 0 : i32
      %dma_start3A_119 = tpu.memref_slice %arg11[%add3A_101, %dma_start3A_118] : memref<160x128xi32, #tpu.memory_space<vmem>> -> memref<1x128xi32, #tpu.memory_space<vmem>>
      %dma_start3A_120 = tpu.memref_squeeze %dma_start3A_119 : memref<1x128xi32, #tpu.memory_space<vmem>> -> memref<128xi32, #tpu.memory_space<vmem>>
      %dma_start3A_121 = arith.constant 0 : i32
      %dma_start3A_122 = arith.constant 0 : i32
      %dma_start3A_123 = tpu.memref_slice %arg14[%dma_start3A_121, %dma_start3A_122] : memref<10240x64xf32, #tpu.memory_space<vmem_shared>> -> memref<10240x64xf32, #tpu.memory_space<vmem_shared>>
      tpu.enqueue_indirect_dma source(%dma_start3A_117 : memref<128x64xf32, #tpu.memory_space<vmem>>) target(%dma_start3A_123 : memref<10240x64xf32, #tpu.memory_space<vmem_shared>>) offsets(%dma_start3A_120 : memref<128xi32, #tpu.memory_space<vmem>>) semaphore(%arg20 : memref<!tpu.dma_semaphore, #tpu.memory_space<semaphore_mem>>) {add = true}
      "tpu.region"() ({
        %run_scoped3A_246 = tpu.sem_alloc : memref<!tpu.dma_semaphore, #tpu.memory_space<semaphore_mem>>
        %dma_start3A_247 = arith.constant 0 : i32
        %dma_start3A_248 = tpu.memref_slice %arg11[%add3A_101, %dma_start3A_247] : memref<160x128xi32, #tpu.memory_space<vmem>> -> memref<1x128xi32, #tpu.memory_space<vmem>>
        %dma_start3A_249 = tpu.memref_squeeze %dma_start3A_248 : memref<1x128xi32, #tpu.memory_space<vmem>> -> memref<128xi32, #tpu.memory_space<vmem>>
        %dma_start3A_250 = arith.constant 0 : i32
        %dma_start3A_251 = arith.constant 0 : i32
        %dma_start3A_252 = tpu.memref_slice %arg15[%dma_start3A_250, %dma_start3A_251] : memref<10240x16xf32, #tpu.memory_space<vmem_shared>> -> memref<10240x16xf32, #tpu.memory_space<vmem_shared>>
        tpu.enqueue_indirect_dma source(%arg13 : memref<128x16xf32, #tpu.memory_space<vmem>>) target(%dma_start3A_252 : memref<10240x16xf32, #tpu.memory_space<vmem_shared>>) offsets(%dma_start3A_249 : memref<128xi32, #tpu.memory_space<vmem>>) semaphore(%run_scoped3A_246 : memref<!tpu.dma_semaphore, #tpu.memory_space<semaphore_mem>>) {add = true}
        %dma_wait3A_253 = arith.constant 0 : i32
        %dma_wait3A_254 = tpu.memref_slice %arg11[%add3A_101, %dma_wait3A_253] : memref<160x128xi32, #tpu.memory_space<vmem>> -> memref<1x128xi32, #tpu.memory_space<vmem>>
        %dma_wait3A_255 = tpu.memref_squeeze %dma_wait3A_254 : memref<1x128xi32, #tpu.memory_space<vmem>> -> memref<128xi32, #tpu.memory_space<vmem>>
        %dma_wait3A_256 = arith.constant 0 : i32
        %dma_wait3A_257 = arith.constant 0 : i32
        %dma_wait3A_258 = tpu.memref_slice %arg15[%dma_wait3A_256, %dma_wait3A_257] : memref<10240x16xf32, #tpu.memory_space<vmem_shared>> -> memref<10240x16xf32, #tpu.memory_space<vmem_shared>>
        tpu.wait_indirect_dma semaphore(%run_scoped3A_246 : memref<!tpu.dma_semaphore, #tpu.memory_space<semaphore_mem>>) src(%arg13 : memref<128x16xf32, #tpu.memory_space<vmem>>) dst(%dma_wait3A_258 : memref<10240x16xf32, #tpu.memory_space<vmem_shared>>)
        tpu.yield
      }) : () -> ()
      %ge3A = arith.constant 2 : i32
      %ge3A_124 = arith.cmpi sge, %add3A_101, %ge3A : i32
      %convert_element_type3A = arith.extui %ge3A_124 : i1 to i32
      %cond3A = arith.constant 0 : i32
      %cond3A_125 = arith.cmpi ne, %convert_element_type3A, %cond3A : i32
      scf.if %cond3A_125 {
        %dma_wait3A_246 = arith.constant 2 : i32
        %dma_wait3A_247 = arith.constant 0 : i32
        %dma_wait3A_248 = arith.constant 0 : i32
        %dma_wait3A_249 = arith.constant 0 : i32
        %dma_wait3A_250 = tpu.memref_slice %arg12[%dma_wait3A_246, %dma_wait3A_248, %dma_wait3A_249] : memref<4x128x64xf32, #tpu.memory_space<vmem>> -> memref<1x128x64xf32, #tpu.memory_space<vmem>>
        %dma_wait3A_251 = tpu.memref_squeeze %dma_wait3A_250 : memref<1x128x64xf32, #tpu.memory_space<vmem>> -> memref<128x64xf32, #tpu.memory_space<vmem>>
        %dma_wait3A_252 = arith.constant 0 : i32
        %dma_wait3A_253 = tpu.memref_slice %arg11[%dma_wait3A_247, %dma_wait3A_252] : memref<160x128xi32, #tpu.memory_space<vmem>> -> memref<1x128xi32, #tpu.memory_space<vmem>>
        %dma_wait3A_254 = tpu.memref_squeeze %dma_wait3A_253 : memref<1x128xi32, #tpu.memory_space<vmem>> -> memref<128xi32, #tpu.memory_space<vmem>>
        %dma_wait3A_255 = arith.constant 0 : i32
        %dma_wait3A_256 = arith.constant 0 : i32
        %dma_wait3A_257 = tpu.memref_slice %arg14[%dma_wait3A_255, %dma_wait3A_256] : memref<10240x64xf32, #tpu.memory_space<vmem_shared>> -> memref<10240x64xf32, #tpu.memory_space<vmem_shared>>
        tpu.wait_indirect_dma semaphore(%arg22 : memref<!tpu.dma_semaphore, #tpu.memory_space<semaphore_mem>>) src(%dma_wait3A_251 : memref<128x64xf32, #tpu.memory_space<vmem>>) dst(%dma_wait3A_257 : memref<10240x64xf32, #tpu.memory_space<vmem_shared>>)
      } else {
      }
      %add3A_126 = arith.constant 2 : i32
      %add3A_127 = arith.addi %add3A_101, %add3A_126 : i32
      %lt3A = arith.constant 160 : i32
      %lt3A_128 = arith.cmpi slt, %add3A_127, %lt3A : i32
      %convert_element_type3A_129 = arith.extui %lt3A_128 : i1 to i32
      %cond3A_130 = arith.constant 0 : i32
      %cond3A_131 = arith.cmpi ne, %convert_element_type3A_129, %cond3A_130 : i32
      scf.if %cond3A_131 {
        %add3A_246 = arith.constant 2 : i32
        %add3A_247 = arith.addi %add3A_101, %add3A_246 : i32
        %dma_start3A_248 = arith.constant 2 : i32
        %dma_start3A_249 = arith.constant 0 : i32
        %dma_start3A_250 = arith.constant 0 : i32
        %dma_start3A_251 = tpu.memref_slice %arg12[%dma_start3A_248, %dma_start3A_249, %dma_start3A_250] : memref<4x128x64xf32, #tpu.memory_space<vmem>> -> memref<1x128x64xf32, #tpu.memory_space<vmem>>
        %dma_start3A_252 = tpu.memref_squeeze %dma_start3A_251 : memref<1x128x64xf32, #tpu.memory_space<vmem>> -> memref<128x64xf32, #tpu.memory_space<vmem>>
        %dma_start3A_253 = arith.constant 0 : i32
        %dma_start3A_254 = tpu.memref_slice %arg10[%add3A_247, %dma_start3A_253] : memref<160x128xi32, #tpu.memory_space<vmem>> -> memref<1x128xi32, #tpu.memory_space<vmem>>
        %dma_start3A_255 = tpu.memref_squeeze %dma_start3A_254 : memref<1x128xi32, #tpu.memory_space<vmem>> -> memref<128xi32, #tpu.memory_space<vmem>>
        %dma_start3A_256 = arith.constant 0 : i32
        %dma_start3A_257 = arith.constant 0 : i32
        %dma_start3A_258 = tpu.memref_slice %arg2[%dma_start3A_256, %dma_start3A_257] : memref<20000x64xf32, #tpu.memory_space<hbm>> -> memref<20000x64xf32, #tpu.memory_space<hbm>>
        tpu.enqueue_indirect_dma source(%dma_start3A_258 : memref<20000x64xf32, #tpu.memory_space<hbm>>) target(%dma_start3A_252 : memref<128x64xf32, #tpu.memory_space<vmem>>) offsets(%dma_start3A_255 : memref<128xi32, #tpu.memory_space<vmem>>) semaphore(%arg18 : memref<!tpu.dma_semaphore, #tpu.memory_space<semaphore_mem>>)
      } else {
      }
      %mul3A_132 = arith.constant 4 : i32
      %mul3A_133 = arith.muli %mul3A_132, %scan3A_97 : i32
      %add3A_134 = arith.constant 1 : i32
      %add3A_135 = arith.addi %mul3A_133, %add3A_134 : i32
      %dma_wait3A_136 = arith.constant 1 : i32
      %dma_wait3A_137 = arith.constant 0 : i32
      %dma_wait3A_138 = arith.constant 0 : i32
      %dma_wait3A_139 = tpu.memref_slice %arg12[%dma_wait3A_136, %dma_wait3A_137, %dma_wait3A_138] : memref<4x128x64xf32, #tpu.memory_space<vmem>> -> memref<1x128x64xf32, #tpu.memory_space<vmem>>
      %dma_wait3A_140 = tpu.memref_squeeze %dma_wait3A_139 : memref<1x128x64xf32, #tpu.memory_space<vmem>> -> memref<128x64xf32, #tpu.memory_space<vmem>>
      %dma_wait3A_141 = arith.constant 0 : i32
      %dma_wait3A_142 = tpu.memref_slice %arg10[%add3A_135, %dma_wait3A_141] : memref<160x128xi32, #tpu.memory_space<vmem>> -> memref<1x128xi32, #tpu.memory_space<vmem>>
      %dma_wait3A_143 = tpu.memref_squeeze %dma_wait3A_142 : memref<1x128xi32, #tpu.memory_space<vmem>> -> memref<128xi32, #tpu.memory_space<vmem>>
      %dma_wait3A_144 = arith.constant 0 : i32
      %dma_wait3A_145 = arith.constant 0 : i32
      %dma_wait3A_146 = tpu.memref_slice %arg2[%dma_wait3A_144, %dma_wait3A_145] : memref<20000x64xf32, #tpu.memory_space<hbm>> -> memref<20000x64xf32, #tpu.memory_space<hbm>>
      tpu.wait_indirect_dma semaphore(%arg17 : memref<!tpu.dma_semaphore, #tpu.memory_space<semaphore_mem>>) src(%dma_wait3A_146 : memref<20000x64xf32, #tpu.memory_space<hbm>>) dst(%dma_wait3A_140 : memref<128x64xf32, #tpu.memory_space<vmem>>)
      %dma_start3A_147 = arith.constant 1 : i32
      %dma_start3A_148 = arith.constant 0 : i32
      %dma_start3A_149 = arith.constant 0 : i32
      %dma_start3A_150 = tpu.memref_slice %arg12[%dma_start3A_147, %dma_start3A_148, %dma_start3A_149] : memref<4x128x64xf32, #tpu.memory_space<vmem>> -> memref<1x128x64xf32, #tpu.memory_space<vmem>>
      %dma_start3A_151 = tpu.memref_squeeze %dma_start3A_150 : memref<1x128x64xf32, #tpu.memory_space<vmem>> -> memref<128x64xf32, #tpu.memory_space<vmem>>
      %dma_start3A_152 = arith.constant 0 : i32
      %dma_start3A_153 = tpu.memref_slice %arg11[%add3A_135, %dma_start3A_152] : memref<160x128xi32, #tpu.memory_space<vmem>> -> memref<1x128xi32, #tpu.memory_space<vmem>>
      %dma_start3A_154 = tpu.memref_squeeze %dma_start3A_153 : memref<1x128xi32, #tpu.memory_space<vmem>> -> memref<128xi32, #tpu.memory_space<vmem>>
      %dma_start3A_155 = arith.constant 0 : i32
      %dma_start3A_156 = arith.constant 0 : i32
      %dma_start3A_157 = tpu.memref_slice %arg14[%dma_start3A_155, %dma_start3A_156] : memref<10240x64xf32, #tpu.memory_space<vmem_shared>> -> memref<10240x64xf32, #tpu.memory_space<vmem_shared>>
      tpu.enqueue_indirect_dma source(%dma_start3A_151 : memref<128x64xf32, #tpu.memory_space<vmem>>) target(%dma_start3A_157 : memref<10240x64xf32, #tpu.memory_space<vmem_shared>>) offsets(%dma_start3A_154 : memref<128xi32, #tpu.memory_space<vmem>>) semaphore(%arg21 : memref<!tpu.dma_semaphore, #tpu.memory_space<semaphore_mem>>) {add = true}
      "tpu.region"() ({
        %run_scoped3A_246 = tpu.sem_alloc : memref<!tpu.dma_semaphore, #tpu.memory_space<semaphore_mem>>
        %dma_start3A_247 = arith.constant 0 : i32
        %dma_start3A_248 = tpu.memref_slice %arg11[%add3A_135, %dma_start3A_247] : memref<160x128xi32, #tpu.memory_space<vmem>> -> memref<1x128xi32, #tpu.memory_space<vmem>>
        %dma_start3A_249 = tpu.memref_squeeze %dma_start3A_248 : memref<1x128xi32, #tpu.memory_space<vmem>> -> memref<128xi32, #tpu.memory_space<vmem>>
        %dma_start3A_250 = arith.constant 0 : i32
        %dma_start3A_251 = arith.constant 0 : i32
        %dma_start3A_252 = tpu.memref_slice %arg15[%dma_start3A_250, %dma_start3A_251] : memref<10240x16xf32, #tpu.memory_space<vmem_shared>> -> memref<10240x16xf32, #tpu.memory_space<vmem_shared>>
        tpu.enqueue_indirect_dma source(%arg13 : memref<128x16xf32, #tpu.memory_space<vmem>>) target(%dma_start3A_252 : memref<10240x16xf32, #tpu.memory_space<vmem_shared>>) offsets(%dma_start3A_249 : memref<128xi32, #tpu.memory_space<vmem>>) semaphore(%run_scoped3A_246 : memref<!tpu.dma_semaphore, #tpu.memory_space<semaphore_mem>>) {add = true}
        %dma_wait3A_253 = arith.constant 0 : i32
        %dma_wait3A_254 = tpu.memref_slice %arg11[%add3A_135, %dma_wait3A_253] : memref<160x128xi32, #tpu.memory_space<vmem>> -> memref<1x128xi32, #tpu.memory_space<vmem>>
        %dma_wait3A_255 = tpu.memref_squeeze %dma_wait3A_254 : memref<1x128xi32, #tpu.memory_space<vmem>> -> memref<128xi32, #tpu.memory_space<vmem>>
        %dma_wait3A_256 = arith.constant 0 : i32
        %dma_wait3A_257 = arith.constant 0 : i32
        %dma_wait3A_258 = tpu.memref_slice %arg15[%dma_wait3A_256, %dma_wait3A_257] : memref<10240x16xf32, #tpu.memory_space<vmem_shared>> -> memref<10240x16xf32, #tpu.memory_space<vmem_shared>>
        tpu.wait_indirect_dma semaphore(%run_scoped3A_246 : memref<!tpu.dma_semaphore, #tpu.memory_space<semaphore_mem>>) src(%arg13 : memref<128x16xf32, #tpu.memory_space<vmem>>) dst(%dma_wait3A_258 : memref<10240x16xf32, #tpu.memory_space<vmem_shared>>)
        tpu.yield
      }) : () -> ()
      %ge3A_158 = arith.constant 2 : i32
      %ge3A_159 = arith.cmpi sge, %add3A_135, %ge3A_158 : i32
      %convert_element_type3A_160 = arith.extui %ge3A_159 : i1 to i32
      %cond3A_161 = arith.constant 0 : i32
      %cond3A_162 = arith.cmpi ne, %convert_element_type3A_160, %cond3A_161 : i32
      scf.if %cond3A_162 {
        %dma_wait3A_246 = arith.constant 3 : i32
        %dma_wait3A_247 = arith.constant 0 : i32
        %dma_wait3A_248 = arith.constant 0 : i32
        %dma_wait3A_249 = arith.constant 0 : i32
        %dma_wait3A_250 = tpu.memref_slice %arg12[%dma_wait3A_246, %dma_wait3A_248, %dma_wait3A_249] : memref<4x128x64xf32, #tpu.memory_space<vmem>> -> memref<1x128x64xf32, #tpu.memory_space<vmem>>
        %dma_wait3A_251 = tpu.memref_squeeze %dma_wait3A_250 : memref<1x128x64xf32, #tpu.memory_space<vmem>> -> memref<128x64xf32, #tpu.memory_space<vmem>>
        %dma_wait3A_252 = arith.constant 0 : i32
        %dma_wait3A_253 = tpu.memref_slice %arg11[%dma_wait3A_247, %dma_wait3A_252] : memref<160x128xi32, #tpu.memory_space<vmem>> -> memref<1x128xi32, #tpu.memory_space<vmem>>
        %dma_wait3A_254 = tpu.memref_squeeze %dma_wait3A_253 : memref<1x128xi32, #tpu.memory_space<vmem>> -> memref<128xi32, #tpu.memory_space<vmem>>
        %dma_wait3A_255 = arith.constant 0 : i32
        %dma_wait3A_256 = arith.constant 0 : i32
        %dma_wait3A_257 = tpu.memref_slice %arg14[%dma_wait3A_255, %dma_wait3A_256] : memref<10240x64xf32, #tpu.memory_space<vmem_shared>> -> memref<10240x64xf32, #tpu.memory_space<vmem_shared>>
        tpu.wait_indirect_dma semaphore(%arg23 : memref<!tpu.dma_semaphore, #tpu.memory_space<semaphore_mem>>) src(%dma_wait3A_251 : memref<128x64xf32, #tpu.memory_space<vmem>>) dst(%dma_wait3A_257 : memref<10240x64xf32, #tpu.memory_space<vmem_shared>>)
      } else {
      }
      %add3A_163 = arith.constant 2 : i32
      %add3A_164 = arith.addi %add3A_135, %add3A_163 : i32
      %lt3A_165 = arith.constant 160 : i32
      %lt3A_166 = arith.cmpi slt, %add3A_164, %lt3A_165 : i32
      %convert_element_type3A_167 = arith.extui %lt3A_166 : i1 to i32
      %cond3A_168 = arith.constant 0 : i32
      %cond3A_169 = arith.cmpi ne, %convert_element_type3A_167, %cond3A_168 : i32
      scf.if %cond3A_169 {
        %add3A_246 = arith.constant 2 : i32
        %add3A_247 = arith.addi %add3A_135, %add3A_246 : i32
        %dma_start3A_248 = arith.constant 3 : i32
        %dma_start3A_249 = arith.constant 0 : i32
        %dma_start3A_250 = arith.constant 0 : i32
        %dma_start3A_251 = tpu.memref_slice %arg12[%dma_start3A_248, %dma_start3A_249, %dma_start3A_250] : memref<4x128x64xf32, #tpu.memory_space<vmem>> -> memref<1x128x64xf32, #tpu.memory_space<vmem>>
        %dma_start3A_252 = tpu.memref_squeeze %dma_start3A_251 : memref<1x128x64xf32, #tpu.memory_space<vmem>> -> memref<128x64xf32, #tpu.memory_space<vmem>>
        %dma_start3A_253 = arith.constant 0 : i32
        %dma_start3A_254 = tpu.memref_slice %arg10[%add3A_247, %dma_start3A_253] : memref<160x128xi32, #tpu.memory_space<vmem>> -> memref<1x128xi32, #tpu.memory_space<vmem>>
        %dma_start3A_255 = tpu.memref_squeeze %dma_start3A_254 : memref<1x128xi32, #tpu.memory_space<vmem>> -> memref<128xi32, #tpu.memory_space<vmem>>
        %dma_start3A_256 = arith.constant 0 : i32
        %dma_start3A_257 = arith.constant 0 : i32
        %dma_start3A_258 = tpu.memref_slice %arg2[%dma_start3A_256, %dma_start3A_257] : memref<20000x64xf32, #tpu.memory_space<hbm>> -> memref<20000x64xf32, #tpu.memory_space<hbm>>
        tpu.enqueue_indirect_dma source(%dma_start3A_258 : memref<20000x64xf32, #tpu.memory_space<hbm>>) target(%dma_start3A_252 : memref<128x64xf32, #tpu.memory_space<vmem>>) offsets(%dma_start3A_255 : memref<128xi32, #tpu.memory_space<vmem>>) semaphore(%arg19 : memref<!tpu.dma_semaphore, #tpu.memory_space<semaphore_mem>>)
      } else {
      }
      %mul3A_170 = arith.constant 4 : i32
      %mul3A_171 = arith.muli %mul3A_170, %scan3A_97 : i32
      %add3A_172 = arith.constant 2 : i32
      %add3A_173 = arith.addi %mul3A_171, %add3A_172 : i32
      %dma_wait3A_174 = arith.constant 2 : i32
      %dma_wait3A_175 = arith.constant 0 : i32
      %dma_wait3A_176 = arith.constant 0 : i32
      %dma_wait3A_177 = tpu.memref_slice %arg12[%dma_wait3A_174, %dma_wait3A_175, %dma_wait3A_176] : memref<4x128x64xf32, #tpu.memory_space<vmem>> -> memref<1x128x64xf32, #tpu.memory_space<vmem>>
      %dma_wait3A_178 = tpu.memref_squeeze %dma_wait3A_177 : memref<1x128x64xf32, #tpu.memory_space<vmem>> -> memref<128x64xf32, #tpu.memory_space<vmem>>
      %dma_wait3A_179 = arith.constant 0 : i32
      %dma_wait3A_180 = tpu.memref_slice %arg10[%add3A_173, %dma_wait3A_179] : memref<160x128xi32, #tpu.memory_space<vmem>> -> memref<1x128xi32, #tpu.memory_space<vmem>>
      %dma_wait3A_181 = tpu.memref_squeeze %dma_wait3A_180 : memref<1x128xi32, #tpu.memory_space<vmem>> -> memref<128xi32, #tpu.memory_space<vmem>>
      %dma_wait3A_182 = arith.constant 0 : i32
      %dma_wait3A_183 = arith.constant 0 : i32
      %dma_wait3A_184 = tpu.memref_slice %arg2[%dma_wait3A_182, %dma_wait3A_183] : memref<20000x64xf32, #tpu.memory_space<hbm>> -> memref<20000x64xf32, #tpu.memory_space<hbm>>
      tpu.wait_indirect_dma semaphore(%arg18 : memref<!tpu.dma_semaphore, #tpu.memory_space<semaphore_mem>>) src(%dma_wait3A_184 : memref<20000x64xf32, #tpu.memory_space<hbm>>) dst(%dma_wait3A_178 : memref<128x64xf32, #tpu.memory_space<vmem>>)
      %dma_start3A_185 = arith.constant 2 : i32
      %dma_start3A_186 = arith.constant 0 : i32
      %dma_start3A_187 = arith.constant 0 : i32
      %dma_start3A_188 = tpu.memref_slice %arg12[%dma_start3A_185, %dma_start3A_186, %dma_start3A_187] : memref<4x128x64xf32, #tpu.memory_space<vmem>> -> memref<1x128x64xf32, #tpu.memory_space<vmem>>
      %dma_start3A_189 = tpu.memref_squeeze %dma_start3A_188 : memref<1x128x64xf32, #tpu.memory_space<vmem>> -> memref<128x64xf32, #tpu.memory_space<vmem>>
      %dma_start3A_190 = arith.constant 0 : i32
      %dma_start3A_191 = tpu.memref_slice %arg11[%add3A_173, %dma_start3A_190] : memref<160x128xi32, #tpu.memory_space<vmem>> -> memref<1x128xi32, #tpu.memory_space<vmem>>
      %dma_start3A_192 = tpu.memref_squeeze %dma_start3A_191 : memref<1x128xi32, #tpu.memory_space<vmem>> -> memref<128xi32, #tpu.memory_space<vmem>>
      %dma_start3A_193 = arith.constant 0 : i32
      %dma_start3A_194 = arith.constant 0 : i32
      %dma_start3A_195 = tpu.memref_slice %arg14[%dma_start3A_193, %dma_start3A_194] : memref<10240x64xf32, #tpu.memory_space<vmem_shared>> -> memref<10240x64xf32, #tpu.memory_space<vmem_shared>>
      tpu.enqueue_indirect_dma source(%dma_start3A_189 : memref<128x64xf32, #tpu.memory_space<vmem>>) target(%dma_start3A_195 : memref<10240x64xf32, #tpu.memory_space<vmem_shared>>) offsets(%dma_start3A_192 : memref<128xi32, #tpu.memory_space<vmem>>) semaphore(%arg22 : memref<!tpu.dma_semaphore, #tpu.memory_space<semaphore_mem>>) {add = true}
      "tpu.region"() ({
        %run_scoped3A_246 = tpu.sem_alloc : memref<!tpu.dma_semaphore, #tpu.memory_space<semaphore_mem>>
        %dma_start3A_247 = arith.constant 0 : i32
        %dma_start3A_248 = tpu.memref_slice %arg11[%add3A_173, %dma_start3A_247] : memref<160x128xi32, #tpu.memory_space<vmem>> -> memref<1x128xi32, #tpu.memory_space<vmem>>
        %dma_start3A_249 = tpu.memref_squeeze %dma_start3A_248 : memref<1x128xi32, #tpu.memory_space<vmem>> -> memref<128xi32, #tpu.memory_space<vmem>>
        %dma_start3A_250 = arith.constant 0 : i32
        %dma_start3A_251 = arith.constant 0 : i32
        %dma_start3A_252 = tpu.memref_slice %arg15[%dma_start3A_250, %dma_start3A_251] : memref<10240x16xf32, #tpu.memory_space<vmem_shared>> -> memref<10240x16xf32, #tpu.memory_space<vmem_shared>>
        tpu.enqueue_indirect_dma source(%arg13 : memref<128x16xf32, #tpu.memory_space<vmem>>) target(%dma_start3A_252 : memref<10240x16xf32, #tpu.memory_space<vmem_shared>>) offsets(%dma_start3A_249 : memref<128xi32, #tpu.memory_space<vmem>>) semaphore(%run_scoped3A_246 : memref<!tpu.dma_semaphore, #tpu.memory_space<semaphore_mem>>) {add = true}
        %dma_wait3A_253 = arith.constant 0 : i32
        %dma_wait3A_254 = tpu.memref_slice %arg11[%add3A_173, %dma_wait3A_253] : memref<160x128xi32, #tpu.memory_space<vmem>> -> memref<1x128xi32, #tpu.memory_space<vmem>>
        %dma_wait3A_255 = tpu.memref_squeeze %dma_wait3A_254 : memref<1x128xi32, #tpu.memory_space<vmem>> -> memref<128xi32, #tpu.memory_space<vmem>>
        %dma_wait3A_256 = arith.constant 0 : i32
        %dma_wait3A_257 = arith.constant 0 : i32
        %dma_wait3A_258 = tpu.memref_slice %arg15[%dma_wait3A_256, %dma_wait3A_257] : memref<10240x16xf32, #tpu.memory_space<vmem_shared>> -> memref<10240x16xf32, #tpu.memory_space<vmem_shared>>
        tpu.wait_indirect_dma semaphore(%run_scoped3A_246 : memref<!tpu.dma_semaphore, #tpu.memory_space<semaphore_mem>>) src(%arg13 : memref<128x16xf32, #tpu.memory_space<vmem>>) dst(%dma_wait3A_258 : memref<10240x16xf32, #tpu.memory_space<vmem_shared>>)
        tpu.yield
      }) : () -> ()
      %ge3A_196 = arith.constant 2 : i32
      %ge3A_197 = arith.cmpi sge, %add3A_173, %ge3A_196 : i32
      %convert_element_type3A_198 = arith.extui %ge3A_197 : i1 to i32
      %cond3A_199 = arith.constant 0 : i32
      %cond3A_200 = arith.cmpi ne, %convert_element_type3A_198, %cond3A_199 : i32
      scf.if %cond3A_200 {
        %dma_wait3A_246 = arith.constant 0 : i32
        %dma_wait3A_247 = arith.constant 0 : i32
        %dma_wait3A_248 = arith.constant 0 : i32
        %dma_wait3A_249 = arith.constant 0 : i32
        %dma_wait3A_250 = tpu.memref_slice %arg12[%dma_wait3A_246, %dma_wait3A_248, %dma_wait3A_249] : memref<4x128x64xf32, #tpu.memory_space<vmem>> -> memref<1x128x64xf32, #tpu.memory_space<vmem>>
        %dma_wait3A_251 = tpu.memref_squeeze %dma_wait3A_250 : memref<1x128x64xf32, #tpu.memory_space<vmem>> -> memref<128x64xf32, #tpu.memory_space<vmem>>
        %dma_wait3A_252 = arith.constant 0 : i32
        %dma_wait3A_253 = tpu.memref_slice %arg11[%dma_wait3A_247, %dma_wait3A_252] : memref<160x128xi32, #tpu.memory_space<vmem>> -> memref<1x128xi32, #tpu.memory_space<vmem>>
        %dma_wait3A_254 = tpu.memref_squeeze %dma_wait3A_253 : memref<1x128xi32, #tpu.memory_space<vmem>> -> memref<128xi32, #tpu.memory_space<vmem>>
        %dma_wait3A_255 = arith.constant 0 : i32
        %dma_wait3A_256 = arith.constant 0 : i32
        %dma_wait3A_257 = tpu.memref_slice %arg14[%dma_wait3A_255, %dma_wait3A_256] : memref<10240x64xf32, #tpu.memory_space<vmem_shared>> -> memref<10240x64xf32, #tpu.memory_space<vmem_shared>>
        tpu.wait_indirect_dma semaphore(%arg20 : memref<!tpu.dma_semaphore, #tpu.memory_space<semaphore_mem>>) src(%dma_wait3A_251 : memref<128x64xf32, #tpu.memory_space<vmem>>) dst(%dma_wait3A_257 : memref<10240x64xf32, #tpu.memory_space<vmem_shared>>)
      } else {
      }
      %add3A_201 = arith.constant 2 : i32
      %add3A_202 = arith.addi %add3A_173, %add3A_201 : i32
      %lt3A_203 = arith.constant 160 : i32
      %lt3A_204 = arith.cmpi slt, %add3A_202, %lt3A_203 : i32
      %convert_element_type3A_205 = arith.extui %lt3A_204 : i1 to i32
      %cond3A_206 = arith.constant 0 : i32
      %cond3A_207 = arith.cmpi ne, %convert_element_type3A_205, %cond3A_206 : i32
      scf.if %cond3A_207 {
        %add3A_246 = arith.constant 2 : i32
        %add3A_247 = arith.addi %add3A_173, %add3A_246 : i32
        %dma_start3A_248 = arith.constant 0 : i32
        %dma_start3A_249 = arith.constant 0 : i32
        %dma_start3A_250 = arith.constant 0 : i32
        %dma_start3A_251 = tpu.memref_slice %arg12[%dma_start3A_248, %dma_start3A_249, %dma_start3A_250] : memref<4x128x64xf32, #tpu.memory_space<vmem>> -> memref<1x128x64xf32, #tpu.memory_space<vmem>>
        %dma_start3A_252 = tpu.memref_squeeze %dma_start3A_251 : memref<1x128x64xf32, #tpu.memory_space<vmem>> -> memref<128x64xf32, #tpu.memory_space<vmem>>
        %dma_start3A_253 = arith.constant 0 : i32
        %dma_start3A_254 = tpu.memref_slice %arg10[%add3A_247, %dma_start3A_253] : memref<160x128xi32, #tpu.memory_space<vmem>> -> memref<1x128xi32, #tpu.memory_space<vmem>>
        %dma_start3A_255 = tpu.memref_squeeze %dma_start3A_254 : memref<1x128xi32, #tpu.memory_space<vmem>> -> memref<128xi32, #tpu.memory_space<vmem>>
        %dma_start3A_256 = arith.constant 0 : i32
        %dma_start3A_257 = arith.constant 0 : i32
        %dma_start3A_258 = tpu.memref_slice %arg2[%dma_start3A_256, %dma_start3A_257] : memref<20000x64xf32, #tpu.memory_space<hbm>> -> memref<20000x64xf32, #tpu.memory_space<hbm>>
        tpu.enqueue_indirect_dma source(%dma_start3A_258 : memref<20000x64xf32, #tpu.memory_space<hbm>>) target(%dma_start3A_252 : memref<128x64xf32, #tpu.memory_space<vmem>>) offsets(%dma_start3A_255 : memref<128xi32, #tpu.memory_space<vmem>>) semaphore(%arg16 : memref<!tpu.dma_semaphore, #tpu.memory_space<semaphore_mem>>)
      } else {
      }
      %mul3A_208 = arith.constant 4 : i32
      %mul3A_209 = arith.muli %mul3A_208, %scan3A_97 : i32
      %add3A_210 = arith.constant 3 : i32
      %add3A_211 = arith.addi %mul3A_209, %add3A_210 : i32
      %dma_wait3A_212 = arith.constant 3 : i32
      %dma_wait3A_213 = arith.constant 0 : i32
      %dma_wait3A_214 = arith.constant 0 : i32
      %dma_wait3A_215 = tpu.memref_slice %arg12[%dma_wait3A_212, %dma_wait3A_213, %dma_wait3A_214] : memref<4x128x64xf32, #tpu.memory_space<vmem>> -> memref<1x128x64xf32, #tpu.memory_space<vmem>>
      %dma_wait3A_216 = tpu.memref_squeeze %dma_wait3A_215 : memref<1x128x64xf32, #tpu.memory_space<vmem>> -> memref<128x64xf32, #tpu.memory_space<vmem>>
      %dma_wait3A_217 = arith.constant 0 : i32
      %dma_wait3A_218 = tpu.memref_slice %arg10[%add3A_211, %dma_wait3A_217] : memref<160x128xi32, #tpu.memory_space<vmem>> -> memref<1x128xi32, #tpu.memory_space<vmem>>
      %dma_wait3A_219 = tpu.memref_squeeze %dma_wait3A_218 : memref<1x128xi32, #tpu.memory_space<vmem>> -> memref<128xi32, #tpu.memory_space<vmem>>
      %dma_wait3A_220 = arith.constant 0 : i32
      %dma_wait3A_221 = arith.constant 0 : i32
      %dma_wait3A_222 = tpu.memref_slice %arg2[%dma_wait3A_220, %dma_wait3A_221] : memref<20000x64xf32, #tpu.memory_space<hbm>> -> memref<20000x64xf32, #tpu.memory_space<hbm>>
      tpu.wait_indirect_dma semaphore(%arg19 : memref<!tpu.dma_semaphore, #tpu.memory_space<semaphore_mem>>) src(%dma_wait3A_222 : memref<20000x64xf32, #tpu.memory_space<hbm>>) dst(%dma_wait3A_216 : memref<128x64xf32, #tpu.memory_space<vmem>>)
      %dma_start3A_223 = arith.constant 3 : i32
      %dma_start3A_224 = arith.constant 0 : i32
      %dma_start3A_225 = arith.constant 0 : i32
      %dma_start3A_226 = tpu.memref_slice %arg12[%dma_start3A_223, %dma_start3A_224, %dma_start3A_225] : memref<4x128x64xf32, #tpu.memory_space<vmem>> -> memref<1x128x64xf32, #tpu.memory_space<vmem>>
      %dma_start3A_227 = tpu.memref_squeeze %dma_start3A_226 : memref<1x128x64xf32, #tpu.memory_space<vmem>> -> memref<128x64xf32, #tpu.memory_space<vmem>>
      %dma_start3A_228 = arith.constant 0 : i32
      %dma_start3A_229 = tpu.memref_slice %arg11[%add3A_211, %dma_start3A_228] : memref<160x128xi32, #tpu.memory_space<vmem>> -> memref<1x128xi32, #tpu.memory_space<vmem>>
      %dma_start3A_230 = tpu.memref_squeeze %dma_start3A_229 : memref<1x128xi32, #tpu.memory_space<vmem>> -> memref<128xi32, #tpu.memory_space<vmem>>
      %dma_start3A_231 = arith.constant 0 : i32
      %dma_start3A_232 = arith.constant 0 : i32
      %dma_start3A_233 = tpu.memref_slice %arg14[%dma_start3A_231, %dma_start3A_232] : memref<10240x64xf32, #tpu.memory_space<vmem_shared>> -> memref<10240x64xf32, #tpu.memory_space<vmem_shared>>
      tpu.enqueue_indirect_dma source(%dma_start3A_227 : memref<128x64xf32, #tpu.memory_space<vmem>>) target(%dma_start3A_233 : memref<10240x64xf32, #tpu.memory_space<vmem_shared>>) offsets(%dma_start3A_230 : memref<128xi32, #tpu.memory_space<vmem>>) semaphore(%arg23 : memref<!tpu.dma_semaphore, #tpu.memory_space<semaphore_mem>>) {add = true}
      "tpu.region"() ({
        %run_scoped3A_246 = tpu.sem_alloc : memref<!tpu.dma_semaphore, #tpu.memory_space<semaphore_mem>>
        %dma_start3A_247 = arith.constant 0 : i32
        %dma_start3A_248 = tpu.memref_slice %arg11[%add3A_211, %dma_start3A_247] : memref<160x128xi32, #tpu.memory_space<vmem>> -> memref<1x128xi32, #tpu.memory_space<vmem>>
        %dma_start3A_249 = tpu.memref_squeeze %dma_start3A_248 : memref<1x128xi32, #tpu.memory_space<vmem>> -> memref<128xi32, #tpu.memory_space<vmem>>
        %dma_start3A_250 = arith.constant 0 : i32
        %dma_start3A_251 = arith.constant 0 : i32
        %dma_start3A_252 = tpu.memref_slice %arg15[%dma_start3A_250, %dma_start3A_251] : memref<10240x16xf32, #tpu.memory_space<vmem_shared>> -> memref<10240x16xf32, #tpu.memory_space<vmem_shared>>
        tpu.enqueue_indirect_dma source(%arg13 : memref<128x16xf32, #tpu.memory_space<vmem>>) target(%dma_start3A_252 : memref<10240x16xf32, #tpu.memory_space<vmem_shared>>) offsets(%dma_start3A_249 : memref<128xi32, #tpu.memory_space<vmem>>) semaphore(%run_scoped3A_246 : memref<!tpu.dma_semaphore, #tpu.memory_space<semaphore_mem>>) {add = true}
        %dma_wait3A_253 = arith.constant 0 : i32
        %dma_wait3A_254 = tpu.memref_slice %arg11[%add3A_211, %dma_wait3A_253] : memref<160x128xi32, #tpu.memory_space<vmem>> -> memref<1x128xi32, #tpu.memory_space<vmem>>
        %dma_wait3A_255 = tpu.memref_squeeze %dma_wait3A_254 : memref<1x128xi32, #tpu.memory_space<vmem>> -> memref<128xi32, #tpu.memory_space<vmem>>
        %dma_wait3A_256 = arith.constant 0 : i32
        %dma_wait3A_257 = arith.constant 0 : i32
        %dma_wait3A_258 = tpu.memref_slice %arg15[%dma_wait3A_256, %dma_wait3A_257] : memref<10240x16xf32, #tpu.memory_space<vmem_shared>> -> memref<10240x16xf32, #tpu.memory_space<vmem_shared>>
        tpu.wait_indirect_dma semaphore(%run_scoped3A_246 : memref<!tpu.dma_semaphore, #tpu.memory_space<semaphore_mem>>) src(%arg13 : memref<128x16xf32, #tpu.memory_space<vmem>>) dst(%dma_wait3A_258 : memref<10240x16xf32, #tpu.memory_space<vmem_shared>>)
        tpu.yield
      }) : () -> ()
      %ge3A_234 = arith.constant 2 : i32
      %ge3A_235 = arith.cmpi sge, %add3A_211, %ge3A_234 : i32
      %convert_element_type3A_236 = arith.extui %ge3A_235 : i1 to i32
      %cond3A_237 = arith.constant 0 : i32
      %cond3A_238 = arith.cmpi ne, %convert_element_type3A_236, %cond3A_237 : i32
      scf.if %cond3A_238 {
        %dma_wait3A_246 = arith.constant 1 : i32
        %dma_wait3A_247 = arith.constant 0 : i32
        %dma_wait3A_248 = arith.constant 0 : i32
        %dma_wait3A_249 = arith.constant 0 : i32
        %dma_wait3A_250 = tpu.memref_slice %arg12[%dma_wait3A_246, %dma_wait3A_248, %dma_wait3A_249] : memref<4x128x64xf32, #tpu.memory_space<vmem>> -> memref<1x128x64xf32, #tpu.memory_space<vmem>>
        %dma_wait3A_251 = tpu.memref_squeeze %dma_wait3A_250 : memref<1x128x64xf32, #tpu.memory_space<vmem>> -> memref<128x64xf32, #tpu.memory_space<vmem>>
        %dma_wait3A_252 = arith.constant 0 : i32
        %dma_wait3A_253 = tpu.memref_slice %arg11[%dma_wait3A_247, %dma_wait3A_252] : memref<160x128xi32, #tpu.memory_space<vmem>> -> memref<1x128xi32, #tpu.memory_space<vmem>>
        %dma_wait3A_254 = tpu.memref_squeeze %dma_wait3A_253 : memref<1x128xi32, #tpu.memory_space<vmem>> -> memref<128xi32, #tpu.memory_space<vmem>>
        %dma_wait3A_255 = arith.constant 0 : i32
        %dma_wait3A_256 = arith.constant 0 : i32
        %dma_wait3A_257 = tpu.memref_slice %arg14[%dma_wait3A_255, %dma_wait3A_256] : memref<10240x64xf32, #tpu.memory_space<vmem_shared>> -> memref<10240x64xf32, #tpu.memory_space<vmem_shared>>
        tpu.wait_indirect_dma semaphore(%arg21 : memref<!tpu.dma_semaphore, #tpu.memory_space<semaphore_mem>>) src(%dma_wait3A_251 : memref<128x64xf32, #tpu.memory_space<vmem>>) dst(%dma_wait3A_257 : memref<10240x64xf32, #tpu.memory_space<vmem_shared>>)
      } else {
      }
      %add3A_239 = arith.constant 2 : i32
      %add3A_240 = arith.addi %add3A_211, %add3A_239 : i32
      %lt3A_241 = arith.constant 160 : i32
      %lt3A_242 = arith.cmpi slt, %add3A_240, %lt3A_241 : i32
      %convert_element_type3A_243 = arith.extui %lt3A_242 : i1 to i32
      %cond3A_244 = arith.constant 0 : i32
      %cond3A_245 = arith.cmpi ne, %convert_element_type3A_243, %cond3A_244 : i32
      scf.if %cond3A_245 {
        %add3A_246 = arith.constant 2 : i32
        %add3A_247 = arith.addi %add3A_211, %add3A_246 : i32
        %dma_start3A_248 = arith.constant 1 : i32
        %dma_start3A_249 = arith.constant 0 : i32
        %dma_start3A_250 = arith.constant 0 : i32
        %dma_start3A_251 = tpu.memref_slice %arg12[%dma_start3A_248, %dma_start3A_249, %dma_start3A_250] : memref<4x128x64xf32, #tpu.memory_space<vmem>> -> memref<1x128x64xf32, #tpu.memory_space<vmem>>
        %dma_start3A_252 = tpu.memref_squeeze %dma_start3A_251 : memref<1x128x64xf32, #tpu.memory_space<vmem>> -> memref<128x64xf32, #tpu.memory_space<vmem>>
        %dma_start3A_253 = arith.constant 0 : i32
        %dma_start3A_254 = tpu.memref_slice %arg10[%add3A_247, %dma_start3A_253] : memref<160x128xi32, #tpu.memory_space<vmem>> -> memref<1x128xi32, #tpu.memory_space<vmem>>
        %dma_start3A_255 = tpu.memref_squeeze %dma_start3A_254 : memref<1x128xi32, #tpu.memory_space<vmem>> -> memref<128xi32, #tpu.memory_space<vmem>>
        %dma_start3A_256 = arith.constant 0 : i32
        %dma_start3A_257 = arith.constant 0 : i32
        %dma_start3A_258 = tpu.memref_slice %arg2[%dma_start3A_256, %dma_start3A_257] : memref<20000x64xf32, #tpu.memory_space<hbm>> -> memref<20000x64xf32, #tpu.memory_space<hbm>>
        tpu.enqueue_indirect_dma source(%dma_start3A_258 : memref<20000x64xf32, #tpu.memory_space<hbm>>) target(%dma_start3A_252 : memref<128x64xf32, #tpu.memory_space<vmem>>) offsets(%dma_start3A_255 : memref<128xi32, #tpu.memory_space<vmem>>) semaphore(%arg17 : memref<!tpu.dma_semaphore, #tpu.memory_space<semaphore_mem>>)
      } else {
      }
    }
    %scan3A_70 = arith.constant 40 : i32
    %dma_wait3A = arith.constant 2 : i32
    %dma_wait3A_71 = arith.constant 0 : i32
    %dma_wait3A_72 = arith.constant 0 : i32
    %dma_wait3A_73 = arith.constant 0 : i32
    %dma_wait3A_74 = tpu.memref_slice %arg12[%dma_wait3A, %dma_wait3A_72, %dma_wait3A_73] : memref<4x128x64xf32, #tpu.memory_space<vmem>> -> memref<1x128x64xf32, #tpu.memory_space<vmem>>
    %dma_wait3A_75 = tpu.memref_squeeze %dma_wait3A_74 : memref<1x128x64xf32, #tpu.memory_space<vmem>> -> memref<128x64xf32, #tpu.memory_space<vmem>>
    %dma_wait3A_76 = arith.constant 0 : i32
    %dma_wait3A_77 = tpu.memref_slice %arg11[%dma_wait3A_71, %dma_wait3A_76] : memref<160x128xi32, #tpu.memory_space<vmem>> -> memref<1x128xi32, #tpu.memory_space<vmem>>
    %dma_wait3A_78 = tpu.memref_squeeze %dma_wait3A_77 : memref<1x128xi32, #tpu.memory_space<vmem>> -> memref<128xi32, #tpu.memory_space<vmem>>
    %dma_wait3A_79 = arith.constant 0 : i32
    %dma_wait3A_80 = arith.constant 0 : i32
    %dma_wait3A_81 = tpu.memref_slice %arg14[%dma_wait3A_79, %dma_wait3A_80] : memref<10240x64xf32, #tpu.memory_space<vmem_shared>> -> memref<10240x64xf32, #tpu.memory_space<vmem_shared>>
    tpu.wait_indirect_dma semaphore(%arg22 : memref<!tpu.dma_semaphore, #tpu.memory_space<semaphore_mem>>) src(%dma_wait3A_75 : memref<128x64xf32, #tpu.memory_space<vmem>>) dst(%dma_wait3A_81 : memref<10240x64xf32, #tpu.memory_space<vmem_shared>>)
    %dma_wait3A_82 = arith.constant 3 : i32
    %dma_wait3A_83 = arith.constant 0 : i32
    %dma_wait3A_84 = arith.constant 0 : i32
    %dma_wait3A_85 = arith.constant 0 : i32
    %dma_wait3A_86 = tpu.memref_slice %arg12[%dma_wait3A_82, %dma_wait3A_84, %dma_wait3A_85] : memref<4x128x64xf32, #tpu.memory_space<vmem>> -> memref<1x128x64xf32, #tpu.memory_space<vmem>>
    %dma_wait3A_87 = tpu.memref_squeeze %dma_wait3A_86 : memref<1x128x64xf32, #tpu.memory_space<vmem>> -> memref<128x64xf32, #tpu.memory_space<vmem>>
    %dma_wait3A_88 = arith.constant 0 : i32
    %dma_wait3A_89 = tpu.memref_slice %arg11[%dma_wait3A_83, %dma_wait3A_88] : memref<160x128xi32, #tpu.memory_space<vmem>> -> memref<1x128xi32, #tpu.memory_space<vmem>>
    %dma_wait3A_90 = tpu.memref_squeeze %dma_wait3A_89 : memref<1x128xi32, #tpu.memory_space<vmem>> -> memref<128xi32, #tpu.memory_space<vmem>>
    %dma_wait3A_91 = arith.constant 0 : i32
    %dma_wait3A_92 = arith.constant 0 : i32
    %dma_wait3A_93 = tpu.memref_slice %arg14[%dma_wait3A_91, %dma_wait3A_92] : memref<10240x64xf32, #tpu.memory_space<vmem_shared>> -> memref<10240x64xf32, #tpu.memory_space<vmem_shared>>
    tpu.wait_indirect_dma semaphore(%arg23 : memref<!tpu.dma_semaphore, #tpu.memory_space<semaphore_mem>>) src(%dma_wait3A_87 : memref<128x64xf32, #tpu.memory_space<vmem>>) dst(%dma_wait3A_93 : memref<10240x64xf32, #tpu.memory_space<vmem_shared>>)
    %barrier3A_94 = arith.constant 0 : index
    tpu.barrier barrier_id(%barrier3A_94)
    %mul3A_95 = arith.constant 640 : i32
    %mul3A_96 = arith.muli %arg1, %mul3A_95 : i32
    "tpu.region"() ({
      %run_scoped3A_97 = tpu.sem_alloc : memref<!tpu.dma_semaphore, #tpu.memory_space<semaphore_mem>>
      %dma_start3A_98 = arith.constant 0 : i32
      %dma_start3A_99 = tpu.memref_slice %arg8[%arg0, %mul3A_96, %dma_start3A_98] : memref<2x10240x64xf32, #tpu.memory_space<hbm>> -> memref<1x640x64xf32, #tpu.memory_space<hbm>>
      %dma_start3A_100 = tpu.memref_squeeze %dma_start3A_99 : memref<1x640x64xf32, #tpu.memory_space<hbm>> -> memref<640x64xf32, #tpu.memory_space<hbm>>
      %dma_start3A_101 = arith.constant 0 : i32
      %dma_start3A_102 = tpu.memref_slice %arg14[%mul3A_96, %dma_start3A_101] : memref<10240x64xf32, #tpu.memory_space<vmem_shared>> -> memref<640x64xf32, #tpu.memory_space<vmem_shared>>
      tpu.enqueue_dma source(%dma_start3A_102 : memref<640x64xf32, #tpu.memory_space<vmem_shared>>) target(%dma_start3A_100 : memref<640x64xf32, #tpu.memory_space<hbm>>) target_semaphore(%run_scoped3A_97 : memref<!tpu.dma_semaphore, #tpu.memory_space<semaphore_mem>>)
      %dma_wait3A_103 = arith.constant 0 : i32
      %dma_wait3A_104 = tpu.memref_slice %arg8[%arg0, %mul3A_96, %dma_wait3A_103] : memref<2x10240x64xf32, #tpu.memory_space<hbm>> -> memref<1x640x64xf32, #tpu.memory_space<hbm>>
      %dma_wait3A_105 = tpu.memref_squeeze %dma_wait3A_104 : memref<1x640x64xf32, #tpu.memory_space<hbm>> -> memref<640x64xf32, #tpu.memory_space<hbm>>
      %dma_wait3A_106 = arith.constant 0 : i32
      %dma_wait3A_107 = tpu.memref_slice %arg14[%mul3A_96, %dma_wait3A_106] : memref<10240x64xf32, #tpu.memory_space<vmem_shared>> -> memref<640x64xf32, #tpu.memory_space<vmem_shared>>
      tpu.wait_dma2 semaphore(%run_scoped3A_97 : memref<!tpu.dma_semaphore, #tpu.memory_space<semaphore_mem>>) src(%dma_wait3A_107 : memref<640x64xf32, #tpu.memory_space<vmem_shared>>) dst(%dma_wait3A_105 : memref<640x64xf32, #tpu.memory_space<hbm>>)
      tpu.yield
    }) : () -> ()
    "tpu.region"() ({
      %run_scoped3A_97 = tpu.sem_alloc : memref<!tpu.dma_semaphore, #tpu.memory_space<semaphore_mem>>
      %dma_start3A_98 = arith.constant 0 : i32
      %dma_start3A_99 = tpu.memref_slice %arg9[%arg0, %mul3A_96, %dma_start3A_98] : memref<2x10240x16xf32, #tpu.memory_space<hbm>> -> memref<1x640x16xf32, #tpu.memory_space<hbm>>
      %dma_start3A_100 = tpu.memref_squeeze %dma_start3A_99 : memref<1x640x16xf32, #tpu.memory_space<hbm>> -> memref<640x16xf32, #tpu.memory_space<hbm>>
      %dma_start3A_101 = arith.constant 0 : i32
      %dma_start3A_102 = tpu.memref_slice %arg15[%mul3A_96, %dma_start3A_101] : memref<10240x16xf32, #tpu.memory_space<vmem_shared>> -> memref<640x16xf32, #tpu.memory_space<vmem_shared>>
      tpu.enqueue_dma source(%dma_start3A_102 : memref<640x16xf32, #tpu.memory_space<vmem_shared>>) target(%dma_start3A_100 : memref<640x16xf32, #tpu.memory_space<hbm>>) target_semaphore(%run_scoped3A_97 : memref<!tpu.dma_semaphore, #tpu.memory_space<semaphore_mem>>)
      %dma_wait3A_103 = arith.constant 0 : i32
      %dma_wait3A_104 = tpu.memref_slice %arg9[%arg0, %mul3A_96, %dma_wait3A_103] : memref<2x10240x16xf32, #tpu.memory_space<hbm>> -> memref<1x640x16xf32, #tpu.memory_space<hbm>>
      %dma_wait3A_105 = tpu.memref_squeeze %dma_wait3A_104 : memref<1x640x16xf32, #tpu.memory_space<hbm>> -> memref<640x16xf32, #tpu.memory_space<hbm>>
      %dma_wait3A_106 = arith.constant 0 : i32
      %dma_wait3A_107 = tpu.memref_slice %arg15[%mul3A_96, %dma_wait3A_106] : memref<10240x16xf32, #tpu.memory_space<vmem_shared>> -> memref<640x16xf32, #tpu.memory_space<vmem_shared>>
      tpu.wait_dma2 semaphore(%run_scoped3A_97 : memref<!tpu.dma_semaphore, #tpu.memory_space<semaphore_mem>>) src(%dma_wait3A_107 : memref<640x16xf32, #tpu.memory_space<vmem_shared>>) dst(%dma_wait3A_105 : memref<640x16xf32, #tpu.memory_space<hbm>>)
      tpu.yield
    }) : () -> ()
    return
  }
}

#map = affine_map<(d0, d1) -> (0, 0)>
#map1 = affine_map<(d0, d1) -> (0)>
module attributes {stable_mosaic.version = 14 : i64} {
  func.func @_sc_pack(%arg0: i32, %arg1: i32, %arg2: memref<2048x128xf32, #tpu.memory_space<hbm>>, %arg3: memref<2048xi32, #tpu.memory_space<hbm>>, %arg4: memref<131072x128xf32, #tpu.memory_space<hbm>>, %arg5: memref<64xi32, #tpu.memory_space<vmem>>, %arg6: memref<64x128xf32, #tpu.memory_space<vmem>>, %arg7: memref<!tpu.dma_semaphore, #tpu.memory_space<semaphore_mem>>) attributes {dimension_semantics = [#tpu.dimension_semantics<core_parallel>, #tpu.dimension_semantics<subcore_parallel>], iteration_bounds = array<i64: 2, 16>, scalar_prefetch = 0 : i64, scratch_operands = 3 : i64, tpu.core_type = #tpu.core_type<sc_vector_subcore>, window_params = [{transform_indices = #map}, {transform_indices = #map1}, {transform_indices = #map}]} {
    %mul3A = arith.constant 2 : i32
    %mul3A_0 = arith.muli %arg1, %mul3A : i32
    %add3A = arith.addi %mul3A_0, %arg0 : i32
    %mul3A_1 = arith.constant 64 : i32
    %mul3A_2 = arith.muli %add3A, %mul3A_1 : i32
    "tpu.region"() ({
      %run_scoped3A = tpu.sem_alloc : memref<!tpu.dma_semaphore, #tpu.memory_space<semaphore_mem>>
      %dma_start3A_7 = tpu.memref_slice %arg3[%mul3A_2] : memref<2048xi32, #tpu.memory_space<hbm>> -> memref<64xi32, #tpu.memory_space<hbm>>
      %dma_start3A_8 = tpu.memref_slice %arg3[%mul3A_2] : memref<2048xi32, #tpu.memory_space<hbm>> -> memref<64xi32, #tpu.memory_space<hbm>>
      tpu.enqueue_dma source(%dma_start3A_8 : memref<64xi32, #tpu.memory_space<hbm>>) target(%arg5 : memref<64xi32, #tpu.memory_space<vmem>>) target_semaphore(%run_scoped3A : memref<!tpu.dma_semaphore, #tpu.memory_space<semaphore_mem>>)
      %dma_wait3A_9 = tpu.memref_slice %arg3[%mul3A_2] : memref<2048xi32, #tpu.memory_space<hbm>> -> memref<64xi32, #tpu.memory_space<hbm>>
      %dma_wait3A_10 = tpu.memref_slice %arg3[%mul3A_2] : memref<2048xi32, #tpu.memory_space<hbm>> -> memref<64xi32, #tpu.memory_space<hbm>>
      tpu.wait_dma2 semaphore(%run_scoped3A : memref<!tpu.dma_semaphore, #tpu.memory_space<semaphore_mem>>) src(%dma_wait3A_10 : memref<64xi32, #tpu.memory_space<hbm>>) dst(%arg5 : memref<64xi32, #tpu.memory_space<vmem>>)
      tpu.yield
    }) : () -> ()
    "tpu.region"() ({
      %run_scoped3A = tpu.sem_alloc : memref<!tpu.dma_semaphore, #tpu.memory_space<semaphore_mem>>
      %dma_start3A_7 = arith.constant 0 : i32
      %dma_start3A_8 = tpu.memref_slice %arg2[%mul3A_2, %dma_start3A_7] : memref<2048x128xf32, #tpu.memory_space<hbm>> -> memref<64x128xf32, #tpu.memory_space<hbm>>
      %dma_start3A_9 = arith.constant 0 : i32
      %dma_start3A_10 = tpu.memref_slice %arg2[%mul3A_2, %dma_start3A_9] : memref<2048x128xf32, #tpu.memory_space<hbm>> -> memref<64x128xf32, #tpu.memory_space<hbm>>
      tpu.enqueue_dma source(%dma_start3A_10 : memref<64x128xf32, #tpu.memory_space<hbm>>) target(%arg6 : memref<64x128xf32, #tpu.memory_space<vmem>>) target_semaphore(%run_scoped3A : memref<!tpu.dma_semaphore, #tpu.memory_space<semaphore_mem>>)
      %dma_wait3A_11 = arith.constant 0 : i32
      %dma_wait3A_12 = tpu.memref_slice %arg2[%mul3A_2, %dma_wait3A_11] : memref<2048x128xf32, #tpu.memory_space<hbm>> -> memref<64x128xf32, #tpu.memory_space<hbm>>
      %dma_wait3A_13 = arith.constant 0 : i32
      %dma_wait3A_14 = tpu.memref_slice %arg2[%mul3A_2, %dma_wait3A_13] : memref<2048x128xf32, #tpu.memory_space<hbm>> -> memref<64x128xf32, #tpu.memory_space<hbm>>
      tpu.wait_dma2 semaphore(%run_scoped3A : memref<!tpu.dma_semaphore, #tpu.memory_space<semaphore_mem>>) src(%dma_wait3A_14 : memref<64x128xf32, #tpu.memory_space<hbm>>) dst(%arg6 : memref<64x128xf32, #tpu.memory_space<vmem>>)
      tpu.yield
    }) : () -> ()
    %dma_start3A = arith.constant 0 : i32
    %dma_start3A_3 = arith.constant 0 : i32
    %dma_start3A_4 = tpu.memref_slice %arg4[%dma_start3A, %dma_start3A_3] : memref<131072x128xf32, #tpu.memory_space<hbm>> -> memref<131072x128xf32, #tpu.memory_space<hbm>>
    tpu.enqueue_indirect_dma source(%arg6 : memref<64x128xf32, #tpu.memory_space<vmem>>) target(%dma_start3A_4 : memref<131072x128xf32, #tpu.memory_space<hbm>>) offsets(%arg5 : memref<64xi32, #tpu.memory_space<vmem>>) semaphore(%arg7 : memref<!tpu.dma_semaphore, #tpu.memory_space<semaphore_mem>>)
    %dma_wait3A = arith.constant 0 : i32
    %dma_wait3A_5 = arith.constant 0 : i32
    %dma_wait3A_6 = tpu.memref_slice %arg4[%dma_wait3A, %dma_wait3A_5] : memref<131072x128xf32, #tpu.memory_space<hbm>> -> memref<131072x128xf32, #tpu.memory_space<hbm>>
    tpu.wait_indirect_dma semaphore(%arg7 : memref<!tpu.dma_semaphore, #tpu.memory_space<semaphore_mem>>) src(%arg6 : memref<64x128xf32, #tpu.memory_space<vmem>>) dst(%dma_wait3A_6 : memref<131072x128xf32, #tpu.memory_space<hbm>>)
    return
  }
}

#map = affine_map<(d0, d1) -> (0, 0)>
#map1 = affine_map<(d0, d1) -> (0)>
module attributes {stable_mosaic.version = 14 : i64} {
  func.func @_sc_unpack(%arg0: i32, %arg1: i32, %arg2: memref<131072x64xf32, #tpu.memory_space<hbm>>, %arg3: memref<131072x64xf32, #tpu.memory_space<hbm>>, %arg4: memref<2048xi32, #tpu.memory_space<hbm>>, %arg5: memref<2048x64xf32, #tpu.memory_space<hbm>>, %arg6: memref<2048x64xf32, #tpu.memory_space<hbm>>, %arg7: memref<64xi32, #tpu.memory_space<vmem>>, %arg8: memref<64x64xf32, #tpu.memory_space<vmem>>, %arg9: memref<64x64xf32, #tpu.memory_space<vmem>>, %arg10: memref<!tpu.dma_semaphore, #tpu.memory_space<semaphore_mem>>, %arg11: memref<!tpu.dma_semaphore, #tpu.memory_space<semaphore_mem>>) attributes {dimension_semantics = [#tpu.dimension_semantics<core_parallel>, #tpu.dimension_semantics<subcore_parallel>], iteration_bounds = array<i64: 2, 16>, scalar_prefetch = 0 : i64, scratch_operands = 5 : i64, tpu.core_type = #tpu.core_type<sc_vector_subcore>, window_params = [{transform_indices = #map}, {transform_indices = #map}, {transform_indices = #map1}, {transform_indices = #map}, {transform_indices = #map}]} {
    %mul3A = arith.constant 2 : i32
    %mul3A_0 = arith.muli %arg1, %mul3A : i32
    %add3A = arith.addi %mul3A_0, %arg0 : i32
    %mul3A_1 = arith.constant 64 : i32
    %mul3A_2 = arith.muli %add3A, %mul3A_1 : i32
    "tpu.region"() ({
      %run_scoped3A = tpu.sem_alloc : memref<!tpu.dma_semaphore, #tpu.memory_space<semaphore_mem>>
      %dma_start3A_13 = tpu.memref_slice %arg4[%mul3A_2] : memref<2048xi32, #tpu.memory_space<hbm>> -> memref<64xi32, #tpu.memory_space<hbm>>
      %dma_start3A_14 = tpu.memref_slice %arg4[%mul3A_2] : memref<2048xi32, #tpu.memory_space<hbm>> -> memref<64xi32, #tpu.memory_space<hbm>>
      tpu.enqueue_dma source(%dma_start3A_14 : memref<64xi32, #tpu.memory_space<hbm>>) target(%arg7 : memref<64xi32, #tpu.memory_space<vmem>>) target_semaphore(%run_scoped3A : memref<!tpu.dma_semaphore, #tpu.memory_space<semaphore_mem>>)
      %dma_wait3A_15 = tpu.memref_slice %arg4[%mul3A_2] : memref<2048xi32, #tpu.memory_space<hbm>> -> memref<64xi32, #tpu.memory_space<hbm>>
      %dma_wait3A_16 = tpu.memref_slice %arg4[%mul3A_2] : memref<2048xi32, #tpu.memory_space<hbm>> -> memref<64xi32, #tpu.memory_space<hbm>>
      tpu.wait_dma2 semaphore(%run_scoped3A : memref<!tpu.dma_semaphore, #tpu.memory_space<semaphore_mem>>) src(%dma_wait3A_16 : memref<64xi32, #tpu.memory_space<hbm>>) dst(%arg7 : memref<64xi32, #tpu.memory_space<vmem>>)
      tpu.yield
    }) : () -> ()
    %dma_start3A = arith.constant 0 : i32
    %dma_start3A_3 = arith.constant 0 : i32
    %dma_start3A_4 = tpu.memref_slice %arg2[%dma_start3A, %dma_start3A_3] : memref<131072x64xf32, #tpu.memory_space<hbm>> -> memref<131072x64xf32, #tpu.memory_space<hbm>>
    tpu.enqueue_indirect_dma source(%dma_start3A_4 : memref<131072x64xf32, #tpu.memory_space<hbm>>) target(%arg8 : memref<64x64xf32, #tpu.memory_space<vmem>>) offsets(%arg7 : memref<64xi32, #tpu.memory_space<vmem>>) semaphore(%arg10 : memref<!tpu.dma_semaphore, #tpu.memory_space<semaphore_mem>>)
    %dma_start3A_5 = arith.constant 0 : i32
    %dma_start3A_6 = arith.constant 0 : i32
    %dma_start3A_7 = tpu.memref_slice %arg3[%dma_start3A_5, %dma_start3A_6] : memref<131072x64xf32, #tpu.memory_space<hbm>> -> memref<131072x64xf32, #tpu.memory_space<hbm>>
    tpu.enqueue_indirect_dma source(%dma_start3A_7 : memref<131072x64xf32, #tpu.memory_space<hbm>>) target(%arg9 : memref<64x64xf32, #tpu.memory_space<vmem>>) offsets(%arg7 : memref<64xi32, #tpu.memory_space<vmem>>) semaphore(%arg11 : memref<!tpu.dma_semaphore, #tpu.memory_space<semaphore_mem>>)
    %dma_wait3A = arith.constant 0 : i32
    %dma_wait3A_8 = arith.constant 0 : i32
    %dma_wait3A_9 = tpu.memref_slice %arg2[%dma_wait3A, %dma_wait3A_8] : memref<131072x64xf32, #tpu.memory_space<hbm>> -> memref<131072x64xf32, #tpu.memory_space<hbm>>
    tpu.wait_indirect_dma semaphore(%arg10 : memref<!tpu.dma_semaphore, #tpu.memory_space<semaphore_mem>>) src(%dma_wait3A_9 : memref<131072x64xf32, #tpu.memory_space<hbm>>) dst(%arg8 : memref<64x64xf32, #tpu.memory_space<vmem>>)
    %dma_wait3A_10 = arith.constant 0 : i32
    %dma_wait3A_11 = arith.constant 0 : i32
    %dma_wait3A_12 = tpu.memref_slice %arg3[%dma_wait3A_10, %dma_wait3A_11] : memref<131072x64xf32, #tpu.memory_space<hbm>> -> memref<131072x64xf32, #tpu.memory_space<hbm>>
    tpu.wait_indirect_dma semaphore(%arg11 : memref<!tpu.dma_semaphore, #tpu.memory_space<semaphore_mem>>) src(%dma_wait3A_12 : memref<131072x64xf32, #tpu.memory_space<hbm>>) dst(%arg9 : memref<64x64xf32, #tpu.memory_space<vmem>>)
    "tpu.region"() ({
      %run_scoped3A = tpu.sem_alloc : memref<!tpu.dma_semaphore, #tpu.memory_space<semaphore_mem>>
      %dma_start3A_13 = arith.constant 0 : i32
      %dma_start3A_14 = tpu.memref_slice %arg5[%mul3A_2, %dma_start3A_13] : memref<2048x64xf32, #tpu.memory_space<hbm>> -> memref<64x64xf32, #tpu.memory_space<hbm>>
      %dma_start3A_15 = arith.constant 0 : i32
      %dma_start3A_16 = tpu.memref_slice %arg5[%mul3A_2, %dma_start3A_15] : memref<2048x64xf32, #tpu.memory_space<hbm>> -> memref<64x64xf32, #tpu.memory_space<hbm>>
      tpu.enqueue_dma source(%arg8 : memref<64x64xf32, #tpu.memory_space<vmem>>) target(%dma_start3A_16 : memref<64x64xf32, #tpu.memory_space<hbm>>) target_semaphore(%run_scoped3A : memref<!tpu.dma_semaphore, #tpu.memory_space<semaphore_mem>>)
      %dma_wait3A_17 = arith.constant 0 : i32
      %dma_wait3A_18 = tpu.memref_slice %arg5[%mul3A_2, %dma_wait3A_17] : memref<2048x64xf32, #tpu.memory_space<hbm>> -> memref<64x64xf32, #tpu.memory_space<hbm>>
      %dma_wait3A_19 = arith.constant 0 : i32
      %dma_wait3A_20 = tpu.memref_slice %arg5[%mul3A_2, %dma_wait3A_19] : memref<2048x64xf32, #tpu.memory_space<hbm>> -> memref<64x64xf32, #tpu.memory_space<hbm>>
      tpu.wait_dma2 semaphore(%run_scoped3A : memref<!tpu.dma_semaphore, #tpu.memory_space<semaphore_mem>>) src(%arg8 : memref<64x64xf32, #tpu.memory_space<vmem>>) dst(%dma_wait3A_20 : memref<64x64xf32, #tpu.memory_space<hbm>>)
      tpu.yield
    }) : () -> ()
    "tpu.region"() ({
      %run_scoped3A = tpu.sem_alloc : memref<!tpu.dma_semaphore, #tpu.memory_space<semaphore_mem>>
      %dma_start3A_13 = arith.constant 0 : i32
      %dma_start3A_14 = tpu.memref_slice %arg6[%mul3A_2, %dma_start3A_13] : memref<2048x64xf32, #tpu.memory_space<hbm>> -> memref<64x64xf32, #tpu.memory_space<hbm>>
      %dma_start3A_15 = arith.constant 0 : i32
      %dma_start3A_16 = tpu.memref_slice %arg6[%mul3A_2, %dma_start3A_15] : memref<2048x64xf32, #tpu.memory_space<hbm>> -> memref<64x64xf32, #tpu.memory_space<hbm>>
      tpu.enqueue_dma source(%arg9 : memref<64x64xf32, #tpu.memory_space<vmem>>) target(%dma_start3A_16 : memref<64x64xf32, #tpu.memory_space<hbm>>) target_semaphore(%run_scoped3A : memref<!tpu.dma_semaphore, #tpu.memory_space<semaphore_mem>>)
      %dma_wait3A_17 = arith.constant 0 : i32
      %dma_wait3A_18 = tpu.memref_slice %arg6[%mul3A_2, %dma_wait3A_17] : memref<2048x64xf32, #tpu.memory_space<hbm>> -> memref<64x64xf32, #tpu.memory_space<hbm>>
      %dma_wait3A_19 = arith.constant 0 : i32
      %dma_wait3A_20 = tpu.memref_slice %arg6[%mul3A_2, %dma_wait3A_19] : memref<2048x64xf32, #tpu.memory_space<hbm>> -> memref<64x64xf32, #tpu.memory_space<hbm>>
      tpu.wait_dma2 semaphore(%run_scoped3A : memref<!tpu.dma_semaphore, #tpu.memory_space<semaphore_mem>>) src(%arg9 : memref<64x64xf32, #tpu.memory_space<vmem>>) dst(%dma_wait3A_20 : memref<64x64xf32, #tpu.memory_space<hbm>>)
      tpu.yield
    }) : () -> ()
    return
  }
}

module attributes {stable_mosaic.version = 14 : i64} {
  func.func @_proj_body(%arg0: i32, %arg1: memref<1000x128xf32, #tpu.memory_space<vmem>>, %arg2: memref<128x128xf32, #tpu.memory_space<vmem>>, %arg3: memref<1x128xf32, #tpu.memory_space<vmem>>, %arg4: memref<1000x128xf32, #tpu.memory_space<vmem>>) attributes {dimension_semantics = [#tpu.dimension_semantics<arbitrary>], iteration_bounds = array<i64: 10>, scalar_prefetch = 0 : i64, scratch_operands = 0 : i64, tpu.core_type = #tpu.core_type<tc>, window_params = [{transform_indices = @transform_0, window_bounds = array<i64: 1000, 128>}, {pipeline_mode = #tpu.pipeline_mode<synchronous>, transform_indices = @transform_1, window_bounds = array<i64: 128, 128>}, {pipeline_mode = #tpu.pipeline_mode<synchronous>, transform_indices = @transform_2, window_bounds = array<i64: 1, 128>}, {transform_indices = @transform_3, window_bounds = array<i64: 1000, 128>}]} {
    %get3A = arith.constant 0 : index
    %get3A_0 = arith.constant 0 : index
    %get3A_1 = vector.load %arg1[%get3A, %get3A_0] : memref<1000x128xf32, #tpu.memory_space<vmem>>, vector<1000x128xf32>
    %get3A_2 = arith.constant 0 : index
    %get3A_3 = arith.constant 0 : index
    %get3A_4 = vector.load %arg2[%get3A_2, %get3A_3] : memref<128x128xf32, #tpu.memory_space<vmem>>, vector<128x128xf32>
    %dot_general3A = arith.constant dense<0.000000e+00> : vector<1000x128xf32>
    %dot_general3A_5 = tpu.matmul %get3A_1, %get3A_4, %dot_general3A {dimension_numbers = #tpu.dot_dimension_numbers<[1], [0], [0], [1], [0, 0, 1, 1], [], []>, transpose_lhs_hint = false} : vector<1000x128xf32>, vector<128x128xf32>, vector<1000x128xf32> -> vector<1000x128xf32>
    %get3A_6 = arith.constant 0 : index
    %get3A_7 = arith.constant 0 : index
    %get3A_8 = vector.load %arg3[%get3A_6, %get3A_7] : memref<1x128xf32, #tpu.memory_space<vmem>>, vector<1x128xf32>
    %add3A = vector.broadcast %get3A_8 : vector<1x128xf32> to vector<1000x128xf32>
    %add3A_9 = arith.addf %dot_general3A_5, %add3A : vector<1000x128xf32>
    %max3A = arith.constant 0.000000e+00 : f32
    %max3A_10 = vector.broadcast %max3A : f32 to vector<1000x128xf32>
    %max3A_11 = arith.maximumf %add3A_9, %max3A_10 : vector<1000x128xf32>
    %swap3A = arith.constant 0 : index
    %swap3A_12 = arith.constant 0 : index
    %swap3A_13 = vector.load %arg4[%swap3A, %swap3A_12] : memref<1000x128xf32, #tpu.memory_space<vmem>>, vector<1000x128xf32>
    tpu.vector_store %arg4[%swap3A, %swap3A_12], %max3A_11 {strides = array<i32>} : memref<1000x128xf32, #tpu.memory_space<vmem>>, vector<1000x128xf32>,
    return
  }
  func.func @transform_0(%arg0: i32) -> (i32, i32) {
    %c0_i32 = arith.constant 0 : i32
    %c0_i32_0 = arith.constant 0 : i32
    return %arg0, %c0_i32 : i32, i32
  }
  func.func @transform_1(%arg0: i32) -> (i32, i32) {
    %c0_i32 = arith.constant 0 : i32
    %c0_i32_0 = arith.constant 0 : i32
    %c0_i32_1 = arith.constant 0 : i32
    return %c0_i32, %c0_i32_0 : i32, i32
  }
  func.func @transform_2(%arg0: i32) -> (i32, i32) {
    %c0_i32 = arith.constant 0 : i32
    %c0_i32_0 = arith.constant 0 : i32
    %c0_i32_1 = arith.constant 0 : i32
    return %c0_i32, %c0_i32_0 : i32, i32
  }
  func.func @transform_3(%arg0: i32) -> (i32, i32) {
    %c0_i32 = arith.constant 0 : i32
    %c0_i32_0 = arith.constant 0 : i32
    return %arg0, %c0_i32 : i32, i32
  }
}

module attributes {stable_mosaic.version = 14 : i64} {
  func.func @_comb0_body(%arg0: i32, %arg1: memref<2x1000x64xf32, #tpu.memory_space<vmem>>, %arg2: memref<1x1000x16xf32, #tpu.memory_space<vmem>>, %arg3: memref<1000x128xf32, #tpu.memory_space<vmem>>, %arg4: memref<128x128xf32, #tpu.memory_space<vmem>>, %arg5: memref<1x128xf32, #tpu.memory_space<vmem>>, %arg6: memref<128x128xf32, #tpu.memory_space<vmem>>, %arg7: memref<1x128xf32, #tpu.memory_space<vmem>>, %arg8: memref<1x128xf32, #tpu.memory_space<vmem>>, %arg9: memref<1000x128xf32, #tpu.memory_space<vmem>>) attributes {dimension_semantics = [#tpu.dimension_semantics<arbitrary>], iteration_bounds = array<i64: 10>, scalar_prefetch = 0 : i64, scratch_operands = 0 : i64, tpu.core_type = #tpu.core_type<tc>, window_params = [{transform_indices = @transform_0, window_bounds = array<i64: 2, 1000, 64>}, {transform_indices = @transform_1, window_bounds = array<i64: 1, 1000, 16>}, {transform_indices = @transform_2, window_bounds = array<i64: 1000, 128>}, {pipeline_mode = #tpu.pipeline_mode<synchronous>, transform_indices = @transform_3, window_bounds = array<i64: 128, 128>}, {pipeline_mode = #tpu.pipeline_mode<synchronous>, transform_indices = @transform_4, window_bounds = array<i64: 1, 128>}, {pipeline_mode = #tpu.pipeline_mode<synchronous>, transform_indices = @transform_5, window_bounds = array<i64: 128, 128>}, {pipeline_mode = #tpu.pipeline_mode<synchronous>, transform_indices = @transform_6, window_bounds = array<i64: 1, 128>}, {pipeline_mode = #tpu.pipeline_mode<synchronous>, transform_indices = @transform_7, window_bounds = array<i64: 1, 128>}, {transform_indices = @transform_8, window_bounds = array<i64: 1000, 128>}]} {
    %get3A = arith.constant 0 : index
    %get3A_0 = arith.constant 0 : index
    %get3A_1 = arith.constant 0 : index
    %get3A_2 = vector.load %arg1[%get3A, %get3A_0, %get3A_1] : memref<2x1000x64xf32, #tpu.memory_space<vmem>>, vector<1x1000x64xf32>
    %get3A_3 = vector.shape_cast %get3A_2 : vector<1x1000x64xf32> to vector<1000x64xf32>
    %get3A_4 = arith.constant 1 : index
    %get3A_5 = arith.constant 0 : index
    %get3A_6 = arith.constant 0 : index
    %get3A_7 = vector.load %arg1[%get3A_4, %get3A_5, %get3A_6] : memref<2x1000x64xf32, #tpu.memory_space<vmem>>, vector<1x1000x64xf32>
    %get3A_8 = vector.shape_cast %get3A_7 : vector<1x1000x64xf32> to vector<1000x64xf32>
    %concatenate3A = tpu.concatenate %get3A_3, %get3A_8 in 1 : vector<1000x64xf32>, vector<1000x64xf32> -> vector<1000x128xf32>
    %get3A_9 = arith.constant 0 : index
    %get3A_10 = arith.constant 0 : index
    %get3A_11 = arith.constant 0 : index
    %get3A_12 = vector.load %arg2[%get3A_9, %get3A_10, %get3A_11] : memref<1x1000x16xf32, #tpu.memory_space<vmem>>, vector<1x1000x1xf32>
    %get3A_13 = vector.shape_cast %get3A_12 : vector<1x1000x1xf32> to vector<1000x1xf32>
    %max3A = arith.constant 1.000000e+00 : f32
    %max3A_14 = vector.broadcast %max3A : f32 to vector<1000x1xf32>
    %max3A_15 = arith.maximumf %get3A_13, %max3A_14 : vector<1000x1xf32>
    %div3A = vector.broadcast %max3A_15 : vector<1000x1xf32> to vector<1000x128xf32>
    %div3A_16 = arith.divf %concatenate3A, %div3A : vector<1000x128xf32>
    %get3A_17 = arith.constant 0 : index
    %get3A_18 = arith.constant 0 : index
    %get3A_19 = vector.load %arg4[%get3A_17, %get3A_18] : memref<128x128xf32, #tpu.memory_space<vmem>>, vector<128x128xf32>
    %dot_general3A = arith.constant dense<0.000000e+00> : vector<1000x128xf32>
    %dot_general3A_20 = tpu.matmul %div3A_16, %get3A_19, %dot_general3A {dimension_numbers = #tpu.dot_dimension_numbers<[1], [0], [0], [1], [0, 0, 1, 1], [], []>, transpose_lhs_hint = false} : vector<1000x128xf32>, vector<128x128xf32>, vector<1000x128xf32> -> vector<1000x128xf32>
    %get3A_21 = arith.constant 0 : index
    %get3A_22 = arith.constant 0 : index
    %get3A_23 = vector.load %arg5[%get3A_21, %get3A_22] : memref<1x128xf32, #tpu.memory_space<vmem>>, vector<1x128xf32>
    %add3A = vector.broadcast %get3A_23 : vector<1x128xf32> to vector<1000x128xf32>
    %add3A_24 = arith.addf %dot_general3A_20, %add3A : vector<1000x128xf32>
    %get3A_25 = arith.constant 0 : index
    %get3A_26 = arith.constant 0 : index
    %get3A_27 = vector.load %arg3[%get3A_25, %get3A_26] : memref<1000x128xf32, #tpu.memory_space<vmem>>, vector<1000x128xf32>
    %get3A_28 = arith.constant 0 : index
    %get3A_29 = arith.constant 0 : index
    %get3A_30 = vector.load %arg6[%get3A_28, %get3A_29] : memref<128x128xf32, #tpu.memory_space<vmem>>, vector<128x128xf32>
    %dot_general3A_31 = arith.constant dense<0.000000e+00> : vector<1000x128xf32>
    %dot_general3A_32 = tpu.matmul %get3A_27, %get3A_30, %dot_general3A_31 {dimension_numbers = #tpu.dot_dimension_numbers<[1], [0], [0], [1], [0, 0, 1, 1], [], []>, transpose_lhs_hint = false} : vector<1000x128xf32>, vector<128x128xf32>, vector<1000x128xf32> -> vector<1000x128xf32>
    %add3A_33 = arith.addf %add3A_24, %dot_general3A_32 : vector<1000x128xf32>
    %mul3A = arith.mulf %add3A_33, %add3A_33 : vector<1000x128xf32>
    %reduce_sum3A = arith.constant dense<0.000000e+00> : vector<1000xf32>
    %reduce_sum3A_34 = vector.multi_reduction <add>, %mul3A, %reduce_sum3A [1] : vector<1000x128xf32> to vector<1000xf32>
    %broadcast_in_dim3A = vector.shape_cast %reduce_sum3A_34 : vector<1000xf32> to vector<1000x1xf32>
    %sqrt3A = math.sqrt %broadcast_in_dim3A : vector<1000x1xf32>
    %max3A_35 = arith.constant 9.99999996E-13 : f32
    %max3A_36 = vector.broadcast %max3A_35 : f32 to vector<1000x1xf32>
    %max3A_37 = arith.maximumf %sqrt3A, %max3A_36 : vector<1000x1xf32>
    %div3A_38 = vector.broadcast %max3A_37 : vector<1000x1xf32> to vector<1000x128xf32>
    %div3A_39 = arith.divf %add3A_33, %div3A_38 : vector<1000x128xf32>
    %max3A_40 = arith.constant 0.000000e+00 : f32
    %max3A_41 = vector.broadcast %max3A_40 : f32 to vector<1000x128xf32>
    %max3A_42 = arith.maximumf %div3A_39, %max3A_41 : vector<1000x128xf32>
    %reduce_sum3A_43 = arith.constant dense<0.000000e+00> : vector<1000xf32>
    %reduce_sum3A_44 = vector.multi_reduction <add>, %max3A_42, %reduce_sum3A_43 [1] : vector<1000x128xf32> to vector<1000xf32>
    %broadcast_in_dim3A_45 = vector.shape_cast %reduce_sum3A_44 : vector<1000xf32> to vector<1000x1xf32>
    %div3A_46 = arith.constant 1.280000e+02 : f32
    %div3A_47 = vector.broadcast %div3A_46 : f32 to vector<1000x1xf32>
    %div3A_48 = arith.divf %broadcast_in_dim3A_45, %div3A_47 : vector<1000x1xf32>
    %sub3A = vector.broadcast %div3A_48 : vector<1000x1xf32> to vector<1000x128xf32>
    %sub3A_49 = arith.subf %max3A_42, %sub3A : vector<1000x128xf32>
    %integer_pow3A = arith.mulf %sub3A_49, %sub3A_49 : vector<1000x128xf32>
    %reduce_sum3A_50 = arith.constant dense<0.000000e+00> : vector<1000xf32>
    %reduce_sum3A_51 = vector.multi_reduction <add>, %integer_pow3A, %reduce_sum3A_50 [1] : vector<1000x128xf32> to vector<1000xf32>
    %broadcast_in_dim3A_52 = vector.shape_cast %reduce_sum3A_51 : vector<1000xf32> to vector<1000x1xf32>
    %div3A_53 = arith.constant 1.280000e+02 : f32
    %div3A_54 = vector.broadcast %div3A_53 : f32 to vector<1000x1xf32>
    %div3A_55 = arith.divf %broadcast_in_dim3A_52, %div3A_54 : vector<1000x1xf32>
    %sub3A_56 = vector.broadcast %div3A_48 : vector<1000x1xf32> to vector<1000x128xf32>
    %sub3A_57 = arith.subf %max3A_42, %sub3A_56 : vector<1000x128xf32>
    %add3A_58 = arith.constant 9.99999974E-6 : f32
    %add3A_59 = vector.broadcast %add3A_58 : f32 to vector<1000x1xf32>
    %add3A_60 = arith.addf %div3A_55, %add3A_59 : vector<1000x1xf32>
    %sqrt3A_61 = math.sqrt %add3A_60 : vector<1000x1xf32>
    %div3A_62 = vector.broadcast %sqrt3A_61 : vector<1000x1xf32> to vector<1000x128xf32>
    %div3A_63 = arith.divf %sub3A_57, %div3A_62 : vector<1000x128xf32>
    %get3A_64 = arith.constant 0 : index
    %get3A_65 = arith.constant 0 : index
    %get3A_66 = vector.load %arg7[%get3A_64, %get3A_65] : memref<1x128xf32, #tpu.memory_space<vmem>>, vector<1x128xf32>
    %mul3A_67 = vector.broadcast %get3A_66 : vector<1x128xf32> to vector<1000x128xf32>
    %mul3A_68 = arith.mulf %div3A_63, %mul3A_67 : vector<1000x128xf32>
    %get3A_69 = arith.constant 0 : index
    %get3A_70 = arith.constant 0 : index
    %get3A_71 = vector.load %arg8[%get3A_69, %get3A_70] : memref<1x128xf32, #tpu.memory_space<vmem>>, vector<1x128xf32>
    %add3A_72 = vector.broadcast %get3A_71 : vector<1x128xf32> to vector<1000x128xf32>
    %add3A_73 = arith.addf %mul3A_68, %add3A_72 : vector<1000x128xf32>
    %swap3A = arith.constant 0 : index
    %swap3A_74 = arith.constant 0 : index
    %swap3A_75 = vector.load %arg9[%swap3A, %swap3A_74] : memref<1000x128xf32, #tpu.memory_space<vmem>>, vector<1000x128xf32>
    tpu.vector_store %arg9[%swap3A, %swap3A_74], %add3A_73 {strides = array<i32>} : memref<1000x128xf32, #tpu.memory_space<vmem>>, vector<1000x128xf32>,
    return
  }
  func.func @transform_0(%arg0: i32) -> (i32, i32, i32) {
    %c0_i32 = arith.constant 0 : i32
    %c0_i32_0 = arith.constant 0 : i32
    %c0_i32_1 = arith.constant 0 : i32
    return %c0_i32, %arg0, %c0_i32_0 : i32, i32, i32
  }
  func.func @transform_1(%arg0: i32) -> (i32, i32, i32) {
    %c0_i32 = arith.constant 0 : i32
    %c0_i32_0 = arith.constant 0 : i32
    %c0_i32_1 = arith.constant 0 : i32
    return %c0_i32, %arg0, %c0_i32_0 : i32, i32, i32
  }
  func.func @transform_2(%arg0: i32) -> (i32, i32) {
    %c0_i32 = arith.constant 0 : i32
    %c0_i32_0 = arith.constant 0 : i32
    return %arg0, %c0_i32 : i32, i32
  }
  func.func @transform_3(%arg0: i32) -> (i32, i32) {
    %c0_i32 = arith.constant 0 : i32
    %c0_i32_0 = arith.constant 0 : i32
    %c0_i32_1 = arith.constant 0 : i32
    return %c0_i32, %c0_i32_0 : i32, i32
  }
  func.func @transform_4(%arg0: i32) -> (i32, i32) {
    %c0_i32 = arith.constant 0 : i32
    %c0_i32_0 = arith.constant 0 : i32
    %c0_i32_1 = arith.constant 0 : i32
    return %c0_i32, %c0_i32_0 : i32, i32
  }
  func.func @transform_5(%arg0: i32) -> (i32, i32) {
    %c0_i32 = arith.constant 0 : i32
    %c0_i32_0 = arith.constant 0 : i32
    %c0_i32_1 = arith.constant 0 : i32
    return %c0_i32, %c0_i32_0 : i32, i32
  }
  func.func @transform_6(%arg0: i32) -> (i32, i32) {
    %c0_i32 = arith.constant 0 : i32
    %c0_i32_0 = arith.constant 0 : i32
    %c0_i32_1 = arith.constant 0 : i32
    return %c0_i32, %c0_i32_0 : i32, i32
  }
  func.func @transform_7(%arg0: i32) -> (i32, i32) {
    %c0_i32 = arith.constant 0 : i32
    %c0_i32_0 = arith.constant 0 : i32
    %c0_i32_1 = arith.constant 0 : i32
    return %c0_i32, %c0_i32_0 : i32, i32
  }
  func.func @transform_8(%arg0: i32) -> (i32, i32) {
    %c0_i32 = arith.constant 0 : i32
    %c0_i32_0 = arith.constant 0 : i32
    return %arg0, %c0_i32 : i32, i32
  }
}

module attributes {stable_mosaic.version = 14 : i64} {
  func.func @_comb1_body(%arg0: i32, %arg1: memref<2x1024x64xf32, #tpu.memory_space<vmem>>, %arg2: memref<1x1024x16xf32, #tpu.memory_space<vmem>>, %arg3: memref<1024x128xf32, #tpu.memory_space<vmem>>, %arg4: memref<128x128xf32, #tpu.memory_space<vmem>>, %arg5: memref<1x128xf32, #tpu.memory_space<vmem>>, %arg6: memref<128x128xf32, #tpu.memory_space<vmem>>, %arg7: memref<1024x128xf32, #tpu.memory_space<vmem>>) attributes {dimension_semantics = [#tpu.dimension_semantics<arbitrary>], iteration_bounds = array<i64: 2>, scalar_prefetch = 0 : i64, scratch_operands = 0 : i64, tpu.core_type = #tpu.core_type<tc>, window_params = [{transform_indices = @transform_0, window_bounds = array<i64: 2, 1024, 64>}, {transform_indices = @transform_1, window_bounds = array<i64: 1, 1024, 16>}, {transform_indices = @transform_2, window_bounds = array<i64: 1024, 128>}, {pipeline_mode = #tpu.pipeline_mode<synchronous>, transform_indices = @transform_3, window_bounds = array<i64: 128, 128>}, {pipeline_mode = #tpu.pipeline_mode<synchronous>, transform_indices = @transform_4, window_bounds = array<i64: 1, 128>}, {pipeline_mode = #tpu.pipeline_mode<synchronous>, transform_indices = @transform_5, window_bounds = array<i64: 128, 128>}, {transform_indices = @transform_6, window_bounds = array<i64: 1024, 128>}]} {
    %get3A = arith.constant 0 : index
    %get3A_0 = arith.constant 0 : index
    %get3A_1 = arith.constant 0 : index
    %get3A_2 = vector.load %arg1[%get3A, %get3A_0, %get3A_1] : memref<2x1024x64xf32, #tpu.memory_space<vmem>>, vector<1x1024x64xf32>
    %get3A_3 = vector.shape_cast %get3A_2 : vector<1x1024x64xf32> to vector<1024x64xf32>
    %get3A_4 = arith.constant 1 : index
    %get3A_5 = arith.constant 0 : index
    %get3A_6 = arith.constant 0 : index
    %get3A_7 = vector.load %arg1[%get3A_4, %get3A_5, %get3A_6] : memref<2x1024x64xf32, #tpu.memory_space<vmem>>, vector<1x1024x64xf32>
    %get3A_8 = vector.shape_cast %get3A_7 : vector<1x1024x64xf32> to vector<1024x64xf32>
    %concatenate3A = tpu.concatenate %get3A_3, %get3A_8 in 1 : vector<1024x64xf32>, vector<1024x64xf32> -> vector<1024x128xf32>
    %get3A_9 = arith.constant 0 : index
    %get3A_10 = arith.constant 0 : index
    %get3A_11 = arith.constant 0 : index
    %get3A_12 = vector.load %arg2[%get3A_9, %get3A_10, %get3A_11] : memref<1x1024x16xf32, #tpu.memory_space<vmem>>, vector<1x1024x1xf32>
    %get3A_13 = vector.shape_cast %get3A_12 : vector<1x1024x1xf32> to vector<1024x1xf32>
    %max3A = arith.constant 1.000000e+00 : f32
    %max3A_14 = vector.broadcast %max3A : f32 to vector<1024x1xf32>
    %max3A_15 = arith.maximumf %get3A_13, %max3A_14 : vector<1024x1xf32>
    %div3A = vector.broadcast %max3A_15 : vector<1024x1xf32> to vector<1024x128xf32>
    %div3A_16 = arith.divf %concatenate3A, %div3A : vector<1024x128xf32>
    %get3A_17 = arith.constant 0 : index
    %get3A_18 = arith.constant 0 : index
    %get3A_19 = vector.load %arg4[%get3A_17, %get3A_18] : memref<128x128xf32, #tpu.memory_space<vmem>>, vector<128x128xf32>
    %dot_general3A = arith.constant dense<0.000000e+00> : vector<1024x128xf32>
    %dot_general3A_20 = tpu.matmul %div3A_16, %get3A_19, %dot_general3A {dimension_numbers = #tpu.dot_dimension_numbers<[1], [0], [0], [1], [0, 0, 1, 1], [], []>, transpose_lhs_hint = false} : vector<1024x128xf32>, vector<128x128xf32>, vector<1024x128xf32> -> vector<1024x128xf32>
    %get3A_21 = arith.constant 0 : index
    %get3A_22 = arith.constant 0 : index
    %get3A_23 = vector.load %arg5[%get3A_21, %get3A_22] : memref<1x128xf32, #tpu.memory_space<vmem>>, vector<1x128xf32>
    %add3A = vector.broadcast %get3A_23 : vector<1x128xf32> to vector<1024x128xf32>
    %add3A_24 = arith.addf %dot_general3A_20, %add3A : vector<1024x128xf32>
    %get3A_25 = arith.constant 0 : index
    %get3A_26 = arith.constant 0 : index
    %get3A_27 = vector.load %arg3[%get3A_25, %get3A_26] : memref<1024x128xf32, #tpu.memory_space<vmem>>, vector<1024x128xf32>
    %get3A_28 = arith.constant 0 : index
    %get3A_29 = arith.constant 0 : index
    %get3A_30 = vector.load %arg6[%get3A_28, %get3A_29] : memref<128x128xf32, #tpu.memory_space<vmem>>, vector<128x128xf32>
    %dot_general3A_31 = arith.constant dense<0.000000e+00> : vector<1024x128xf32>
    %dot_general3A_32 = tpu.matmul %get3A_27, %get3A_30, %dot_general3A_31 {dimension_numbers = #tpu.dot_dimension_numbers<[1], [0], [0], [1], [0, 0, 1, 1], [], []>, transpose_lhs_hint = false} : vector<1024x128xf32>, vector<128x128xf32>, vector<1024x128xf32> -> vector<1024x128xf32>
    %add3A_33 = arith.addf %add3A_24, %dot_general3A_32 : vector<1024x128xf32>
    %swap3A = arith.constant 0 : index
    %swap3A_34 = arith.constant 0 : index
    %swap3A_35 = vector.load %arg7[%swap3A, %swap3A_34] : memref<1024x128xf32, #tpu.memory_space<vmem>>, vector<1024x128xf32>
    tpu.vector_store %arg7[%swap3A, %swap3A_34], %add3A_33 {strides = array<i32>} : memref<1024x128xf32, #tpu.memory_space<vmem>>, vector<1024x128xf32>,
    return
  }
  func.func @transform_0(%arg0: i32) -> (i32, i32, i32) {
    %c0_i32 = arith.constant 0 : i32
    %c0_i32_0 = arith.constant 0 : i32
    %c0_i32_1 = arith.constant 0 : i32
    return %c0_i32, %arg0, %c0_i32_0 : i32, i32, i32
  }
  func.func @transform_1(%arg0: i32) -> (i32, i32, i32) {
    %c0_i32 = arith.constant 0 : i32
    %c0_i32_0 = arith.constant 0 : i32
    %c0_i32_1 = arith.constant 0 : i32
    return %c0_i32, %arg0, %c0_i32_0 : i32, i32, i32
  }
  func.func @transform_2(%arg0: i32) -> (i32, i32) {
    %c0_i32 = arith.constant 0 : i32
    %c0_i32_0 = arith.constant 0 : i32
    return %arg0, %c0_i32 : i32, i32
  }
  func.func @transform_3(%arg0: i32) -> (i32, i32) {
    %c0_i32 = arith.constant 0 : i32
    %c0_i32_0 = arith.constant 0 : i32
    %c0_i32_1 = arith.constant 0 : i32
    return %c0_i32, %c0_i32_0 : i32, i32
  }
  func.func @transform_4(%arg0: i32) -> (i32, i32) {
    %c0_i32 = arith.constant 0 : i32
    %c0_i32_0 = arith.constant 0 : i32
    %c0_i32_1 = arith.constant 0 : i32
    return %c0_i32, %c0_i32_0 : i32, i32
  }
  func.func @transform_5(%arg0: i32) -> (i32, i32) {
    %c0_i32 = arith.constant 0 : i32
    %c0_i32_0 = arith.constant 0 : i32
    %c0_i32_1 = arith.constant 0 : i32
    return %c0_i32, %c0_i32_0 : i32, i32
  }
  func.func @transform_6(%arg0: i32) -> (i32, i32) {
    %c0_i32 = arith.constant 0 : i32
    %c0_i32_0 = arith.constant 0 : i32
    return %arg0, %c0_i32 : i32, i32
  }
}

module attributes {stable_mosaic.version = 14 : i64} {
  func.func @_gru_body(%arg0: memref<1xi32, #tpu.memory_space<smem>>, %arg1: memref<64x1xi32, #tpu.memory_space<vmem>>, %arg2: memref<131072x128xf32, #tpu.memory_space<any>>, %arg3: memref<128x192xf32, #tpu.memory_space<vmem>>, %arg4: memref<64x192xf32, #tpu.memory_space<vmem>>, %arg5: memref<1x192xf32, #tpu.memory_space<vmem>>, %arg6: memref<1x192xf32, #tpu.memory_space<vmem>>, %arg7: memref<128x192xf32, #tpu.memory_space<vmem>>, %arg8: memref<64x192xf32, #tpu.memory_space<vmem>>, %arg9: memref<1x192xf32, #tpu.memory_space<vmem>>, %arg10: memref<1x192xf32, #tpu.memory_space<vmem>>, %arg11: memref<128x192xf32, #tpu.memory_space<vmem>>, %arg12: memref<64x192xf32, #tpu.memory_space<vmem>>, %arg13: memref<1x192xf32, #tpu.memory_space<vmem>>, %arg14: memref<1x192xf32, #tpu.memory_space<vmem>>, %arg15: memref<128x192xf32, #tpu.memory_space<vmem>>, %arg16: memref<64x192xf32, #tpu.memory_space<vmem>>, %arg17: memref<1x192xf32, #tpu.memory_space<vmem>>, %arg18: memref<1x192xf32, #tpu.memory_space<vmem>>, %arg19: memref<131072x64xf32, #tpu.memory_space<any>>, %arg20: memref<131072x64xf32, #tpu.memory_space<any>>, %arg21: memref<131072x64xf32, #tpu.memory_space<any>>, %arg22: memref<131072x64xf32, #tpu.memory_space<any>>, %arg23: memref<4096x128xf32, #tpu.memory_space<vmem>>, %arg24: memref<4096x64xf32, #tpu.memory_space<vmem>>, %arg25: memref<4096x64xf32, #tpu.memory_space<vmem>>, %arg26: memref<4096x64xf32, #tpu.memory_space<vmem>>, %arg27: memref<64x64xf32, #tpu.memory_space<vmem>>, %arg28: memref<!tpu.dma_semaphore, #tpu.memory_space<semaphore_mem>>, %arg29: memref<!tpu.dma_semaphore, #tpu.memory_space<semaphore_mem>>) attributes {dimension_semantics = [], scalar_prefetch = 0 : i64, scratch_operands = 7 : i64, tpu.core_type = #tpu.core_type<tc>} {
    %get3A = arith.constant 0 : index
    %get3A_0 = memref.load %arg0[%get3A] : memref<1xi32, #tpu.memory_space<smem>>
    %get3A_1 = arith.constant 0 : index
    %get3A_2 = arith.constant 0 : index
    %get3A_3 = vector.load %arg1[%get3A_1, %get3A_2] : memref<64x1xi32, #tpu.memory_space<vmem>>, vector<64x1xi32>
    %add3A = arith.constant 64 : i32
    %add3A_4 = arith.addi %get3A_0, %add3A : i32
    %sub3A = arith.constant 1 : i32
    %sub3A_5 = arith.subi %add3A_4, %sub3A : i32
    %jit3A = arith.constant 64 : i32
    %div3A = arith.divsi %sub3A_5, %jit3A : i32
    %sign3A = arith.constant 0 : i32
    %sign3A_6 = arith.cmpi sgt, %sub3A_5, %sign3A : i32
    %sign3A_7 = arith.extui %sign3A_6 : i1 to i32
    %sign3A_8 = arith.constant 0 : i32
    %sign3A_9 = arith.cmpi slt, %sub3A_5, %sign3A_8 : i32
    %sign3A_10 = arith.extui %sign3A_9 : i1 to i32
    %sign3A_11 = arith.subi %sign3A_7, %sign3A_10 : i32
    %sign3A_12 = arith.constant 0 : i32
    %sign3A_13 = arith.cmpi sgt, %jit3A, %sign3A_12 : i32
    %sign3A_14 = arith.extui %sign3A_13 : i1 to i32
    %sign3A_15 = arith.constant 0 : i32
    %sign3A_16 = arith.cmpi slt, %jit3A, %sign3A_15 : i32
    %sign3A_17 = arith.extui %sign3A_16 : i1 to i32
    %sign3A_18 = arith.subi %sign3A_14, %sign3A_17 : i32
    %ne3A = arith.cmpi ne, %sign3A_11, %sign3A_18 : i32
    %rem3A = arith.remsi %sub3A_5, %jit3A : i32
    %ne3A_19 = arith.constant 0 : i32
    %ne3A_20 = arith.cmpi ne, %rem3A, %ne3A_19 : i32
    %and3A = arith.andi %ne3A, %ne3A_20 : i1
    %sub3A_21 = arith.constant 1 : i32
    %sub3A_22 = arith.subi %div3A, %sub3A_21 : i32
    %select_n3A = arith.select %and3A, %sub3A_22, %div3A : i32
    %broadcast_in_dim3A = arith.constant 0.000000e+00 : f32
    %broadcast_in_dim3A_23 = vector.broadcast %broadcast_in_dim3A : f32 to vector<64x64xf32>
    %swap3A = arith.constant 0 : index
    %swap3A_24 = arith.constant 0 : index
    %swap3A_25 = vector.load %arg27[%swap3A, %swap3A_24] : memref<64x64xf32, #tpu.memory_space<vmem>>, vector<64x64xf32>
    tpu.vector_store %arg27[%swap3A, %swap3A_24], %broadcast_in_dim3A_23 {strides = array<i32>} : memref<64x64xf32, #tpu.memory_space<vmem>>, vector<64x64xf32>,
    %while3A = arith.constant 0 : i32
    %while3A_26 = arith.constant 0 : i32
    %while3A_27 = arith.subi %select_n3A, %while3A_26 : i32
    %while3A_28 = arith.addi %while3A_26, %while3A_27 : i32
    %while3A_29 = arith.constant 1 : i32
    %while3A_30 = arith.divsi %while3A_27, %while3A_29 : i32
    %while3A_31 = arith.muli %while3A_30, %while3A_29 : i32
    %while3A_32 = arith.addi %while3A_26, %while3A_31 : i32
    %while3A_33 = arith.constant 1 : i32
    scf.for %while3A_80 = %while3A_26 to %while3A_32 step %while3A_33  : i32 {
      %mul3A = arith.constant 64 : i32
      %mul3A_81 = arith.muli %while3A_80, %mul3A : i32
      %sub3A_82 = arith.subi %get3A_0, %mul3A_81 : i32
      %min3A = arith.constant 64 : i32
      %min3A_83 = arith.minsi %sub3A_82, %min3A : i32
      %mul3A_84 = arith.constant 64 : i32
      %mul3A_85 = arith.muli %mul3A_81, %mul3A_84 : i32
      %multiple_of3A = tpu.assume_multiple %mul3A_85, 64 : i32
      %dma_start3A = arith.constant 0 : i32
      %dma_start3A_86 = tpu.memref_slice %arg2[%multiple_of3A, %dma_start3A] : memref<131072x128xf32, #tpu.memory_space<any>> -> memref<4096x128xf32, #tpu.memory_space<any>>
      tpu.enqueue_dma source(%dma_start3A_86 : memref<4096x128xf32, #tpu.memory_space<any>>) target(%arg23 : memref<4096x128xf32, #tpu.memory_space<vmem>>) target_semaphore(%arg28 : memref<!tpu.dma_semaphore, #tpu.memory_space<semaphore_mem>>)
      %dma_wait3A = arith.constant 0 : i32
      %dma_wait3A_87 = tpu.memref_slice %arg2[%multiple_of3A, %dma_wait3A] : memref<131072x128xf32, #tpu.memory_space<any>> -> memref<4096x128xf32, #tpu.memory_space<any>>
      tpu.wait_dma2 semaphore(%arg28 : memref<!tpu.dma_semaphore, #tpu.memory_space<semaphore_mem>>) src(%dma_wait3A_87 : memref<4096x128xf32, #tpu.memory_space<any>>) dst(%arg23 : memref<4096x128xf32, #tpu.memory_space<vmem>>)
      %while3A_88 = arith.constant 0 : i32
      %while3A_89 = arith.constant 0 : i32
      %while3A_90 = arith.subi %min3A_83, %while3A_89 : i32
      %while3A_91 = arith.addi %while3A_89, %while3A_90 : i32
      %while3A_92 = arith.constant 1 : i32
      %while3A_93 = arith.divsi %while3A_90, %while3A_92 : i32
      %while3A_94 = arith.muli %while3A_93, %while3A_92 : i32
      %while3A_95 = arith.addi %while3A_89, %while3A_94 : i32
      %while3A_96 = arith.constant 1 : i32
      scf.for %while3A_102 = %while3A_89 to %while3A_95 step %while3A_96  : i32 {
        %mul3A_103 = arith.constant 64 : i32
        %mul3A_104 = arith.muli %while3A_102, %mul3A_103 : i32
        %get3A_105 = arith.index_cast %mul3A_104 : i32 to index
        %get3A_106 = arith.constant 0 : index
        %get3A_107 = vector.load %arg23[%get3A_105, %get3A_106] : memref<4096x128xf32, #tpu.memory_space<vmem>>, vector<64x128xf32>
        %add3A_108 = arith.addi %mul3A_81, %while3A_102 : i32
        %gt3A = vector.broadcast %add3A_108 : i32 to vector<64x1xi32>
        %gt3A_109 = arith.cmpi sgt, %get3A_3, %gt3A : vector<64x1xi32>
        %jit3A_110 = arith.constant 0.000000e+00 : f32
        %broadcast_in_dim3A_111 = vector.shape_cast %gt3A_109 : vector<64x1xi1> to vector<64x1xi1>
        %broadcast_in_dim3A_112 = vector.broadcast %broadcast_in_dim3A_111 : vector<64x1xi1> to vector<64x128xi1>
        %broadcast_in_dim3A_113 = vector.broadcast %jit3A_110 : f32 to vector<64x128xf32>
        %select_n3A_114 = arith.select %broadcast_in_dim3A_112, %get3A_107, %broadcast_in_dim3A_113 : vector<64x128xi1>, vector<64x128xf32>
        %get3A_115 = arith.constant 0 : index
        %get3A_116 = arith.constant 0 : index
        %get3A_117 = vector.load %arg27[%get3A_115, %get3A_116] : memref<64x64xf32, #tpu.memory_space<vmem>>, vector<64x64xf32>
        %get3A_118 = arith.constant 0 : index
        %get3A_119 = arith.constant 0 : index
        %get3A_120 = vector.load %arg3[%get3A_118, %get3A_119] : memref<128x192xf32, #tpu.memory_space<vmem>>, vector<128x192xf32>
        %dot_general3A = arith.constant dense<0.000000e+00> : vector<64x192xf32>
        %dot_general3A_121 = tpu.matmul %select_n3A_114, %get3A_120, %dot_general3A {dimension_numbers = #tpu.dot_dimension_numbers<[1], [0], [0], [1], [0, 0, 1, 1], [], []>, transpose_lhs_hint = false} : vector<64x128xf32>, vector<128x192xf32>, vector<64x192xf32> -> vector<64x192xf32>
        %get3A_122 = arith.constant 0 : index
        %get3A_123 = arith.constant 0 : index
        %get3A_124 = vector.load %arg5[%get3A_122, %get3A_123] : memref<1x192xf32, #tpu.memory_space<vmem>>, vector<1x192xf32>
        %add3A_125 = vector.broadcast %get3A_124 : vector<1x192xf32> to vector<64x192xf32>
        %add3A_126 = arith.addf %dot_general3A_121, %add3A_125 : vector<64x192xf32>
        %get3A_127 = arith.constant 0 : index
        %get3A_128 = arith.constant 0 : index
        %get3A_129 = vector.load %arg4[%get3A_127, %get3A_128] : memref<64x192xf32, #tpu.memory_space<vmem>>, vector<64x192xf32>
        %dot_general3A_130 = arith.constant dense<0.000000e+00> : vector<64x192xf32>
        %dot_general3A_131 = tpu.matmul %get3A_117, %get3A_129, %dot_general3A_130 {dimension_numbers = #tpu.dot_dimension_numbers<[1], [0], [0], [1], [0, 0, 1, 1], [], []>, transpose_lhs_hint = false} : vector<64x64xf32>, vector<64x192xf32>, vector<64x192xf32> -> vector<64x192xf32>
        %get3A_132 = arith.constant 0 : index
        %get3A_133 = arith.constant 0 : index
        %get3A_134 = vector.load %arg6[%get3A_132, %get3A_133] : memref<1x192xf32, #tpu.memory_space<vmem>>, vector<1x192xf32>
        %add3A_135 = vector.broadcast %get3A_134 : vector<1x192xf32> to vector<64x192xf32>
        %add3A_136 = arith.addf %dot_general3A_131, %add3A_135 : vector<64x192xf32>
        %slice3A = vector.extract_strided_slice %add3A_126 {offsets = [0, 0], sizes = [64, 64], strides = [1, 1]} : vector<64x192xf32> to vector<64x64xf32>
        %slice3A_137 = vector.extract_strided_slice %add3A_136 {offsets = [0, 0], sizes = [64, 64], strides = [1, 1]} : vector<64x192xf32> to vector<64x64xf32>
        %add3A_138 = arith.addf %slice3A, %slice3A_137 : vector<64x64xf32>
        %logistic3A = arith.negf %add3A_138 : vector<64x64xf32>
        %logistic3A_139 = math.exp %logistic3A : vector<64x64xf32>
        %logistic3A_140 = arith.constant 1.000000e+00 : f32
        %logistic3A_141 = vector.broadcast %logistic3A_140 : f32 to vector<64x64xf32>
        %logistic3A_142 = arith.addf %logistic3A_141, %logistic3A_139 : vector<64x64xf32>
        %logistic3A_143 = arith.divf %logistic3A_141, %logistic3A_142 : vector<64x64xf32>
        %slice3A_144 = vector.extract_strided_slice %add3A_126 {offsets = [0, 64], sizes = [64, 64], strides = [1, 1]} : vector<64x192xf32> to vector<64x64xf32>
        %slice3A_145 = vector.extract_strided_slice %add3A_136 {offsets = [0, 64], sizes = [64, 64], strides = [1, 1]} : vector<64x192xf32> to vector<64x64xf32>
        %add3A_146 = arith.addf %slice3A_144, %slice3A_145 : vector<64x64xf32>
        %logistic3A_147 = arith.negf %add3A_146 : vector<64x64xf32>
        %logistic3A_148 = math.exp %logistic3A_147 : vector<64x64xf32>
        %logistic3A_149 = arith.constant 1.000000e+00 : f32
        %logistic3A_150 = vector.broadcast %logistic3A_149 : f32 to vector<64x64xf32>
        %logistic3A_151 = arith.addf %logistic3A_150, %logistic3A_148 : vector<64x64xf32>
        %logistic3A_152 = arith.divf %logistic3A_150, %logistic3A_151 : vector<64x64xf32>
        %slice3A_153 = vector.extract_strided_slice %add3A_126 {offsets = [0, 128], sizes = [64, 64], strides = [1, 1]} : vector<64x192xf32> to vector<64x64xf32>
        %slice3A_154 = vector.extract_strided_slice %add3A_136 {offsets = [0, 128], sizes = [64, 64], strides = [1, 1]} : vector<64x192xf32> to vector<64x64xf32>
        %mul3A_155 = arith.mulf %logistic3A_143, %slice3A_154 : vector<64x64xf32>
        %add3A_156 = arith.addf %slice3A_153, %mul3A_155 : vector<64x64xf32>
        %tanh3A = math.tanh %add3A_156 : vector<64x64xf32>
        %sub3A_157 = arith.constant 1.000000e+00 : f32
        %sub3A_158 = vector.broadcast %sub3A_157 : f32 to vector<64x64xf32>
        %sub3A_159 = arith.subf %sub3A_158, %logistic3A_152 : vector<64x64xf32>
        %mul3A_160 = arith.mulf %sub3A_159, %tanh3A : vector<64x64xf32>
        %mul3A_161 = arith.mulf %logistic3A_152, %get3A_117 : vector<64x64xf32>
        %add3A_162 = arith.addf %mul3A_160, %mul3A_161 : vector<64x64xf32>
        %swap3A_163 = arith.constant 0 : index
        %swap3A_164 = arith.constant 0 : index
        %swap3A_165 = vector.load %arg27[%swap3A_163, %swap3A_164] : memref<64x64xf32, #tpu.memory_space<vmem>>, vector<64x64xf32>
        tpu.vector_store %arg27[%swap3A_163, %swap3A_164], %add3A_162 {strides = array<i32>} : memref<64x64xf32, #tpu.memory_space<vmem>>, vector<64x64xf32>,
        %swap3A_166 = arith.index_cast %mul3A_104 : i32 to index
        %swap3A_167 = arith.constant 0 : index
        %swap3A_168 = vector.load %arg26[%swap3A_166, %swap3A_167] : memref<4096x64xf32, #tpu.memory_space<vmem>>, vector<64x64xf32>
        tpu.vector_store %arg26[%swap3A_166, %swap3A_167], %add3A_162 {strides = array<i32>} : memref<4096x64xf32, #tpu.memory_space<vmem>>, vector<64x64xf32>,
      }
      %while3A_97 = arith.constant 1 : i32
      scf.for %while3A_102 = %while3A_95 to %while3A_91 step %while3A_97  : i32 {
        %mul3A_103 = arith.constant 64 : i32
        %mul3A_104 = arith.muli %while3A_102, %mul3A_103 : i32
        %get3A_105 = arith.index_cast %mul3A_104 : i32 to index
        %get3A_106 = arith.constant 0 : index
        %get3A_107 = vector.load %arg23[%get3A_105, %get3A_106] : memref<4096x128xf32, #tpu.memory_space<vmem>>, vector<64x128xf32>
        %add3A_108 = arith.addi %mul3A_81, %while3A_102 : i32
        %gt3A = vector.broadcast %add3A_108 : i32 to vector<64x1xi32>
        %gt3A_109 = arith.cmpi sgt, %get3A_3, %gt3A : vector<64x1xi32>
        %jit3A_110 = arith.constant 0.000000e+00 : f32
        %broadcast_in_dim3A_111 = vector.shape_cast %gt3A_109 : vector<64x1xi1> to vector<64x1xi1>
        %broadcast_in_dim3A_112 = vector.broadcast %broadcast_in_dim3A_111 : vector<64x1xi1> to vector<64x128xi1>
        %broadcast_in_dim3A_113 = vector.broadcast %jit3A_110 : f32 to vector<64x128xf32>
        %select_n3A_114 = arith.select %broadcast_in_dim3A_112, %get3A_107, %broadcast_in_dim3A_113 : vector<64x128xi1>, vector<64x128xf32>
        %get3A_115 = arith.constant 0 : index
        %get3A_116 = arith.constant 0 : index
        %get3A_117 = vector.load %arg27[%get3A_115, %get3A_116] : memref<64x64xf32, #tpu.memory_space<vmem>>, vector<64x64xf32>
        %get3A_118 = arith.constant 0 : index
        %get3A_119 = arith.constant 0 : index
        %get3A_120 = vector.load %arg3[%get3A_118, %get3A_119] : memref<128x192xf32, #tpu.memory_space<vmem>>, vector<128x192xf32>
        %dot_general3A = arith.constant dense<0.000000e+00> : vector<64x192xf32>
        %dot_general3A_121 = tpu.matmul %select_n3A_114, %get3A_120, %dot_general3A {dimension_numbers = #tpu.dot_dimension_numbers<[1], [0], [0], [1], [0, 0, 1, 1], [], []>, transpose_lhs_hint = false} : vector<64x128xf32>, vector<128x192xf32>, vector<64x192xf32> -> vector<64x192xf32>
        %get3A_122 = arith.constant 0 : index
        %get3A_123 = arith.constant 0 : index
        %get3A_124 = vector.load %arg5[%get3A_122, %get3A_123] : memref<1x192xf32, #tpu.memory_space<vmem>>, vector<1x192xf32>
        %add3A_125 = vector.broadcast %get3A_124 : vector<1x192xf32> to vector<64x192xf32>
        %add3A_126 = arith.addf %dot_general3A_121, %add3A_125 : vector<64x192xf32>
        %get3A_127 = arith.constant 0 : index
        %get3A_128 = arith.constant 0 : index
        %get3A_129 = vector.load %arg4[%get3A_127, %get3A_128] : memref<64x192xf32, #tpu.memory_space<vmem>>, vector<64x192xf32>
        %dot_general3A_130 = arith.constant dense<0.000000e+00> : vector<64x192xf32>
        %dot_general3A_131 = tpu.matmul %get3A_117, %get3A_129, %dot_general3A_130 {dimension_numbers = #tpu.dot_dimension_numbers<[1], [0], [0], [1], [0, 0, 1, 1], [], []>, transpose_lhs_hint = false} : vector<64x64xf32>, vector<64x192xf32>, vector<64x192xf32> -> vector<64x192xf32>
        %get3A_132 = arith.constant 0 : index
        %get3A_133 = arith.constant 0 : index
        %get3A_134 = vector.load %arg6[%get3A_132, %get3A_133] : memref<1x192xf32, #tpu.memory_space<vmem>>, vector<1x192xf32>
        %add3A_135 = vector.broadcast %get3A_134 : vector<1x192xf32> to vector<64x192xf32>
        %add3A_136 = arith.addf %dot_general3A_131, %add3A_135 : vector<64x192xf32>
        %slice3A = vector.extract_strided_slice %add3A_126 {offsets = [0, 0], sizes = [64, 64], strides = [1, 1]} : vector<64x192xf32> to vector<64x64xf32>
        %slice3A_137 = vector.extract_strided_slice %add3A_136 {offsets = [0, 0], sizes = [64, 64], strides = [1, 1]} : vector<64x192xf32> to vector<64x64xf32>
        %add3A_138 = arith.addf %slice3A, %slice3A_137 : vector<64x64xf32>
        %logistic3A = arith.negf %add3A_138 : vector<64x64xf32>
        %logistic3A_139 = math.exp %logistic3A : vector<64x64xf32>
        %logistic3A_140 = arith.constant 1.000000e+00 : f32
        %logistic3A_141 = vector.broadcast %logistic3A_140 : f32 to vector<64x64xf32>
        %logistic3A_142 = arith.addf %logistic3A_141, %logistic3A_139 : vector<64x64xf32>
        %logistic3A_143 = arith.divf %logistic3A_141, %logistic3A_142 : vector<64x64xf32>
        %slice3A_144 = vector.extract_strided_slice %add3A_126 {offsets = [0, 64], sizes = [64, 64], strides = [1, 1]} : vector<64x192xf32> to vector<64x64xf32>
        %slice3A_145 = vector.extract_strided_slice %add3A_136 {offsets = [0, 64], sizes = [64, 64], strides = [1, 1]} : vector<64x192xf32> to vector<64x64xf32>
        %add3A_146 = arith.addf %slice3A_144, %slice3A_145 : vector<64x64xf32>
        %logistic3A_147 = arith.negf %add3A_146 : vector<64x64xf32>
        %logistic3A_148 = math.exp %logistic3A_147 : vector<64x64xf32>
        %logistic3A_149 = arith.constant 1.000000e+00 : f32
        %logistic3A_150 = vector.broadcast %logistic3A_149 : f32 to vector<64x64xf32>
        %logistic3A_151 = arith.addf %logistic3A_150, %logistic3A_148 : vector<64x64xf32>
        %logistic3A_152 = arith.divf %logistic3A_150, %logistic3A_151 : vector<64x64xf32>
        %slice3A_153 = vector.extract_strided_slice %add3A_126 {offsets = [0, 128], sizes = [64, 64], strides = [1, 1]} : vector<64x192xf32> to vector<64x64xf32>
        %slice3A_154 = vector.extract_strided_slice %add3A_136 {offsets = [0, 128], sizes = [64, 64], strides = [1, 1]} : vector<64x192xf32> to vector<64x64xf32>
        %mul3A_155 = arith.mulf %logistic3A_143, %slice3A_154 : vector<64x64xf32>
        %add3A_156 = arith.addf %slice3A_153, %mul3A_155 : vector<64x64xf32>
        %tanh3A = math.tanh %add3A_156 : vector<64x64xf32>
        %sub3A_157 = arith.constant 1.000000e+00 : f32
        %sub3A_158 = vector.broadcast %sub3A_157 : f32 to vector<64x64xf32>
        %sub3A_159 = arith.subf %sub3A_158, %logistic3A_152 : vector<64x64xf32>
        %mul3A_160 = arith.mulf %sub3A_159, %tanh3A : vector<64x64xf32>
        %mul3A_161 = arith.mulf %logistic3A_152, %get3A_117 : vector<64x64xf32>
        %add3A_162 = arith.addf %mul3A_160, %mul3A_161 : vector<64x64xf32>
        %swap3A_163 = arith.constant 0 : index
        %swap3A_164 = arith.constant 0 : index
        %swap3A_165 = vector.load %arg27[%swap3A_163, %swap3A_164] : memref<64x64xf32, #tpu.memory_space<vmem>>, vector<64x64xf32>
        tpu.vector_store %arg27[%swap3A_163, %swap3A_164], %add3A_162 {strides = array<i32>} : memref<64x64xf32, #tpu.memory_space<vmem>>, vector<64x64xf32>,
        %swap3A_166 = arith.index_cast %mul3A_104 : i32 to index
        %swap3A_167 = arith.constant 0 : index
        %swap3A_168 = vector.load %arg26[%swap3A_166, %swap3A_167] : memref<4096x64xf32, #tpu.memory_space<vmem>>, vector<64x64xf32>
        tpu.vector_store %arg26[%swap3A_166, %swap3A_167], %add3A_162 {strides = array<i32>} : memref<4096x64xf32, #tpu.memory_space<vmem>>, vector<64x64xf32>,
      }
      %dma_start3A_98 = arith.constant 0 : i32
      %dma_start3A_99 = tpu.memref_slice %arg19[%multiple_of3A, %dma_start3A_98] : memref<131072x64xf32, #tpu.memory_space<any>> -> memref<4096x64xf32, #tpu.memory_space<any>>
      tpu.enqueue_dma source(%arg26 : memref<4096x64xf32, #tpu.memory_space<vmem>>) target(%dma_start3A_99 : memref<4096x64xf32, #tpu.memory_space<any>>) target_semaphore(%arg29 : memref<!tpu.dma_semaphore, #tpu.memory_space<semaphore_mem>>)
      %dma_wait3A_100 = arith.constant 0 : i32
      %dma_wait3A_101 = tpu.memref_slice %arg19[%multiple_of3A, %dma_wait3A_100] : memref<131072x64xf32, #tpu.memory_space<any>> -> memref<4096x64xf32, #tpu.memory_space<any>>
      tpu.wait_dma2 semaphore(%arg29 : memref<!tpu.dma_semaphore, #tpu.memory_space<semaphore_mem>>) src(%arg26 : memref<4096x64xf32, #tpu.memory_space<vmem>>) dst(%dma_wait3A_101 : memref<4096x64xf32, #tpu.memory_space<any>>)
    }
    %while3A_34 = arith.constant 1 : i32
    scf.for %while3A_80 = %while3A_32 to %while3A_28 step %while3A_34  : i32 {
      %mul3A = arith.constant 64 : i32
      %mul3A_81 = arith.muli %while3A_80, %mul3A : i32
      %sub3A_82 = arith.subi %get3A_0, %mul3A_81 : i32
      %min3A = arith.constant 64 : i32
      %min3A_83 = arith.minsi %sub3A_82, %min3A : i32
      %mul3A_84 = arith.constant 64 : i32
      %mul3A_85 = arith.muli %mul3A_81, %mul3A_84 : i32
      %multiple_of3A = tpu.assume_multiple %mul3A_85, 64 : i32
      %dma_start3A = arith.constant 0 : i32
      %dma_start3A_86 = tpu.memref_slice %arg2[%multiple_of3A, %dma_start3A] : memref<131072x128xf32, #tpu.memory_space<any>> -> memref<4096x128xf32, #tpu.memory_space<any>>
      tpu.enqueue_dma source(%dma_start3A_86 : memref<4096x128xf32, #tpu.memory_space<any>>) target(%arg23 : memref<4096x128xf32, #tpu.memory_space<vmem>>) target_semaphore(%arg28 : memref<!tpu.dma_semaphore, #tpu.memory_space<semaphore_mem>>)
      %dma_wait3A = arith.constant 0 : i32
      %dma_wait3A_87 = tpu.memref_slice %arg2[%multiple_of3A, %dma_wait3A] : memref<131072x128xf32, #tpu.memory_space<any>> -> memref<4096x128xf32, #tpu.memory_space<any>>
      tpu.wait_dma2 semaphore(%arg28 : memref<!tpu.dma_semaphore, #tpu.memory_space<semaphore_mem>>) src(%dma_wait3A_87 : memref<4096x128xf32, #tpu.memory_space<any>>) dst(%arg23 : memref<4096x128xf32, #tpu.memory_space<vmem>>)
      %while3A_88 = arith.constant 0 : i32
      %while3A_89 = arith.constant 0 : i32
      %while3A_90 = arith.subi %min3A_83, %while3A_89 : i32
      %while3A_91 = arith.addi %while3A_89, %while3A_90 : i32
      %while3A_92 = arith.constant 1 : i32
      %while3A_93 = arith.divsi %while3A_90, %while3A_92 : i32
      %while3A_94 = arith.muli %while3A_93, %while3A_92 : i32
      %while3A_95 = arith.addi %while3A_89, %while3A_94 : i32
      %while3A_96 = arith.constant 1 : i32
      scf.for %while3A_102 = %while3A_89 to %while3A_95 step %while3A_96  : i32 {
        %mul3A_103 = arith.constant 64 : i32
        %mul3A_104 = arith.muli %while3A_102, %mul3A_103 : i32
        %get3A_105 = arith.index_cast %mul3A_104 : i32 to index
        %get3A_106 = arith.constant 0 : index
        %get3A_107 = vector.load %arg23[%get3A_105, %get3A_106] : memref<4096x128xf32, #tpu.memory_space<vmem>>, vector<64x128xf32>
        %add3A_108 = arith.addi %mul3A_81, %while3A_102 : i32
        %gt3A = vector.broadcast %add3A_108 : i32 to vector<64x1xi32>
        %gt3A_109 = arith.cmpi sgt, %get3A_3, %gt3A : vector<64x1xi32>
        %jit3A_110 = arith.constant 0.000000e+00 : f32
        %broadcast_in_dim3A_111 = vector.shape_cast %gt3A_109 : vector<64x1xi1> to vector<64x1xi1>
        %broadcast_in_dim3A_112 = vector.broadcast %broadcast_in_dim3A_111 : vector<64x1xi1> to vector<64x128xi1>
        %broadcast_in_dim3A_113 = vector.broadcast %jit3A_110 : f32 to vector<64x128xf32>
        %select_n3A_114 = arith.select %broadcast_in_dim3A_112, %get3A_107, %broadcast_in_dim3A_113 : vector<64x128xi1>, vector<64x128xf32>
        %get3A_115 = arith.constant 0 : index
        %get3A_116 = arith.constant 0 : index
        %get3A_117 = vector.load %arg27[%get3A_115, %get3A_116] : memref<64x64xf32, #tpu.memory_space<vmem>>, vector<64x64xf32>
        %get3A_118 = arith.constant 0 : index
        %get3A_119 = arith.constant 0 : index
        %get3A_120 = vector.load %arg3[%get3A_118, %get3A_119] : memref<128x192xf32, #tpu.memory_space<vmem>>, vector<128x192xf32>
        %dot_general3A = arith.constant dense<0.000000e+00> : vector<64x192xf32>
        %dot_general3A_121 = tpu.matmul %select_n3A_114, %get3A_120, %dot_general3A {dimension_numbers = #tpu.dot_dimension_numbers<[1], [0], [0], [1], [0, 0, 1, 1], [], []>, transpose_lhs_hint = false} : vector<64x128xf32>, vector<128x192xf32>, vector<64x192xf32> -> vector<64x192xf32>
        %get3A_122 = arith.constant 0 : index
        %get3A_123 = arith.constant 0 : index
        %get3A_124 = vector.load %arg5[%get3A_122, %get3A_123] : memref<1x192xf32, #tpu.memory_space<vmem>>, vector<1x192xf32>
        %add3A_125 = vector.broadcast %get3A_124 : vector<1x192xf32> to vector<64x192xf32>
        %add3A_126 = arith.addf %dot_general3A_121, %add3A_125 : vector<64x192xf32>
        %get3A_127 = arith.constant 0 : index
        %get3A_128 = arith.constant 0 : index
        %get3A_129 = vector.load %arg4[%get3A_127, %get3A_128] : memref<64x192xf32, #tpu.memory_space<vmem>>, vector<64x192xf32>
        %dot_general3A_130 = arith.constant dense<0.000000e+00> : vector<64x192xf32>
        %dot_general3A_131 = tpu.matmul %get3A_117, %get3A_129, %dot_general3A_130 {dimension_numbers = #tpu.dot_dimension_numbers<[1], [0], [0], [1], [0, 0, 1, 1], [], []>, transpose_lhs_hint = false} : vector<64x64xf32>, vector<64x192xf32>, vector<64x192xf32> -> vector<64x192xf32>
        %get3A_132 = arith.constant 0 : index
        %get3A_133 = arith.constant 0 : index
        %get3A_134 = vector.load %arg6[%get3A_132, %get3A_133] : memref<1x192xf32, #tpu.memory_space<vmem>>, vector<1x192xf32>
        %add3A_135 = vector.broadcast %get3A_134 : vector<1x192xf32> to vector<64x192xf32>
        %add3A_136 = arith.addf %dot_general3A_131, %add3A_135 : vector<64x192xf32>
        %slice3A = vector.extract_strided_slice %add3A_126 {offsets = [0, 0], sizes = [64, 64], strides = [1, 1]} : vector<64x192xf32> to vector<64x64xf32>
        %slice3A_137 = vector.extract_strided_slice %add3A_136 {offsets = [0, 0], sizes = [64, 64], strides = [1, 1]} : vector<64x192xf32> to vector<64x64xf32>
        %add3A_138 = arith.addf %slice3A, %slice3A_137 : vector<64x64xf32>
        %logistic3A = arith.negf %add3A_138 : vector<64x64xf32>
        %logistic3A_139 = math.exp %logistic3A : vector<64x64xf32>
        %logistic3A_140 = arith.constant 1.000000e+00 : f32
        %logistic3A_141 = vector.broadcast %logistic3A_140 : f32 to vector<64x64xf32>
        %logistic3A_142 = arith.addf %logistic3A_141, %logistic3A_139 : vector<64x64xf32>
        %logistic3A_143 = arith.divf %logistic3A_141, %logistic3A_142 : vector<64x64xf32>
        %slice3A_144 = vector.extract_strided_slice %add3A_126 {offsets = [0, 64], sizes = [64, 64], strides = [1, 1]} : vector<64x192xf32> to vector<64x64xf32>
        %slice3A_145 = vector.extract_strided_slice %add3A_136 {offsets = [0, 64], sizes = [64, 64], strides = [1, 1]} : vector<64x192xf32> to vector<64x64xf32>
        %add3A_146 = arith.addf %slice3A_144, %slice3A_145 : vector<64x64xf32>
        %logistic3A_147 = arith.negf %add3A_146 : vector<64x64xf32>
        %logistic3A_148 = math.exp %logistic3A_147 : vector<64x64xf32>
        %logistic3A_149 = arith.constant 1.000000e+00 : f32
        %logistic3A_150 = vector.broadcast %logistic3A_149 : f32 to vector<64x64xf32>
        %logistic3A_151 = arith.addf %logistic3A_150, %logistic3A_148 : vector<64x64xf32>
        %logistic3A_152 = arith.divf %logistic3A_150, %logistic3A_151 : vector<64x64xf32>
        %slice3A_153 = vector.extract_strided_slice %add3A_126 {offsets = [0, 128], sizes = [64, 64], strides = [1, 1]} : vector<64x192xf32> to vector<64x64xf32>
        %slice3A_154 = vector.extract_strided_slice %add3A_136 {offsets = [0, 128], sizes = [64, 64], strides = [1, 1]} : vector<64x192xf32> to vector<64x64xf32>
        %mul3A_155 = arith.mulf %logistic3A_143, %slice3A_154 : vector<64x64xf32>
        %add3A_156 = arith.addf %slice3A_153, %mul3A_155 : vector<64x64xf32>
        %tanh3A = math.tanh %add3A_156 : vector<64x64xf32>
        %sub3A_157 = arith.constant 1.000000e+00 : f32
        %sub3A_158 = vector.broadcast %sub3A_157 : f32 to vector<64x64xf32>
        %sub3A_159 = arith.subf %sub3A_158, %logistic3A_152 : vector<64x64xf32>
        %mul3A_160 = arith.mulf %sub3A_159, %tanh3A : vector<64x64xf32>
        %mul3A_161 = arith.mulf %logistic3A_152, %get3A_117 : vector<64x64xf32>
        %add3A_162 = arith.addf %mul3A_160, %mul3A_161 : vector<64x64xf32>
        %swap3A_163 = arith.constant 0 : index
        %swap3A_164 = arith.constant 0 : index
        %swap3A_165 = vector.load %arg27[%swap3A_163, %swap3A_164] : memref<64x64xf32, #tpu.memory_space<vmem>>, vector<64x64xf32>
        tpu.vector_store %arg27[%swap3A_163, %swap3A_164], %add3A_162 {strides = array<i32>} : memref<64x64xf32, #tpu.memory_space<vmem>>, vector<64x64xf32>,
        %swap3A_166 = arith.index_cast %mul3A_104 : i32 to index
        %swap3A_167 = arith.constant 0 : index
        %swap3A_168 = vector.load %arg26[%swap3A_166, %swap3A_167] : memref<4096x64xf32, #tpu.memory_space<vmem>>, vector<64x64xf32>
        tpu.vector_store %arg26[%swap3A_166, %swap3A_167], %add3A_162 {strides = array<i32>} : memref<4096x64xf32, #tpu.memory_space<vmem>>, vector<64x64xf32>,
      }
      %while3A_97 = arith.constant 1 : i32
      scf.for %while3A_102 = %while3A_95 to %while3A_91 step %while3A_97  : i32 {
        %mul3A_103 = arith.constant 64 : i32
        %mul3A_104 = arith.muli %while3A_102, %mul3A_103 : i32
        %get3A_105 = arith.index_cast %mul3A_104 : i32 to index
        %get3A_106 = arith.constant 0 : index
        %get3A_107 = vector.load %arg23[%get3A_105, %get3A_106] : memref<4096x128xf32, #tpu.memory_space<vmem>>, vector<64x128xf32>
        %add3A_108 = arith.addi %mul3A_81, %while3A_102 : i32
        %gt3A = vector.broadcast %add3A_108 : i32 to vector<64x1xi32>
        %gt3A_109 = arith.cmpi sgt, %get3A_3, %gt3A : vector<64x1xi32>
        %jit3A_110 = arith.constant 0.000000e+00 : f32
        %broadcast_in_dim3A_111 = vector.shape_cast %gt3A_109 : vector<64x1xi1> to vector<64x1xi1>
        %broadcast_in_dim3A_112 = vector.broadcast %broadcast_in_dim3A_111 : vector<64x1xi1> to vector<64x128xi1>
        %broadcast_in_dim3A_113 = vector.broadcast %jit3A_110 : f32 to vector<64x128xf32>
        %select_n3A_114 = arith.select %broadcast_in_dim3A_112, %get3A_107, %broadcast_in_dim3A_113 : vector<64x128xi1>, vector<64x128xf32>
        %get3A_115 = arith.constant 0 : index
        %get3A_116 = arith.constant 0 : index
        %get3A_117 = vector.load %arg27[%get3A_115, %get3A_116] : memref<64x64xf32, #tpu.memory_space<vmem>>, vector<64x64xf32>
        %get3A_118 = arith.constant 0 : index
        %get3A_119 = arith.constant 0 : index
        %get3A_120 = vector.load %arg3[%get3A_118, %get3A_119] : memref<128x192xf32, #tpu.memory_space<vmem>>, vector<128x192xf32>
        %dot_general3A = arith.constant dense<0.000000e+00> : vector<64x192xf32>
        %dot_general3A_121 = tpu.matmul %select_n3A_114, %get3A_120, %dot_general3A {dimension_numbers = #tpu.dot_dimension_numbers<[1], [0], [0], [1], [0, 0, 1, 1], [], []>, transpose_lhs_hint = false} : vector<64x128xf32>, vector<128x192xf32>, vector<64x192xf32> -> vector<64x192xf32>
        %get3A_122 = arith.constant 0 : index
        %get3A_123 = arith.constant 0 : index
        %get3A_124 = vector.load %arg5[%get3A_122, %get3A_123] : memref<1x192xf32, #tpu.memory_space<vmem>>, vector<1x192xf32>
        %add3A_125 = vector.broadcast %get3A_124 : vector<1x192xf32> to vector<64x192xf32>
        %add3A_126 = arith.addf %dot_general3A_121, %add3A_125 : vector<64x192xf32>
        %get3A_127 = arith.constant 0 : index
        %get3A_128 = arith.constant 0 : index
        %get3A_129 = vector.load %arg4[%get3A_127, %get3A_128] : memref<64x192xf32, #tpu.memory_space<vmem>>, vector<64x192xf32>
        %dot_general3A_130 = arith.constant dense<0.000000e+00> : vector<64x192xf32>
        %dot_general3A_131 = tpu.matmul %get3A_117, %get3A_129, %dot_general3A_130 {dimension_numbers = #tpu.dot_dimension_numbers<[1], [0], [0], [1], [0, 0, 1, 1], [], []>, transpose_lhs_hint = false} : vector<64x64xf32>, vector<64x192xf32>, vector<64x192xf32> -> vector<64x192xf32>
        %get3A_132 = arith.constant 0 : index
        %get3A_133 = arith.constant 0 : index
        %get3A_134 = vector.load %arg6[%get3A_132, %get3A_133] : memref<1x192xf32, #tpu.memory_space<vmem>>, vector<1x192xf32>
        %add3A_135 = vector.broadcast %get3A_134 : vector<1x192xf32> to vector<64x192xf32>
        %add3A_136 = arith.addf %dot_general3A_131, %add3A_135 : vector<64x192xf32>
        %slice3A = vector.extract_strided_slice %add3A_126 {offsets = [0, 0], sizes = [64, 64], strides = [1, 1]} : vector<64x192xf32> to vector<64x64xf32>
        %slice3A_137 = vector.extract_strided_slice %add3A_136 {offsets = [0, 0], sizes = [64, 64], strides = [1, 1]} : vector<64x192xf32> to vector<64x64xf32>
        %add3A_138 = arith.addf %slice3A, %slice3A_137 : vector<64x64xf32>
        %logistic3A = arith.negf %add3A_138 : vector<64x64xf32>
        %logistic3A_139 = math.exp %logistic3A : vector<64x64xf32>
        %logistic3A_140 = arith.constant 1.000000e+00 : f32
        %logistic3A_141 = vector.broadcast %logistic3A_140 : f32 to vector<64x64xf32>
        %logistic3A_142 = arith.addf %logistic3A_141, %logistic3A_139 : vector<64x64xf32>
        %logistic3A_143 = arith.divf %logistic3A_141, %logistic3A_142 : vector<64x64xf32>
        %slice3A_144 = vector.extract_strided_slice %add3A_126 {offsets = [0, 64], sizes = [64, 64], strides = [1, 1]} : vector<64x192xf32> to vector<64x64xf32>
        %slice3A_145 = vector.extract_strided_slice %add3A_136 {offsets = [0, 64], sizes = [64, 64], strides = [1, 1]} : vector<64x192xf32> to vector<64x64xf32>
        %add3A_146 = arith.addf %slice3A_144, %slice3A_145 : vector<64x64xf32>
        %logistic3A_147 = arith.negf %add3A_146 : vector<64x64xf32>
        %logistic3A_148 = math.exp %logistic3A_147 : vector<64x64xf32>
        %logistic3A_149 = arith.constant 1.000000e+00 : f32
        %logistic3A_150 = vector.broadcast %logistic3A_149 : f32 to vector<64x64xf32>
        %logistic3A_151 = arith.addf %logistic3A_150, %logistic3A_148 : vector<64x64xf32>
        %logistic3A_152 = arith.divf %logistic3A_150, %logistic3A_151 : vector<64x64xf32>
        %slice3A_153 = vector.extract_strided_slice %add3A_126 {offsets = [0, 128], sizes = [64, 64], strides = [1, 1]} : vector<64x192xf32> to vector<64x64xf32>
        %slice3A_154 = vector.extract_strided_slice %add3A_136 {offsets = [0, 128], sizes = [64, 64], strides = [1, 1]} : vector<64x192xf32> to vector<64x64xf32>
        %mul3A_155 = arith.mulf %logistic3A_143, %slice3A_154 : vector<64x64xf32>
        %add3A_156 = arith.addf %slice3A_153, %mul3A_155 : vector<64x64xf32>
        %tanh3A = math.tanh %add3A_156 : vector<64x64xf32>
        %sub3A_157 = arith.constant 1.000000e+00 : f32
        %sub3A_158 = vector.broadcast %sub3A_157 : f32 to vector<64x64xf32>
        %sub3A_159 = arith.subf %sub3A_158, %logistic3A_152 : vector<64x64xf32>
        %mul3A_160 = arith.mulf %sub3A_159, %tanh3A : vector<64x64xf32>
        %mul3A_161 = arith.mulf %logistic3A_152, %get3A_117 : vector<64x64xf32>
        %add3A_162 = arith.addf %mul3A_160, %mul3A_161 : vector<64x64xf32>
        %swap3A_163 = arith.constant 0 : index
        %swap3A_164 = arith.constant 0 : index
        %swap3A_165 = vector.load %arg27[%swap3A_163, %swap3A_164] : memref<64x64xf32, #tpu.memory_space<vmem>>, vector<64x64xf32>
        tpu.vector_store %arg27[%swap3A_163, %swap3A_164], %add3A_162 {strides = array<i32>} : memref<64x64xf32, #tpu.memory_space<vmem>>, vector<64x64xf32>,
        %swap3A_166 = arith.index_cast %mul3A_104 : i32 to index
        %swap3A_167 = arith.constant 0 : index
        %swap3A_168 = vector.load %arg26[%swap3A_166, %swap3A_167] : memref<4096x64xf32, #tpu.memory_space<vmem>>, vector<64x64xf32>
        tpu.vector_store %arg26[%swap3A_166, %swap3A_167], %add3A_162 {strides = array<i32>} : memref<4096x64xf32, #tpu.memory_space<vmem>>, vector<64x64xf32>,
      }
      %dma_start3A_98 = arith.constant 0 : i32
      %dma_start3A_99 = tpu.memref_slice %arg19[%multiple_of3A, %dma_start3A_98] : memref<131072x64xf32, #tpu.memory_space<any>> -> memref<4096x64xf32, #tpu.memory_space<any>>
      tpu.enqueue_dma source(%arg26 : memref<4096x64xf32, #tpu.memory_space<vmem>>) target(%dma_start3A_99 : memref<4096x64xf32, #tpu.memory_space<any>>) target_semaphore(%arg29 : memref<!tpu.dma_semaphore, #tpu.memory_space<semaphore_mem>>)
      %dma_wait3A_100 = arith.constant 0 : i32
      %dma_wait3A_101 = tpu.memref_slice %arg19[%multiple_of3A, %dma_wait3A_100] : memref<131072x64xf32, #tpu.memory_space<any>> -> memref<4096x64xf32, #tpu.memory_space<any>>
      tpu.wait_dma2 semaphore(%arg29 : memref<!tpu.dma_semaphore, #tpu.memory_space<semaphore_mem>>) src(%arg26 : memref<4096x64xf32, #tpu.memory_space<vmem>>) dst(%dma_wait3A_101 : memref<4096x64xf32, #tpu.memory_space<any>>)
    }
    %broadcast_in_dim3A_35 = arith.constant 0.000000e+00 : f32
    %broadcast_in_dim3A_36 = vector.broadcast %broadcast_in_dim3A_35 : f32 to vector<64x64xf32>
    %swap3A_37 = arith.constant 0 : index
    %swap3A_38 = arith.constant 0 : index
    %swap3A_39 = vector.load %arg27[%swap3A_37, %swap3A_38] : memref<64x64xf32, #tpu.memory_space<vmem>>, vector<64x64xf32>
    tpu.vector_store %arg27[%swap3A_37, %swap3A_38], %broadcast_in_dim3A_36 {strides = array<i32>} : memref<64x64xf32, #tpu.memory_space<vmem>>, vector<64x64xf32>,
    %while3A_40 = arith.constant 0 : i32
    %while3A_41 = arith.constant 0 : i32
    %while3A_42 = arith.subi %select_n3A, %while3A_41 : i32
    %while3A_43 = arith.addi %while3A_41, %while3A_42 : i32
    %while3A_44 = arith.constant 1 : i32
    %while3A_45 = arith.divsi %while3A_42, %while3A_44 : i32
    %while3A_46 = arith.muli %while3A_45, %while3A_44 : i32
    %while3A_47 = arith.addi %while3A_41, %while3A_46 : i32
    %while3A_48 = arith.constant 1 : i32
    scf.for %while3A_80 = %while3A_41 to %while3A_47 step %while3A_48  : i32 {
      %sub3A_81 = arith.constant 1 : i32
      %sub3A_82 = arith.subi %select_n3A, %sub3A_81 : i32
      %sub3A_83 = arith.subi %sub3A_82, %while3A_80 : i32
      %mul3A = arith.constant 64 : i32
      %mul3A_84 = arith.muli %sub3A_83, %mul3A : i32
      %sub3A_85 = arith.subi %get3A_0, %mul3A_84 : i32
      %min3A = arith.constant 64 : i32
      %min3A_86 = arith.minsi %sub3A_85, %min3A : i32
      %mul3A_87 = arith.constant 64 : i32
      %mul3A_88 = arith.muli %mul3A_84, %mul3A_87 : i32
      %multiple_of3A = tpu.assume_multiple %mul3A_88, 64 : i32
      %dma_start3A = arith.constant 0 : i32
      %dma_start3A_89 = tpu.memref_slice %arg2[%multiple_of3A, %dma_start3A] : memref<131072x128xf32, #tpu.memory_space<any>> -> memref<4096x128xf32, #tpu.memory_space<any>>
      tpu.enqueue_dma source(%dma_start3A_89 : memref<4096x128xf32, #tpu.memory_space<any>>) target(%arg23 : memref<4096x128xf32, #tpu.memory_space<vmem>>) target_semaphore(%arg28 : memref<!tpu.dma_semaphore, #tpu.memory_space<semaphore_mem>>)
      %dma_wait3A = arith.constant 0 : i32
      %dma_wait3A_90 = tpu.memref_slice %arg2[%multiple_of3A, %dma_wait3A] : memref<131072x128xf32, #tpu.memory_space<any>> -> memref<4096x128xf32, #tpu.memory_space<any>>
      tpu.wait_dma2 semaphore(%arg28 : memref<!tpu.dma_semaphore, #tpu.memory_space<semaphore_mem>>) src(%dma_wait3A_90 : memref<4096x128xf32, #tpu.memory_space<any>>) dst(%arg23 : memref<4096x128xf32, #tpu.memory_space<vmem>>)
      %while3A_91 = arith.constant 0 : i32
      %while3A_92 = arith.constant 0 : i32
      %while3A_93 = arith.subi %min3A_86, %while3A_92 : i32
      %while3A_94 = arith.addi %while3A_92, %while3A_93 : i32
      %while3A_95 = arith.constant 1 : i32
      %while3A_96 = arith.divsi %while3A_93, %while3A_95 : i32
      %while3A_97 = arith.muli %while3A_96, %while3A_95 : i32
      %while3A_98 = arith.addi %while3A_92, %while3A_97 : i32
      %while3A_99 = arith.constant 1 : i32
      scf.for %while3A_105 = %while3A_92 to %while3A_98 step %while3A_99  : i32 {
        %sub3A_106 = arith.constant 1 : i32
        %sub3A_107 = arith.subi %min3A_86, %sub3A_106 : i32
        %sub3A_108 = arith.subi %sub3A_107, %while3A_105 : i32
        %mul3A_109 = arith.constant 64 : i32
        %mul3A_110 = arith.muli %sub3A_108, %mul3A_109 : i32
        %get3A_111 = arith.index_cast %mul3A_110 : i32 to index
        %get3A_112 = arith.constant 0 : index
        %get3A_113 = vector.load %arg23[%get3A_111, %get3A_112] : memref<4096x128xf32, #tpu.memory_space<vmem>>, vector<64x128xf32>
        %add3A_114 = arith.addi %mul3A_84, %sub3A_108 : i32
        %gt3A = vector.broadcast %add3A_114 : i32 to vector<64x1xi32>
        %gt3A_115 = arith.cmpi sgt, %get3A_3, %gt3A : vector<64x1xi32>
        %jit3A_116 = arith.constant 0.000000e+00 : f32
        %broadcast_in_dim3A_117 = vector.shape_cast %gt3A_115 : vector<64x1xi1> to vector<64x1xi1>
        %broadcast_in_dim3A_118 = vector.broadcast %broadcast_in_dim3A_117 : vector<64x1xi1> to vector<64x128xi1>
        %broadcast_in_dim3A_119 = vector.broadcast %jit3A_116 : f32 to vector<64x128xf32>
        %select_n3A_120 = arith.select %broadcast_in_dim3A_118, %get3A_113, %broadcast_in_dim3A_119 : vector<64x128xi1>, vector<64x128xf32>
        %get3A_121 = arith.constant 0 : index
        %get3A_122 = arith.constant 0 : index
        %get3A_123 = vector.load %arg27[%get3A_121, %get3A_122] : memref<64x64xf32, #tpu.memory_space<vmem>>, vector<64x64xf32>
        %get3A_124 = arith.constant 0 : index
        %get3A_125 = arith.constant 0 : index
        %get3A_126 = vector.load %arg7[%get3A_124, %get3A_125] : memref<128x192xf32, #tpu.memory_space<vmem>>, vector<128x192xf32>
        %dot_general3A = arith.constant dense<0.000000e+00> : vector<64x192xf32>
        %dot_general3A_127 = tpu.matmul %select_n3A_120, %get3A_126, %dot_general3A {dimension_numbers = #tpu.dot_dimension_numbers<[1], [0], [0], [1], [0, 0, 1, 1], [], []>, transpose_lhs_hint = false} : vector<64x128xf32>, vector<128x192xf32>, vector<64x192xf32> -> vector<64x192xf32>
        %get3A_128 = arith.constant 0 : index
        %get3A_129 = arith.constant 0 : index
        %get3A_130 = vector.load %arg9[%get3A_128, %get3A_129] : memref<1x192xf32, #tpu.memory_space<vmem>>, vector<1x192xf32>
        %add3A_131 = vector.broadcast %get3A_130 : vector<1x192xf32> to vector<64x192xf32>
        %add3A_132 = arith.addf %dot_general3A_127, %add3A_131 : vector<64x192xf32>
        %get3A_133 = arith.constant 0 : index
        %get3A_134 = arith.constant 0 : index
        %get3A_135 = vector.load %arg8[%get3A_133, %get3A_134] : memref<64x192xf32, #tpu.memory_space<vmem>>, vector<64x192xf32>
        %dot_general3A_136 = arith.constant dense<0.000000e+00> : vector<64x192xf32>
        %dot_general3A_137 = tpu.matmul %get3A_123, %get3A_135, %dot_general3A_136 {dimension_numbers = #tpu.dot_dimension_numbers<[1], [0], [0], [1], [0, 0, 1, 1], [], []>, transpose_lhs_hint = false} : vector<64x64xf32>, vector<64x192xf32>, vector<64x192xf32> -> vector<64x192xf32>
        %get3A_138 = arith.constant 0 : index
        %get3A_139 = arith.constant 0 : index
        %get3A_140 = vector.load %arg10[%get3A_138, %get3A_139] : memref<1x192xf32, #tpu.memory_space<vmem>>, vector<1x192xf32>
        %add3A_141 = vector.broadcast %get3A_140 : vector<1x192xf32> to vector<64x192xf32>
        %add3A_142 = arith.addf %dot_general3A_137, %add3A_141 : vector<64x192xf32>
        %slice3A = vector.extract_strided_slice %add3A_132 {offsets = [0, 0], sizes = [64, 64], strides = [1, 1]} : vector<64x192xf32> to vector<64x64xf32>
        %slice3A_143 = vector.extract_strided_slice %add3A_142 {offsets = [0, 0], sizes = [64, 64], strides = [1, 1]} : vector<64x192xf32> to vector<64x64xf32>
        %add3A_144 = arith.addf %slice3A, %slice3A_143 : vector<64x64xf32>
        %logistic3A = arith.negf %add3A_144 : vector<64x64xf32>
        %logistic3A_145 = math.exp %logistic3A : vector<64x64xf32>
        %logistic3A_146 = arith.constant 1.000000e+00 : f32
        %logistic3A_147 = vector.broadcast %logistic3A_146 : f32 to vector<64x64xf32>
        %logistic3A_148 = arith.addf %logistic3A_147, %logistic3A_145 : vector<64x64xf32>
        %logistic3A_149 = arith.divf %logistic3A_147, %logistic3A_148 : vector<64x64xf32>
        %slice3A_150 = vector.extract_strided_slice %add3A_132 {offsets = [0, 64], sizes = [64, 64], strides = [1, 1]} : vector<64x192xf32> to vector<64x64xf32>
        %slice3A_151 = vector.extract_strided_slice %add3A_142 {offsets = [0, 64], sizes = [64, 64], strides = [1, 1]} : vector<64x192xf32> to vector<64x64xf32>
        %add3A_152 = arith.addf %slice3A_150, %slice3A_151 : vector<64x64xf32>
        %logistic3A_153 = arith.negf %add3A_152 : vector<64x64xf32>
        %logistic3A_154 = math.exp %logistic3A_153 : vector<64x64xf32>
        %logistic3A_155 = arith.constant 1.000000e+00 : f32
        %logistic3A_156 = vector.broadcast %logistic3A_155 : f32 to vector<64x64xf32>
        %logistic3A_157 = arith.addf %logistic3A_156, %logistic3A_154 : vector<64x64xf32>
        %logistic3A_158 = arith.divf %logistic3A_156, %logistic3A_157 : vector<64x64xf32>
        %slice3A_159 = vector.extract_strided_slice %add3A_132 {offsets = [0, 128], sizes = [64, 64], strides = [1, 1]} : vector<64x192xf32> to vector<64x64xf32>
        %slice3A_160 = vector.extract_strided_slice %add3A_142 {offsets = [0, 128], sizes = [64, 64], strides = [1, 1]} : vector<64x192xf32> to vector<64x64xf32>
        %mul3A_161 = arith.mulf %logistic3A_149, %slice3A_160 : vector<64x64xf32>
        %add3A_162 = arith.addf %slice3A_159, %mul3A_161 : vector<64x64xf32>
        %tanh3A = math.tanh %add3A_162 : vector<64x64xf32>
        %sub3A_163 = arith.constant 1.000000e+00 : f32
        %sub3A_164 = vector.broadcast %sub3A_163 : f32 to vector<64x64xf32>
        %sub3A_165 = arith.subf %sub3A_164, %logistic3A_158 : vector<64x64xf32>
        %mul3A_166 = arith.mulf %sub3A_165, %tanh3A : vector<64x64xf32>
        %mul3A_167 = arith.mulf %logistic3A_158, %get3A_123 : vector<64x64xf32>
        %add3A_168 = arith.addf %mul3A_166, %mul3A_167 : vector<64x64xf32>
        %swap3A_169 = arith.constant 0 : index
        %swap3A_170 = arith.constant 0 : index
        %swap3A_171 = vector.load %arg27[%swap3A_169, %swap3A_170] : memref<64x64xf32, #tpu.memory_space<vmem>>, vector<64x64xf32>
        tpu.vector_store %arg27[%swap3A_169, %swap3A_170], %add3A_168 {strides = array<i32>} : memref<64x64xf32, #tpu.memory_space<vmem>>, vector<64x64xf32>,
        %swap3A_172 = arith.index_cast %mul3A_110 : i32 to index
        %swap3A_173 = arith.constant 0 : index
        %swap3A_174 = vector.load %arg26[%swap3A_172, %swap3A_173] : memref<4096x64xf32, #tpu.memory_space<vmem>>, vector<64x64xf32>
        tpu.vector_store %arg26[%swap3A_172, %swap3A_173], %add3A_168 {strides = array<i32>} : memref<4096x64xf32, #tpu.memory_space<vmem>>, vector<64x64xf32>,
      }
      %while3A_100 = arith.constant 1 : i32
      scf.for %while3A_105 = %while3A_98 to %while3A_94 step %while3A_100  : i32 {
        %sub3A_106 = arith.constant 1 : i32
        %sub3A_107 = arith.subi %min3A_86, %sub3A_106 : i32
        %sub3A_108 = arith.subi %sub3A_107, %while3A_105 : i32
        %mul3A_109 = arith.constant 64 : i32
        %mul3A_110 = arith.muli %sub3A_108, %mul3A_109 : i32
        %get3A_111 = arith.index_cast %mul3A_110 : i32 to index
        %get3A_112 = arith.constant 0 : index
        %get3A_113 = vector.load %arg23[%get3A_111, %get3A_112] : memref<4096x128xf32, #tpu.memory_space<vmem>>, vector<64x128xf32>
        %add3A_114 = arith.addi %mul3A_84, %sub3A_108 : i32
        %gt3A = vector.broadcast %add3A_114 : i32 to vector<64x1xi32>
        %gt3A_115 = arith.cmpi sgt, %get3A_3, %gt3A : vector<64x1xi32>
        %jit3A_116 = arith.constant 0.000000e+00 : f32
        %broadcast_in_dim3A_117 = vector.shape_cast %gt3A_115 : vector<64x1xi1> to vector<64x1xi1>
        %broadcast_in_dim3A_118 = vector.broadcast %broadcast_in_dim3A_117 : vector<64x1xi1> to vector<64x128xi1>
        %broadcast_in_dim3A_119 = vector.broadcast %jit3A_116 : f32 to vector<64x128xf32>
        %select_n3A_120 = arith.select %broadcast_in_dim3A_118, %get3A_113, %broadcast_in_dim3A_119 : vector<64x128xi1>, vector<64x128xf32>
        %get3A_121 = arith.constant 0 : index
        %get3A_122 = arith.constant 0 : index
        %get3A_123 = vector.load %arg27[%get3A_121, %get3A_122] : memref<64x64xf32, #tpu.memory_space<vmem>>, vector<64x64xf32>
        %get3A_124 = arith.constant 0 : index
        %get3A_125 = arith.constant 0 : index
        %get3A_126 = vector.load %arg7[%get3A_124, %get3A_125] : memref<128x192xf32, #tpu.memory_space<vmem>>, vector<128x192xf32>
        %dot_general3A = arith.constant dense<0.000000e+00> : vector<64x192xf32>
        %dot_general3A_127 = tpu.matmul %select_n3A_120, %get3A_126, %dot_general3A {dimension_numbers = #tpu.dot_dimension_numbers<[1], [0], [0], [1], [0, 0, 1, 1], [], []>, transpose_lhs_hint = false} : vector<64x128xf32>, vector<128x192xf32>, vector<64x192xf32> -> vector<64x192xf32>
        %get3A_128 = arith.constant 0 : index
        %get3A_129 = arith.constant 0 : index
        %get3A_130 = vector.load %arg9[%get3A_128, %get3A_129] : memref<1x192xf32, #tpu.memory_space<vmem>>, vector<1x192xf32>
        %add3A_131 = vector.broadcast %get3A_130 : vector<1x192xf32> to vector<64x192xf32>
        %add3A_132 = arith.addf %dot_general3A_127, %add3A_131 : vector<64x192xf32>
        %get3A_133 = arith.constant 0 : index
        %get3A_134 = arith.constant 0 : index
        %get3A_135 = vector.load %arg8[%get3A_133, %get3A_134] : memref<64x192xf32, #tpu.memory_space<vmem>>, vector<64x192xf32>
        %dot_general3A_136 = arith.constant dense<0.000000e+00> : vector<64x192xf32>
        %dot_general3A_137 = tpu.matmul %get3A_123, %get3A_135, %dot_general3A_136 {dimension_numbers = #tpu.dot_dimension_numbers<[1], [0], [0], [1], [0, 0, 1, 1], [], []>, transpose_lhs_hint = false} : vector<64x64xf32>, vector<64x192xf32>, vector<64x192xf32> -> vector<64x192xf32>
        %get3A_138 = arith.constant 0 : index
        %get3A_139 = arith.constant 0 : index
        %get3A_140 = vector.load %arg10[%get3A_138, %get3A_139] : memref<1x192xf32, #tpu.memory_space<vmem>>, vector<1x192xf32>
        %add3A_141 = vector.broadcast %get3A_140 : vector<1x192xf32> to vector<64x192xf32>
        %add3A_142 = arith.addf %dot_general3A_137, %add3A_141 : vector<64x192xf32>
        %slice3A = vector.extract_strided_slice %add3A_132 {offsets = [0, 0], sizes = [64, 64], strides = [1, 1]} : vector<64x192xf32> to vector<64x64xf32>
        %slice3A_143 = vector.extract_strided_slice %add3A_142 {offsets = [0, 0], sizes = [64, 64], strides = [1, 1]} : vector<64x192xf32> to vector<64x64xf32>
        %add3A_144 = arith.addf %slice3A, %slice3A_143 : vector<64x64xf32>
        %logistic3A = arith.negf %add3A_144 : vector<64x64xf32>
        %logistic3A_145 = math.exp %logistic3A : vector<64x64xf32>
        %logistic3A_146 = arith.constant 1.000000e+00 : f32
        %logistic3A_147 = vector.broadcast %logistic3A_146 : f32 to vector<64x64xf32>
        %logistic3A_148 = arith.addf %logistic3A_147, %logistic3A_145 : vector<64x64xf32>
        %logistic3A_149 = arith.divf %logistic3A_147, %logistic3A_148 : vector<64x64xf32>
        %slice3A_150 = vector.extract_strided_slice %add3A_132 {offsets = [0, 64], sizes = [64, 64], strides = [1, 1]} : vector<64x192xf32> to vector<64x64xf32>
        %slice3A_151 = vector.extract_strided_slice %add3A_142 {offsets = [0, 64], sizes = [64, 64], strides = [1, 1]} : vector<64x192xf32> to vector<64x64xf32>
        %add3A_152 = arith.addf %slice3A_150, %slice3A_151 : vector<64x64xf32>
        %logistic3A_153 = arith.negf %add3A_152 : vector<64x64xf32>
        %logistic3A_154 = math.exp %logistic3A_153 : vector<64x64xf32>
        %logistic3A_155 = arith.constant 1.000000e+00 : f32
        %logistic3A_156 = vector.broadcast %logistic3A_155 : f32 to vector<64x64xf32>
        %logistic3A_157 = arith.addf %logistic3A_156, %logistic3A_154 : vector<64x64xf32>
        %logistic3A_158 = arith.divf %logistic3A_156, %logistic3A_157 : vector<64x64xf32>
        %slice3A_159 = vector.extract_strided_slice %add3A_132 {offsets = [0, 128], sizes = [64, 64], strides = [1, 1]} : vector<64x192xf32> to vector<64x64xf32>
        %slice3A_160 = vector.extract_strided_slice %add3A_142 {offsets = [0, 128], sizes = [64, 64], strides = [1, 1]} : vector<64x192xf32> to vector<64x64xf32>
        %mul3A_161 = arith.mulf %logistic3A_149, %slice3A_160 : vector<64x64xf32>
        %add3A_162 = arith.addf %slice3A_159, %mul3A_161 : vector<64x64xf32>
        %tanh3A = math.tanh %add3A_162 : vector<64x64xf32>
        %sub3A_163 = arith.constant 1.000000e+00 : f32
        %sub3A_164 = vector.broadcast %sub3A_163 : f32 to vector<64x64xf32>
        %sub3A_165 = arith.subf %sub3A_164, %logistic3A_158 : vector<64x64xf32>
        %mul3A_166 = arith.mulf %sub3A_165, %tanh3A : vector<64x64xf32>
        %mul3A_167 = arith.mulf %logistic3A_158, %get3A_123 : vector<64x64xf32>
        %add3A_168 = arith.addf %mul3A_166, %mul3A_167 : vector<64x64xf32>
        %swap3A_169 = arith.constant 0 : index
        %swap3A_170 = arith.constant 0 : index
        %swap3A_171 = vector.load %arg27[%swap3A_169, %swap3A_170] : memref<64x64xf32, #tpu.memory_space<vmem>>, vector<64x64xf32>
        tpu.vector_store %arg27[%swap3A_169, %swap3A_170], %add3A_168 {strides = array<i32>} : memref<64x64xf32, #tpu.memory_space<vmem>>, vector<64x64xf32>,
        %swap3A_172 = arith.index_cast %mul3A_110 : i32 to index
        %swap3A_173 = arith.constant 0 : index
        %swap3A_174 = vector.load %arg26[%swap3A_172, %swap3A_173] : memref<4096x64xf32, #tpu.memory_space<vmem>>, vector<64x64xf32>
        tpu.vector_store %arg26[%swap3A_172, %swap3A_173], %add3A_168 {strides = array<i32>} : memref<4096x64xf32, #tpu.memory_space<vmem>>, vector<64x64xf32>,
      }
      %dma_start3A_101 = arith.constant 0 : i32
      %dma_start3A_102 = tpu.memref_slice %arg20[%multiple_of3A, %dma_start3A_101] : memref<131072x64xf32, #tpu.memory_space<any>> -> memref<4096x64xf32, #tpu.memory_space<any>>
      tpu.enqueue_dma source(%arg26 : memref<4096x64xf32, #tpu.memory_space<vmem>>) target(%dma_start3A_102 : memref<4096x64xf32, #tpu.memory_space<any>>) target_semaphore(%arg29 : memref<!tpu.dma_semaphore, #tpu.memory_space<semaphore_mem>>)
      %dma_wait3A_103 = arith.constant 0 : i32
      %dma_wait3A_104 = tpu.memref_slice %arg20[%multiple_of3A, %dma_wait3A_103] : memref<131072x64xf32, #tpu.memory_space<any>> -> memref<4096x64xf32, #tpu.memory_space<any>>
      tpu.wait_dma2 semaphore(%arg29 : memref<!tpu.dma_semaphore, #tpu.memory_space<semaphore_mem>>) src(%arg26 : memref<4096x64xf32, #tpu.memory_space<vmem>>) dst(%dma_wait3A_104 : memref<4096x64xf32, #tpu.memory_space<any>>)
    }
    %while3A_49 = arith.constant 1 : i32
    scf.for %while3A_80 = %while3A_47 to %while3A_43 step %while3A_49  : i32 {
      %sub3A_81 = arith.constant 1 : i32
      %sub3A_82 = arith.subi %select_n3A, %sub3A_81 : i32
      %sub3A_83 = arith.subi %sub3A_82, %while3A_80 : i32
      %mul3A = arith.constant 64 : i32
      %mul3A_84 = arith.muli %sub3A_83, %mul3A : i32
      %sub3A_85 = arith.subi %get3A_0, %mul3A_84 : i32
      %min3A = arith.constant 64 : i32
      %min3A_86 = arith.minsi %sub3A_85, %min3A : i32
      %mul3A_87 = arith.constant 64 : i32
      %mul3A_88 = arith.muli %mul3A_84, %mul3A_87 : i32
      %multiple_of3A = tpu.assume_multiple %mul3A_88, 64 : i32
      %dma_start3A = arith.constant 0 : i32
      %dma_start3A_89 = tpu.memref_slice %arg2[%multiple_of3A, %dma_start3A] : memref<131072x128xf32, #tpu.memory_space<any>> -> memref<4096x128xf32, #tpu.memory_space<any>>
      tpu.enqueue_dma source(%dma_start3A_89 : memref<4096x128xf32, #tpu.memory_space<any>>) target(%arg23 : memref<4096x128xf32, #tpu.memory_space<vmem>>) target_semaphore(%arg28 : memref<!tpu.dma_semaphore, #tpu.memory_space<semaphore_mem>>)
      %dma_wait3A = arith.constant 0 : i32
      %dma_wait3A_90 = tpu.memref_slice %arg2[%multiple_of3A, %dma_wait3A] : memref<131072x128xf32, #tpu.memory_space<any>> -> memref<4096x128xf32, #tpu.memory_space<any>>
      tpu.wait_dma2 semaphore(%arg28 : memref<!tpu.dma_semaphore, #tpu.memory_space<semaphore_mem>>) src(%dma_wait3A_90 : memref<4096x128xf32, #tpu.memory_space<any>>) dst(%arg23 : memref<4096x128xf32, #tpu.memory_space<vmem>>)
      %while3A_91 = arith.constant 0 : i32
      %while3A_92 = arith.constant 0 : i32
      %while3A_93 = arith.subi %min3A_86, %while3A_92 : i32
      %while3A_94 = arith.addi %while3A_92, %while3A_93 : i32
      %while3A_95 = arith.constant 1 : i32
      %while3A_96 = arith.divsi %while3A_93, %while3A_95 : i32
      %while3A_97 = arith.muli %while3A_96, %while3A_95 : i32
      %while3A_98 = arith.addi %while3A_92, %while3A_97 : i32
      %while3A_99 = arith.constant 1 : i32
      scf.for %while3A_105 = %while3A_92 to %while3A_98 step %while3A_99  : i32 {
        %sub3A_106 = arith.constant 1 : i32
        %sub3A_107 = arith.subi %min3A_86, %sub3A_106 : i32
        %sub3A_108 = arith.subi %sub3A_107, %while3A_105 : i32
        %mul3A_109 = arith.constant 64 : i32
        %mul3A_110 = arith.muli %sub3A_108, %mul3A_109 : i32
        %get3A_111 = arith.index_cast %mul3A_110 : i32 to index
        %get3A_112 = arith.constant 0 : index
        %get3A_113 = vector.load %arg23[%get3A_111, %get3A_112] : memref<4096x128xf32, #tpu.memory_space<vmem>>, vector<64x128xf32>
        %add3A_114 = arith.addi %mul3A_84, %sub3A_108 : i32
        %gt3A = vector.broadcast %add3A_114 : i32 to vector<64x1xi32>
        %gt3A_115 = arith.cmpi sgt, %get3A_3, %gt3A : vector<64x1xi32>
        %jit3A_116 = arith.constant 0.000000e+00 : f32
        %broadcast_in_dim3A_117 = vector.shape_cast %gt3A_115 : vector<64x1xi1> to vector<64x1xi1>
        %broadcast_in_dim3A_118 = vector.broadcast %broadcast_in_dim3A_117 : vector<64x1xi1> to vector<64x128xi1>
        %broadcast_in_dim3A_119 = vector.broadcast %jit3A_116 : f32 to vector<64x128xf32>
        %select_n3A_120 = arith.select %broadcast_in_dim3A_118, %get3A_113, %broadcast_in_dim3A_119 : vector<64x128xi1>, vector<64x128xf32>
        %get3A_121 = arith.constant 0 : index
        %get3A_122 = arith.constant 0 : index
        %get3A_123 = vector.load %arg27[%get3A_121, %get3A_122] : memref<64x64xf32, #tpu.memory_space<vmem>>, vector<64x64xf32>
        %get3A_124 = arith.constant 0 : index
        %get3A_125 = arith.constant 0 : index
        %get3A_126 = vector.load %arg7[%get3A_124, %get3A_125] : memref<128x192xf32, #tpu.memory_space<vmem>>, vector<128x192xf32>
        %dot_general3A = arith.constant dense<0.000000e+00> : vector<64x192xf32>
        %dot_general3A_127 = tpu.matmul %select_n3A_120, %get3A_126, %dot_general3A {dimension_numbers = #tpu.dot_dimension_numbers<[1], [0], [0], [1], [0, 0, 1, 1], [], []>, transpose_lhs_hint = false} : vector<64x128xf32>, vector<128x192xf32>, vector<64x192xf32> -> vector<64x192xf32>
        %get3A_128 = arith.constant 0 : index
        %get3A_129 = arith.constant 0 : index
        %get3A_130 = vector.load %arg9[%get3A_128, %get3A_129] : memref<1x192xf32, #tpu.memory_space<vmem>>, vector<1x192xf32>
        %add3A_131 = vector.broadcast %get3A_130 : vector<1x192xf32> to vector<64x192xf32>
        %add3A_132 = arith.addf %dot_general3A_127, %add3A_131 : vector<64x192xf32>
        %get3A_133 = arith.constant 0 : index
        %get3A_134 = arith.constant 0 : index
        %get3A_135 = vector.load %arg8[%get3A_133, %get3A_134] : memref<64x192xf32, #tpu.memory_space<vmem>>, vector<64x192xf32>
        %dot_general3A_136 = arith.constant dense<0.000000e+00> : vector<64x192xf32>
        %dot_general3A_137 = tpu.matmul %get3A_123, %get3A_135, %dot_general3A_136 {dimension_numbers = #tpu.dot_dimension_numbers<[1], [0], [0], [1], [0, 0, 1, 1], [], []>, transpose_lhs_hint = false} : vector<64x64xf32>, vector<64x192xf32>, vector<64x192xf32> -> vector<64x192xf32>
        %get3A_138 = arith.constant 0 : index
        %get3A_139 = arith.constant 0 : index
        %get3A_140 = vector.load %arg10[%get3A_138, %get3A_139] : memref<1x192xf32, #tpu.memory_space<vmem>>, vector<1x192xf32>
        %add3A_141 = vector.broadcast %get3A_140 : vector<1x192xf32> to vector<64x192xf32>
        %add3A_142 = arith.addf %dot_general3A_137, %add3A_141 : vector<64x192xf32>
        %slice3A = vector.extract_strided_slice %add3A_132 {offsets = [0, 0], sizes = [64, 64], strides = [1, 1]} : vector<64x192xf32> to vector<64x64xf32>
        %slice3A_143 = vector.extract_strided_slice %add3A_142 {offsets = [0, 0], sizes = [64, 64], strides = [1, 1]} : vector<64x192xf32> to vector<64x64xf32>
        %add3A_144 = arith.addf %slice3A, %slice3A_143 : vector<64x64xf32>
        %logistic3A = arith.negf %add3A_144 : vector<64x64xf32>
        %logistic3A_145 = math.exp %logistic3A : vector<64x64xf32>
        %logistic3A_146 = arith.constant 1.000000e+00 : f32
        %logistic3A_147 = vector.broadcast %logistic3A_146 : f32 to vector<64x64xf32>
        %logistic3A_148 = arith.addf %logistic3A_147, %logistic3A_145 : vector<64x64xf32>
        %logistic3A_149 = arith.divf %logistic3A_147, %logistic3A_148 : vector<64x64xf32>
        %slice3A_150 = vector.extract_strided_slice %add3A_132 {offsets = [0, 64], sizes = [64, 64], strides = [1, 1]} : vector<64x192xf32> to vector<64x64xf32>
        %slice3A_151 = vector.extract_strided_slice %add3A_142 {offsets = [0, 64], sizes = [64, 64], strides = [1, 1]} : vector<64x192xf32> to vector<64x64xf32>
        %add3A_152 = arith.addf %slice3A_150, %slice3A_151 : vector<64x64xf32>
        %logistic3A_153 = arith.negf %add3A_152 : vector<64x64xf32>
        %logistic3A_154 = math.exp %logistic3A_153 : vector<64x64xf32>
        %logistic3A_155 = arith.constant 1.000000e+00 : f32
        %logistic3A_156 = vector.broadcast %logistic3A_155 : f32 to vector<64x64xf32>
        %logistic3A_157 = arith.addf %logistic3A_156, %logistic3A_154 : vector<64x64xf32>
        %logistic3A_158 = arith.divf %logistic3A_156, %logistic3A_157 : vector<64x64xf32>
        %slice3A_159 = vector.extract_strided_slice %add3A_132 {offsets = [0, 128], sizes = [64, 64], strides = [1, 1]} : vector<64x192xf32> to vector<64x64xf32>
        %slice3A_160 = vector.extract_strided_slice %add3A_142 {offsets = [0, 128], sizes = [64, 64], strides = [1, 1]} : vector<64x192xf32> to vector<64x64xf32>
        %mul3A_161 = arith.mulf %logistic3A_149, %slice3A_160 : vector<64x64xf32>
        %add3A_162 = arith.addf %slice3A_159, %mul3A_161 : vector<64x64xf32>
        %tanh3A = math.tanh %add3A_162 : vector<64x64xf32>
        %sub3A_163 = arith.constant 1.000000e+00 : f32
        %sub3A_164 = vector.broadcast %sub3A_163 : f32 to vector<64x64xf32>
        %sub3A_165 = arith.subf %sub3A_164, %logistic3A_158 : vector<64x64xf32>
        %mul3A_166 = arith.mulf %sub3A_165, %tanh3A : vector<64x64xf32>
        %mul3A_167 = arith.mulf %logistic3A_158, %get3A_123 : vector<64x64xf32>
        %add3A_168 = arith.addf %mul3A_166, %mul3A_167 : vector<64x64xf32>
        %swap3A_169 = arith.constant 0 : index
        %swap3A_170 = arith.constant 0 : index
        %swap3A_171 = vector.load %arg27[%swap3A_169, %swap3A_170] : memref<64x64xf32, #tpu.memory_space<vmem>>, vector<64x64xf32>
        tpu.vector_store %arg27[%swap3A_169, %swap3A_170], %add3A_168 {strides = array<i32>} : memref<64x64xf32, #tpu.memory_space<vmem>>, vector<64x64xf32>,
        %swap3A_172 = arith.index_cast %mul3A_110 : i32 to index
        %swap3A_173 = arith.constant 0 : index
        %swap3A_174 = vector.load %arg26[%swap3A_172, %swap3A_173] : memref<4096x64xf32, #tpu.memory_space<vmem>>, vector<64x64xf32>
        tpu.vector_store %arg26[%swap3A_172, %swap3A_173], %add3A_168 {strides = array<i32>} : memref<4096x64xf32, #tpu.memory_space<vmem>>, vector<64x64xf32>,
      }
      %while3A_100 = arith.constant 1 : i32
      scf.for %while3A_105 = %while3A_98 to %while3A_94 step %while3A_100  : i32 {
        %sub3A_106 = arith.constant 1 : i32
        %sub3A_107 = arith.subi %min3A_86, %sub3A_106 : i32
        %sub3A_108 = arith.subi %sub3A_107, %while3A_105 : i32
        %mul3A_109 = arith.constant 64 : i32
        %mul3A_110 = arith.muli %sub3A_108, %mul3A_109 : i32
        %get3A_111 = arith.index_cast %mul3A_110 : i32 to index
        %get3A_112 = arith.constant 0 : index
        %get3A_113 = vector.load %arg23[%get3A_111, %get3A_112] : memref<4096x128xf32, #tpu.memory_space<vmem>>, vector<64x128xf32>
        %add3A_114 = arith.addi %mul3A_84, %sub3A_108 : i32
        %gt3A = vector.broadcast %add3A_114 : i32 to vector<64x1xi32>
        %gt3A_115 = arith.cmpi sgt, %get3A_3, %gt3A : vector<64x1xi32>
        %jit3A_116 = arith.constant 0.000000e+00 : f32
        %broadcast_in_dim3A_117 = vector.shape_cast %gt3A_115 : vector<64x1xi1> to vector<64x1xi1>
        %broadcast_in_dim3A_118 = vector.broadcast %broadcast_in_dim3A_117 : vector<64x1xi1> to vector<64x128xi1>
        %broadcast_in_dim3A_119 = vector.broadcast %jit3A_116 : f32 to vector<64x128xf32>
        %select_n3A_120 = arith.select %broadcast_in_dim3A_118, %get3A_113, %broadcast_in_dim3A_119 : vector<64x128xi1>, vector<64x128xf32>
        %get3A_121 = arith.constant 0 : index
        %get3A_122 = arith.constant 0 : index
        %get3A_123 = vector.load %arg27[%get3A_121, %get3A_122] : memref<64x64xf32, #tpu.memory_space<vmem>>, vector<64x64xf32>
        %get3A_124 = arith.constant 0 : index
        %get3A_125 = arith.constant 0 : index
        %get3A_126 = vector.load %arg7[%get3A_124, %get3A_125] : memref<128x192xf32, #tpu.memory_space<vmem>>, vector<128x192xf32>
        %dot_general3A = arith.constant dense<0.000000e+00> : vector<64x192xf32>
        %dot_general3A_127 = tpu.matmul %select_n3A_120, %get3A_126, %dot_general3A {dimension_numbers = #tpu.dot_dimension_numbers<[1], [0], [0], [1], [0, 0, 1, 1], [], []>, transpose_lhs_hint = false} : vector<64x128xf32>, vector<128x192xf32>, vector<64x192xf32> -> vector<64x192xf32>
        %get3A_128 = arith.constant 0 : index
        %get3A_129 = arith.constant 0 : index
        %get3A_130 = vector.load %arg9[%get3A_128, %get3A_129] : memref<1x192xf32, #tpu.memory_space<vmem>>, vector<1x192xf32>
        %add3A_131 = vector.broadcast %get3A_130 : vector<1x192xf32> to vector<64x192xf32>
        %add3A_132 = arith.addf %dot_general3A_127, %add3A_131 : vector<64x192xf32>
        %get3A_133 = arith.constant 0 : index
        %get3A_134 = arith.constant 0 : index
        %get3A_135 = vector.load %arg8[%get3A_133, %get3A_134] : memref<64x192xf32, #tpu.memory_space<vmem>>, vector<64x192xf32>
        %dot_general3A_136 = arith.constant dense<0.000000e+00> : vector<64x192xf32>
        %dot_general3A_137 = tpu.matmul %get3A_123, %get3A_135, %dot_general3A_136 {dimension_numbers = #tpu.dot_dimension_numbers<[1], [0], [0], [1], [0, 0, 1, 1], [], []>, transpose_lhs_hint = false} : vector<64x64xf32>, vector<64x192xf32>, vector<64x192xf32> -> vector<64x192xf32>
        %get3A_138 = arith.constant 0 : index
        %get3A_139 = arith.constant 0 : index
        %get3A_140 = vector.load %arg10[%get3A_138, %get3A_139] : memref<1x192xf32, #tpu.memory_space<vmem>>, vector<1x192xf32>
        %add3A_141 = vector.broadcast %get3A_140 : vector<1x192xf32> to vector<64x192xf32>
        %add3A_142 = arith.addf %dot_general3A_137, %add3A_141 : vector<64x192xf32>
        %slice3A = vector.extract_strided_slice %add3A_132 {offsets = [0, 0], sizes = [64, 64], strides = [1, 1]} : vector<64x192xf32> to vector<64x64xf32>
        %slice3A_143 = vector.extract_strided_slice %add3A_142 {offsets = [0, 0], sizes = [64, 64], strides = [1, 1]} : vector<64x192xf32> to vector<64x64xf32>
        %add3A_144 = arith.addf %slice3A, %slice3A_143 : vector<64x64xf32>
        %logistic3A = arith.negf %add3A_144 : vector<64x64xf32>
        %logistic3A_145 = math.exp %logistic3A : vector<64x64xf32>
        %logistic3A_146 = arith.constant 1.000000e+00 : f32
        %logistic3A_147 = vector.broadcast %logistic3A_146 : f32 to vector<64x64xf32>
        %logistic3A_148 = arith.addf %logistic3A_147, %logistic3A_145 : vector<64x64xf32>
        %logistic3A_149 = arith.divf %logistic3A_147, %logistic3A_148 : vector<64x64xf32>
        %slice3A_150 = vector.extract_strided_slice %add3A_132 {offsets = [0, 64], sizes = [64, 64], strides = [1, 1]} : vector<64x192xf32> to vector<64x64xf32>
        %slice3A_151 = vector.extract_strided_slice %add3A_142 {offsets = [0, 64], sizes = [64, 64], strides = [1, 1]} : vector<64x192xf32> to vector<64x64xf32>
        %add3A_152 = arith.addf %slice3A_150, %slice3A_151 : vector<64x64xf32>
        %logistic3A_153 = arith.negf %add3A_152 : vector<64x64xf32>
        %logistic3A_154 = math.exp %logistic3A_153 : vector<64x64xf32>
        %logistic3A_155 = arith.constant 1.000000e+00 : f32
        %logistic3A_156 = vector.broadcast %logistic3A_155 : f32 to vector<64x64xf32>
        %logistic3A_157 = arith.addf %logistic3A_156, %logistic3A_154 : vector<64x64xf32>
        %logistic3A_158 = arith.divf %logistic3A_156, %logistic3A_157 : vector<64x64xf32>
        %slice3A_159 = vector.extract_strided_slice %add3A_132 {offsets = [0, 128], sizes = [64, 64], strides = [1, 1]} : vector<64x192xf32> to vector<64x64xf32>
        %slice3A_160 = vector.extract_strided_slice %add3A_142 {offsets = [0, 128], sizes = [64, 64], strides = [1, 1]} : vector<64x192xf32> to vector<64x64xf32>
        %mul3A_161 = arith.mulf %logistic3A_149, %slice3A_160 : vector<64x64xf32>
        %add3A_162 = arith.addf %slice3A_159, %mul3A_161 : vector<64x64xf32>
        %tanh3A = math.tanh %add3A_162 : vector<64x64xf32>
        %sub3A_163 = arith.constant 1.000000e+00 : f32
        %sub3A_164 = vector.broadcast %sub3A_163 : f32 to vector<64x64xf32>
        %sub3A_165 = arith.subf %sub3A_164, %logistic3A_158 : vector<64x64xf32>
        %mul3A_166 = arith.mulf %sub3A_165, %tanh3A : vector<64x64xf32>
        %mul3A_167 = arith.mulf %logistic3A_158, %get3A_123 : vector<64x64xf32>
        %add3A_168 = arith.addf %mul3A_166, %mul3A_167 : vector<64x64xf32>
        %swap3A_169 = arith.constant 0 : index
        %swap3A_170 = arith.constant 0 : index
        %swap3A_171 = vector.load %arg27[%swap3A_169, %swap3A_170] : memref<64x64xf32, #tpu.memory_space<vmem>>, vector<64x64xf32>
        tpu.vector_store %arg27[%swap3A_169, %swap3A_170], %add3A_168 {strides = array<i32>} : memref<64x64xf32, #tpu.memory_space<vmem>>, vector<64x64xf32>,
        %swap3A_172 = arith.index_cast %mul3A_110 : i32 to index
        %swap3A_173 = arith.constant 0 : index
        %swap3A_174 = vector.load %arg26[%swap3A_172, %swap3A_173] : memref<4096x64xf32, #tpu.memory_space<vmem>>, vector<64x64xf32>
        tpu.vector_store %arg26[%swap3A_172, %swap3A_173], %add3A_168 {strides = array<i32>} : memref<4096x64xf32, #tpu.memory_space<vmem>>, vector<64x64xf32>,
      }
      %dma_start3A_101 = arith.constant 0 : i32
      %dma_start3A_102 = tpu.memref_slice %arg20[%multiple_of3A, %dma_start3A_101] : memref<131072x64xf32, #tpu.memory_space<any>> -> memref<4096x64xf32, #tpu.memory_space<any>>
      tpu.enqueue_dma source(%arg26 : memref<4096x64xf32, #tpu.memory_space<vmem>>) target(%dma_start3A_102 : memref<4096x64xf32, #tpu.memory_space<any>>) target_semaphore(%arg29 : memref<!tpu.dma_semaphore, #tpu.memory_space<semaphore_mem>>)
      %dma_wait3A_103 = arith.constant 0 : i32
      %dma_wait3A_104 = tpu.memref_slice %arg20[%multiple_of3A, %dma_wait3A_103] : memref<131072x64xf32, #tpu.memory_space<any>> -> memref<4096x64xf32, #tpu.memory_space<any>>
      tpu.wait_dma2 semaphore(%arg29 : memref<!tpu.dma_semaphore, #tpu.memory_space<semaphore_mem>>) src(%arg26 : memref<4096x64xf32, #tpu.memory_space<vmem>>) dst(%dma_wait3A_104 : memref<4096x64xf32, #tpu.memory_space<any>>)
    }
    %broadcast_in_dim3A_50 = arith.constant 0.000000e+00 : f32
    %broadcast_in_dim3A_51 = vector.broadcast %broadcast_in_dim3A_50 : f32 to vector<64x64xf32>
    %swap3A_52 = arith.constant 0 : index
    %swap3A_53 = arith.constant 0 : index
    %swap3A_54 = vector.load %arg27[%swap3A_52, %swap3A_53] : memref<64x64xf32, #tpu.memory_space<vmem>>, vector<64x64xf32>
    tpu.vector_store %arg27[%swap3A_52, %swap3A_53], %broadcast_in_dim3A_51 {strides = array<i32>} : memref<64x64xf32, #tpu.memory_space<vmem>>, vector<64x64xf32>,
    %while3A_55 = arith.constant 0 : i32
    %while3A_56 = arith.constant 0 : i32
    %while3A_57 = arith.subi %select_n3A, %while3A_56 : i32
    %while3A_58 = arith.addi %while3A_56, %while3A_57 : i32
    %while3A_59 = arith.constant 1 : i32
    %while3A_60 = arith.divsi %while3A_57, %while3A_59 : i32
    %while3A_61 = arith.muli %while3A_60, %while3A_59 : i32
    %while3A_62 = arith.addi %while3A_56, %while3A_61 : i32
    %while3A_63 = arith.constant 1 : i32
    scf.for %while3A_80 = %while3A_56 to %while3A_62 step %while3A_63  : i32 {
      %mul3A = arith.constant 64 : i32
      %mul3A_81 = arith.muli %while3A_80, %mul3A : i32
      %sub3A_82 = arith.subi %get3A_0, %mul3A_81 : i32
      %min3A = arith.constant 64 : i32
      %min3A_83 = arith.minsi %sub3A_82, %min3A : i32
      %mul3A_84 = arith.constant 64 : i32
      %mul3A_85 = arith.muli %mul3A_81, %mul3A_84 : i32
      %multiple_of3A = tpu.assume_multiple %mul3A_85, 64 : i32
      %dma_start3A = arith.constant 0 : i32
      %dma_start3A_86 = tpu.memref_slice %arg19[%multiple_of3A, %dma_start3A] : memref<131072x64xf32, #tpu.memory_space<any>> -> memref<4096x64xf32, #tpu.memory_space<any>>
      tpu.enqueue_dma source(%dma_start3A_86 : memref<4096x64xf32, #tpu.memory_space<any>>) target(%arg24 : memref<4096x64xf32, #tpu.memory_space<vmem>>) target_semaphore(%arg28 : memref<!tpu.dma_semaphore, #tpu.memory_space<semaphore_mem>>)
      %dma_start3A_87 = arith.constant 0 : i32
      %dma_start3A_88 = tpu.memref_slice %arg20[%multiple_of3A, %dma_start3A_87] : memref<131072x64xf32, #tpu.memory_space<any>> -> memref<4096x64xf32, #tpu.memory_space<any>>
      tpu.enqueue_dma source(%dma_start3A_88 : memref<4096x64xf32, #tpu.memory_space<any>>) target(%arg25 : memref<4096x64xf32, #tpu.memory_space<vmem>>) target_semaphore(%arg28 : memref<!tpu.dma_semaphore, #tpu.memory_space<semaphore_mem>>)
      %dma_wait3A = arith.constant 0 : i32
      %dma_wait3A_89 = tpu.memref_slice %arg19[%multiple_of3A, %dma_wait3A] : memref<131072x64xf32, #tpu.memory_space<any>> -> memref<4096x64xf32, #tpu.memory_space<any>>
      tpu.wait_dma2 semaphore(%arg28 : memref<!tpu.dma_semaphore, #tpu.memory_space<semaphore_mem>>) src(%dma_wait3A_89 : memref<4096x64xf32, #tpu.memory_space<any>>) dst(%arg24 : memref<4096x64xf32, #tpu.memory_space<vmem>>)
      %dma_wait3A_90 = arith.constant 0 : i32
      %dma_wait3A_91 = tpu.memref_slice %arg20[%multiple_of3A, %dma_wait3A_90] : memref<131072x64xf32, #tpu.memory_space<any>> -> memref<4096x64xf32, #tpu.memory_space<any>>
      tpu.wait_dma2 semaphore(%arg28 : memref<!tpu.dma_semaphore, #tpu.memory_space<semaphore_mem>>) src(%dma_wait3A_91 : memref<4096x64xf32, #tpu.memory_space<any>>) dst(%arg25 : memref<4096x64xf32, #tpu.memory_space<vmem>>)
      %while3A_92 = arith.constant 0 : i32
      %while3A_93 = arith.constant 0 : i32
      %while3A_94 = arith.subi %min3A_83, %while3A_93 : i32
      %while3A_95 = arith.addi %while3A_93, %while3A_94 : i32
      %while3A_96 = arith.constant 1 : i32
      %while3A_97 = arith.divsi %while3A_94, %while3A_96 : i32
      %while3A_98 = arith.muli %while3A_97, %while3A_96 : i32
      %while3A_99 = arith.addi %while3A_93, %while3A_98 : i32
      %while3A_100 = arith.constant 1 : i32
      scf.for %while3A_106 = %while3A_93 to %while3A_99 step %while3A_100  : i32 {
        %mul3A_107 = arith.constant 64 : i32
        %mul3A_108 = arith.muli %while3A_106, %mul3A_107 : i32
        %get3A_109 = arith.index_cast %mul3A_108 : i32 to index
        %get3A_110 = arith.constant 0 : index
        %get3A_111 = vector.load %arg24[%get3A_109, %get3A_110] : memref<4096x64xf32, #tpu.memory_space<vmem>>, vector<64x64xf32>
        %get3A_112 = arith.index_cast %mul3A_108 : i32 to index
        %get3A_113 = arith.constant 0 : index
        %get3A_114 = vector.load %arg25[%get3A_112, %get3A_113] : memref<4096x64xf32, #tpu.memory_space<vmem>>, vector<64x64xf32>
        %concatenate3A = tpu.concatenate %get3A_111, %get3A_114 in 1 : vector<64x64xf32>, vector<64x64xf32> -> vector<64x128xf32>
        %get3A_115 = arith.constant 0 : index
        %get3A_116 = arith.constant 0 : index
        %get3A_117 = vector.load %arg27[%get3A_115, %get3A_116] : memref<64x64xf32, #tpu.memory_space<vmem>>, vector<64x64xf32>
        %get3A_118 = arith.constant 0 : index
        %get3A_119 = arith.constant 0 : index
        %get3A_120 = vector.load %arg11[%get3A_118, %get3A_119] : memref<128x192xf32, #tpu.memory_space<vmem>>, vector<128x192xf32>
        %dot_general3A = arith.constant dense<0.000000e+00> : vector<64x192xf32>
        %dot_general3A_121 = tpu.matmul %concatenate3A, %get3A_120, %dot_general3A {dimension_numbers = #tpu.dot_dimension_numbers<[1], [0], [0], [1], [0, 0, 1, 1], [], []>, transpose_lhs_hint = false} : vector<64x128xf32>, vector<128x192xf32>, vector<64x192xf32> -> vector<64x192xf32>
        %get3A_122 = arith.constant 0 : index
        %get3A_123 = arith.constant 0 : index
        %get3A_124 = vector.load %arg13[%get3A_122, %get3A_123] : memref<1x192xf32, #tpu.memory_space<vmem>>, vector<1x192xf32>
        %add3A_125 = vector.broadcast %get3A_124 : vector<1x192xf32> to vector<64x192xf32>
        %add3A_126 = arith.addf %dot_general3A_121, %add3A_125 : vector<64x192xf32>
        %get3A_127 = arith.constant 0 : index
        %get3A_128 = arith.constant 0 : index
        %get3A_129 = vector.load %arg12[%get3A_127, %get3A_128] : memref<64x192xf32, #tpu.memory_space<vmem>>, vector<64x192xf32>
        %dot_general3A_130 = arith.constant dense<0.000000e+00> : vector<64x192xf32>
        %dot_general3A_131 = tpu.matmul %get3A_117, %get3A_129, %dot_general3A_130 {dimension_numbers = #tpu.dot_dimension_numbers<[1], [0], [0], [1], [0, 0, 1, 1], [], []>, transpose_lhs_hint = false} : vector<64x64xf32>, vector<64x192xf32>, vector<64x192xf32> -> vector<64x192xf32>
        %get3A_132 = arith.constant 0 : index
        %get3A_133 = arith.constant 0 : index
        %get3A_134 = vector.load %arg14[%get3A_132, %get3A_133] : memref<1x192xf32, #tpu.memory_space<vmem>>, vector<1x192xf32>
        %add3A_135 = vector.broadcast %get3A_134 : vector<1x192xf32> to vector<64x192xf32>
        %add3A_136 = arith.addf %dot_general3A_131, %add3A_135 : vector<64x192xf32>
        %slice3A = vector.extract_strided_slice %add3A_126 {offsets = [0, 0], sizes = [64, 64], strides = [1, 1]} : vector<64x192xf32> to vector<64x64xf32>
        %slice3A_137 = vector.extract_strided_slice %add3A_136 {offsets = [0, 0], sizes = [64, 64], strides = [1, 1]} : vector<64x192xf32> to vector<64x64xf32>
        %add3A_138 = arith.addf %slice3A, %slice3A_137 : vector<64x64xf32>
        %logistic3A = arith.negf %add3A_138 : vector<64x64xf32>
        %logistic3A_139 = math.exp %logistic3A : vector<64x64xf32>
        %logistic3A_140 = arith.constant 1.000000e+00 : f32
        %logistic3A_141 = vector.broadcast %logistic3A_140 : f32 to vector<64x64xf32>
        %logistic3A_142 = arith.addf %logistic3A_141, %logistic3A_139 : vector<64x64xf32>
        %logistic3A_143 = arith.divf %logistic3A_141, %logistic3A_142 : vector<64x64xf32>
        %slice3A_144 = vector.extract_strided_slice %add3A_126 {offsets = [0, 64], sizes = [64, 64], strides = [1, 1]} : vector<64x192xf32> to vector<64x64xf32>
        %slice3A_145 = vector.extract_strided_slice %add3A_136 {offsets = [0, 64], sizes = [64, 64], strides = [1, 1]} : vector<64x192xf32> to vector<64x64xf32>
        %add3A_146 = arith.addf %slice3A_144, %slice3A_145 : vector<64x64xf32>
        %logistic3A_147 = arith.negf %add3A_146 : vector<64x64xf32>
        %logistic3A_148 = math.exp %logistic3A_147 : vector<64x64xf32>
        %logistic3A_149 = arith.constant 1.000000e+00 : f32
        %logistic3A_150 = vector.broadcast %logistic3A_149 : f32 to vector<64x64xf32>
        %logistic3A_151 = arith.addf %logistic3A_150, %logistic3A_148 : vector<64x64xf32>
        %logistic3A_152 = arith.divf %logistic3A_150, %logistic3A_151 : vector<64x64xf32>
        %slice3A_153 = vector.extract_strided_slice %add3A_126 {offsets = [0, 128], sizes = [64, 64], strides = [1, 1]} : vector<64x192xf32> to vector<64x64xf32>
        %slice3A_154 = vector.extract_strided_slice %add3A_136 {offsets = [0, 128], sizes = [64, 64], strides = [1, 1]} : vector<64x192xf32> to vector<64x64xf32>
        %mul3A_155 = arith.mulf %logistic3A_143, %slice3A_154 : vector<64x64xf32>
        %add3A_156 = arith.addf %slice3A_153, %mul3A_155 : vector<64x64xf32>
        %tanh3A = math.tanh %add3A_156 : vector<64x64xf32>
        %sub3A_157 = arith.constant 1.000000e+00 : f32
        %sub3A_158 = vector.broadcast %sub3A_157 : f32 to vector<64x64xf32>
        %sub3A_159 = arith.subf %sub3A_158, %logistic3A_152 : vector<64x64xf32>
        %mul3A_160 = arith.mulf %sub3A_159, %tanh3A : vector<64x64xf32>
        %mul3A_161 = arith.mulf %logistic3A_152, %get3A_117 : vector<64x64xf32>
        %add3A_162 = arith.addf %mul3A_160, %mul3A_161 : vector<64x64xf32>
        %swap3A_163 = arith.constant 0 : index
        %swap3A_164 = arith.constant 0 : index
        %swap3A_165 = vector.load %arg27[%swap3A_163, %swap3A_164] : memref<64x64xf32, #tpu.memory_space<vmem>>, vector<64x64xf32>
        tpu.vector_store %arg27[%swap3A_163, %swap3A_164], %add3A_162 {strides = array<i32>} : memref<64x64xf32, #tpu.memory_space<vmem>>, vector<64x64xf32>,
        %swap3A_166 = arith.index_cast %mul3A_108 : i32 to index
        %swap3A_167 = arith.constant 0 : index
        %swap3A_168 = vector.load %arg26[%swap3A_166, %swap3A_167] : memref<4096x64xf32, #tpu.memory_space<vmem>>, vector<64x64xf32>
        tpu.vector_store %arg26[%swap3A_166, %swap3A_167], %add3A_162 {strides = array<i32>} : memref<4096x64xf32, #tpu.memory_space<vmem>>, vector<64x64xf32>,
      }
      %while3A_101 = arith.constant 1 : i32
      scf.for %while3A_106 = %while3A_99 to %while3A_95 step %while3A_101  : i32 {
        %mul3A_107 = arith.constant 64 : i32
        %mul3A_108 = arith.muli %while3A_106, %mul3A_107 : i32
        %get3A_109 = arith.index_cast %mul3A_108 : i32 to index
        %get3A_110 = arith.constant 0 : index
        %get3A_111 = vector.load %arg24[%get3A_109, %get3A_110] : memref<4096x64xf32, #tpu.memory_space<vmem>>, vector<64x64xf32>
        %get3A_112 = arith.index_cast %mul3A_108 : i32 to index
        %get3A_113 = arith.constant 0 : index
        %get3A_114 = vector.load %arg25[%get3A_112, %get3A_113] : memref<4096x64xf32, #tpu.memory_space<vmem>>, vector<64x64xf32>
        %concatenate3A = tpu.concatenate %get3A_111, %get3A_114 in 1 : vector<64x64xf32>, vector<64x64xf32> -> vector<64x128xf32>
        %get3A_115 = arith.constant 0 : index
        %get3A_116 = arith.constant 0 : index
        %get3A_117 = vector.load %arg27[%get3A_115, %get3A_116] : memref<64x64xf32, #tpu.memory_space<vmem>>, vector<64x64xf32>
        %get3A_118 = arith.constant 0 : index
        %get3A_119 = arith.constant 0 : index
        %get3A_120 = vector.load %arg11[%get3A_118, %get3A_119] : memref<128x192xf32, #tpu.memory_space<vmem>>, vector<128x192xf32>
        %dot_general3A = arith.constant dense<0.000000e+00> : vector<64x192xf32>
        %dot_general3A_121 = tpu.matmul %concatenate3A, %get3A_120, %dot_general3A {dimension_numbers = #tpu.dot_dimension_numbers<[1], [0], [0], [1], [0, 0, 1, 1], [], []>, transpose_lhs_hint = false} : vector<64x128xf32>, vector<128x192xf32>, vector<64x192xf32> -> vector<64x192xf32>
        %get3A_122 = arith.constant 0 : index
        %get3A_123 = arith.constant 0 : index
        %get3A_124 = vector.load %arg13[%get3A_122, %get3A_123] : memref<1x192xf32, #tpu.memory_space<vmem>>, vector<1x192xf32>
        %add3A_125 = vector.broadcast %get3A_124 : vector<1x192xf32> to vector<64x192xf32>
        %add3A_126 = arith.addf %dot_general3A_121, %add3A_125 : vector<64x192xf32>
        %get3A_127 = arith.constant 0 : index
        %get3A_128 = arith.constant 0 : index
        %get3A_129 = vector.load %arg12[%get3A_127, %get3A_128] : memref<64x192xf32, #tpu.memory_space<vmem>>, vector<64x192xf32>
        %dot_general3A_130 = arith.constant dense<0.000000e+00> : vector<64x192xf32>
        %dot_general3A_131 = tpu.matmul %get3A_117, %get3A_129, %dot_general3A_130 {dimension_numbers = #tpu.dot_dimension_numbers<[1], [0], [0], [1], [0, 0, 1, 1], [], []>, transpose_lhs_hint = false} : vector<64x64xf32>, vector<64x192xf32>, vector<64x192xf32> -> vector<64x192xf32>
        %get3A_132 = arith.constant 0 : index
        %get3A_133 = arith.constant 0 : index
        %get3A_134 = vector.load %arg14[%get3A_132, %get3A_133] : memref<1x192xf32, #tpu.memory_space<vmem>>, vector<1x192xf32>
        %add3A_135 = vector.broadcast %get3A_134 : vector<1x192xf32> to vector<64x192xf32>
        %add3A_136 = arith.addf %dot_general3A_131, %add3A_135 : vector<64x192xf32>
        %slice3A = vector.extract_strided_slice %add3A_126 {offsets = [0, 0], sizes = [64, 64], strides = [1, 1]} : vector<64x192xf32> to vector<64x64xf32>
        %slice3A_137 = vector.extract_strided_slice %add3A_136 {offsets = [0, 0], sizes = [64, 64], strides = [1, 1]} : vector<64x192xf32> to vector<64x64xf32>
        %add3A_138 = arith.addf %slice3A, %slice3A_137 : vector<64x64xf32>
        %logistic3A = arith.negf %add3A_138 : vector<64x64xf32>
        %logistic3A_139 = math.exp %logistic3A : vector<64x64xf32>
        %logistic3A_140 = arith.constant 1.000000e+00 : f32
        %logistic3A_141 = vector.broadcast %logistic3A_140 : f32 to vector<64x64xf32>
        %logistic3A_142 = arith.addf %logistic3A_141, %logistic3A_139 : vector<64x64xf32>
        %logistic3A_143 = arith.divf %logistic3A_141, %logistic3A_142 : vector<64x64xf32>
        %slice3A_144 = vector.extract_strided_slice %add3A_126 {offsets = [0, 64], sizes = [64, 64], strides = [1, 1]} : vector<64x192xf32> to vector<64x64xf32>
        %slice3A_145 = vector.extract_strided_slice %add3A_136 {offsets = [0, 64], sizes = [64, 64], strides = [1, 1]} : vector<64x192xf32> to vector<64x64xf32>
        %add3A_146 = arith.addf %slice3A_144, %slice3A_145 : vector<64x64xf32>
        %logistic3A_147 = arith.negf %add3A_146 : vector<64x64xf32>
        %logistic3A_148 = math.exp %logistic3A_147 : vector<64x64xf32>
        %logistic3A_149 = arith.constant 1.000000e+00 : f32
        %logistic3A_150 = vector.broadcast %logistic3A_149 : f32 to vector<64x64xf32>
        %logistic3A_151 = arith.addf %logistic3A_150, %logistic3A_148 : vector<64x64xf32>
        %logistic3A_152 = arith.divf %logistic3A_150, %logistic3A_151 : vector<64x64xf32>
        %slice3A_153 = vector.extract_strided_slice %add3A_126 {offsets = [0, 128], sizes = [64, 64], strides = [1, 1]} : vector<64x192xf32> to vector<64x64xf32>
        %slice3A_154 = vector.extract_strided_slice %add3A_136 {offsets = [0, 128], sizes = [64, 64], strides = [1, 1]} : vector<64x192xf32> to vector<64x64xf32>
        %mul3A_155 = arith.mulf %logistic3A_143, %slice3A_154 : vector<64x64xf32>
        %add3A_156 = arith.addf %slice3A_153, %mul3A_155 : vector<64x64xf32>
        %tanh3A = math.tanh %add3A_156 : vector<64x64xf32>
        %sub3A_157 = arith.constant 1.000000e+00 : f32
        %sub3A_158 = vector.broadcast %sub3A_157 : f32 to vector<64x64xf32>
        %sub3A_159 = arith.subf %sub3A_158, %logistic3A_152 : vector<64x64xf32>
        %mul3A_160 = arith.mulf %sub3A_159, %tanh3A : vector<64x64xf32>
        %mul3A_161 = arith.mulf %logistic3A_152, %get3A_117 : vector<64x64xf32>
        %add3A_162 = arith.addf %mul3A_160, %mul3A_161 : vector<64x64xf32>
        %swap3A_163 = arith.constant 0 : index
        %swap3A_164 = arith.constant 0 : index
        %swap3A_165 = vector.load %arg27[%swap3A_163, %swap3A_164] : memref<64x64xf32, #tpu.memory_space<vmem>>, vector<64x64xf32>
        tpu.vector_store %arg27[%swap3A_163, %swap3A_164], %add3A_162 {strides = array<i32>} : memref<64x64xf32, #tpu.memory_space<vmem>>, vector<64x64xf32>,
        %swap3A_166 = arith.index_cast %mul3A_108 : i32 to index
        %swap3A_167 = arith.constant 0 : index
        %swap3A_168 = vector.load %arg26[%swap3A_166, %swap3A_167] : memref<4096x64xf32, #tpu.memory_space<vmem>>, vector<64x64xf32>
        tpu.vector_store %arg26[%swap3A_166, %swap3A_167], %add3A_162 {strides = array<i32>} : memref<4096x64xf32, #tpu.memory_space<vmem>>, vector<64x64xf32>,
      }
      %dma_start3A_102 = arith.constant 0 : i32
      %dma_start3A_103 = tpu.memref_slice %arg21[%multiple_of3A, %dma_start3A_102] : memref<131072x64xf32, #tpu.memory_space<any>> -> memref<4096x64xf32, #tpu.memory_space<any>>
      tpu.enqueue_dma source(%arg26 : memref<4096x64xf32, #tpu.memory_space<vmem>>) target(%dma_start3A_103 : memref<4096x64xf32, #tpu.memory_space<any>>) target_semaphore(%arg29 : memref<!tpu.dma_semaphore, #tpu.memory_space<semaphore_mem>>)
      %dma_wait3A_104 = arith.constant 0 : i32
      %dma_wait3A_105 = tpu.memref_slice %arg21[%multiple_of3A, %dma_wait3A_104] : memref<131072x64xf32, #tpu.memory_space<any>> -> memref<4096x64xf32, #tpu.memory_space<any>>
      tpu.wait_dma2 semaphore(%arg29 : memref<!tpu.dma_semaphore, #tpu.memory_space<semaphore_mem>>) src(%arg26 : memref<4096x64xf32, #tpu.memory_space<vmem>>) dst(%dma_wait3A_105 : memref<4096x64xf32, #tpu.memory_space<any>>)
    }
    %while3A_64 = arith.constant 1 : i32
    scf.for %while3A_80 = %while3A_62 to %while3A_58 step %while3A_64  : i32 {
      %mul3A = arith.constant 64 : i32
      %mul3A_81 = arith.muli %while3A_80, %mul3A : i32
      %sub3A_82 = arith.subi %get3A_0, %mul3A_81 : i32
      %min3A = arith.constant 64 : i32
      %min3A_83 = arith.minsi %sub3A_82, %min3A : i32
      %mul3A_84 = arith.constant 64 : i32
      %mul3A_85 = arith.muli %mul3A_81, %mul3A_84 : i32
      %multiple_of3A = tpu.assume_multiple %mul3A_85, 64 : i32
      %dma_start3A = arith.constant 0 : i32
      %dma_start3A_86 = tpu.memref_slice %arg19[%multiple_of3A, %dma_start3A] : memref<131072x64xf32, #tpu.memory_space<any>> -> memref<4096x64xf32, #tpu.memory_space<any>>
      tpu.enqueue_dma source(%dma_start3A_86 : memref<4096x64xf32, #tpu.memory_space<any>>) target(%arg24 : memref<4096x64xf32, #tpu.memory_space<vmem>>) target_semaphore(%arg28 : memref<!tpu.dma_semaphore, #tpu.memory_space<semaphore_mem>>)
      %dma_start3A_87 = arith.constant 0 : i32
      %dma_start3A_88 = tpu.memref_slice %arg20[%multiple_of3A, %dma_start3A_87] : memref<131072x64xf32, #tpu.memory_space<any>> -> memref<4096x64xf32, #tpu.memory_space<any>>
      tpu.enqueue_dma source(%dma_start3A_88 : memref<4096x64xf32, #tpu.memory_space<any>>) target(%arg25 : memref<4096x64xf32, #tpu.memory_space<vmem>>) target_semaphore(%arg28 : memref<!tpu.dma_semaphore, #tpu.memory_space<semaphore_mem>>)
      %dma_wait3A = arith.constant 0 : i32
      %dma_wait3A_89 = tpu.memref_slice %arg19[%multiple_of3A, %dma_wait3A] : memref<131072x64xf32, #tpu.memory_space<any>> -> memref<4096x64xf32, #tpu.memory_space<any>>
      tpu.wait_dma2 semaphore(%arg28 : memref<!tpu.dma_semaphore, #tpu.memory_space<semaphore_mem>>) src(%dma_wait3A_89 : memref<4096x64xf32, #tpu.memory_space<any>>) dst(%arg24 : memref<4096x64xf32, #tpu.memory_space<vmem>>)
      %dma_wait3A_90 = arith.constant 0 : i32
      %dma_wait3A_91 = tpu.memref_slice %arg20[%multiple_of3A, %dma_wait3A_90] : memref<131072x64xf32, #tpu.memory_space<any>> -> memref<4096x64xf32, #tpu.memory_space<any>>
      tpu.wait_dma2 semaphore(%arg28 : memref<!tpu.dma_semaphore, #tpu.memory_space<semaphore_mem>>) src(%dma_wait3A_91 : memref<4096x64xf32, #tpu.memory_space<any>>) dst(%arg25 : memref<4096x64xf32, #tpu.memory_space<vmem>>)
      %while3A_92 = arith.constant 0 : i32
      %while3A_93 = arith.constant 0 : i32
      %while3A_94 = arith.subi %min3A_83, %while3A_93 : i32
      %while3A_95 = arith.addi %while3A_93, %while3A_94 : i32
      %while3A_96 = arith.constant 1 : i32
      %while3A_97 = arith.divsi %while3A_94, %while3A_96 : i32
      %while3A_98 = arith.muli %while3A_97, %while3A_96 : i32
      %while3A_99 = arith.addi %while3A_93, %while3A_98 : i32
      %while3A_100 = arith.constant 1 : i32
      scf.for %while3A_106 = %while3A_93 to %while3A_99 step %while3A_100  : i32 {
        %mul3A_107 = arith.constant 64 : i32
        %mul3A_108 = arith.muli %while3A_106, %mul3A_107 : i32
        %get3A_109 = arith.index_cast %mul3A_108 : i32 to index
        %get3A_110 = arith.constant 0 : index
        %get3A_111 = vector.load %arg24[%get3A_109, %get3A_110] : memref<4096x64xf32, #tpu.memory_space<vmem>>, vector<64x64xf32>
        %get3A_112 = arith.index_cast %mul3A_108 : i32 to index
        %get3A_113 = arith.constant 0 : index
        %get3A_114 = vector.load %arg25[%get3A_112, %get3A_113] : memref<4096x64xf32, #tpu.memory_space<vmem>>, vector<64x64xf32>
        %concatenate3A = tpu.concatenate %get3A_111, %get3A_114 in 1 : vector<64x64xf32>, vector<64x64xf32> -> vector<64x128xf32>
        %get3A_115 = arith.constant 0 : index
        %get3A_116 = arith.constant 0 : index
        %get3A_117 = vector.load %arg27[%get3A_115, %get3A_116] : memref<64x64xf32, #tpu.memory_space<vmem>>, vector<64x64xf32>
        %get3A_118 = arith.constant 0 : index
        %get3A_119 = arith.constant 0 : index
        %get3A_120 = vector.load %arg11[%get3A_118, %get3A_119] : memref<128x192xf32, #tpu.memory_space<vmem>>, vector<128x192xf32>
        %dot_general3A = arith.constant dense<0.000000e+00> : vector<64x192xf32>
        %dot_general3A_121 = tpu.matmul %concatenate3A, %get3A_120, %dot_general3A {dimension_numbers = #tpu.dot_dimension_numbers<[1], [0], [0], [1], [0, 0, 1, 1], [], []>, transpose_lhs_hint = false} : vector<64x128xf32>, vector<128x192xf32>, vector<64x192xf32> -> vector<64x192xf32>
        %get3A_122 = arith.constant 0 : index
        %get3A_123 = arith.constant 0 : index
        %get3A_124 = vector.load %arg13[%get3A_122, %get3A_123] : memref<1x192xf32, #tpu.memory_space<vmem>>, vector<1x192xf32>
        %add3A_125 = vector.broadcast %get3A_124 : vector<1x192xf32> to vector<64x192xf32>
        %add3A_126 = arith.addf %dot_general3A_121, %add3A_125 : vector<64x192xf32>
        %get3A_127 = arith.constant 0 : index
        %get3A_128 = arith.constant 0 : index
        %get3A_129 = vector.load %arg12[%get3A_127, %get3A_128] : memref<64x192xf32, #tpu.memory_space<vmem>>, vector<64x192xf32>
        %dot_general3A_130 = arith.constant dense<0.000000e+00> : vector<64x192xf32>
        %dot_general3A_131 = tpu.matmul %get3A_117, %get3A_129, %dot_general3A_130 {dimension_numbers = #tpu.dot_dimension_numbers<[1], [0], [0], [1], [0, 0, 1, 1], [], []>, transpose_lhs_hint = false} : vector<64x64xf32>, vector<64x192xf32>, vector<64x192xf32> -> vector<64x192xf32>
        %get3A_132 = arith.constant 0 : index
        %get3A_133 = arith.constant 0 : index
        %get3A_134 = vector.load %arg14[%get3A_132, %get3A_133] : memref<1x192xf32, #tpu.memory_space<vmem>>, vector<1x192xf32>
        %add3A_135 = vector.broadcast %get3A_134 : vector<1x192xf32> to vector<64x192xf32>
        %add3A_136 = arith.addf %dot_general3A_131, %add3A_135 : vector<64x192xf32>
        %slice3A = vector.extract_strided_slice %add3A_126 {offsets = [0, 0], sizes = [64, 64], strides = [1, 1]} : vector<64x192xf32> to vector<64x64xf32>
        %slice3A_137 = vector.extract_strided_slice %add3A_136 {offsets = [0, 0], sizes = [64, 64], strides = [1, 1]} : vector<64x192xf32> to vector<64x64xf32>
        %add3A_138 = arith.addf %slice3A, %slice3A_137 : vector<64x64xf32>
        %logistic3A = arith.negf %add3A_138 : vector<64x64xf32>
        %logistic3A_139 = math.exp %logistic3A : vector<64x64xf32>
        %logistic3A_140 = arith.constant 1.000000e+00 : f32
        %logistic3A_141 = vector.broadcast %logistic3A_140 : f32 to vector<64x64xf32>
        %logistic3A_142 = arith.addf %logistic3A_141, %logistic3A_139 : vector<64x64xf32>
        %logistic3A_143 = arith.divf %logistic3A_141, %logistic3A_142 : vector<64x64xf32>
        %slice3A_144 = vector.extract_strided_slice %add3A_126 {offsets = [0, 64], sizes = [64, 64], strides = [1, 1]} : vector<64x192xf32> to vector<64x64xf32>
        %slice3A_145 = vector.extract_strided_slice %add3A_136 {offsets = [0, 64], sizes = [64, 64], strides = [1, 1]} : vector<64x192xf32> to vector<64x64xf32>
        %add3A_146 = arith.addf %slice3A_144, %slice3A_145 : vector<64x64xf32>
        %logistic3A_147 = arith.negf %add3A_146 : vector<64x64xf32>
        %logistic3A_148 = math.exp %logistic3A_147 : vector<64x64xf32>
        %logistic3A_149 = arith.constant 1.000000e+00 : f32
        %logistic3A_150 = vector.broadcast %logistic3A_149 : f32 to vector<64x64xf32>
        %logistic3A_151 = arith.addf %logistic3A_150, %logistic3A_148 : vector<64x64xf32>
        %logistic3A_152 = arith.divf %logistic3A_150, %logistic3A_151 : vector<64x64xf32>
        %slice3A_153 = vector.extract_strided_slice %add3A_126 {offsets = [0, 128], sizes = [64, 64], strides = [1, 1]} : vector<64x192xf32> to vector<64x64xf32>
        %slice3A_154 = vector.extract_strided_slice %add3A_136 {offsets = [0, 128], sizes = [64, 64], strides = [1, 1]} : vector<64x192xf32> to vector<64x64xf32>
        %mul3A_155 = arith.mulf %logistic3A_143, %slice3A_154 : vector<64x64xf32>
        %add3A_156 = arith.addf %slice3A_153, %mul3A_155 : vector<64x64xf32>
        %tanh3A = math.tanh %add3A_156 : vector<64x64xf32>
        %sub3A_157 = arith.constant 1.000000e+00 : f32
        %sub3A_158 = vector.broadcast %sub3A_157 : f32 to vector<64x64xf32>
        %sub3A_159 = arith.subf %sub3A_158, %logistic3A_152 : vector<64x64xf32>
        %mul3A_160 = arith.mulf %sub3A_159, %tanh3A : vector<64x64xf32>
        %mul3A_161 = arith.mulf %logistic3A_152, %get3A_117 : vector<64x64xf32>
        %add3A_162 = arith.addf %mul3A_160, %mul3A_161 : vector<64x64xf32>
        %swap3A_163 = arith.constant 0 : index
        %swap3A_164 = arith.constant 0 : index
        %swap3A_165 = vector.load %arg27[%swap3A_163, %swap3A_164] : memref<64x64xf32, #tpu.memory_space<vmem>>, vector<64x64xf32>
        tpu.vector_store %arg27[%swap3A_163, %swap3A_164], %add3A_162 {strides = array<i32>} : memref<64x64xf32, #tpu.memory_space<vmem>>, vector<64x64xf32>,
        %swap3A_166 = arith.index_cast %mul3A_108 : i32 to index
        %swap3A_167 = arith.constant 0 : index
        %swap3A_168 = vector.load %arg26[%swap3A_166, %swap3A_167] : memref<4096x64xf32, #tpu.memory_space<vmem>>, vector<64x64xf32>
        tpu.vector_store %arg26[%swap3A_166, %swap3A_167], %add3A_162 {strides = array<i32>} : memref<4096x64xf32, #tpu.memory_space<vmem>>, vector<64x64xf32>,
      }
      %while3A_101 = arith.constant 1 : i32
      scf.for %while3A_106 = %while3A_99 to %while3A_95 step %while3A_101  : i32 {
        %mul3A_107 = arith.constant 64 : i32
        %mul3A_108 = arith.muli %while3A_106, %mul3A_107 : i32
        %get3A_109 = arith.index_cast %mul3A_108 : i32 to index
        %get3A_110 = arith.constant 0 : index
        %get3A_111 = vector.load %arg24[%get3A_109, %get3A_110] : memref<4096x64xf32, #tpu.memory_space<vmem>>, vector<64x64xf32>
        %get3A_112 = arith.index_cast %mul3A_108 : i32 to index
        %get3A_113 = arith.constant 0 : index
        %get3A_114 = vector.load %arg25[%get3A_112, %get3A_113] : memref<4096x64xf32, #tpu.memory_space<vmem>>, vector<64x64xf32>
        %concatenate3A = tpu.concatenate %get3A_111, %get3A_114 in 1 : vector<64x64xf32>, vector<64x64xf32> -> vector<64x128xf32>
        %get3A_115 = arith.constant 0 : index
        %get3A_116 = arith.constant 0 : index
        %get3A_117 = vector.load %arg27[%get3A_115, %get3A_116] : memref<64x64xf32, #tpu.memory_space<vmem>>, vector<64x64xf32>
        %get3A_118 = arith.constant 0 : index
        %get3A_119 = arith.constant 0 : index
        %get3A_120 = vector.load %arg11[%get3A_118, %get3A_119] : memref<128x192xf32, #tpu.memory_space<vmem>>, vector<128x192xf32>
        %dot_general3A = arith.constant dense<0.000000e+00> : vector<64x192xf32>
        %dot_general3A_121 = tpu.matmul %concatenate3A, %get3A_120, %dot_general3A {dimension_numbers = #tpu.dot_dimension_numbers<[1], [0], [0], [1], [0, 0, 1, 1], [], []>, transpose_lhs_hint = false} : vector<64x128xf32>, vector<128x192xf32>, vector<64x192xf32> -> vector<64x192xf32>
        %get3A_122 = arith.constant 0 : index
        %get3A_123 = arith.constant 0 : index
        %get3A_124 = vector.load %arg13[%get3A_122, %get3A_123] : memref<1x192xf32, #tpu.memory_space<vmem>>, vector<1x192xf32>
        %add3A_125 = vector.broadcast %get3A_124 : vector<1x192xf32> to vector<64x192xf32>
        %add3A_126 = arith.addf %dot_general3A_121, %add3A_125 : vector<64x192xf32>
        %get3A_127 = arith.constant 0 : index
        %get3A_128 = arith.constant 0 : index
        %get3A_129 = vector.load %arg12[%get3A_127, %get3A_128] : memref<64x192xf32, #tpu.memory_space<vmem>>, vector<64x192xf32>
        %dot_general3A_130 = arith.constant dense<0.000000e+00> : vector<64x192xf32>
        %dot_general3A_131 = tpu.matmul %get3A_117, %get3A_129, %dot_general3A_130 {dimension_numbers = #tpu.dot_dimension_numbers<[1], [0], [0], [1], [0, 0, 1, 1], [], []>, transpose_lhs_hint = false} : vector<64x64xf32>, vector<64x192xf32>, vector<64x192xf32> -> vector<64x192xf32>
        %get3A_132 = arith.constant 0 : index
        %get3A_133 = arith.constant 0 : index
        %get3A_134 = vector.load %arg14[%get3A_132, %get3A_133] : memref<1x192xf32, #tpu.memory_space<vmem>>, vector<1x192xf32>
        %add3A_135 = vector.broadcast %get3A_134 : vector<1x192xf32> to vector<64x192xf32>
        %add3A_136 = arith.addf %dot_general3A_131, %add3A_135 : vector<64x192xf32>
        %slice3A = vector.extract_strided_slice %add3A_126 {offsets = [0, 0], sizes = [64, 64], strides = [1, 1]} : vector<64x192xf32> to vector<64x64xf32>
        %slice3A_137 = vector.extract_strided_slice %add3A_136 {offsets = [0, 0], sizes = [64, 64], strides = [1, 1]} : vector<64x192xf32> to vector<64x64xf32>
        %add3A_138 = arith.addf %slice3A, %slice3A_137 : vector<64x64xf32>
        %logistic3A = arith.negf %add3A_138 : vector<64x64xf32>
        %logistic3A_139 = math.exp %logistic3A : vector<64x64xf32>
        %logistic3A_140 = arith.constant 1.000000e+00 : f32
        %logistic3A_141 = vector.broadcast %logistic3A_140 : f32 to vector<64x64xf32>
        %logistic3A_142 = arith.addf %logistic3A_141, %logistic3A_139 : vector<64x64xf32>
        %logistic3A_143 = arith.divf %logistic3A_141, %logistic3A_142 : vector<64x64xf32>
        %slice3A_144 = vector.extract_strided_slice %add3A_126 {offsets = [0, 64], sizes = [64, 64], strides = [1, 1]} : vector<64x192xf32> to vector<64x64xf32>
        %slice3A_145 = vector.extract_strided_slice %add3A_136 {offsets = [0, 64], sizes = [64, 64], strides = [1, 1]} : vector<64x192xf32> to vector<64x64xf32>
        %add3A_146 = arith.addf %slice3A_144, %slice3A_145 : vector<64x64xf32>
        %logistic3A_147 = arith.negf %add3A_146 : vector<64x64xf32>
        %logistic3A_148 = math.exp %logistic3A_147 : vector<64x64xf32>
        %logistic3A_149 = arith.constant 1.000000e+00 : f32
        %logistic3A_150 = vector.broadcast %logistic3A_149 : f32 to vector<64x64xf32>
        %logistic3A_151 = arith.addf %logistic3A_150, %logistic3A_148 : vector<64x64xf32>
        %logistic3A_152 = arith.divf %logistic3A_150, %logistic3A_151 : vector<64x64xf32>
        %slice3A_153 = vector.extract_strided_slice %add3A_126 {offsets = [0, 128], sizes = [64, 64], strides = [1, 1]} : vector<64x192xf32> to vector<64x64xf32>
        %slice3A_154 = vector.extract_strided_slice %add3A_136 {offsets = [0, 128], sizes = [64, 64], strides = [1, 1]} : vector<64x192xf32> to vector<64x64xf32>
        %mul3A_155 = arith.mulf %logistic3A_143, %slice3A_154 : vector<64x64xf32>
        %add3A_156 = arith.addf %slice3A_153, %mul3A_155 : vector<64x64xf32>
        %tanh3A = math.tanh %add3A_156 : vector<64x64xf32>
        %sub3A_157 = arith.constant 1.000000e+00 : f32
        %sub3A_158 = vector.broadcast %sub3A_157 : f32 to vector<64x64xf32>
        %sub3A_159 = arith.subf %sub3A_158, %logistic3A_152 : vector<64x64xf32>
        %mul3A_160 = arith.mulf %sub3A_159, %tanh3A : vector<64x64xf32>
        %mul3A_161 = arith.mulf %logistic3A_152, %get3A_117 : vector<64x64xf32>
        %add3A_162 = arith.addf %mul3A_160, %mul3A_161 : vector<64x64xf32>
        %swap3A_163 = arith.constant 0 : index
        %swap3A_164 = arith.constant 0 : index
        %swap3A_165 = vector.load %arg27[%swap3A_163, %swap3A_164] : memref<64x64xf32, #tpu.memory_space<vmem>>, vector<64x64xf32>
        tpu.vector_store %arg27[%swap3A_163, %swap3A_164], %add3A_162 {strides = array<i32>} : memref<64x64xf32, #tpu.memory_space<vmem>>, vector<64x64xf32>,
        %swap3A_166 = arith.index_cast %mul3A_108 : i32 to index
        %swap3A_167 = arith.constant 0 : index
        %swap3A_168 = vector.load %arg26[%swap3A_166, %swap3A_167] : memref<4096x64xf32, #tpu.memory_space<vmem>>, vector<64x64xf32>
        tpu.vector_store %arg26[%swap3A_166, %swap3A_167], %add3A_162 {strides = array<i32>} : memref<4096x64xf32, #tpu.memory_space<vmem>>, vector<64x64xf32>,
      }
      %dma_start3A_102 = arith.constant 0 : i32
      %dma_start3A_103 = tpu.memref_slice %arg21[%multiple_of3A, %dma_start3A_102] : memref<131072x64xf32, #tpu.memory_space<any>> -> memref<4096x64xf32, #tpu.memory_space<any>>
      tpu.enqueue_dma source(%arg26 : memref<4096x64xf32, #tpu.memory_space<vmem>>) target(%dma_start3A_103 : memref<4096x64xf32, #tpu.memory_space<any>>) target_semaphore(%arg29 : memref<!tpu.dma_semaphore, #tpu.memory_space<semaphore_mem>>)
      %dma_wait3A_104 = arith.constant 0 : i32
      %dma_wait3A_105 = tpu.memref_slice %arg21[%multiple_of3A, %dma_wait3A_104] : memref<131072x64xf32, #tpu.memory_space<any>> -> memref<4096x64xf32, #tpu.memory_space<any>>
      tpu.wait_dma2 semaphore(%arg29 : memref<!tpu.dma_semaphore, #tpu.memory_space<semaphore_mem>>) src(%arg26 : memref<4096x64xf32, #tpu.memory_space<vmem>>) dst(%dma_wait3A_105 : memref<4096x64xf32, #tpu.memory_space<any>>)
    }
    %broadcast_in_dim3A_65 = arith.constant 0.000000e+00 : f32
    %broadcast_in_dim3A_66 = vector.broadcast %broadcast_in_dim3A_65 : f32 to vector<64x64xf32>
    %swap3A_67 = arith.constant 0 : index
    %swap3A_68 = arith.constant 0 : index
    %swap3A_69 = vector.load %arg27[%swap3A_67, %swap3A_68] : memref<64x64xf32, #tpu.memory_space<vmem>>, vector<64x64xf32>
    tpu.vector_store %arg27[%swap3A_67, %swap3A_68], %broadcast_in_dim3A_66 {strides = array<i32>} : memref<64x64xf32, #tpu.memory_space<vmem>>, vector<64x64xf32>,
    %while3A_70 = arith.constant 0 : i32
    %while3A_71 = arith.constant 0 : i32
    %while3A_72 = arith.subi %select_n3A, %while3A_71 : i32
    %while3A_73 = arith.addi %while3A_71, %while3A_72 : i32
    %while3A_74 = arith.constant 1 : i32
    %while3A_75 = arith.divsi %while3A_72, %while3A_74 : i32
    %while3A_76 = arith.muli %while3A_75, %while3A_74 : i32
    %while3A_77 = arith.addi %while3A_71, %while3A_76 : i32
    %while3A_78 = arith.constant 1 : i32
    scf.for %while3A_80 = %while3A_71 to %while3A_77 step %while3A_78  : i32 {
      %sub3A_81 = arith.constant 1 : i32
      %sub3A_82 = arith.subi %select_n3A, %sub3A_81 : i32
      %sub3A_83 = arith.subi %sub3A_82, %while3A_80 : i32
      %mul3A = arith.constant 64 : i32
      %mul3A_84 = arith.muli %sub3A_83, %mul3A : i32
      %sub3A_85 = arith.subi %get3A_0, %mul3A_84 : i32
      %min3A = arith.constant 64 : i32
      %min3A_86 = arith.minsi %sub3A_85, %min3A : i32
      %mul3A_87 = arith.constant 64 : i32
      %mul3A_88 = arith.muli %mul3A_84, %mul3A_87 : i32
      %multiple_of3A = tpu.assume_multiple %mul3A_88, 64 : i32
      %dma_start3A = arith.constant 0 : i32
      %dma_start3A_89 = tpu.memref_slice %arg19[%multiple_of3A, %dma_start3A] : memref<131072x64xf32, #tpu.memory_space<any>> -> memref<4096x64xf32, #tpu.memory_space<any>>
      tpu.enqueue_dma source(%dma_start3A_89 : memref<4096x64xf32, #tpu.memory_space<any>>) target(%arg24 : memref<4096x64xf32, #tpu.memory_space<vmem>>) target_semaphore(%arg28 : memref<!tpu.dma_semaphore, #tpu.memory_space<semaphore_mem>>)
      %dma_start3A_90 = arith.constant 0 : i32
      %dma_start3A_91 = tpu.memref_slice %arg20[%multiple_of3A, %dma_start3A_90] : memref<131072x64xf32, #tpu.memory_space<any>> -> memref<4096x64xf32, #tpu.memory_space<any>>
      tpu.enqueue_dma source(%dma_start3A_91 : memref<4096x64xf32, #tpu.memory_space<any>>) target(%arg25 : memref<4096x64xf32, #tpu.memory_space<vmem>>) target_semaphore(%arg28 : memref<!tpu.dma_semaphore, #tpu.memory_space<semaphore_mem>>)
      %dma_wait3A = arith.constant 0 : i32
      %dma_wait3A_92 = tpu.memref_slice %arg19[%multiple_of3A, %dma_wait3A] : memref<131072x64xf32, #tpu.memory_space<any>> -> memref<4096x64xf32, #tpu.memory_space<any>>
      tpu.wait_dma2 semaphore(%arg28 : memref<!tpu.dma_semaphore, #tpu.memory_space<semaphore_mem>>) src(%dma_wait3A_92 : memref<4096x64xf32, #tpu.memory_space<any>>) dst(%arg24 : memref<4096x64xf32, #tpu.memory_space<vmem>>)
      %dma_wait3A_93 = arith.constant 0 : i32
      %dma_wait3A_94 = tpu.memref_slice %arg20[%multiple_of3A, %dma_wait3A_93] : memref<131072x64xf32, #tpu.memory_space<any>> -> memref<4096x64xf32, #tpu.memory_space<any>>
      tpu.wait_dma2 semaphore(%arg28 : memref<!tpu.dma_semaphore, #tpu.memory_space<semaphore_mem>>) src(%dma_wait3A_94 : memref<4096x64xf32, #tpu.memory_space<any>>) dst(%arg25 : memref<4096x64xf32, #tpu.memory_space<vmem>>)
      %while3A_95 = arith.constant 0 : i32
      %while3A_96 = arith.constant 0 : i32
      %while3A_97 = arith.subi %min3A_86, %while3A_96 : i32
      %while3A_98 = arith.addi %while3A_96, %while3A_97 : i32
      %while3A_99 = arith.constant 1 : i32
      %while3A_100 = arith.divsi %while3A_97, %while3A_99 : i32
      %while3A_101 = arith.muli %while3A_100, %while3A_99 : i32
      %while3A_102 = arith.addi %while3A_96, %while3A_101 : i32
      %while3A_103 = arith.constant 1 : i32
      scf.for %while3A_109 = %while3A_96 to %while3A_102 step %while3A_103  : i32 {
        %sub3A_110 = arith.constant 1 : i32
        %sub3A_111 = arith.subi %min3A_86, %sub3A_110 : i32
        %sub3A_112 = arith.subi %sub3A_111, %while3A_109 : i32
        %mul3A_113 = arith.constant 64 : i32
        %mul3A_114 = arith.muli %sub3A_112, %mul3A_113 : i32
        %get3A_115 = arith.index_cast %mul3A_114 : i32 to index
        %get3A_116 = arith.constant 0 : index
        %get3A_117 = vector.load %arg24[%get3A_115, %get3A_116] : memref<4096x64xf32, #tpu.memory_space<vmem>>, vector<64x64xf32>
        %get3A_118 = arith.index_cast %mul3A_114 : i32 to index
        %get3A_119 = arith.constant 0 : index
        %get3A_120 = vector.load %arg25[%get3A_118, %get3A_119] : memref<4096x64xf32, #tpu.memory_space<vmem>>, vector<64x64xf32>
        %concatenate3A = tpu.concatenate %get3A_117, %get3A_120 in 1 : vector<64x64xf32>, vector<64x64xf32> -> vector<64x128xf32>
        %get3A_121 = arith.constant 0 : index
        %get3A_122 = arith.constant 0 : index
        %get3A_123 = vector.load %arg27[%get3A_121, %get3A_122] : memref<64x64xf32, #tpu.memory_space<vmem>>, vector<64x64xf32>
        %get3A_124 = arith.constant 0 : index
        %get3A_125 = arith.constant 0 : index
        %get3A_126 = vector.load %arg15[%get3A_124, %get3A_125] : memref<128x192xf32, #tpu.memory_space<vmem>>, vector<128x192xf32>
        %dot_general3A = arith.constant dense<0.000000e+00> : vector<64x192xf32>
        %dot_general3A_127 = tpu.matmul %concatenate3A, %get3A_126, %dot_general3A {dimension_numbers = #tpu.dot_dimension_numbers<[1], [0], [0], [1], [0, 0, 1, 1], [], []>, transpose_lhs_hint = false} : vector<64x128xf32>, vector<128x192xf32>, vector<64x192xf32> -> vector<64x192xf32>
        %get3A_128 = arith.constant 0 : index
        %get3A_129 = arith.constant 0 : index
        %get3A_130 = vector.load %arg17[%get3A_128, %get3A_129] : memref<1x192xf32, #tpu.memory_space<vmem>>, vector<1x192xf32>
        %add3A_131 = vector.broadcast %get3A_130 : vector<1x192xf32> to vector<64x192xf32>
        %add3A_132 = arith.addf %dot_general3A_127, %add3A_131 : vector<64x192xf32>
        %get3A_133 = arith.constant 0 : index
        %get3A_134 = arith.constant 0 : index
        %get3A_135 = vector.load %arg16[%get3A_133, %get3A_134] : memref<64x192xf32, #tpu.memory_space<vmem>>, vector<64x192xf32>
        %dot_general3A_136 = arith.constant dense<0.000000e+00> : vector<64x192xf32>
        %dot_general3A_137 = tpu.matmul %get3A_123, %get3A_135, %dot_general3A_136 {dimension_numbers = #tpu.dot_dimension_numbers<[1], [0], [0], [1], [0, 0, 1, 1], [], []>, transpose_lhs_hint = false} : vector<64x64xf32>, vector<64x192xf32>, vector<64x192xf32> -> vector<64x192xf32>
        %get3A_138 = arith.constant 0 : index
        %get3A_139 = arith.constant 0 : index
        %get3A_140 = vector.load %arg18[%get3A_138, %get3A_139] : memref<1x192xf32, #tpu.memory_space<vmem>>, vector<1x192xf32>
        %add3A_141 = vector.broadcast %get3A_140 : vector<1x192xf32> to vector<64x192xf32>
        %add3A_142 = arith.addf %dot_general3A_137, %add3A_141 : vector<64x192xf32>
        %slice3A = vector.extract_strided_slice %add3A_132 {offsets = [0, 0], sizes = [64, 64], strides = [1, 1]} : vector<64x192xf32> to vector<64x64xf32>
        %slice3A_143 = vector.extract_strided_slice %add3A_142 {offsets = [0, 0], sizes = [64, 64], strides = [1, 1]} : vector<64x192xf32> to vector<64x64xf32>
        %add3A_144 = arith.addf %slice3A, %slice3A_143 : vector<64x64xf32>
        %logistic3A = arith.negf %add3A_144 : vector<64x64xf32>
        %logistic3A_145 = math.exp %logistic3A : vector<64x64xf32>
        %logistic3A_146 = arith.constant 1.000000e+00 : f32
        %logistic3A_147 = vector.broadcast %logistic3A_146 : f32 to vector<64x64xf32>
        %logistic3A_148 = arith.addf %logistic3A_147, %logistic3A_145 : vector<64x64xf32>
        %logistic3A_149 = arith.divf %logistic3A_147, %logistic3A_148 : vector<64x64xf32>
        %slice3A_150 = vector.extract_strided_slice %add3A_132 {offsets = [0, 64], sizes = [64, 64], strides = [1, 1]} : vector<64x192xf32> to vector<64x64xf32>
        %slice3A_151 = vector.extract_strided_slice %add3A_142 {offsets = [0, 64], sizes = [64, 64], strides = [1, 1]} : vector<64x192xf32> to vector<64x64xf32>
        %add3A_152 = arith.addf %slice3A_150, %slice3A_151 : vector<64x64xf32>
        %logistic3A_153 = arith.negf %add3A_152 : vector<64x64xf32>
        %logistic3A_154 = math.exp %logistic3A_153 : vector<64x64xf32>
        %logistic3A_155 = arith.constant 1.000000e+00 : f32
        %logistic3A_156 = vector.broadcast %logistic3A_155 : f32 to vector<64x64xf32>
        %logistic3A_157 = arith.addf %logistic3A_156, %logistic3A_154 : vector<64x64xf32>
        %logistic3A_158 = arith.divf %logistic3A_156, %logistic3A_157 : vector<64x64xf32>
        %slice3A_159 = vector.extract_strided_slice %add3A_132 {offsets = [0, 128], sizes = [64, 64], strides = [1, 1]} : vector<64x192xf32> to vector<64x64xf32>
        %slice3A_160 = vector.extract_strided_slice %add3A_142 {offsets = [0, 128], sizes = [64, 64], strides = [1, 1]} : vector<64x192xf32> to vector<64x64xf32>
        %mul3A_161 = arith.mulf %logistic3A_149, %slice3A_160 : vector<64x64xf32>
        %add3A_162 = arith.addf %slice3A_159, %mul3A_161 : vector<64x64xf32>
        %tanh3A = math.tanh %add3A_162 : vector<64x64xf32>
        %sub3A_163 = arith.constant 1.000000e+00 : f32
        %sub3A_164 = vector.broadcast %sub3A_163 : f32 to vector<64x64xf32>
        %sub3A_165 = arith.subf %sub3A_164, %logistic3A_158 : vector<64x64xf32>
        %mul3A_166 = arith.mulf %sub3A_165, %tanh3A : vector<64x64xf32>
        %mul3A_167 = arith.mulf %logistic3A_158, %get3A_123 : vector<64x64xf32>
        %add3A_168 = arith.addf %mul3A_166, %mul3A_167 : vector<64x64xf32>
        %swap3A_169 = arith.constant 0 : index
        %swap3A_170 = arith.constant 0 : index
        %swap3A_171 = vector.load %arg27[%swap3A_169, %swap3A_170] : memref<64x64xf32, #tpu.memory_space<vmem>>, vector<64x64xf32>
        tpu.vector_store %arg27[%swap3A_169, %swap3A_170], %add3A_168 {strides = array<i32>} : memref<64x64xf32, #tpu.memory_space<vmem>>, vector<64x64xf32>,
        %swap3A_172 = arith.index_cast %mul3A_114 : i32 to index
        %swap3A_173 = arith.constant 0 : index
        %swap3A_174 = vector.load %arg26[%swap3A_172, %swap3A_173] : memref<4096x64xf32, #tpu.memory_space<vmem>>, vector<64x64xf32>
        tpu.vector_store %arg26[%swap3A_172, %swap3A_173], %add3A_168 {strides = array<i32>} : memref<4096x64xf32, #tpu.memory_space<vmem>>, vector<64x64xf32>,
      }
      %while3A_104 = arith.constant 1 : i32
      scf.for %while3A_109 = %while3A_102 to %while3A_98 step %while3A_104  : i32 {
        %sub3A_110 = arith.constant 1 : i32
        %sub3A_111 = arith.subi %min3A_86, %sub3A_110 : i32
        %sub3A_112 = arith.subi %sub3A_111, %while3A_109 : i32
        %mul3A_113 = arith.constant 64 : i32
        %mul3A_114 = arith.muli %sub3A_112, %mul3A_113 : i32
        %get3A_115 = arith.index_cast %mul3A_114 : i32 to index
        %get3A_116 = arith.constant 0 : index
        %get3A_117 = vector.load %arg24[%get3A_115, %get3A_116] : memref<4096x64xf32, #tpu.memory_space<vmem>>, vector<64x64xf32>
        %get3A_118 = arith.index_cast %mul3A_114 : i32 to index
        %get3A_119 = arith.constant 0 : index
        %get3A_120 = vector.load %arg25[%get3A_118, %get3A_119] : memref<4096x64xf32, #tpu.memory_space<vmem>>, vector<64x64xf32>
        %concatenate3A = tpu.concatenate %get3A_117, %get3A_120 in 1 : vector<64x64xf32>, vector<64x64xf32> -> vector<64x128xf32>
        %get3A_121 = arith.constant 0 : index
        %get3A_122 = arith.constant 0 : index
        %get3A_123 = vector.load %arg27[%get3A_121, %get3A_122] : memref<64x64xf32, #tpu.memory_space<vmem>>, vector<64x64xf32>
        %get3A_124 = arith.constant 0 : index
        %get3A_125 = arith.constant 0 : index
        %get3A_126 = vector.load %arg15[%get3A_124, %get3A_125] : memref<128x192xf32, #tpu.memory_space<vmem>>, vector<128x192xf32>
        %dot_general3A = arith.constant dense<0.000000e+00> : vector<64x192xf32>
        %dot_general3A_127 = tpu.matmul %concatenate3A, %get3A_126, %dot_general3A {dimension_numbers = #tpu.dot_dimension_numbers<[1], [0], [0], [1], [0, 0, 1, 1], [], []>, transpose_lhs_hint = false} : vector<64x128xf32>, vector<128x192xf32>, vector<64x192xf32> -> vector<64x192xf32>
        %get3A_128 = arith.constant 0 : index
        %get3A_129 = arith.constant 0 : index
        %get3A_130 = vector.load %arg17[%get3A_128, %get3A_129] : memref<1x192xf32, #tpu.memory_space<vmem>>, vector<1x192xf32>
        %add3A_131 = vector.broadcast %get3A_130 : vector<1x192xf32> to vector<64x192xf32>
        %add3A_132 = arith.addf %dot_general3A_127, %add3A_131 : vector<64x192xf32>
        %get3A_133 = arith.constant 0 : index
        %get3A_134 = arith.constant 0 : index
        %get3A_135 = vector.load %arg16[%get3A_133, %get3A_134] : memref<64x192xf32, #tpu.memory_space<vmem>>, vector<64x192xf32>
        %dot_general3A_136 = arith.constant dense<0.000000e+00> : vector<64x192xf32>
        %dot_general3A_137 = tpu.matmul %get3A_123, %get3A_135, %dot_general3A_136 {dimension_numbers = #tpu.dot_dimension_numbers<[1], [0], [0], [1], [0, 0, 1, 1], [], []>, transpose_lhs_hint = false} : vector<64x64xf32>, vector<64x192xf32>, vector<64x192xf32> -> vector<64x192xf32>
        %get3A_138 = arith.constant 0 : index
        %get3A_139 = arith.constant 0 : index
        %get3A_140 = vector.load %arg18[%get3A_138, %get3A_139] : memref<1x192xf32, #tpu.memory_space<vmem>>, vector<1x192xf32>
        %add3A_141 = vector.broadcast %get3A_140 : vector<1x192xf32> to vector<64x192xf32>
        %add3A_142 = arith.addf %dot_general3A_137, %add3A_141 : vector<64x192xf32>
        %slice3A = vector.extract_strided_slice %add3A_132 {offsets = [0, 0], sizes = [64, 64], strides = [1, 1]} : vector<64x192xf32> to vector<64x64xf32>
        %slice3A_143 = vector.extract_strided_slice %add3A_142 {offsets = [0, 0], sizes = [64, 64], strides = [1, 1]} : vector<64x192xf32> to vector<64x64xf32>
        %add3A_144 = arith.addf %slice3A, %slice3A_143 : vector<64x64xf32>
        %logistic3A = arith.negf %add3A_144 : vector<64x64xf32>
        %logistic3A_145 = math.exp %logistic3A : vector<64x64xf32>
        %logistic3A_146 = arith.constant 1.000000e+00 : f32
        %logistic3A_147 = vector.broadcast %logistic3A_146 : f32 to vector<64x64xf32>
        %logistic3A_148 = arith.addf %logistic3A_147, %logistic3A_145 : vector<64x64xf32>
        %logistic3A_149 = arith.divf %logistic3A_147, %logistic3A_148 : vector<64x64xf32>
        %slice3A_150 = vector.extract_strided_slice %add3A_132 {offsets = [0, 64], sizes = [64, 64], strides = [1, 1]} : vector<64x192xf32> to vector<64x64xf32>
        %slice3A_151 = vector.extract_strided_slice %add3A_142 {offsets = [0, 64], sizes = [64, 64], strides = [1, 1]} : vector<64x192xf32> to vector<64x64xf32>
        %add3A_152 = arith.addf %slice3A_150, %slice3A_151 : vector<64x64xf32>
        %logistic3A_153 = arith.negf %add3A_152 : vector<64x64xf32>
        %logistic3A_154 = math.exp %logistic3A_153 : vector<64x64xf32>
        %logistic3A_155 = arith.constant 1.000000e+00 : f32
        %logistic3A_156 = vector.broadcast %logistic3A_155 : f32 to vector<64x64xf32>
        %logistic3A_157 = arith.addf %logistic3A_156, %logistic3A_154 : vector<64x64xf32>
        %logistic3A_158 = arith.divf %logistic3A_156, %logistic3A_157 : vector<64x64xf32>
        %slice3A_159 = vector.extract_strided_slice %add3A_132 {offsets = [0, 128], sizes = [64, 64], strides = [1, 1]} : vector<64x192xf32> to vector<64x64xf32>
        %slice3A_160 = vector.extract_strided_slice %add3A_142 {offsets = [0, 128], sizes = [64, 64], strides = [1, 1]} : vector<64x192xf32> to vector<64x64xf32>
        %mul3A_161 = arith.mulf %logistic3A_149, %slice3A_160 : vector<64x64xf32>
        %add3A_162 = arith.addf %slice3A_159, %mul3A_161 : vector<64x64xf32>
        %tanh3A = math.tanh %add3A_162 : vector<64x64xf32>
        %sub3A_163 = arith.constant 1.000000e+00 : f32
        %sub3A_164 = vector.broadcast %sub3A_163 : f32 to vector<64x64xf32>
        %sub3A_165 = arith.subf %sub3A_164, %logistic3A_158 : vector<64x64xf32>
        %mul3A_166 = arith.mulf %sub3A_165, %tanh3A : vector<64x64xf32>
        %mul3A_167 = arith.mulf %logistic3A_158, %get3A_123 : vector<64x64xf32>
        %add3A_168 = arith.addf %mul3A_166, %mul3A_167 : vector<64x64xf32>
        %swap3A_169 = arith.constant 0 : index
        %swap3A_170 = arith.constant 0 : index
        %swap3A_171 = vector.load %arg27[%swap3A_169, %swap3A_170] : memref<64x64xf32, #tpu.memory_space<vmem>>, vector<64x64xf32>
        tpu.vector_store %arg27[%swap3A_169, %swap3A_170], %add3A_168 {strides = array<i32>} : memref<64x64xf32, #tpu.memory_space<vmem>>, vector<64x64xf32>,
        %swap3A_172 = arith.index_cast %mul3A_114 : i32 to index
        %swap3A_173 = arith.constant 0 : index
        %swap3A_174 = vector.load %arg26[%swap3A_172, %swap3A_173] : memref<4096x64xf32, #tpu.memory_space<vmem>>, vector<64x64xf32>
        tpu.vector_store %arg26[%swap3A_172, %swap3A_173], %add3A_168 {strides = array<i32>} : memref<4096x64xf32, #tpu.memory_space<vmem>>, vector<64x64xf32>,
      }
      %dma_start3A_105 = arith.constant 0 : i32
      %dma_start3A_106 = tpu.memref_slice %arg22[%multiple_of3A, %dma_start3A_105] : memref<131072x64xf32, #tpu.memory_space<any>> -> memref<4096x64xf32, #tpu.memory_space<any>>
      tpu.enqueue_dma source(%arg26 : memref<4096x64xf32, #tpu.memory_space<vmem>>) target(%dma_start3A_106 : memref<4096x64xf32, #tpu.memory_space<any>>) target_semaphore(%arg29 : memref<!tpu.dma_semaphore, #tpu.memory_space<semaphore_mem>>)
      %dma_wait3A_107 = arith.constant 0 : i32
      %dma_wait3A_108 = tpu.memref_slice %arg22[%multiple_of3A, %dma_wait3A_107] : memref<131072x64xf32, #tpu.memory_space<any>> -> memref<4096x64xf32, #tpu.memory_space<any>>
      tpu.wait_dma2 semaphore(%arg29 : memref<!tpu.dma_semaphore, #tpu.memory_space<semaphore_mem>>) src(%arg26 : memref<4096x64xf32, #tpu.memory_space<vmem>>) dst(%dma_wait3A_108 : memref<4096x64xf32, #tpu.memory_space<any>>)
    }
    %while3A_79 = arith.constant 1 : i32
    scf.for %while3A_80 = %while3A_77 to %while3A_73 step %while3A_79  : i32 {
      %sub3A_81 = arith.constant 1 : i32
      %sub3A_82 = arith.subi %select_n3A, %sub3A_81 : i32
      %sub3A_83 = arith.subi %sub3A_82, %while3A_80 : i32
      %mul3A = arith.constant 64 : i32
      %mul3A_84 = arith.muli %sub3A_83, %mul3A : i32
      %sub3A_85 = arith.subi %get3A_0, %mul3A_84 : i32
      %min3A = arith.constant 64 : i32
      %min3A_86 = arith.minsi %sub3A_85, %min3A : i32
      %mul3A_87 = arith.constant 64 : i32
      %mul3A_88 = arith.muli %mul3A_84, %mul3A_87 : i32
      %multiple_of3A = tpu.assume_multiple %mul3A_88, 64 : i32
      %dma_start3A = arith.constant 0 : i32
      %dma_start3A_89 = tpu.memref_slice %arg19[%multiple_of3A, %dma_start3A] : memref<131072x64xf32, #tpu.memory_space<any>> -> memref<4096x64xf32, #tpu.memory_space<any>>
      tpu.enqueue_dma source(%dma_start3A_89 : memref<4096x64xf32, #tpu.memory_space<any>>) target(%arg24 : memref<4096x64xf32, #tpu.memory_space<vmem>>) target_semaphore(%arg28 : memref<!tpu.dma_semaphore, #tpu.memory_space<semaphore_mem>>)
      %dma_start3A_90 = arith.constant 0 : i32
      %dma_start3A_91 = tpu.memref_slice %arg20[%multiple_of3A, %dma_start3A_90] : memref<131072x64xf32, #tpu.memory_space<any>> -> memref<4096x64xf32, #tpu.memory_space<any>>
      tpu.enqueue_dma source(%dma_start3A_91 : memref<4096x64xf32, #tpu.memory_space<any>>) target(%arg25 : memref<4096x64xf32, #tpu.memory_space<vmem>>) target_semaphore(%arg28 : memref<!tpu.dma_semaphore, #tpu.memory_space<semaphore_mem>>)
      %dma_wait3A = arith.constant 0 : i32
      %dma_wait3A_92 = tpu.memref_slice %arg19[%multiple_of3A, %dma_wait3A] : memref<131072x64xf32, #tpu.memory_space<any>> -> memref<4096x64xf32, #tpu.memory_space<any>>
      tpu.wait_dma2 semaphore(%arg28 : memref<!tpu.dma_semaphore, #tpu.memory_space<semaphore_mem>>) src(%dma_wait3A_92 : memref<4096x64xf32, #tpu.memory_space<any>>) dst(%arg24 : memref<4096x64xf32, #tpu.memory_space<vmem>>)
      %dma_wait3A_93 = arith.constant 0 : i32
      %dma_wait3A_94 = tpu.memref_slice %arg20[%multiple_of3A, %dma_wait3A_93] : memref<131072x64xf32, #tpu.memory_space<any>> -> memref<4096x64xf32, #tpu.memory_space<any>>
      tpu.wait_dma2 semaphore(%arg28 : memref<!tpu.dma_semaphore, #tpu.memory_space<semaphore_mem>>) src(%dma_wait3A_94 : memref<4096x64xf32, #tpu.memory_space<any>>) dst(%arg25 : memref<4096x64xf32, #tpu.memory_space<vmem>>)
      %while3A_95 = arith.constant 0 : i32
      %while3A_96 = arith.constant 0 : i32
      %while3A_97 = arith.subi %min3A_86, %while3A_96 : i32
      %while3A_98 = arith.addi %while3A_96, %while3A_97 : i32
      %while3A_99 = arith.constant 1 : i32
      %while3A_100 = arith.divsi %while3A_97, %while3A_99 : i32
      %while3A_101 = arith.muli %while3A_100, %while3A_99 : i32
      %while3A_102 = arith.addi %while3A_96, %while3A_101 : i32
      %while3A_103 = arith.constant 1 : i32
      scf.for %while3A_109 = %while3A_96 to %while3A_102 step %while3A_103  : i32 {
        %sub3A_110 = arith.constant 1 : i32
        %sub3A_111 = arith.subi %min3A_86, %sub3A_110 : i32
        %sub3A_112 = arith.subi %sub3A_111, %while3A_109 : i32
        %mul3A_113 = arith.constant 64 : i32
        %mul3A_114 = arith.muli %sub3A_112, %mul3A_113 : i32
        %get3A_115 = arith.index_cast %mul3A_114 : i32 to index
        %get3A_116 = arith.constant 0 : index
        %get3A_117 = vector.load %arg24[%get3A_115, %get3A_116] : memref<4096x64xf32, #tpu.memory_space<vmem>>, vector<64x64xf32>
        %get3A_118 = arith.index_cast %mul3A_114 : i32 to index
        %get3A_119 = arith.constant 0 : index
        %get3A_120 = vector.load %arg25[%get3A_118, %get3A_119] : memref<4096x64xf32, #tpu.memory_space<vmem>>, vector<64x64xf32>
        %concatenate3A = tpu.concatenate %get3A_117, %get3A_120 in 1 : vector<64x64xf32>, vector<64x64xf32> -> vector<64x128xf32>
        %get3A_121 = arith.constant 0 : index
        %get3A_122 = arith.constant 0 : index
        %get3A_123 = vector.load %arg27[%get3A_121, %get3A_122] : memref<64x64xf32, #tpu.memory_space<vmem>>, vector<64x64xf32>
        %get3A_124 = arith.constant 0 : index
        %get3A_125 = arith.constant 0 : index
        %get3A_126 = vector.load %arg15[%get3A_124, %get3A_125] : memref<128x192xf32, #tpu.memory_space<vmem>>, vector<128x192xf32>
        %dot_general3A = arith.constant dense<0.000000e+00> : vector<64x192xf32>
        %dot_general3A_127 = tpu.matmul %concatenate3A, %get3A_126, %dot_general3A {dimension_numbers = #tpu.dot_dimension_numbers<[1], [0], [0], [1], [0, 0, 1, 1], [], []>, transpose_lhs_hint = false} : vector<64x128xf32>, vector<128x192xf32>, vector<64x192xf32> -> vector<64x192xf32>
        %get3A_128 = arith.constant 0 : index
        %get3A_129 = arith.constant 0 : index
        %get3A_130 = vector.load %arg17[%get3A_128, %get3A_129] : memref<1x192xf32, #tpu.memory_space<vmem>>, vector<1x192xf32>
        %add3A_131 = vector.broadcast %get3A_130 : vector<1x192xf32> to vector<64x192xf32>
        %add3A_132 = arith.addf %dot_general3A_127, %add3A_131 : vector<64x192xf32>
        %get3A_133 = arith.constant 0 : index
        %get3A_134 = arith.constant 0 : index
        %get3A_135 = vector.load %arg16[%get3A_133, %get3A_134] : memref<64x192xf32, #tpu.memory_space<vmem>>, vector<64x192xf32>
        %dot_general3A_136 = arith.constant dense<0.000000e+00> : vector<64x192xf32>
        %dot_general3A_137 = tpu.matmul %get3A_123, %get3A_135, %dot_general3A_136 {dimension_numbers = #tpu.dot_dimension_numbers<[1], [0], [0], [1], [0, 0, 1, 1], [], []>, transpose_lhs_hint = false} : vector<64x64xf32>, vector<64x192xf32>, vector<64x192xf32> -> vector<64x192xf32>
        %get3A_138 = arith.constant 0 : index
        %get3A_139 = arith.constant 0 : index
        %get3A_140 = vector.load %arg18[%get3A_138, %get3A_139] : memref<1x192xf32, #tpu.memory_space<vmem>>, vector<1x192xf32>
        %add3A_141 = vector.broadcast %get3A_140 : vector<1x192xf32> to vector<64x192xf32>
        %add3A_142 = arith.addf %dot_general3A_137, %add3A_141 : vector<64x192xf32>
        %slice3A = vector.extract_strided_slice %add3A_132 {offsets = [0, 0], sizes = [64, 64], strides = [1, 1]} : vector<64x192xf32> to vector<64x64xf32>
        %slice3A_143 = vector.extract_strided_slice %add3A_142 {offsets = [0, 0], sizes = [64, 64], strides = [1, 1]} : vector<64x192xf32> to vector<64x64xf32>
        %add3A_144 = arith.addf %slice3A, %slice3A_143 : vector<64x64xf32>
        %logistic3A = arith.negf %add3A_144 : vector<64x64xf32>
        %logistic3A_145 = math.exp %logistic3A : vector<64x64xf32>
        %logistic3A_146 = arith.constant 1.000000e+00 : f32
        %logistic3A_147 = vector.broadcast %logistic3A_146 : f32 to vector<64x64xf32>
        %logistic3A_148 = arith.addf %logistic3A_147, %logistic3A_145 : vector<64x64xf32>
        %logistic3A_149 = arith.divf %logistic3A_147, %logistic3A_148 : vector<64x64xf32>
        %slice3A_150 = vector.extract_strided_slice %add3A_132 {offsets = [0, 64], sizes = [64, 64], strides = [1, 1]} : vector<64x192xf32> to vector<64x64xf32>
        %slice3A_151 = vector.extract_strided_slice %add3A_142 {offsets = [0, 64], sizes = [64, 64], strides = [1, 1]} : vector<64x192xf32> to vector<64x64xf32>
        %add3A_152 = arith.addf %slice3A_150, %slice3A_151 : vector<64x64xf32>
        %logistic3A_153 = arith.negf %add3A_152 : vector<64x64xf32>
        %logistic3A_154 = math.exp %logistic3A_153 : vector<64x64xf32>
        %logistic3A_155 = arith.constant 1.000000e+00 : f32
        %logistic3A_156 = vector.broadcast %logistic3A_155 : f32 to vector<64x64xf32>
        %logistic3A_157 = arith.addf %logistic3A_156, %logistic3A_154 : vector<64x64xf32>
        %logistic3A_158 = arith.divf %logistic3A_156, %logistic3A_157 : vector<64x64xf32>
        %slice3A_159 = vector.extract_strided_slice %add3A_132 {offsets = [0, 128], sizes = [64, 64], strides = [1, 1]} : vector<64x192xf32> to vector<64x64xf32>
        %slice3A_160 = vector.extract_strided_slice %add3A_142 {offsets = [0, 128], sizes = [64, 64], strides = [1, 1]} : vector<64x192xf32> to vector<64x64xf32>
        %mul3A_161 = arith.mulf %logistic3A_149, %slice3A_160 : vector<64x64xf32>
        %add3A_162 = arith.addf %slice3A_159, %mul3A_161 : vector<64x64xf32>
        %tanh3A = math.tanh %add3A_162 : vector<64x64xf32>
        %sub3A_163 = arith.constant 1.000000e+00 : f32
        %sub3A_164 = vector.broadcast %sub3A_163 : f32 to vector<64x64xf32>
        %sub3A_165 = arith.subf %sub3A_164, %logistic3A_158 : vector<64x64xf32>
        %mul3A_166 = arith.mulf %sub3A_165, %tanh3A : vector<64x64xf32>
        %mul3A_167 = arith.mulf %logistic3A_158, %get3A_123 : vector<64x64xf32>
        %add3A_168 = arith.addf %mul3A_166, %mul3A_167 : vector<64x64xf32>
        %swap3A_169 = arith.constant 0 : index
        %swap3A_170 = arith.constant 0 : index
        %swap3A_171 = vector.load %arg27[%swap3A_169, %swap3A_170] : memref<64x64xf32, #tpu.memory_space<vmem>>, vector<64x64xf32>
        tpu.vector_store %arg27[%swap3A_169, %swap3A_170], %add3A_168 {strides = array<i32>} : memref<64x64xf32, #tpu.memory_space<vmem>>, vector<64x64xf32>,
        %swap3A_172 = arith.index_cast %mul3A_114 : i32 to index
        %swap3A_173 = arith.constant 0 : index
        %swap3A_174 = vector.load %arg26[%swap3A_172, %swap3A_173] : memref<4096x64xf32, #tpu.memory_space<vmem>>, vector<64x64xf32>
        tpu.vector_store %arg26[%swap3A_172, %swap3A_173], %add3A_168 {strides = array<i32>} : memref<4096x64xf32, #tpu.memory_space<vmem>>, vector<64x64xf32>,
      }
      %while3A_104 = arith.constant 1 : i32
      scf.for %while3A_109 = %while3A_102 to %while3A_98 step %while3A_104  : i32 {
        %sub3A_110 = arith.constant 1 : i32
        %sub3A_111 = arith.subi %min3A_86, %sub3A_110 : i32
        %sub3A_112 = arith.subi %sub3A_111, %while3A_109 : i32
        %mul3A_113 = arith.constant 64 : i32
        %mul3A_114 = arith.muli %sub3A_112, %mul3A_113 : i32
        %get3A_115 = arith.index_cast %mul3A_114 : i32 to index
        %get3A_116 = arith.constant 0 : index
        %get3A_117 = vector.load %arg24[%get3A_115, %get3A_116] : memref<4096x64xf32, #tpu.memory_space<vmem>>, vector<64x64xf32>
        %get3A_118 = arith.index_cast %mul3A_114 : i32 to index
        %get3A_119 = arith.constant 0 : index
        %get3A_120 = vector.load %arg25[%get3A_118, %get3A_119] : memref<4096x64xf32, #tpu.memory_space<vmem>>, vector<64x64xf32>
        %concatenate3A = tpu.concatenate %get3A_117, %get3A_120 in 1 : vector<64x64xf32>, vector<64x64xf32> -> vector<64x128xf32>
        %get3A_121 = arith.constant 0 : index
        %get3A_122 = arith.constant 0 : index
        %get3A_123 = vector.load %arg27[%get3A_121, %get3A_122] : memref<64x64xf32, #tpu.memory_space<vmem>>, vector<64x64xf32>
        %get3A_124 = arith.constant 0 : index
        %get3A_125 = arith.constant 0 : index
        %get3A_126 = vector.load %arg15[%get3A_124, %get3A_125] : memref<128x192xf32, #tpu.memory_space<vmem>>, vector<128x192xf32>
        %dot_general3A = arith.constant dense<0.000000e+00> : vector<64x192xf32>
        %dot_general3A_127 = tpu.matmul %concatenate3A, %get3A_126, %dot_general3A {dimension_numbers = #tpu.dot_dimension_numbers<[1], [0], [0], [1], [0, 0, 1, 1], [], []>, transpose_lhs_hint = false} : vector<64x128xf32>, vector<128x192xf32>, vector<64x192xf32> -> vector<64x192xf32>
        %get3A_128 = arith.constant 0 : index
        %get3A_129 = arith.constant 0 : index
        %get3A_130 = vector.load %arg17[%get3A_128, %get3A_129] : memref<1x192xf32, #tpu.memory_space<vmem>>, vector<1x192xf32>
        %add3A_131 = vector.broadcast %get3A_130 : vector<1x192xf32> to vector<64x192xf32>
        %add3A_132 = arith.addf %dot_general3A_127, %add3A_131 : vector<64x192xf32>
        %get3A_133 = arith.constant 0 : index
        %get3A_134 = arith.constant 0 : index
        %get3A_135 = vector.load %arg16[%get3A_133, %get3A_134] : memref<64x192xf32, #tpu.memory_space<vmem>>, vector<64x192xf32>
        %dot_general3A_136 = arith.constant dense<0.000000e+00> : vector<64x192xf32>
        %dot_general3A_137 = tpu.matmul %get3A_123, %get3A_135, %dot_general3A_136 {dimension_numbers = #tpu.dot_dimension_numbers<[1], [0], [0], [1], [0, 0, 1, 1], [], []>, transpose_lhs_hint = false} : vector<64x64xf32>, vector<64x192xf32>, vector<64x192xf32> -> vector<64x192xf32>
        %get3A_138 = arith.constant 0 : index
        %get3A_139 = arith.constant 0 : index
        %get3A_140 = vector.load %arg18[%get3A_138, %get3A_139] : memref<1x192xf32, #tpu.memory_space<vmem>>, vector<1x192xf32>
        %add3A_141 = vector.broadcast %get3A_140 : vector<1x192xf32> to vector<64x192xf32>
        %add3A_142 = arith.addf %dot_general3A_137, %add3A_141 : vector<64x192xf32>
        %slice3A = vector.extract_strided_slice %add3A_132 {offsets = [0, 0], sizes = [64, 64], strides = [1, 1]} : vector<64x192xf32> to vector<64x64xf32>
        %slice3A_143 = vector.extract_strided_slice %add3A_142 {offsets = [0, 0], sizes = [64, 64], strides = [1, 1]} : vector<64x192xf32> to vector<64x64xf32>
        %add3A_144 = arith.addf %slice3A, %slice3A_143 : vector<64x64xf32>
        %logistic3A = arith.negf %add3A_144 : vector<64x64xf32>
        %logistic3A_145 = math.exp %logistic3A : vector<64x64xf32>
        %logistic3A_146 = arith.constant 1.000000e+00 : f32
        %logistic3A_147 = vector.broadcast %logistic3A_146 : f32 to vector<64x64xf32>
        %logistic3A_148 = arith.addf %logistic3A_147, %logistic3A_145 : vector<64x64xf32>
        %logistic3A_149 = arith.divf %logistic3A_147, %logistic3A_148 : vector<64x64xf32>
        %slice3A_150 = vector.extract_strided_slice %add3A_132 {offsets = [0, 64], sizes = [64, 64], strides = [1, 1]} : vector<64x192xf32> to vector<64x64xf32>
        %slice3A_151 = vector.extract_strided_slice %add3A_142 {offsets = [0, 64], sizes = [64, 64], strides = [1, 1]} : vector<64x192xf32> to vector<64x64xf32>
        %add3A_152 = arith.addf %slice3A_150, %slice3A_151 : vector<64x64xf32>
        %logistic3A_153 = arith.negf %add3A_152 : vector<64x64xf32>
        %logistic3A_154 = math.exp %logistic3A_153 : vector<64x64xf32>
        %logistic3A_155 = arith.constant 1.000000e+00 : f32
        %logistic3A_156 = vector.broadcast %logistic3A_155 : f32 to vector<64x64xf32>
        %logistic3A_157 = arith.addf %logistic3A_156, %logistic3A_154 : vector<64x64xf32>
        %logistic3A_158 = arith.divf %logistic3A_156, %logistic3A_157 : vector<64x64xf32>
        %slice3A_159 = vector.extract_strided_slice %add3A_132 {offsets = [0, 128], sizes = [64, 64], strides = [1, 1]} : vector<64x192xf32> to vector<64x64xf32>
        %slice3A_160 = vector.extract_strided_slice %add3A_142 {offsets = [0, 128], sizes = [64, 64], strides = [1, 1]} : vector<64x192xf32> to vector<64x64xf32>
        %mul3A_161 = arith.mulf %logistic3A_149, %slice3A_160 : vector<64x64xf32>
        %add3A_162 = arith.addf %slice3A_159, %mul3A_161 : vector<64x64xf32>
        %tanh3A = math.tanh %add3A_162 : vector<64x64xf32>
        %sub3A_163 = arith.constant 1.000000e+00 : f32
        %sub3A_164 = vector.broadcast %sub3A_163 : f32 to vector<64x64xf32>
        %sub3A_165 = arith.subf %sub3A_164, %logistic3A_158 : vector<64x64xf32>
        %mul3A_166 = arith.mulf %sub3A_165, %tanh3A : vector<64x64xf32>
        %mul3A_167 = arith.mulf %logistic3A_158, %get3A_123 : vector<64x64xf32>
        %add3A_168 = arith.addf %mul3A_166, %mul3A_167 : vector<64x64xf32>
        %swap3A_169 = arith.constant 0 : index
        %swap3A_170 = arith.constant 0 : index
        %swap3A_171 = vector.load %arg27[%swap3A_169, %swap3A_170] : memref<64x64xf32, #tpu.memory_space<vmem>>, vector<64x64xf32>
        tpu.vector_store %arg27[%swap3A_169, %swap3A_170], %add3A_168 {strides = array<i32>} : memref<64x64xf32, #tpu.memory_space<vmem>>, vector<64x64xf32>,
        %swap3A_172 = arith.index_cast %mul3A_114 : i32 to index
        %swap3A_173 = arith.constant 0 : index
        %swap3A_174 = vector.load %arg26[%swap3A_172, %swap3A_173] : memref<4096x64xf32, #tpu.memory_space<vmem>>, vector<64x64xf32>
        tpu.vector_store %arg26[%swap3A_172, %swap3A_173], %add3A_168 {strides = array<i32>} : memref<4096x64xf32, #tpu.memory_space<vmem>>, vector<64x64xf32>,
      }
      %dma_start3A_105 = arith.constant 0 : i32
      %dma_start3A_106 = tpu.memref_slice %arg22[%multiple_of3A, %dma_start3A_105] : memref<131072x64xf32, #tpu.memory_space<any>> -> memref<4096x64xf32, #tpu.memory_space<any>>
      tpu.enqueue_dma source(%arg26 : memref<4096x64xf32, #tpu.memory_space<vmem>>) target(%dma_start3A_106 : memref<4096x64xf32, #tpu.memory_space<any>>) target_semaphore(%arg29 : memref<!tpu.dma_semaphore, #tpu.memory_space<semaphore_mem>>)
      %dma_wait3A_107 = arith.constant 0 : i32
      %dma_wait3A_108 = tpu.memref_slice %arg22[%multiple_of3A, %dma_wait3A_107] : memref<131072x64xf32, #tpu.memory_space<any>> -> memref<4096x64xf32, #tpu.memory_space<any>>
      tpu.wait_dma2 semaphore(%arg29 : memref<!tpu.dma_semaphore, #tpu.memory_space<semaphore_mem>>) src(%arg26 : memref<4096x64xf32, #tpu.memory_space<vmem>>) dst(%dma_wait3A_108 : memref<4096x64xf32, #tpu.memory_space<any>>)
    }
    return
  }
}

module attributes {stable_mosaic.version = 14 : i64} {
  func.func @_head_body(%arg0: i32, %arg1: memref<1024x64xf32, #tpu.memory_space<vmem>>, %arg2: memref<1024x64xf32, #tpu.memory_space<vmem>>, %arg3: memref<1024x128xf32, #tpu.memory_space<vmem>>, %arg4: memref<1x128xf32, #tpu.memory_space<vmem>>, %arg5: memref<1x128xf32, #tpu.memory_space<vmem>>, %arg6: memref<128x128xf32, #tpu.memory_space<vmem>>, %arg7: memref<1x128xf32, #tpu.memory_space<vmem>>, %arg8: memref<1x128xf32, #tpu.memory_space<vmem>>, %arg9: memref<1x128xf32, #tpu.memory_space<vmem>>, %arg10: memref<128x128xf32, #tpu.memory_space<vmem>>, %arg11: memref<1x128xf32, #tpu.memory_space<vmem>>, %arg12: memref<128x128xf32, #tpu.memory_space<vmem>>, %arg13: memref<128x128xf32, #tpu.memory_space<vmem>>, %arg14: memref<1x128xf32, #tpu.memory_space<vmem>>, %arg15: memref<1024x128xf32, #tpu.memory_space<vmem>>) attributes {dimension_semantics = [#tpu.dimension_semantics<arbitrary>], iteration_bounds = array<i64: 2>, scalar_prefetch = 0 : i64, scratch_operands = 0 : i64, tpu.core_type = #tpu.core_type<tc>, window_params = [{transform_indices = @transform_0, window_bounds = array<i64: 1024, 64>}, {transform_indices = @transform_1, window_bounds = array<i64: 1024, 64>}, {transform_indices = @transform_2, window_bounds = array<i64: 1024, 128>}, {pipeline_mode = #tpu.pipeline_mode<synchronous>, transform_indices = @transform_3, window_bounds = array<i64: 1, 128>}, {pipeline_mode = #tpu.pipeline_mode<synchronous>, transform_indices = @transform_4, window_bounds = array<i64: 1, 128>}, {pipeline_mode = #tpu.pipeline_mode<synchronous>, transform_indices = @transform_5, window_bounds = array<i64: 128, 128>}, {pipeline_mode = #tpu.pipeline_mode<synchronous>, transform_indices = @transform_6, window_bounds = array<i64: 1, 128>}, {pipeline_mode = #tpu.pipeline_mode<synchronous>, transform_indices = @transform_7, window_bounds = array<i64: 1, 128>}, {pipeline_mode = #tpu.pipeline_mode<synchronous>, transform_indices = @transform_8, window_bounds = array<i64: 1, 128>}, {pipeline_mode = #tpu.pipeline_mode<synchronous>, transform_indices = @transform_9, window_bounds = array<i64: 128, 128>}, {pipeline_mode = #tpu.pipeline_mode<synchronous>, transform_indices = @transform_10, window_bounds = array<i64: 1, 128>}, {pipeline_mode = #tpu.pipeline_mode<synchronous>, transform_indices = @transform_11, window_bounds = array<i64: 128, 128>}, {pipeline_mode = #tpu.pipeline_mode<synchronous>, transform_indices = @transform_12, window_bounds = array<i64: 128, 128>}, {pipeline_mode = #tpu.pipeline_mode<synchronous>, transform_indices = @transform_13, window_bounds = array<i64: 1, 128>}, {transform_indices = @transform_14, window_bounds = array<i64: 1024, 128>}]} {
    %get3A = arith.constant 0 : index
    %get3A_0 = arith.constant 0 : index
    %get3A_1 = vector.load %arg1[%get3A, %get3A_0] : memref<1024x64xf32, #tpu.memory_space<vmem>>, vector<1024x64xf32>
    %get3A_2 = arith.constant 0 : index
    %get3A_3 = arith.constant 0 : index
    %get3A_4 = vector.load %arg2[%get3A_2, %get3A_3] : memref<1024x64xf32, #tpu.memory_space<vmem>>, vector<1024x64xf32>
    %concatenate3A = tpu.concatenate %get3A_1, %get3A_4 in 1 : vector<1024x64xf32>, vector<1024x64xf32> -> vector<1024x128xf32>
    %reduce_sum3A = arith.constant dense<0.000000e+00> : vector<1024xf32>
    %reduce_sum3A_5 = vector.multi_reduction <add>, %concatenate3A, %reduce_sum3A [1] : vector<1024x128xf32> to vector<1024xf32>
    %broadcast_in_dim3A = vector.shape_cast %reduce_sum3A_5 : vector<1024xf32> to vector<1024x1xf32>
    %div3A = arith.constant 1.280000e+02 : f32
    %div3A_6 = vector.broadcast %div3A : f32 to vector<1024x1xf32>
    %div3A_7 = arith.divf %broadcast_in_dim3A, %div3A_6 : vector<1024x1xf32>
    %sub3A = vector.broadcast %div3A_7 : vector<1024x1xf32> to vector<1024x128xf32>
    %sub3A_8 = arith.subf %concatenate3A, %sub3A : vector<1024x128xf32>
    %integer_pow3A = arith.mulf %sub3A_8, %sub3A_8 : vector<1024x128xf32>
    %reduce_sum3A_9 = arith.constant dense<0.000000e+00> : vector<1024xf32>
    %reduce_sum3A_10 = vector.multi_reduction <add>, %integer_pow3A, %reduce_sum3A_9 [1] : vector<1024x128xf32> to vector<1024xf32>
    %broadcast_in_dim3A_11 = vector.shape_cast %reduce_sum3A_10 : vector<1024xf32> to vector<1024x1xf32>
    %div3A_12 = arith.constant 1.280000e+02 : f32
    %div3A_13 = vector.broadcast %div3A_12 : f32 to vector<1024x1xf32>
    %div3A_14 = arith.divf %broadcast_in_dim3A_11, %div3A_13 : vector<1024x1xf32>
    %sub3A_15 = vector.broadcast %div3A_7 : vector<1024x1xf32> to vector<1024x128xf32>
    %sub3A_16 = arith.subf %concatenate3A, %sub3A_15 : vector<1024x128xf32>
    %add3A = arith.constant 9.99999974E-6 : f32
    %add3A_17 = vector.broadcast %add3A : f32 to vector<1024x1xf32>
    %add3A_18 = arith.addf %div3A_14, %add3A_17 : vector<1024x1xf32>
    %sqrt3A = math.sqrt %add3A_18 : vector<1024x1xf32>
    %div3A_19 = vector.broadcast %sqrt3A : vector<1024x1xf32> to vector<1024x128xf32>
    %div3A_20 = arith.divf %sub3A_16, %div3A_19 : vector<1024x128xf32>
    %get3A_21 = arith.constant 0 : index
    %get3A_22 = arith.constant 0 : index
    %get3A_23 = vector.load %arg4[%get3A_21, %get3A_22] : memref<1x128xf32, #tpu.memory_space<vmem>>, vector<1x128xf32>
    %mul3A = vector.broadcast %get3A_23 : vector<1x128xf32> to vector<1024x128xf32>
    %mul3A_24 = arith.mulf %div3A_20, %mul3A : vector<1024x128xf32>
    %get3A_25 = arith.constant 0 : index
    %get3A_26 = arith.constant 0 : index
    %get3A_27 = vector.load %arg5[%get3A_25, %get3A_26] : memref<1x128xf32, #tpu.memory_space<vmem>>, vector<1x128xf32>
    %add3A_28 = vector.broadcast %get3A_27 : vector<1x128xf32> to vector<1024x128xf32>
    %add3A_29 = arith.addf %mul3A_24, %add3A_28 : vector<1024x128xf32>
    %get3A_30 = arith.constant 0 : index
    %get3A_31 = arith.constant 0 : index
    %get3A_32 = vector.load %arg6[%get3A_30, %get3A_31] : memref<128x128xf32, #tpu.memory_space<vmem>>, vector<128x128xf32>
    %dot_general3A = arith.constant dense<0.000000e+00> : vector<1024x128xf32>
    %dot_general3A_33 = tpu.matmul %add3A_29, %get3A_32, %dot_general3A {dimension_numbers = #tpu.dot_dimension_numbers<[1], [0], [0], [1], [0, 0, 1, 1], [], []>, transpose_lhs_hint = false} : vector<1024x128xf32>, vector<128x128xf32>, vector<1024x128xf32> -> vector<1024x128xf32>
    %get3A_34 = arith.constant 0 : index
    %get3A_35 = arith.constant 0 : index
    %get3A_36 = vector.load %arg7[%get3A_34, %get3A_35] : memref<1x128xf32, #tpu.memory_space<vmem>>, vector<1x128xf32>
    %add3A_37 = vector.broadcast %get3A_36 : vector<1x128xf32> to vector<1024x128xf32>
    %add3A_38 = arith.addf %dot_general3A_33, %add3A_37 : vector<1024x128xf32>
    %max3A = arith.constant 0.000000e+00 : f32
    %max3A_39 = vector.broadcast %max3A : f32 to vector<1024x128xf32>
    %max3A_40 = arith.maximumf %add3A_38, %max3A_39 : vector<1024x128xf32>
    %reduce_sum3A_41 = arith.constant dense<0.000000e+00> : vector<1024xf32>
    %reduce_sum3A_42 = vector.multi_reduction <add>, %max3A_40, %reduce_sum3A_41 [1] : vector<1024x128xf32> to vector<1024xf32>
    %broadcast_in_dim3A_43 = vector.shape_cast %reduce_sum3A_42 : vector<1024xf32> to vector<1024x1xf32>
    %div3A_44 = arith.constant 1.280000e+02 : f32
    %div3A_45 = vector.broadcast %div3A_44 : f32 to vector<1024x1xf32>
    %div3A_46 = arith.divf %broadcast_in_dim3A_43, %div3A_45 : vector<1024x1xf32>
    %sub3A_47 = vector.broadcast %div3A_46 : vector<1024x1xf32> to vector<1024x128xf32>
    %sub3A_48 = arith.subf %max3A_40, %sub3A_47 : vector<1024x128xf32>
    %integer_pow3A_49 = arith.mulf %sub3A_48, %sub3A_48 : vector<1024x128xf32>
    %reduce_sum3A_50 = arith.constant dense<0.000000e+00> : vector<1024xf32>
    %reduce_sum3A_51 = vector.multi_reduction <add>, %integer_pow3A_49, %reduce_sum3A_50 [1] : vector<1024x128xf32> to vector<1024xf32>
    %broadcast_in_dim3A_52 = vector.shape_cast %reduce_sum3A_51 : vector<1024xf32> to vector<1024x1xf32>
    %div3A_53 = arith.constant 1.280000e+02 : f32
    %div3A_54 = vector.broadcast %div3A_53 : f32 to vector<1024x1xf32>
    %div3A_55 = arith.divf %broadcast_in_dim3A_52, %div3A_54 : vector<1024x1xf32>
    %sub3A_56 = vector.broadcast %div3A_46 : vector<1024x1xf32> to vector<1024x128xf32>
    %sub3A_57 = arith.subf %max3A_40, %sub3A_56 : vector<1024x128xf32>
    %add3A_58 = arith.constant 9.99999974E-6 : f32
    %add3A_59 = vector.broadcast %add3A_58 : f32 to vector<1024x1xf32>
    %add3A_60 = arith.addf %div3A_55, %add3A_59 : vector<1024x1xf32>
    %sqrt3A_61 = math.sqrt %add3A_60 : vector<1024x1xf32>
    %div3A_62 = vector.broadcast %sqrt3A_61 : vector<1024x1xf32> to vector<1024x128xf32>
    %div3A_63 = arith.divf %sub3A_57, %div3A_62 : vector<1024x128xf32>
    %get3A_64 = arith.constant 0 : index
    %get3A_65 = arith.constant 0 : index
    %get3A_66 = vector.load %arg8[%get3A_64, %get3A_65] : memref<1x128xf32, #tpu.memory_space<vmem>>, vector<1x128xf32>
    %mul3A_67 = vector.broadcast %get3A_66 : vector<1x128xf32> to vector<1024x128xf32>
    %mul3A_68 = arith.mulf %div3A_63, %mul3A_67 : vector<1024x128xf32>
    %get3A_69 = arith.constant 0 : index
    %get3A_70 = arith.constant 0 : index
    %get3A_71 = vector.load %arg9[%get3A_69, %get3A_70] : memref<1x128xf32, #tpu.memory_space<vmem>>, vector<1x128xf32>
    %add3A_72 = vector.broadcast %get3A_71 : vector<1x128xf32> to vector<1024x128xf32>
    %add3A_73 = arith.addf %mul3A_68, %add3A_72 : vector<1024x128xf32>
    %get3A_74 = arith.constant 0 : index
    %get3A_75 = arith.constant 0 : index
    %get3A_76 = vector.load %arg10[%get3A_74, %get3A_75] : memref<128x128xf32, #tpu.memory_space<vmem>>, vector<128x128xf32>
    %dot_general3A_77 = arith.constant dense<0.000000e+00> : vector<1024x128xf32>
    %dot_general3A_78 = tpu.matmul %add3A_73, %get3A_76, %dot_general3A_77 {dimension_numbers = #tpu.dot_dimension_numbers<[1], [0], [0], [1], [0, 0, 1, 1], [], []>, transpose_lhs_hint = false} : vector<1024x128xf32>, vector<128x128xf32>, vector<1024x128xf32> -> vector<1024x128xf32>
    %get3A_79 = arith.constant 0 : index
    %get3A_80 = arith.constant 0 : index
    %get3A_81 = vector.load %arg11[%get3A_79, %get3A_80] : memref<1x128xf32, #tpu.memory_space<vmem>>, vector<1x128xf32>
    %add3A_82 = vector.broadcast %get3A_81 : vector<1x128xf32> to vector<1024x128xf32>
    %add3A_83 = arith.addf %dot_general3A_78, %add3A_82 : vector<1024x128xf32>
    %get3A_84 = arith.constant 0 : index
    %get3A_85 = arith.constant 0 : index
    %get3A_86 = vector.load %arg12[%get3A_84, %get3A_85] : memref<128x128xf32, #tpu.memory_space<vmem>>, vector<128x128xf32>
    %dot_general3A_87 = arith.constant dense<0.000000e+00> : vector<1024x128xf32>
    %dot_general3A_88 = tpu.matmul %add3A_83, %get3A_86, %dot_general3A_87 {dimension_numbers = #tpu.dot_dimension_numbers<[1], [0], [0], [1], [0, 0, 1, 1], [], []>, transpose_lhs_hint = false} : vector<1024x128xf32>, vector<128x128xf32>, vector<1024x128xf32> -> vector<1024x128xf32>
    %get3A_89 = arith.constant 0 : index
    %get3A_90 = arith.constant 0 : index
    %get3A_91 = vector.load %arg3[%get3A_89, %get3A_90] : memref<1024x128xf32, #tpu.memory_space<vmem>>, vector<1024x128xf32>
    %get3A_92 = arith.constant 0 : index
    %get3A_93 = arith.constant 0 : index
    %get3A_94 = vector.load %arg13[%get3A_92, %get3A_93] : memref<128x128xf32, #tpu.memory_space<vmem>>, vector<128x128xf32>
    %dot_general3A_95 = arith.constant dense<0.000000e+00> : vector<1024x128xf32>
    %dot_general3A_96 = tpu.matmul %get3A_91, %get3A_94, %dot_general3A_95 {dimension_numbers = #tpu.dot_dimension_numbers<[1], [0], [0], [1], [0, 0, 1, 1], [], []>, transpose_lhs_hint = false} : vector<1024x128xf32>, vector<128x128xf32>, vector<1024x128xf32> -> vector<1024x128xf32>
    %add3A_97 = arith.addf %dot_general3A_88, %dot_general3A_96 : vector<1024x128xf32>
    %get3A_98 = arith.constant 0 : index
    %get3A_99 = arith.constant 0 : index
    %get3A_100 = vector.load %arg14[%get3A_98, %get3A_99] : memref<1x128xf32, #tpu.memory_space<vmem>>, vector<1x128xf32>
    %add3A_101 = vector.broadcast %get3A_100 : vector<1x128xf32> to vector<1024x128xf32>
    %add3A_102 = arith.addf %add3A_97, %add3A_101 : vector<1024x128xf32>
    %swap3A = arith.constant 0 : index
    %swap3A_103 = arith.constant 0 : index
    %swap3A_104 = vector.load %arg15[%swap3A, %swap3A_103] : memref<1024x128xf32, #tpu.memory_space<vmem>>, vector<1024x128xf32>
    tpu.vector_store %arg15[%swap3A, %swap3A_103], %add3A_102 {strides = array<i32>} : memref<1024x128xf32, #tpu.memory_space<vmem>>, vector<1024x128xf32>,
    return
  }
  func.func @transform_0(%arg0: i32) -> (i32, i32) {
    %c0_i32 = arith.constant 0 : i32
    %c0_i32_0 = arith.constant 0 : i32
    return %arg0, %c0_i32 : i32, i32
  }
  func.func @transform_1(%arg0: i32) -> (i32, i32) {
    %c0_i32 = arith.constant 0 : i32
    %c0_i32_0 = arith.constant 0 : i32
    return %arg0, %c0_i32 : i32, i32
  }
  func.func @transform_2(%arg0: i32) -> (i32, i32) {
    %c0_i32 = arith.constant 0 : i32
    %c0_i32_0 = arith.constant 0 : i32
    return %arg0, %c0_i32 : i32, i32
  }
  func.func @transform_3(%arg0: i32) -> (i32, i32) {
    %c0_i32 = arith.constant 0 : i32
    %c0_i32_0 = arith.constant 0 : i32
    %c0_i32_1 = arith.constant 0 : i32
    return %c0_i32, %c0_i32_0 : i32, i32
  }
  func.func @transform_4(%arg0: i32) -> (i32, i32) {
    %c0_i32 = arith.constant 0 : i32
    %c0_i32_0 = arith.constant 0 : i32
    %c0_i32_1 = arith.constant 0 : i32
    return %c0_i32, %c0_i32_0 : i32, i32
  }
  func.func @transform_5(%arg0: i32) -> (i32, i32) {
    %c0_i32 = arith.constant 0 : i32
    %c0_i32_0 = arith.constant 0 : i32
    %c0_i32_1 = arith.constant 0 : i32
    return %c0_i32, %c0_i32_0 : i32, i32
  }
  func.func @transform_6(%arg0: i32) -> (i32, i32) {
    %c0_i32 = arith.constant 0 : i32
    %c0_i32_0 = arith.constant 0 : i32
    %c0_i32_1 = arith.constant 0 : i32
    return %c0_i32, %c0_i32_0 : i32, i32
  }
  func.func @transform_7(%arg0: i32) -> (i32, i32) {
    %c0_i32 = arith.constant 0 : i32
    %c0_i32_0 = arith.constant 0 : i32
    %c0_i32_1 = arith.constant 0 : i32
    return %c0_i32, %c0_i32_0 : i32, i32
  }
  func.func @transform_8(%arg0: i32) -> (i32, i32) {
    %c0_i32 = arith.constant 0 : i32
    %c0_i32_0 = arith.constant 0 : i32
    %c0_i32_1 = arith.constant 0 : i32
    return %c0_i32, %c0_i32_0 : i32, i32
  }
  func.func @transform_9(%arg0: i32) -> (i32, i32) {
    %c0_i32 = arith.constant 0 : i32
    %c0_i32_0 = arith.constant 0 : i32
    %c0_i32_1 = arith.constant 0 : i32
    return %c0_i32, %c0_i32_0 : i32, i32
  }
  func.func @transform_10(%arg0: i32) -> (i32, i32) {
    %c0_i32 = arith.constant 0 : i32
    %c0_i32_0 = arith.constant 0 : i32
    %c0_i32_1 = arith.constant 0 : i32
    return %c0_i32, %c0_i32_0 : i32, i32
  }
  func.func @transform_11(%arg0: i32) -> (i32, i32) {
    %c0_i32 = arith.constant 0 : i32
    %c0_i32_0 = arith.constant 0 : i32
    %c0_i32_1 = arith.constant 0 : i32
    return %c0_i32, %c0_i32_0 : i32, i32
  }
  func.func @transform_12(%arg0: i32) -> (i32, i32) {
    %c0_i32 = arith.constant 0 : i32
    %c0_i32_0 = arith.constant 0 : i32
    %c0_i32_1 = arith.constant 0 : i32
    return %c0_i32, %c0_i32_0 : i32, i32
  }
  func.func @transform_13(%arg0: i32) -> (i32, i32) {
    %c0_i32 = arith.constant 0 : i32
    %c0_i32_0 = arith.constant 0 : i32
    %c0_i32_1 = arith.constant 0 : i32
    return %c0_i32, %c0_i32_0 : i32, i32
  }
  func.func @transform_14(%arg0: i32) -> (i32, i32) {
    %c0_i32 = arith.constant 0 : i32
    %c0_i32_0 = arith.constant 0 : i32
    return %arg0, %c0_i32 : i32, i32
  }
}

</mosaic_0001>

<sc_bundles>
// kernel: kernel.11.cloned.1.call-start
scs
__scs_entry_jumppad:
0x0: {  	(pc) =	sbr.rel $0x88, $3  }
0x1: {  	(tag) =	ssettag $0x0;
	lr =	simm.s32 $0x1  }
0x2: {  	[smem:$0x3F79] =	sst lr;
	_ =	strace $0xD0000000  }
0x3: {  	_ = 	snop  }
0x4: {  	_ = 	snop  }
0x5: {  	_ = 	snop  }
0x6: {  	_ = 	snop  }
0x7: {  	_ = 	snop  }
__scs_overlays_trampoline_lowered:
0x8: {  	[smem:$0x3F88] =	sst s0  }
0x9: {  	[smem:$0x3F89] =	sst s1  }
0xa: {  	[smem:$0x3F8A] =	sst s2  }
0xb: {  	[smem:$0x3F8B] =	sst s3  }
0xc: {  	[smem:$0x3F8C] =	sst s4  }
0xd: {  	[smem:$0x3F8D] =	sst s5  }
0xe: {  	[smem:$0x3F8E] =	sst s6  }
0xf: {  	[smem:$0x3F8F] =	sst s7  }
0x10: {  	[smem:$0x3F90] =	sst s8  }
0x11: {  	[smem:$0x3F91] =	sst s9;
	s0 =	simm.s32 @!p0 $0x0  }
0x12: {  	s1 =	sld [smem:$0x3F77];
	s0 =	simm.s32 @p0 $0x1  }
0x13: {  	[smem:$0x3F92] =	sst s0;
	s0 =	simm.s32 @!p1 $0x0  }
0x14: {  	s2 =	sld [smem:$0x3F76];
	s0 =	simm.s32 @p1 $0x1  }
0x15: {  	[smem:$0x3F93] =	sst s0;
	s0 =	simm.s32 @!p2 $0x0  }
0x16: {  	s3 =	sld [smem:$0x3FDB];
	s0 =	simm.s32 @p2 $0x1  }
0x17: {  	s4 =	simm.s32 $0x1BF5;
	[smem:$0x3F95] =	sst s0  }
0x18: {  	s0 =	sld [smem:$0x3F78];
	_ =	swait.ge [sflag:s4], $0x0  }
0x19: {  	s7 =	sld [smem:$0x3F79]  }
0x1a: {  	s8 =	sadd.s32 $0xFFFFE003, lr  }
0x1b: {  	s9 =	sadd.s32 $0xFFFFFEF7, lr;
	s5 =	simm.s32 $0xFFFFFFFF;
	p2 =	slt.u32 s8, $0xFFFFF086  }
0x1c: {  	p1 =	slt.u32 s9, $0xF7A;
	s5 =	simm.s32 @!p2 $0x0  }
0x1d: {  	s5 =	simm.s32 @p1 $0x1;
	p0 =	seq.s32 s7, s2  }
0x1e: {  	s7 =	smul.u32 @!p0 $0xF7A, s2;
	p2 =	seq.s32 @!p0 s5, $0x0  }
0x1f: {  	s9 =	smul.u32 $0xF7A, s1;
	s8 =	simm.s32 @!p0 $0x1BF5;
	p2 =	por !p2, p0  }
0x20: {  	[sflag:s8] =	ssyncset.s32 @!p0 $0xFFFFF086;
	s6 =	sadd.s32 @!p0 s3, s7;
	s7 =	simm.s32 @!p0 $0x108  }
0x21: {  	s3 =	sadd.s32 s3, s9;
	s6 =	sadd.s32 @!p0 $0x88, s6;
	s7 =	simm.s32 @p2 $0x1082  }
0x22: {  	[simem:s7], [sflag:s8] =	dma.local @!p0 [hbm:s6], $0xF7A  }
0x23: {  	s9 =	sor.u32 $0xD0000000, s2;
	s6 =	simm.s32 $0x108;
	_ =	swait.ge @!p0 [sflag:s8], $0x0  }
0x24: {  	s3 =	sadd.s32 $0x88, s3;
	s6 =	simm.s32 @!p1 $0x1082;
	[sflag:s4] =	ssyncset.s32 $0xFFFFF086  }
0x25: {  	[simem:s6], [sflag:s4] =	dma.local [hbm:s3], $0xF7A  }
0x26: {  	[smem:$0x3F79] =	sst s1;
	(tag) =	ssettag s2;
	_ =	strace s9  }
0x27: {  	s1 =	sld [smem:$0x3F89]  }
0x28: {  	s2 =	sld [smem:$0x3F8A]  }
0x29: {  	s4 =	sld [smem:$0x3F8C]  }
0x2a: {  	p0 =	seq.s32 s5, $0x0;
	s5 =	sld [smem:$0x3F8D]  }
0x2b: {  	s6 =	sld [smem:$0x3F8E]  }
0x2c: {  	s7 =	sld [smem:$0x3F8F]  }
0x2d: {  	s3 =	simm.s32 $0x108;
	s8 =	sld [smem:$0x3F90]  }
0x2e: {  	s3 =	simm.s32 @!p0 $0x1082;
	s9 =	sld [smem:$0x3F91]  }
0x2f: {  	lr =	sadd.s32 s0, s3;
	s0 =	sld [smem:$0x3F88]  }
0x30: {  	s3 =	sld [smem:$0x3F8B]  }
0x31: {  	[smem:$0x3F94] =	sst s10  }
0x32: {  	s10 =	sld [smem:$0x3F92];
	_ =	sdelay $0x3  }
0x33: {  	p0 =	seq.s32 s10, $0x1;
	s10 =	sld [smem:$0x3F94];
	_ =	sdelay $0x3  }
0x34: {  	[smem:$0x3F94] =	sst s10  }
0x35: {  	s10 =	sld [smem:$0x3F93];
	_ =	sdelay $0x3  }
0x36: {  	p1 =	seq.s32 s10, $0x1;
	s10 =	sld [smem:$0x3F94];
	_ =	sdelay $0x3  }
0x37: {  	[smem:$0x3F94] =	sst s10  }
0x38: {  	s10 =	sld [smem:$0x3F95]  }
0x39: {  	_ = 	snop;
	(pc) =	sbr.ind lr, $3  }
0x3a: {  	_ = 	snop  }
0x3b: {  	_ = 	snop  }
0x3c: {  	p2 =	seq.s32 s10, $0x1;
	s10 =	sld [smem:$0x3F94]  }
0x3d: {  	_ =	shalt  }
0x3e: {  	_ =	shalt  }
0x3f: {  	_ =	shalt  }
0x40: {  	_ =	shalt  }
0x41: {  	_ =	shalt  }
0x42: {  	_ =	shalt  }
0x43: {  	_ =	shalt  }
0x44: {  	_ =	shalt  }
0x45: {  	_ =	shalt  }
0x46: {  	_ =	shalt  }
0x47: {  	_ =	shalt  }
0x48: {  	_ =	shalt  }
0x49: {  	_ =	shalt  }
0x4a: {  	_ =	shalt  }
0x4b: {  	_ =	shalt  }
0x4c: {  	_ =	shalt  }
0x4d: {  	_ =	shalt  }
0x4e: {  	_ =	shalt  }
0x4f: {  	_ =	shalt  }
0x50: {  	_ =	shalt  }
0x51: {  	_ =	shalt  }
0x52: {  	_ =	shalt  }
0x53: {  	_ =	shalt  }
0x54: {  	_ =	shalt  }
0x55: {  	_ =	shalt  }
0x56: {  	_ =	shalt  }
0x57: {  	_ =	shalt  }
0x58: {  	_ =	shalt  }
0x59: {  	_ =	shalt  }
0x5a: {  	_ =	shalt  }
0x5b: {  	_ =	shalt  }
0x5c: {  	_ =	shalt  }
0x5d: {  	_ =	shalt  }
0x5e: {  	_ =	shalt  }
0x5f: {  	_ =	shalt  }
0x60: {  	_ =	shalt  }
0x61: {  	_ =	shalt  }
0x62: {  	_ =	shalt  }
0x63: {  	_ =	shalt  }
0x64: {  	_ =	shalt  }
0x65: {  	_ =	shalt  }
0x66: {  	_ =	shalt  }
0x67: {  	_ =	shalt  }
0x68: {  	_ =	shalt  }
0x69: {  	_ =	shalt  }
0x6a: {  	_ =	shalt  }
0x6b: {  	_ =	shalt  }
0x6c: {  	_ =	shalt  }
0x6d: {  	_ =	shalt  }
0x6e: {  	_ =	shalt  }
0x6f: {  	_ =	shalt  }
0x70: {  	_ =	shalt  }
0x71: {  	_ =	shalt  }
0x72: {  	_ =	shalt  }
0x73: {  	_ =	shalt  }
0x74: {  	_ =	shalt  }
0x75: {  	_ =	shalt  }
0x76: {  	_ =	shalt  }
0x77: {  	_ =	shalt  }
0x78: {  	_ =	shalt  }
0x79: {  	_ =	shalt  }
0x7a: {  	_ =	shalt  }
0x7b: {  	_ =	shalt  }
0x7c: {  	_ =	shalt  }
0x7d: {  	_ =	shalt  }
0x7e: {  	_ =	shalt  }
0x7f: {  	_ =	shalt  }
0x80: {  	_ =	shalt  }
0x81: {  	_ =	shalt  }
0x82: {  	_ =	shalt  }
0x83: {  	_ =	shalt  }
0x84: {  	_ =	shalt  }
0x85: {  	_ =	shalt  }
0x86: {  	_ =	shalt  }
0x87: {  	_ =	shalt  }
.Lfunc_end0:
.L_simem_size_0:
called_computation.1_lowered:
.L_overlay_start_0:
0x88: {  	s2 =	sld [smem:$0x3FD9]  }
0x89: {  	s3 =	sld [smem:$0x3FFE];
	_ =	sdelay $0x1  }
0x8a: {  	s1 =	srdreg.scid  }
0x8b: {  	s0 =	sand.u32 $0x1, s1  }
0x8c: {  	s16 =	sshll.u32 s0, $0xA;
	s2 =	sadd.s32 s3, s2  }
0x8d: {  	s2 =	sadd.s32 s2, s16  }
0x8e: {  	[smem:$0x3FA0] =	sst s2  }
0x8f: {  	_ = 	snop  }
0x90: {  	(tm) =	ssettm $0x1  }
0x91: {  	s17 =	sld [smem:$0x3FFB];
	_ =	sdelay $0x3  }
0x92: {  	_ =	strace s17  }
0x93: {  	s2 =	sld [smem:$0x3FFC];
	_ =	sdelay $0x3  }
0x94: {  	_ =	strace s2  }
0x95: {  	s2 =	sld [smem:$0x3FFD];
	_ =	sdelay $0x3  }
0x96: {  	_ =	strace s2  }
0x97: {  	_ =	strace $0x8FFFFFFF  }
0x98: {  	s18 =	sld [smem:$0x3FDB];
	_ =	sdelay $0x1  }
0x99: {  	s19 =	simm.s32 $_scs_section_size  }
0x9a: {  	s4 =	simm.s32 $_size__tile_overlayer_lowered;
	s5 =	simm.s32 $_tile_overlayer_lowered  }
0x9b: {  	s22 =	simm.s32 $0x1BFF;
	s21 =	sshll.u32 s5, $0x1;
	s2 =	sadd.s32 s19, s18  }
0x9c: {  	s6 =	simm.s32 $0x0;
	s20 =	sshll.u32 s4, $0x1;
	s4 =	sadd.s32 s21, s2  }
0x9d: {  	[timem:s6], [sflag:s22] =	dma.local [hbm:s4], s20  }
0x9e: {  	_ =	swait.ge [sflag:s22], s20  }
0x9f: {  	s3 =	ssub.s32 $0x0, s20;
	[sflag:s22] =	ssyncset.done $0x0  }
0xa0: {  	[sflag:s22] =	ssyncadd.s32 s3;
	_ =	sdelay $0x1  }
0xa1: {  	s23 =	simm.s32 $0x1B8B  }
0xa2: {  	_ =	swait.ge [sflag:s23], $0x1  }
0xa3: {  	[sflag:s23] =	ssyncset.done $0x0  }
0xa4: {  	s25 =	simm.s32 $0x1B8E;
	s24 =	sld [smem:$0x3FFE];
	[sflag:s23] =	ssyncadd.s32 $0xFFFFFFFF  }
0xa5: {  	s26 =	simm.s32 $execute0_lowered;
	[smem:$0x3FD2] =	sst s25  }
0xa6: {  	s4 =	sshll.u32 s26, $0x1;
	_ =	strace $0x8000004F;
	[dreg:$0x1] =	wrdreg $0xFFFFFFFF  }
0xa7: {  	s28 =	simm.s32 $_size_execute0_lowered;
	s2 =	sadd.s32 s2, s4;
	[dreg:$0x0] =	wrdreg $0x0  }
0xa8: {  	s4 =	sshll.u32 s28, $0x1;
	[dreg:$0x2] =	wrdreg s2  }
0xa9: {  	[dreg:$0x3] =	wrdreg s4  }
0xaa: {  	[dreg:$0x4] =	wrdreg $0xC0  }
0xab: {  	_ =	task [dreg:s6], $0x5FFFF  }
0xac: {  	[dreg:$0x1] =	wrdreg $0xFFFFFFFF  }
0xad: {  	[dreg:$0x0] =	wrdreg $0x60  }
0xae: {  	[dreg:$0x2] =	wrdreg s24  }
0xaf: {  	[dreg:$0x3] =	wrdreg $0x9  }
0xb0: {  	_ =	task.clear_ibuf [dreg:s6], $0x4FFFF;
	_ =	strace $0x9000004F  }
0xb1: {  	s29 =	simm.s32 $0x9;
	_ =	strace $0x80000051  }
0xb2: {  	_ =	swait.ge [sflag:s29], $0x1  }
0xb3: {  	[sflag:s29] =	ssyncadd.s32 $0xFFFFFFFF  }
0xb4: {  	_ =	strace $0x90000051  }
0xb5: {  	_ =	sfence  }
0xb6: {  	s30 =	sld [smem:$0x0];
	_ =	sdelay $0x2  }
0xb7: {  	s31 =	sshll.u32 s1, $0xD;
	s1 =	sshrl.u32 s1, $0x2  }
0xb8: {  	s3 =	sand.u32 $0x4000, s31;
	s1 =	sadd.s32 s1, s30  }
0xb9: {  	s0 =	sor.u32 s3, s0;
	s1 =	sshll.u32 s1, $0x11  }
0xba: {  	s0 =	sor.u32 s1, s0  }
0xbb: {  	s0 =	sadd.s32 $0x8F2B, s0  }
0xbc: {  	[sflag:s0] =	ssyncadd.remote.s32 $0x1  }
0xbd: {  	_ =	sfence.sel $0xFFFF  }
0xbe: {  	[dreg:$0x0] =	wrdreg $0xFFFFFFFF;
	(pc) =	sbr.abs _section_cstart, $3  }
0xbf: {  	[dreg:$0x1] =	wrdreg $0xFFFFFFFF  }
0xc0: {  	_ =	task.clear_ibuf [dreg:s6], $0x2FFFF;
	_ =	strace $0x9FFFFFFF  }
0xc1: {  	(tm) =	ssettm $0x7FFFFFFF  }
tec
execute0_lowered:
.L_overlay_start_1:
0x0: {  	(tag) =	ssettag $0x1  }
0x1: {  	s1 =	srdreg.scid  }
0x2: {  	s0 =	stileid.u32;
	s5 =	sand.u32 $0x1, s1  }
0x3: {  	s30 =	sshll.u32 s0, $0x7;
	s2 =	sshll.u32 s5, $0x6  }
0x4: {  	s7 =	rddreg [dreg:$0x0];
	s4 =	simm.s32 $0x2;
	s6 =	sor.u32 s2, s30  }
0x5: {  	s1 =	rddreg [dreg:$0x1];
	s2 =	simm.s32 $0x0;
	s3 =	sshrl.u32 s6, $0x3  }
0x6: {  	s8 =	ssub.s32 $0x2, s5;
	[smem:$0x7FF] =	sst s2;
	s3 =	sadd.s32 s3, s7  }
0x7: {  	s9 =	sshrl.u32 s8, $0x1;
	_ =	strace $0x80000050;
	s3 =	sadd.s32 $0x7B800, s3  }
0x8: {  	[tilespmem:s2], [sflag:$0x2] =	stream.linear.gather [hbm4b:s3+s2], $0x40, $0x38;
	[tilespmem:$0x2080] =	vst v63  }
0x9: {  	s6 =	sshll.u32 s6, $0x4;
	s8 =	ssub.s32 s8, s9;
	_ =	swait.ge [sflag:s4], $0x40  }
0xa: {  	s31 =	sadd.s32 s6, s7;
	s6 =	simm.s32 $0x80;
	[sflag:s4] =	ssyncset.done $0x0  }
0xb: {  	s10 =	smax.u32 s8, $0x1;
	s5 =	sadd.s32 $0x4BC00, s31;
	[sflag:s4] =	ssyncadd.s32 $0xFFFFFFC0  }
0xc: {  	[tilespmem:s6], [sflag:$0x2] =	stream.linear.gather [hbm4b:s5+s2], $0x2000, $0x38;
	[tilespmem:$0x2080] =	vst v63  }
0xd: {  	p0 =	sne.s32 s10, $0x1;
	_ =	swait.ge [sflag:s4], $0x2000  }
.Ltmp0:
0xe: {  	s9 =	simm.s32 $0x40;
	[sflag:s4] =	ssyncset.done $0x0;
	(pc) =	sbr.rel @!p0 .LBB2_2-.Ltmp0, $4  }
0xf: {  	s7 =	sadd.s32 $0x7BA00, s7;
	s8 =	simm.s32 $0x1;
	[sflag:s4] =	ssyncadd.s32 $0xFFFFE000  }
0x10: {  	[hbm4b:s7+s9] =	stream.indirect.scatter [tilespmem:s6], [sflag:$0x1], $0x80, s2, s9, $0xb8;
	[tilespmem:$0x2080] =	vst v63  }
0x11: {  	_ =	swait.ge [sflag:s8], $0x2000  }
0x12: {  	s10 =	sadd.s32 $0xFFFFFFFF, s10;
	[sflag:s8] =	ssyncset.done $0x0  }
.LBB2_1:
0x13: {  	p0 =	sne.s32 s10, $0x1;
	s10 =	sadd.s32 $0xFFFFFFFF, s10;
	[sflag:s8] =	ssyncadd.s32 $0xFFFFE000  }
0x14: {  	[tilespmem:s2], [sflag:$0x2] =	stream.linear.gather [hbm4b:s3+s2], $0x40, $0x38;
	[tilespmem:$0x2080] =	vst v63  }
0x15: {  	_ =	swait.ge [sflag:s4], $0x40  }
0x16: {  	[sflag:s4] =	ssyncset.done $0x0  }
0x17: {  	[sflag:s4] =	ssyncadd.s32 $0xFFFFFFC0  }
0x18: {  	[tilespmem:s6], [sflag:$0x2] =	stream.linear.gather [hbm4b:s5+s2], $0x2000, $0x38;
	[tilespmem:$0x2080] =	vst v63  }
0x19: {  	_ =	swait.ge [sflag:s4], $0x2000  }
.Ltmp1:
0x1a: {  	[sflag:s4] =	ssyncset.done $0x0;
	(pc) =	sbr.rel @p0 .LBB2_1-.Ltmp1, $4  }
0x1b: {  	[sflag:s4] =	ssyncadd.s32 $0xFFFFE000  }
0x1c: {  	[hbm4b:s7+s9] =	stream.indirect.scatter [tilespmem:s6], [sflag:$0x1], $0x80, s2, s9, $0xb8;
	[tilespmem:$0x2080] =	vst v63  }
0x1d: {  	_ =	swait.ge [sflag:s8], $0x2000  }
0x1e: {  	[sflag:s8] =	ssyncset.done $0x0  }
.LBB2_2:
0x1f: {  	[sflag:s8] =	ssyncadd.s32 $0xFFFFE000  }
0x20: {  	_ =	sfence.sel $0x180000  }
0x21: {  	[bflag:$0x0] =	sbarrier.arrive $0xFFFF  }
0x22: {  	p0 =	sne.s32 s0, $0x0;
	_ =	strace $0x90000050  }
0x23: {  	s0 =	sadd.s32 @!p0 $0x100000, s1;
	[bflag:$0x2] =	sbarrier.arrive $0xFFFF  }
0x24: {  	[sflag:s0] =	ssyncadd.tile.s32 @!p0 $0x1;
	_ =	shalt  }
.Lfunc_end2:
_tile_overlayer_lowered:
.L_overlay_start_2:
0x25: {  	(tag) =	ssettag $0x2  }
0x26: {  	s0 =	rddreg [dreg:$0x0];
	s2 =	stileid.u32  }
0x27: {  	s1 =	rddreg [dreg:$0x1];
	p0 =	sne.s32 s2, $0x0  }
0x28: {  	s3 =	rddreg [dreg:$0x2];
	[bflag:$0x3] =	sbarrier.arrive $0xFFFF;
	s2 =	simm.s32 @!p0 $0x1C02  }
0x29: {  	[timem:s3], [sflag:s2] =	dma.local @!p0 [hbm:s0], s1  }
0x2a: {  	s0 =	simm.s32 @!p0 $0x2  }
0x2b: {  	_ =	swait.ge @!p0 [sflag:s0], s1  }
0x2c: {  	s1 =	ssub.s32 @!p0 $0x0, s1;
	[sflag:s0] =	ssyncset.done @!p0 $0x0  }
0x2d: {  	[sflag:s0] =	ssyncadd.s32 @!p0 s1  }
0x2e: {  	[bflag:$0x3] =	sbarrier.arrive $0xFFFF  }
0x2f: {  	_ =	shalt  }

// kernel: kernel.14.cloned.1.call-start
scs
__scs_entry_jumppad:
0x0: {  	(pc) =	sbr.rel $0x88, $3  }
0x1: {  	(tag) =	ssettag $0x0;
	lr =	simm.s32 $0x1  }
0x2: {  	[smem:$0x3F79] =	sst lr;
	_ =	strace $0xD0000000  }
0x3: {  	_ = 	snop  }
0x4: {  	_ = 	snop  }
0x5: {  	_ = 	snop  }
0x6: {  	_ = 	snop  }
0x7: {  	_ = 	snop  }
__scs_overlays_trampoline_lowered:
0x8: {  	[smem:$0x3F88] =	sst s0  }
0x9: {  	[smem:$0x3F89] =	sst s1  }
0xa: {  	[smem:$0x3F8A] =	sst s2  }
0xb: {  	[smem:$0x3F8B] =	sst s3  }
0xc: {  	[smem:$0x3F8C] =	sst s4  }
0xd: {  	[smem:$0x3F8D] =	sst s5  }
0xe: {  	[smem:$0x3F8E] =	sst s6  }
0xf: {  	[smem:$0x3F8F] =	sst s7  }
0x10: {  	[smem:$0x3F90] =	sst s8  }
0x11: {  	[smem:$0x3F91] =	sst s9;
	s0 =	simm.s32 @!p0 $0x0  }
0x12: {  	s1 =	sld [smem:$0x3F77];
	s0 =	simm.s32 @p0 $0x1  }
0x13: {  	[smem:$0x3F92] =	sst s0;
	s0 =	simm.s32 @!p1 $0x0  }
0x14: {  	s2 =	sld [smem:$0x3F76];
	s0 =	simm.s32 @p1 $0x1  }
0x15: {  	[smem:$0x3F93] =	sst s0;
	s0 =	simm.s32 @!p2 $0x0  }
0x16: {  	s3 =	sld [smem:$0x3FDB];
	s0 =	simm.s32 @p2 $0x1  }
0x17: {  	s4 =	simm.s32 $0x1BF5;
	[smem:$0x3F95] =	sst s0  }
0x18: {  	s0 =	sld [smem:$0x3F78];
	_ =	swait.ge [sflag:s4], $0x0  }
0x19: {  	s7 =	sld [smem:$0x3F79]  }
0x1a: {  	s8 =	sadd.s32 $0xFFFFE003, lr  }
0x1b: {  	s9 =	sadd.s32 $0xFFFFFEF7, lr;
	s5 =	simm.s32 $0xFFFFFFFF;
	p2 =	slt.u32 s8, $0xFFFFF086  }
0x1c: {  	p1 =	slt.u32 s9, $0xF7A;
	s5 =	simm.s32 @!p2 $0x0  }
0x1d: {  	s5 =	simm.s32 @p1 $0x1;
	p0 =	seq.s32 s7, s2  }
0x1e: {  	s7 =	smul.u32 @!p0 $0xF7A, s2;
	p2 =	seq.s32 @!p0 s5, $0x0  }
0x1f: {  	s9 =	smul.u32 $0xF7A, s1;
	s8 =	simm.s32 @!p0 $0x1BF5;
	p2 =	por !p2, p0  }
0x20: {  	[sflag:s8] =	ssyncset.s32 @!p0 $0xFFFFF086;
	s6 =	sadd.s32 @!p0 s3, s7;
	s7 =	simm.s32 @!p0 $0x108  }
0x21: {  	s3 =	sadd.s32 s3, s9;
	s6 =	sadd.s32 @!p0 $0x88, s6;
	s7 =	simm.s32 @p2 $0x1082  }
0x22: {  	[simem:s7], [sflag:s8] =	dma.local @!p0 [hbm:s6], $0xF7A  }
0x23: {  	s9 =	sor.u32 $0xD0000000, s2;
	s6 =	simm.s32 $0x108;
	_ =	swait.ge @!p0 [sflag:s8], $0x0  }
0x24: {  	s3 =	sadd.s32 $0x88, s3;
	s6 =	simm.s32 @!p1 $0x1082;
	[sflag:s4] =	ssyncset.s32 $0xFFFFF086  }
0x25: {  	[simem:s6], [sflag:s4] =	dma.local [hbm:s3], $0xF7A  }
0x26: {  	[smem:$0x3F79] =	sst s1;
	(tag) =	ssettag s2;
	_ =	strace s9  }
0x27: {  	s1 =	sld [smem:$0x3F89]  }
0x28: {  	s2 =	sld [smem:$0x3F8A]  }
0x29: {  	s4 =	sld [smem:$0x3F8C]  }
0x2a: {  	p0 =	seq.s32 s5, $0x0;
	s5 =	sld [smem:$0x3F8D]  }
0x2b: {  	s6 =	sld [smem:$0x3F8E]  }
0x2c: {  	s7 =	sld [smem:$0x3F8F]  }
0x2d: {  	s3 =	simm.s32 $0x108;
	s8 =	sld [smem:$0x3F90]  }
0x2e: {  	s3 =	simm.s32 @!p0 $0x1082;
	s9 =	sld [smem:$0x3F91]  }
0x2f: {  	lr =	sadd.s32 s0, s3;
	s0 =	sld [smem:$0x3F88]  }
0x30: {  	s3 =	sld [smem:$0x3F8B]  }
0x31: {  	[smem:$0x3F94] =	sst s10  }
0x32: {  	s10 =	sld [smem:$0x3F92];
	_ =	sdelay $0x3  }
0x33: {  	p0 =	seq.s32 s10, $0x1;
	s10 =	sld [smem:$0x3F94];
	_ =	sdelay $0x3  }
0x34: {  	[smem:$0x3F94] =	sst s10  }
0x35: {  	s10 =	sld [smem:$0x3F93];
	_ =	sdelay $0x3  }
0x36: {  	p1 =	seq.s32 s10, $0x1;
	s10 =	sld [smem:$0x3F94];
	_ =	sdelay $0x3  }
0x37: {  	[smem:$0x3F94] =	sst s10  }
0x38: {  	s10 =	sld [smem:$0x3F95]  }
0x39: {  	_ = 	snop;
	(pc) =	sbr.ind lr, $3  }
0x3a: {  	_ = 	snop  }
0x3b: {  	_ = 	snop  }
0x3c: {  	p2 =	seq.s32 s10, $0x1;
	s10 =	sld [smem:$0x3F94]  }
0x3d: {  	_ =	shalt  }
0x3e: {  	_ =	shalt  }
0x3f: {  	_ =	shalt  }
0x40: {  	_ =	shalt  }
0x41: {  	_ =	shalt  }
0x42: {  	_ =	shalt  }
0x43: {  	_ =	shalt  }
0x44: {  	_ =	shalt  }
0x45: {  	_ =	shalt  }
0x46: {  	_ =	shalt  }
0x47: {  	_ =	shalt  }
0x48: {  	_ =	shalt  }
0x49: {  	_ =	shalt  }
0x4a: {  	_ =	shalt  }
0x4b: {  	_ =	shalt  }
0x4c: {  	_ =	shalt  }
0x4d: {  	_ =	shalt  }
0x4e: {  	_ =	shalt  }
0x4f: {  	_ =	shalt  }
0x50: {  	_ =	shalt  }
0x51: {  	_ =	shalt  }
0x52: {  	_ =	shalt  }
0x53: {  	_ =	shalt  }
0x54: {  	_ =	shalt  }
0x55: {  	_ =	shalt  }
0x56: {  	_ =	shalt  }
0x57: {  	_ =	shalt  }
0x58: {  	_ =	shalt  }
0x59: {  	_ =	shalt  }
0x5a: {  	_ =	shalt  }
0x5b: {  	_ =	shalt  }
0x5c: {  	_ =	shalt  }
0x5d: {  	_ =	shalt  }
0x5e: {  	_ =	shalt  }
0x5f: {  	_ =	shalt  }
0x60: {  	_ =	shalt  }
0x61: {  	_ =	shalt  }
0x62: {  	_ =	shalt  }
0x63: {  	_ =	shalt  }
0x64: {  	_ =	shalt  }
0x65: {  	_ =	shalt  }
0x66: {  	_ =	shalt  }
0x67: {  	_ =	shalt  }
0x68: {  	_ =	shalt  }
0x69: {  	_ =	shalt  }
0x6a: {  	_ =	shalt  }
0x6b: {  	_ =	shalt  }
0x6c: {  	_ =	shalt  }
0x6d: {  	_ =	shalt  }
0x6e: {  	_ =	shalt  }
0x6f: {  	_ =	shalt  }
0x70: {  	_ =	shalt  }
0x71: {  	_ =	shalt  }
0x72: {  	_ =	shalt  }
0x73: {  	_ =	shalt  }
0x74: {  	_ =	shalt  }
0x75: {  	_ =	shalt  }
0x76: {  	_ =	shalt  }
0x77: {  	_ =	shalt  }
0x78: {  	_ =	shalt  }
0x79: {  	_ =	shalt  }
0x7a: {  	_ =	shalt  }
0x7b: {  	_ =	shalt  }
0x7c: {  	_ =	shalt  }
0x7d: {  	_ =	shalt  }
0x7e: {  	_ =	shalt  }
0x7f: {  	_ =	shalt  }
0x80: {  	_ =	shalt  }
0x81: {  	_ =	shalt  }
0x82: {  	_ =	shalt  }
0x83: {  	_ =	shalt  }
0x84: {  	_ =	shalt  }
0x85: {  	_ =	shalt  }
0x86: {  	_ =	shalt  }
0x87: {  	_ =	shalt  }
.Lfunc_end0:
.L_simem_size_0:
called_computation.2_lowered:
.L_overlay_start_0:
0x88: {  	s2 =	sld [smem:$0x3FD9]  }
0x89: {  	s3 =	sld [smem:$0x3FFE];
	_ =	sdelay $0x1  }
0x8a: {  	s1 =	srdreg.scid  }
0x8b: {  	s0 =	sand.u32 $0x1, s1  }
0x8c: {  	s16 =	sshll.u32 s0, $0xA;
	s2 =	sadd.s32 s3, s2  }
0x8d: {  	s2 =	sadd.s32 s2, s16  }
0x8e: {  	[smem:$0x3FA0] =	sst s2  }
0x8f: {  	_ = 	snop  }
0x90: {  	(tm) =	ssettm $0x1  }
0x91: {  	s17 =	sld [smem:$0x3FFB];
	_ =	sdelay $0x3  }
0x92: {  	_ =	strace s17  }
0x93: {  	s2 =	sld [smem:$0x3FFC];
	_ =	sdelay $0x3  }
0x94: {  	_ =	strace s2  }
0x95: {  	s2 =	sld [smem:$0x3FFD];
	_ =	sdelay $0x3  }
0x96: {  	_ =	strace s2  }
0x97: {  	_ =	strace $0x8FFFFFFF  }
0x98: {  	s18 =	sld [smem:$0x3FDB];
	_ =	sdelay $0x1  }
0x99: {  	s19 =	simm.s32 $_scs_section_size  }
0x9a: {  	s4 =	simm.s32 $_size__tile_overlayer_lowered;
	s5 =	simm.s32 $_tile_overlayer_lowered  }
0x9b: {  	s22 =	simm.s32 $0x1BFF;
	s21 =	sshll.u32 s5, $0x1;
	s2 =	sadd.s32 s19, s18  }
0x9c: {  	s6 =	simm.s32 $0x0;
	s20 =	sshll.u32 s4, $0x1;
	s4 =	sadd.s32 s21, s2  }
0x9d: {  	[timem:s6], [sflag:s22] =	dma.local [hbm:s4], s20  }
0x9e: {  	_ =	swait.ge [sflag:s22], s20  }
0x9f: {  	s3 =	ssub.s32 $0x0, s20;
	[sflag:s22] =	ssyncset.done $0x0  }
0xa0: {  	[sflag:s22] =	ssyncadd.s32 s3;
	_ =	sdelay $0x1  }
0xa1: {  	s23 =	simm.s32 $0x1B8B  }
0xa2: {  	_ =	swait.ge [sflag:s23], $0x1  }
0xa3: {  	[sflag:s23] =	ssyncset.done $0x0  }
0xa4: {  	s25 =	simm.s32 $0x1B8E;
	s24 =	sld [smem:$0x3FFE];
	[sflag:s23] =	ssyncadd.s32 $0xFFFFFFFF  }
0xa5: {  	s26 =	simm.s32 $execute0_lowered;
	[smem:$0x3FD2] =	sst s25  }
0xa6: {  	s4 =	sshll.u32 s26, $0x1;
	_ =	strace $0x80000052;
	[dreg:$0x1] =	wrdreg $0xFFFFFFFF  }
0xa7: {  	s28 =	simm.s32 $_size_execute0_lowered;
	s2 =	sadd.s32 s2, s4;
	[dreg:$0x0] =	wrdreg $0x0  }
0xa8: {  	s4 =	sshll.u32 s28, $0x1;
	[dreg:$0x2] =	wrdreg s2  }
0xa9: {  	[dreg:$0x3] =	wrdreg s4  }
0xaa: {  	[dreg:$0x4] =	wrdreg $0xC0  }
0xab: {  	_ =	task [dreg:s6], $0x5FFFF  }
0xac: {  	[dreg:$0x1] =	wrdreg $0xFFFFFFFF  }
0xad: {  	[dreg:$0x0] =	wrdreg $0x60  }
0xae: {  	[dreg:$0x2] =	wrdreg s24  }
0xaf: {  	[dreg:$0x3] =	wrdreg $0x9  }
0xb0: {  	_ =	task.clear_ibuf [dreg:s6], $0x4FFFF;
	_ =	strace $0x90000052  }
0xb1: {  	s29 =	simm.s32 $0x9;
	_ =	strace $0x80000054  }
0xb2: {  	_ =	swait.ge [sflag:s29], $0x1  }
0xb3: {  	[sflag:s29] =	ssyncadd.s32 $0xFFFFFFFF  }
0xb4: {  	_ =	strace $0x90000054  }
0xb5: {  	_ =	sfence  }
0xb6: {  	s30 =	sld [smem:$0x0];
	_ =	sdelay $0x2  }
0xb7: {  	s31 =	sshll.u32 s1, $0xD;
	s1 =	sshrl.u32 s1, $0x2  }
0xb8: {  	s3 =	sand.u32 $0x4000, s31;
	s1 =	sadd.s32 s1, s30  }
0xb9: {  	s0 =	sor.u32 s3, s0;
	s1 =	sshll.u32 s1, $0x11  }
0xba: {  	s0 =	sor.u32 s1, s0  }
0xbb: {  	s0 =	sadd.s32 $0x8F2B, s0  }
0xbc: {  	[sflag:s0] =	ssyncadd.remote.s32 $0x1  }
0xbd: {  	_ =	sfence.sel $0xFFFF  }
0xbe: {  	[dreg:$0x0] =	wrdreg $0xFFFFFFFF;
	(pc) =	sbr.abs _section_cstart, $3  }
0xbf: {  	[dreg:$0x1] =	wrdreg $0xFFFFFFFF  }
0xc0: {  	_ =	task.clear_ibuf [dreg:s6], $0x2FFFF;
	_ =	strace $0x9FFFFFFF  }
0xc1: {  	(tm) =	ssettm $0x7FFFFFFF  }
tec
execute0_lowered:
.L_overlay_start_1:
0x0: {  	(tag) =	ssettag $0x1  }
0x1: {  	s1 =	srdreg.scid  }
0x2: {  	s0 =	stileid.u32;
	s11 =	sand.u32 $0x1, s1  }
0x3: {  	s30 =	sshll.u32 s0, $0x7;
	s2 =	sshll.u32 s11, $0x6  }
0x4: {  	s12 =	rddreg [dreg:$0x0];
	s13 =	sor.u32 s2, s30  }
0x5: {  	s1 =	rddreg [dreg:$0x1];
	s2 =	simm.s32 $0x0;
	s3 =	sshrl.u32 s13, $0x3  }
0x6: {  	[smem:$0x7FF] =	sst s2;
	s3 =	sadd.s32 s3, s12  }
0x7: {  	_ =	strace $0x80000053;
	s4 =	sadd.s32 $0x7B800, s3;
	s3 =	simm.s32 $0x3  }
0x8: {  	[tilespmem:s2], [sflag:$0x3] =	stream.linear.gather [hbm4b:s4+s2], $0x40, $0x38;
	[tilespmem:$0x2040] =	vst v63  }
0x9: {  	_ =	swait.ge [sflag:s3], $0x40  }
0xa: {  	[sflag:s3] =	ssyncset.done $0x0  }
0xb: {  	s6 =	simm.s32 $0x40;
	s5 =	sadd.s32 $0x17BA00, s12;
	[sflag:s3] =	ssyncadd.s32 $0xFFFFFFC0  }
0xc: {  	[tilespmem:s6], [sflag:$0x1] =	stream.indirect.gather [hbm4b:s5+s6], $0x40, s2, s6, $0xb8;
	[tilespmem:$0x2040] =	vst v63  }
0xd: {  	s8 =	simm.s32 $0x1040;
	s9 =	simm.s32 $0x1;
	s7 =	sadd.s32 $0x7BA00, s12  }
0xe: {  	[tilespmem:s8], [sflag:$0x2] =	stream.indirect.gather [hbm4b:s7+s6], $0x40, s2, s6, $0xb8;
	[tilespmem:$0x2040] =	vst v63  }
0xf: {  	_ =	swait.ge [sflag:s9], $0x1000  }
0x10: {  	[sflag:s9] =	ssyncset.done $0x0  }
0x11: {  	s10 =	simm.s32 $0x2;
	s31 =	ssub.s32 $0x2, s11;
	[sflag:s9] =	ssyncadd.s32 $0xFFFFF000  }
0x12: {  	s14 =	sshrl.u32 s31, $0x1;
	s13 =	sshll.u32 s13, $0x3;
	_ =	swait.ge [sflag:s10], $0x1000  }
0x13: {  	s12 =	sadd.s32 s13, s12;
	s13 =	ssub.s32 s31, s14;
	[sflag:s10] =	ssyncset.done $0x0  }
0x14: {  	s11 =	sadd.s32 $0xA600, s12;
	s13 =	smax.u32 s13, $0x1;
	[sflag:s10] =	ssyncadd.s32 $0xFFFFF000  }
0x15: {  	[hbm4b:s11+s2] =	stream.linear.scatter [tilespmem:s6], [sflag:$0x3], $0x1000, $0x38;
	[tilespmem:$0x2040] =	vst v63  }
0x16: {  	p0 =	sne.s32 s13, $0x1;
	_ =	swait.ge [sflag:s3], $0x1000  }
.Ltmp0:
0x17: {  	[sflag:s3] =	ssyncset.done $0x0;
	(pc) =	sbr.rel @!p0 .LBB2_2-.Ltmp0, $4  }
0x18: {  	s12 =	sadd.s32 $0x6600, s12;
	[sflag:s3] =	ssyncadd.s32 $0xFFFFF000  }
0x19: {  	[hbm4b:s12+s2] =	stream.linear.scatter [tilespmem:s8], [sflag:$0x3], $0x1000, $0x38;
	[tilespmem:$0x2040] =	vst v63  }
0x1a: {  	_ =	swait.ge [sflag:s3], $0x1000  }
0x1b: {  	s13 =	sadd.s32 $0xFFFFFFFF, s13;
	[sflag:s3] =	ssyncset.done $0x0  }
.LBB2_1:
0x1c: {  	p0 =	sne.s32 s13, $0x1;
	s13 =	sadd.s32 $0xFFFFFFFF, s13;
	[sflag:s3] =	ssyncadd.s32 $0xFFFFF000  }
0x1d: {  	[tilespmem:s2], [sflag:$0x3] =	stream.linear.gather [hbm4b:s4+s2], $0x40, $0x38;
	[tilespmem:$0x2040] =	vst v63  }
0x1e: {  	_ =	swait.ge [sflag:s3], $0x40  }
0x1f: {  	[sflag:s3] =	ssyncset.done $0x0  }
0x20: {  	[sflag:s3] =	ssyncadd.s32 $0xFFFFFFC0  }
0x21: {  	[tilespmem:s6], [sflag:$0x1] =	stream.indirect.gather [hbm4b:s5+s6], $0x40, s2, s6, $0xb8;
	[tilespmem:$0x2040] =	vst v63  }
0x22: {  	_ = 	snop  }
0x23: {  	[tilespmem:s8], [sflag:$0x2] =	stream.indirect.gather [hbm4b:s7+s6], $0x40, s2, s6, $0xb8;
	[tilespmem:$0x2040] =	vst v63  }
0x24: {  	_ =	swait.ge [sflag:s9], $0x1000  }
0x25: {  	[sflag:s9] =	ssyncset.done $0x0  }
0x26: {  	[sflag:s9] =	ssyncadd.s32 $0xFFFFF000  }
0x27: {  	_ =	swait.ge [sflag:s10], $0x1000  }
0x28: {  	[sflag:s10] =	ssyncset.done $0x0  }
0x29: {  	[sflag:s10] =	ssyncadd.s32 $0xFFFFF000  }
0x2a: {  	[hbm4b:s11+s2] =	stream.linear.scatter [tilespmem:s6], [sflag:$0x3], $0x1000, $0x38;
	[tilespmem:$0x2040] =	vst v63  }
0x2b: {  	_ =	swait.ge [sflag:s3], $0x1000  }
.Ltmp1:
0x2c: {  	[sflag:s3] =	ssyncset.done $0x0;
	(pc) =	sbr.rel @p0 .LBB2_1-.Ltmp1, $4  }
0x2d: {  	[sflag:s3] =	ssyncadd.s32 $0xFFFFF000  }
0x2e: {  	[hbm4b:s12+s2] =	stream.linear.scatter [tilespmem:s8], [sflag:$0x3], $0x1000, $0x38;
	[tilespmem:$0x2040] =	vst v63  }
0x2f: {  	_ =	swait.ge [sflag:s3], $0x1000  }
0x30: {  	[sflag:s3] =	ssyncset.done $0x0  }
.LBB2_2:
0x31: {  	[sflag:s3] =	ssyncadd.s32 $0xFFFFF000  }
0x32: {  	_ =	sfence.sel $0x180000  }
0x33: {  	[bflag:$0x0] =	sbarrier.arrive $0xFFFF  }
0x34: {  	p0 =	sne.s32 s0, $0x0;
	_ =	strace $0x90000053  }
0x35: {  	s0 =	sadd.s32 @!p0 $0x100000, s1;
	[bflag:$0x2] =	sbarrier.arrive $0xFFFF  }
0x36: {  	[sflag:s0] =	ssyncadd.tile.s32 @!p0 $0x1;
	_ =	shalt  }
.Lfunc_end2:
_tile_overlayer_lowered:
.L_overlay_start_2:
0x37: {  	(tag) =	ssettag $0x2  }
0x38: {  	s0 =	rddreg [dreg:$0x0];
	s2 =	stileid.u32  }
0x39: {  	s1 =	rddreg [dreg:$0x1];
	p0 =	sne.s32 s2, $0x0  }
0x3a: {  	s3 =	rddreg [dreg:$0x2];
	[bflag:$0x3] =	sbarrier.arrive $0xFFFF;
	s2 =	simm.s32 @!p0 $0x1C03  }
0x3b: {  	[timem:s3], [sflag:s2] =	dma.local @!p0 [hbm:s0], s1  }
0x3c: {  	s0 =	simm.s32 @!p0 $0x3  }
0x3d: {  	_ =	swait.ge @!p0 [sflag:s0], s1  }
0x3e: {  	s1 =	ssub.s32 @!p0 $0x0, s1;
	[sflag:s0] =	ssyncset.done @!p0 $0x0  }
0x3f: {  	[sflag:s0] =	ssyncadd.s32 @!p0 s1  }
0x40: {  	[bflag:$0x3] =	sbarrier.arrive $0xFFFF  }
0x41: {  	_ =	shalt  }

// kernel: kernel.17.cloned.1.call-start
scs
__scs_entry_jumppad:
0x0: {  	(pc) =	sbr.rel $0x88, $3  }
0x1: {  	(tag) =	ssettag $0x0;
	lr =	simm.s32 $0x1  }
0x2: {  	[smem:$0x3F79] =	sst lr;
	_ =	strace $0xD0000000  }
0x3: {  	_ = 	snop  }
0x4: {  	_ = 	snop  }
0x5: {  	_ = 	snop  }
0x6: {  	_ = 	snop  }
0x7: {  	_ = 	snop  }
__scs_overlays_trampoline_lowered:
0x8: {  	[smem:$0x3F88] =	sst s0  }
0x9: {  	[smem:$0x3F89] =	sst s1  }
0xa: {  	[smem:$0x3F8A] =	sst s2  }
0xb: {  	[smem:$0x3F8B] =	sst s3  }
0xc: {  	[smem:$0x3F8C] =	sst s4  }
0xd: {  	[smem:$0x3F8D] =	sst s5  }
0xe: {  	[smem:$0x3F8E] =	sst s6  }
0xf: {  	[smem:$0x3F8F] =	sst s7  }
0x10: {  	[smem:$0x3F90] =	sst s8  }
0x11: {  	[smem:$0x3F91] =	sst s9;
	s0 =	simm.s32 @!p0 $0x0  }
0x12: {  	s1 =	sld [smem:$0x3F77];
	s0 =	simm.s32 @p0 $0x1  }
0x13: {  	[smem:$0x3F92] =	sst s0;
	s0 =	simm.s32 @!p1 $0x0  }
0x14: {  	s2 =	sld [smem:$0x3F76];
	s0 =	simm.s32 @p1 $0x1  }
0x15: {  	[smem:$0x3F93] =	sst s0;
	s0 =	simm.s32 @!p2 $0x0  }
0x16: {  	s3 =	sld [smem:$0x3FDB];
	s0 =	simm.s32 @p2 $0x1  }
0x17: {  	s4 =	simm.s32 $0x1BF5;
	[smem:$0x3F95] =	sst s0  }
0x18: {  	s0 =	sld [smem:$0x3F78];
	_ =	swait.ge [sflag:s4], $0x0  }
0x19: {  	s7 =	sld [smem:$0x3F79]  }
0x1a: {  	s8 =	sadd.s32 $0xFFFFE003, lr  }
0x1b: {  	s9 =	sadd.s32 $0xFFFFFEF7, lr;
	s5 =	simm.s32 $0xFFFFFFFF;
	p2 =	slt.u32 s8, $0xFFFFF086  }
0x1c: {  	p1 =	slt.u32 s9, $0xF7A;
	s5 =	simm.s32 @!p2 $0x0  }
0x1d: {  	s5 =	simm.s32 @p1 $0x1;
	p0 =	seq.s32 s7, s2  }
0x1e: {  	s7 =	smul.u32 @!p0 $0xF7A, s2;
	p2 =	seq.s32 @!p0 s5, $0x0  }
0x1f: {  	s9 =	smul.u32 $0xF7A, s1;
	s8 =	simm.s32 @!p0 $0x1BF5;
	p2 =	por !p2, p0  }
0x20: {  	[sflag:s8] =	ssyncset.s32 @!p0 $0xFFFFF086;
	s6 =	sadd.s32 @!p0 s3, s7;
	s7 =	simm.s32 @!p0 $0x108  }
0x21: {  	s3 =	sadd.s32 s3, s9;
	s6 =	sadd.s32 @!p0 $0x88, s6;
	s7 =	simm.s32 @p2 $0x1082  }
0x22: {  	[simem:s7], [sflag:s8] =	dma.local @!p0 [hbm:s6], $0xF7A  }
0x23: {  	s9 =	sor.u32 $0xD0000000, s2;
	s6 =	simm.s32 $0x108;
	_ =	swait.ge @!p0 [sflag:s8], $0x0  }
0x24: {  	s3 =	sadd.s32 $0x88, s3;
	s6 =	simm.s32 @!p1 $0x1082;
	[sflag:s4] =	ssyncset.s32 $0xFFFFF086  }
0x25: {  	[simem:s6], [sflag:s4] =	dma.local [hbm:s3], $0xF7A  }
0x26: {  	[smem:$0x3F79] =	sst s1;
	(tag) =	ssettag s2;
	_ =	strace s9  }
0x27: {  	s1 =	sld [smem:$0x3F89]  }
0x28: {  	s2 =	sld [smem:$0x3F8A]  }
0x29: {  	s4 =	sld [smem:$0x3F8C]  }
0x2a: {  	p0 =	seq.s32 s5, $0x0;
	s5 =	sld [smem:$0x3F8D]  }
0x2b: {  	s6 =	sld [smem:$0x3F8E]  }
0x2c: {  	s7 =	sld [smem:$0x3F8F]  }
0x2d: {  	s3 =	simm.s32 $0x108;
	s8 =	sld [smem:$0x3F90]  }
0x2e: {  	s3 =	simm.s32 @!p0 $0x1082;
	s9 =	sld [smem:$0x3F91]  }
0x2f: {  	lr =	sadd.s32 s0, s3;
	s0 =	sld [smem:$0x3F88]  }
0x30: {  	s3 =	sld [smem:$0x3F8B]  }
0x31: {  	[smem:$0x3F94] =	sst s10  }
0x32: {  	s10 =	sld [smem:$0x3F92];
	_ =	sdelay $0x3  }
0x33: {  	p0 =	seq.s32 s10, $0x1;
	s10 =	sld [smem:$0x3F94];
	_ =	sdelay $0x3  }
0x34: {  	[smem:$0x3F94] =	sst s10  }
0x35: {  	s10 =	sld [smem:$0x3F93];
	_ =	sdelay $0x3  }
0x36: {  	p1 =	seq.s32 s10, $0x1;
	s10 =	sld [smem:$0x3F94];
	_ =	sdelay $0x3  }
0x37: {  	[smem:$0x3F94] =	sst s10  }
0x38: {  	s10 =	sld [smem:$0x3F95]  }
0x39: {  	_ = 	snop;
	(pc) =	sbr.ind lr, $3  }
0x3a: {  	_ = 	snop  }
0x3b: {  	_ = 	snop  }
0x3c: {  	p2 =	seq.s32 s10, $0x1;
	s10 =	sld [smem:$0x3F94]  }
0x3d: {  	_ =	shalt  }
0x3e: {  	_ =	shalt  }
0x3f: {  	_ =	shalt  }
0x40: {  	_ =	shalt  }
0x41: {  	_ =	shalt  }
0x42: {  	_ =	shalt  }
0x43: {  	_ =	shalt  }
0x44: {  	_ =	shalt  }
0x45: {  	_ =	shalt  }
0x46: {  	_ =	shalt  }
0x47: {  	_ =	shalt  }
0x48: {  	_ =	shalt  }
0x49: {  	_ =	shalt  }
0x4a: {  	_ =	shalt  }
0x4b: {  	_ =	shalt  }
0x4c: {  	_ =	shalt  }
0x4d: {  	_ =	shalt  }
0x4e: {  	_ =	shalt  }
0x4f: {  	_ =	shalt  }
0x50: {  	_ =	shalt  }
0x51: {  	_ =	shalt  }
0x52: {  	_ =	shalt  }
0x53: {  	_ =	shalt  }
0x54: {  	_ =	shalt  }
0x55: {  	_ =	shalt  }
0x56: {  	_ =	shalt  }
0x57: {  	_ =	shalt  }
0x58: {  	_ =	shalt  }
0x59: {  	_ =	shalt  }
0x5a: {  	_ =	shalt  }
0x5b: {  	_ =	shalt  }
0x5c: {  	_ =	shalt  }
0x5d: {  	_ =	shalt  }
0x5e: {  	_ =	shalt  }
0x5f: {  	_ =	shalt  }
0x60: {  	_ =	shalt  }
0x61: {  	_ =	shalt  }
0x62: {  	_ =	shalt  }
0x63: {  	_ =	shalt  }
0x64: {  	_ =	shalt  }
0x65: {  	_ =	shalt  }
0x66: {  	_ =	shalt  }
0x67: {  	_ =	shalt  }
0x68: {  	_ =	shalt  }
0x69: {  	_ =	shalt  }
0x6a: {  	_ =	shalt  }
0x6b: {  	_ =	shalt  }
0x6c: {  	_ =	shalt  }
0x6d: {  	_ =	shalt  }
0x6e: {  	_ =	shalt  }
0x6f: {  	_ =	shalt  }
0x70: {  	_ =	shalt  }
0x71: {  	_ =	shalt  }
0x72: {  	_ =	shalt  }
0x73: {  	_ =	shalt  }
0x74: {  	_ =	shalt  }
0x75: {  	_ =	shalt  }
0x76: {  	_ =	shalt  }
0x77: {  	_ =	shalt  }
0x78: {  	_ =	shalt  }
0x79: {  	_ =	shalt  }
0x7a: {  	_ =	shalt  }
0x7b: {  	_ =	shalt  }
0x7c: {  	_ =	shalt  }
0x7d: {  	_ =	shalt  }
0x7e: {  	_ =	shalt  }
0x7f: {  	_ =	shalt  }
0x80: {  	_ =	shalt  }
0x81: {  	_ =	shalt  }
0x82: {  	_ =	shalt  }
0x83: {  	_ =	shalt  }
0x84: {  	_ =	shalt  }
0x85: {  	_ =	shalt  }
0x86: {  	_ =	shalt  }
0x87: {  	_ =	shalt  }
.Lfunc_end0:
.L_simem_size_0:
called_computation.3_lowered:
.L_overlay_start_0:
0x88: {  	s2 =	sld [smem:$0x3FD9]  }
0x89: {  	s3 =	sld [smem:$0x3FFE];
	_ =	sdelay $0x1  }
0x8a: {  	s1 =	srdreg.scid  }
0x8b: {  	s0 =	sand.u32 $0x1, s1  }
0x8c: {  	s17 =	sshll.u32 s0, $0xA;
	s2 =	sadd.s32 s3, s2  }
0x8d: {  	s2 =	sadd.s32 s2, s17  }
0x8e: {  	[smem:$0x3FA0] =	sst s2  }
0x8f: {  	_ = 	snop  }
0x90: {  	s2 =	sld [smem:$0x3FD0];
	(tm) =	ssettm $0x1  }
0x91: {  	s18 =	sld [smem:$0x3FFB];
	_ =	sdelay $0x3  }
0x92: {  	_ =	strace s18  }
0x93: {  	s3 =	sld [smem:$0x3FFC];
	_ =	sdelay $0x3  }
0x94: {  	_ =	strace s3  }
0x95: {  	s3 =	sld [smem:$0x3FFD];
	_ =	sdelay $0x3  }
0x96: {  	_ =	strace s3  }
0x97: {  	_ =	strace $0x8FFFFFFF  }
0x98: {  	s19 =	sld [smem:$0x3FDB];
	_ =	sdelay $0x1  }
0x99: {  	s4 =	simm.s32 $_scs_section_size  }
0x9a: {  	s5 =	simm.s32 $_size__tile_overlayer_lowered;
	s6 =	simm.s32 $_tile_overlayer_lowered  }
0x9b: {  	s22 =	simm.s32 $0x1BFF;
	s21 =	sshll.u32 s6, $0x1;
	s3 =	sadd.s32 s4, s19  }
0x9c: {  	s7 =	simm.s32 $0x0;
	s20 =	sshll.u32 s5, $0x1;
	s5 =	sadd.s32 s21, s3  }
0x9d: {  	[timem:s7], [sflag:s22] =	dma.local [hbm:s5], s20  }
0x9e: {  	_ =	swait.ge [sflag:s22], s20  }
0x9f: {  	s4 =	ssub.s32 $0x0, s20;
	[sflag:s22] =	ssyncset.done $0x0  }
0xa0: {  	[sflag:s22] =	ssyncadd.s32 s4;
	_ =	sdelay $0x1  }
0xa1: {  	s23 =	simm.s32 $0x1B8B  }
0xa2: {  	_ =	swait.ge [sflag:s23], $0x1  }
0xa3: {  	[sflag:s23] =	ssyncset.done $0x0  }
0xa4: {  	s25 =	simm.s32 $0x1B8E;
	s24 =	sld [smem:$0x3FFE];
	[sflag:s23] =	ssyncadd.s32 $0xFFFFFFFF  }
0xa5: {  	s26 =	simm.s32 $execute0_lowered;
	[smem:$0x3FD2] =	sst s25  }
0xa6: {  	s5 =	sshll.u32 s26, $0x1;
	_ =	strace $0x80000046;
	[dreg:$0x1] =	wrdreg $0xFFFFFFFF  }
0xa7: {  	s28 =	simm.s32 $_size_execute0_lowered;
	s3 =	sadd.s32 s3, s5;
	[dreg:$0x0] =	wrdreg $0x0  }
0xa8: {  	s5 =	sshll.u32 s28, $0x1;
	[dreg:$0x2] =	wrdreg s3  }
0xa9: {  	[dreg:$0x3] =	wrdreg s5  }
0xaa: {  	[dreg:$0x4] =	wrdreg $0xC0  }
0xab: {  	_ =	task [dreg:s7], $0x5FFFF  }
0xac: {  	[dreg:$0x1] =	wrdreg $0xFFFFFFFF  }
0xad: {  	[dreg:$0x0] =	wrdreg $0x60  }
0xae: {  	[dreg:$0x2] =	wrdreg s24  }
0xaf: {  	[dreg:$0x3] =	wrdreg s2  }
0xb0: {  	[dreg:$0x4] =	wrdreg $0x128000  }
0xb1: {  	[dreg:$0x5] =	wrdreg $0x1C8000  }
0xb2: {  	[dreg:$0x6] =	wrdreg $0x9  }
0xb3: {  	_ =	task.clear_ibuf [dreg:s7], $0x7FFFF;
	_ =	strace $0x90000046  }
0xb4: {  	s29 =	simm.s32 $0x9;
	_ =	strace $0x80000048  }
0xb5: {  	_ =	swait.ge [sflag:s29], $0x1  }
0xb6: {  	[sflag:s29] =	ssyncadd.s32 $0xFFFFFFFF  }
0xb7: {  	_ =	strace $0x90000048  }
0xb8: {  	_ =	sfence  }
0xb9: {  	s30 =	sld [smem:$0x0];
	_ =	sdelay $0x2  }
0xba: {  	s31 =	sshll.u32 s1, $0xD;
	s1 =	sshrl.u32 s1, $0x2  }
0xbb: {  	s3 =	sand.u32 $0x4000, s31;
	s1 =	sadd.s32 s1, s30  }
0xbc: {  	s0 =	sor.u32 s3, s0;
	s1 =	sshll.u32 s1, $0x11  }
0xbd: {  	s0 =	sor.u32 s1, s0  }
0xbe: {  	s0 =	sadd.s32 $0x8F2B, s0  }
0xbf: {  	[sflag:s0] =	ssyncadd.remote.s32 $0x1  }
0xc0: {  	_ =	sfence.sel $0xFFFF  }
0xc1: {  	[dreg:$0x0] =	wrdreg $0xFFFFFFFF;
	(pc) =	sbr.abs _section_cstart, $3  }
0xc2: {  	[dreg:$0x1] =	wrdreg $0xFFFFFFFF  }
0xc3: {  	_ =	task.clear_ibuf [dreg:s7], $0x2FFFF;
	_ =	strace $0x9FFFFFFF  }
0xc4: {  	(tm) =	ssettm $0x7FFFFFFF  }
0xc5: {  	_ =	shalt  }
tec
execute0_lowered:
.L_overlay_start_1:
0x0: {  	(tag) =	ssettag $0x1  }
0x1: {  	s0 =	rddreg [dreg:$0x0]  }
0x2: {  	s3 =	rddreg [dreg:$0x2]  }
0x3: {  	s4 =	rddreg [dreg:$0x3];
	s13 =	stileid.u32  }
0x4: {  	s1 =	srdreg.scid;
	s2 =	smul.u32 $0x5000, s13  }
0x5: {  	s5 =	simm.s32 $0x0;
	s28 =	simm.s32 $0x5000;
	s8 =	smul.u32 $0xA000, s13  }
0x6: {  	s29 =	simm.s32 $0x80;
	s30 =	simm.s32 $0xC000;
	s10 =	smul.u32 $0x2800, s13  }
0x7: {  	s31 =	simm.s32 $0x1;
	s1 =	sand.u32 $0x1, s1;
	s13 =	smul.u32 $0x280, s13  }
0x8: {  	[smem:$0x7FF] =	sst s5;
	s12 =	sadd.s32 $0x4BA00, s0;
	s7 =	smul.u32 $0x50000, s1  }
0x9: {  	s25 =	sadd.s32 $0x4B800, s0;
	_ =	strace $0x80000047;
	s9 =	smul.u32 $0xA0000, s1  }
0xa: {  	s11 =	smul.u32 $0x28000, s1;
	[dreg:$0x5] =	wrdreg s12;
	s1 =	ssub.s32 $0x2, s1  }
0xb: {  	s6 =	sadd.s32 $0x1A600, s0;
	[dreg:$0x6] =	wrdreg s25;
	s26 =	sshrl.u32 s1, $0x1  }
0xc: {  	s15 =	sadd.s32 $0x100, s13;
	s18 =	sadd.s32 $0x180, s13;
	s20 =	sadd.s32 $0x200, s13  }
0xd: {  	s7 =	sadd.s32 s2, s7;
	s2 =	sshrl.u32 s2, $0x3;
	s9 =	sadd.s32 s8, s9  }
0xe: {  	s11 =	sadd.s32 s10, s11;
	s1 =	ssub.s32 s1, s26;
	s10 =	sadd.s32 s10, s4  }
0xf: {  	s16 =	sshll.u32 s15, $0x6;
	s17 =	sshll.u32 s15, $0x4;
	s19 =	sshll.u32 s18, $0x6  }
0x10: {  	s21 =	sshll.u32 s18, $0x4;
	s22 =	sshll.u32 s20, $0x6;
	s24 =	sshll.u32 s20, $0x4  }
0x11: {  	s15 =	simm.s32 $0x6;
	s18 =	simm.s32 $0x0;
	s7 =	sshrl.u32 s7, $0x3  }
0x12: {  	s2 =	sadd.s32 s2, s0;
	s9 =	sshrl.u32 s9, $0x3;
	s11 =	sshrl.u32 s11, $0x3  }
0x13: {  	s23 =	sadd.s32 s22, s3;
	s26 =	smax.u32 s1, $0x1;
	s1 =	simm.s32 $0xE000  }
0x14: {  	s7 =	sadd.s32 s7, s0;
	s14 =	sadd.s32 s9, s0;
	s0 =	sadd.s32 s11, s0  }
0x15: {  	s9 =	sadd.s32 s8, s3;
	s11 =	sadd.s32 $0x80, s13;
	[dreg:$0xd] =	wrdreg s23  }
0x16: {  	s2 =	sadd.s32 $0x41800, s2;
	[dreg:$0x13] =	wrdreg s26;
	s26 =	simm.s32 $0x12000  }
0x17: {  	s13 =	simm.s32 $0x4;
	s12 =	sshll.u32 s11, $0x6;
	s8 =	sshll.u32 s11, $0x4  }
0x18: {  	s7 =	sadd.s32 $0x6600, s7;
	[dreg:$0x10] =	wrdreg s2;
	s25 =	sadd.s32 $0x55C00, s14  }
0x19: {  	s0 =	sadd.s32 $0x4BC00, s0;
	s2 =	simm.s32 $0x2;
	[dreg:$0xf] =	wrdreg s7  }
0x1a: {  	s14 =	simm.s32 $0x5180;
	s11 =	sadd.s32 s12, s3;
	[dreg:$0x11] =	wrdreg s25  }
0x1b: {  	s8 =	sadd.s32 s8, s4;
	[dreg:$0x12] =	wrdreg s0;
	s25 =	simm.s32 $0x9  }
0x1c: {  	s0 =	simm.s32 $0x5080;
	s7 =	simm.s32 $0x10000;
	[dreg:$0x7] =	wrdreg s11  }
0x1d: {  	s12 =	simm.s32 $0x5;
	[dreg:$0x8] =	wrdreg s8;
	s8 =	sadd.s32 s16, s3  }
.Ltmp0:
0x1e: {  	[dreg:$0x9] =	wrdreg s8;
	s8 =	sadd.s32 s17, s4;
	(pc) =	sbr.rel .LBB2_1-.Ltmp0, $4  }
0x1f: {  	s11 =	simm.s32 $0x5100;
	[dreg:$0xa] =	wrdreg s8;
	s8 =	sadd.s32 s19, s3  }
0x20: {  	s16 =	simm.s32 $0x7;
	[dreg:$0xb] =	wrdreg s8;
	s8 =	sadd.s32 s21, s4  }
0x21: {  	s17 =	simm.s32 $0x8;
	[dreg:$0xc] =	wrdreg s8;
	s8 =	sadd.s32 s24, s4  }
0x22: {  	s24 =	simm.s32 $0xA000;
	[dreg:$0xe] =	wrdreg s8;
	s8 =	simm.s32 $0x3  }
.LBB2_4:
0x23: {  	_ =	swait.ge [sflag:s16], $0x2000  }
0x24: {  	[sflag:s16] =	ssyncset.done $0x0  }
0x25: {  	[sflag:s16] =	ssyncadd.s32 $0xFFFFE000  }
0x26: {  	_ =	swait.ge [sflag:s17], $0x2000  }
0x27: {  	[sflag:s17] =	ssyncset.done $0x0  }
0x28: {  	s19 =	stileid.u32;
	[sflag:s17] =	ssyncadd.s32 $0xFFFFE000  }
0x29: {  	s19 =	sshll.u32 s19, $0x6;
	[bflag:$0x0] =	sbarrier.arrive $0xFFFF  }
0x2a: {  	s20 =	sshrl.u32 s9, $0x3;
	s19 =	sor.u32 $0x1C09, s19;
	s21 =	rddreg [dreg:$0x11]  }
0x2b: {  	[hbm:s21], [sflag:s19] =	dma.local [spmem:s20], $0x1400  }
0x2c: {  	_ =	swait.ge [sflag:s25], $0x1400  }
0x2d: {  	[sflag:s25] =	ssyncset.done $0x0  }
0x2e: {  	s21 =	sshrl.u32 s10, $0x3;
	s22 =	rddreg [dreg:$0x12];
	[sflag:s25] =	ssyncadd.s32 $0xFFFFEC00  }
0x2f: {  	[hbm:s22], [sflag:s19] =	dma.local [spmem:s21], $0x500  }
0x30: {  	_ =	swait.ge [sflag:s25], $0x500  }
0x31: {  	s18 =	sadd.s32 $0x1, s18;
	s23 =	rddreg [dreg:$0x13]  }
0x32: {  	p0 =	sne.s32 s18, s23  }
.Ltmp1:
0x33: {  	_ = 	snop;
	(pc) =	sbr.rel @!p0 .LBB2_5-.Ltmp1, $3  }
0x34: {  	_ =	sdelay $0x1  }
0x35: {  	[sflag:s25] =	ssyncset.done $0x0  }
0x36: {  	[sflag:s25] =	ssyncadd.s32 $0xFFFFFB00  }
.LBB2_1:
0x37: {  	s19 =	rddreg [dreg:$0x1]  }
0x38: {  	[tilespmem:s24], [sflag:$0x9] =	stream.linear.gather [hbm4b:s19+s5], $0x2000, $0x38;
	[tilespmem:$0x1F000] =	vst v63  }
0x39: {  	_ =	swait.ge [sflag:s25], $0x2000  }
0x3a: {  	[sflag:s25] =	ssyncset.done $0x0  }
0x3b: {  	s20 =	rddreg [dreg:$0x5];
	[sflag:s25] =	ssyncadd.s32 $0xFFFFE000  }
0x3c: {  	[tilespmem:s26], [sflag:$0x9] =	stream.linear.gather [hbm4b:s20+s5], $0x800, $0x38;
	[tilespmem:$0x1F000] =	vst v63  }
0x3d: {  	_ =	swait.ge [sflag:s25], $0x800  }
0x3e: {  	[sflag:s25] =	ssyncset.done $0x0  }
0x3f: {  	[sflag:s25] =	ssyncadd.s32 $0xFFFFF800  }
0x40: {  	[spmem:s9] =	stream.linear.scatter [tilespmem:s24], [sflag:$0x9], $0x2000, $0x38;
	[tilespmem:$0x1F000] =	vst v63  }
0x41: {  	_ =	swait.ge [sflag:s25], $0x2000  }
0x42: {  	[sflag:s25] =	ssyncset.done $0x0  }
0x43: {  	[sflag:s25] =	ssyncadd.s32 $0xFFFFE000  }
0x44: {  	[spmem:s10] =	stream.linear.scatter [tilespmem:s26], [sflag:$0x9], $0x800, $0x38;
	[tilespmem:$0x1F000] =	vst v63  }
0x45: {  	_ =	swait.ge [sflag:s25], $0x800  }
0x46: {  	[sflag:s25] =	ssyncset.done $0x0  }
0x47: {  	s21 =	rddreg [dreg:$0x7];
	[sflag:s25] =	ssyncadd.s32 $0xFFFFF800  }
0x48: {  	[spmem:s21] =	stream.linear.scatter [tilespmem:s24], [sflag:$0x9], $0x2000, $0x38;
	[tilespmem:$0x1F000] =	vst v63  }
0x49: {  	_ =	swait.ge [sflag:s25], $0x2000  }
0x4a: {  	[sflag:s25] =	ssyncset.done $0x0  }
0x4b: {  	s22 =	rddreg [dreg:$0x8];
	[sflag:s25] =	ssyncadd.s32 $0xFFFFE000  }
0x4c: {  	[spmem:s22] =	stream.linear.scatter [tilespmem:s26], [sflag:$0x9], $0x800, $0x38;
	[tilespmem:$0x1F000] =	vst v63  }
0x4d: {  	_ =	swait.ge [sflag:s25], $0x800  }
0x4e: {  	[sflag:s25] =	ssyncset.done $0x0  }
0x4f: {  	s23 =	rddreg [dreg:$0x9];
	[sflag:s25] =	ssyncadd.s32 $0xFFFFF800  }
0x50: {  	[spmem:s23] =	stream.linear.scatter [tilespmem:s24], [sflag:$0x9], $0x2000, $0x38;
	[tilespmem:$0x1F000] =	vst v63  }
0x51: {  	_ =	swait.ge [sflag:s25], $0x2000  }
0x52: {  	[sflag:s25] =	ssyncset.done $0x0  }
0x53: {  	s20 =	rddreg [dreg:$0xa];
	[sflag:s25] =	ssyncadd.s32 $0xFFFFE000  }
0x54: {  	[spmem:s20] =	stream.linear.scatter [tilespmem:s26], [sflag:$0x9], $0x800, $0x38;
	[tilespmem:$0x1F000] =	vst v63  }
0x55: {  	_ =	swait.ge [sflag:s25], $0x800  }
0x56: {  	[sflag:s25] =	ssyncset.done $0x0  }
0x57: {  	s21 =	rddreg [dreg:$0xb];
	[sflag:s25] =	ssyncadd.s32 $0xFFFFF800  }
0x58: {  	[spmem:s21] =	stream.linear.scatter [tilespmem:s24], [sflag:$0x9], $0x2000, $0x38;
	[tilespmem:$0x1F000] =	vst v63  }
0x59: {  	_ =	swait.ge [sflag:s25], $0x2000  }
0x5a: {  	[sflag:s25] =	ssyncset.done $0x0  }
0x5b: {  	s22 =	rddreg [dreg:$0xc];
	[sflag:s25] =	ssyncadd.s32 $0xFFFFE000  }
0x5c: {  	[spmem:s22] =	stream.linear.scatter [tilespmem:s26], [sflag:$0x9], $0x800, $0x38;
	[tilespmem:$0x1F000] =	vst v63  }
0x5d: {  	_ =	swait.ge [sflag:s25], $0x800  }
0x5e: {  	[sflag:s25] =	ssyncset.done $0x0  }
0x5f: {  	s23 =	rddreg [dreg:$0xd];
	[sflag:s25] =	ssyncadd.s32 $0xFFFFF800  }
0x60: {  	[spmem:s23] =	stream.linear.scatter [tilespmem:s24], [sflag:$0x9], $0x2000, $0x38;
	[tilespmem:$0x1F000] =	vst v63  }
0x61: {  	_ =	swait.ge [sflag:s25], $0x2000  }
0x62: {  	[sflag:s25] =	ssyncset.done $0x0  }
0x63: {  	s20 =	rddreg [dreg:$0xe];
	[sflag:s25] =	ssyncadd.s32 $0xFFFFE000  }
0x64: {  	[spmem:s20] =	stream.linear.scatter [tilespmem:s26], [sflag:$0x9], $0x800, $0x38;
	[tilespmem:$0x1F000] =	vst v63  }
0x65: {  	_ =	swait.ge [sflag:s25], $0x800  }
0x66: {  	[sflag:s25] =	ssyncset.done $0x0  }
0x67: {  	s21 =	rddreg [dreg:$0x6];
	[sflag:s25] =	ssyncadd.s32 $0xFFFFF800  }
0x68: {  	[tilespmem:s26], [sflag:$0x9] =	stream.linear.gather [hbm4b:s21+s5], $0x800, $0x38;
	[tilespmem:$0x1F000] =	vst v63  }
0x69: {  	_ =	swait.ge [sflag:s25], $0x800  }
0x6a: {  	[sflag:s25] =	ssyncset.done $0x0  }
0x6b: {  	s22 =	rddreg [dreg:$0xf];
	[sflag:s25] =	ssyncadd.s32 $0xFFFFF800  }
0x6c: {  	[tilespmem:s5], [sflag:$0x9] =	stream.linear.gather [hbm4b:s22+s5], $0x5000, $0x38;
	[tilespmem:$0x1F000] =	vst v63  }
0x6d: {  	_ =	swait.ge [sflag:s25], $0x5000  }
0x6e: {  	[sflag:s25] =	ssyncset.done $0x0  }
0x6f: {  	s23 =	rddreg [dreg:$0x10];
	[sflag:s25] =	ssyncadd.s32 $0xFFFFB000  }
0x70: {  	[tilespmem:s28], [sflag:$0x9] =	stream.linear.gather [hbm4b:s23+s5], $0x5000, $0x38;
	[tilespmem:$0x1F000] =	vst v63  }
0x71: {  	_ =	swait.ge [sflag:s25], $0x5000  }
0x72: {  	[sflag:s25] =	ssyncset.done $0x0  }
0x73: {  	[sflag:s25] =	ssyncadd.s32 $0xFFFFB000  }
0x74: {  	[bflag:$0x0] =	sbarrier.arrive $0xFFFF  }
0x75: {  	[tilespmem:s24], [sflag:$0x1] =	stream.indirect.gather [hbm4b:s6+s29], $0x40, s5, s29, $0xb8;
	[tilespmem:$0x1F000] =	vst v63  }
0x76: {  	_ = 	snop  }
0x77: {  	[tilespmem:s30], [sflag:$0x2] =	stream.indirect.gather [hbm4b:s6+s29], $0x40, s29, s29, $0xb8;
	[tilespmem:$0x1F000] =	vst v63  }
0x78: {  	_ =	swait.ge [sflag:s31], $0x2000  }
0x79: {  	[sflag:s31] =	ssyncset.done $0x0  }
0x7a: {  	[sflag:s31] =	ssyncadd.s32 $0xFFFFE000  }
0x7b: {  	[spmem:s3] =	stream.indirect.scatter.add.f32 [tilespmem:s24], [sflag:$0x5], $0x40, s28, s29, $0xb8;
	[tilespmem:$0x1F000] =	vst v63  }
0x7c: {  	_ = 	snop  }
0x7d: {  	[spmem:s4] =	stream.indirect.scatter.add.f32 [tilespmem:s26], [sflag:$0x9], $0x10, s28, s29, $0xb8;
	[tilespmem:$0x1F000] =	vst v63  }
0x7e: {  	_ =	swait.ge [sflag:s25], $0x800  }
0x7f: {  	[sflag:s25] =	ssyncset.done $0x0  }
0x80: {  	s20 =	simm.s32 $0x100;
	[sflag:s25] =	ssyncadd.s32 $0xFFFFF800  }
0x81: {  	[tilespmem:s1], [sflag:$0x3] =	stream.indirect.gather [hbm4b:s6+s29], $0x40, s20, s29, $0xb8;
	[tilespmem:$0x1F000] =	vst v63  }
0x82: {  	_ =	swait.ge [sflag:s2], $0x2000  }
0x83: {  	[sflag:s2] =	ssyncset.done $0x0  }
0x84: {  	[sflag:s2] =	ssyncadd.s32 $0xFFFFE000  }
0x85: {  	[spmem:s3] =	stream.indirect.scatter.add.f32 [tilespmem:s30], [sflag:$0x6], $0x40, s0, s29, $0xb8;
	[tilespmem:$0x1F000] =	vst v63  }
0x86: {  	_ = 	snop  }
0x87: {  	[spmem:s4] =	stream.indirect.scatter.add.f32 [tilespmem:s26], [sflag:$0x9], $0x10, s0, s29, $0xb8;
	[tilespmem:$0x1F000] =	vst v63  }
0x88: {  	_ =	swait.ge [sflag:s25], $0x800  }
0x89: {  	[sflag:s25] =	ssyncset.done $0x0  }
0x8a: {  	s21 =	simm.s32 $0x180;
	[sflag:s25] =	ssyncadd.s32 $0xFFFFF800  }
0x8b: {  	[tilespmem:s7], [sflag:$0x4] =	stream.indirect.gather [hbm4b:s6+s29], $0x40, s21, s29, $0xb8;
	[tilespmem:$0x1F000] =	vst v63  }
0x8c: {  	_ =	swait.ge [sflag:s8], $0x2000  }
0x8d: {  	[sflag:s8] =	ssyncset.done $0x0  }
0x8e: {  	[sflag:s8] =	ssyncadd.s32 $0xFFFFE000  }
0x8f: {  	[spmem:s3] =	stream.indirect.scatter.add.f32 [tilespmem:s1], [sflag:$0x7], $0x40, s11, s29, $0xb8;
	[tilespmem:$0x1F000] =	vst v63  }
0x90: {  	_ = 	snop  }
0x91: {  	[spmem:s4] =	stream.indirect.scatter.add.f32 [tilespmem:s26], [sflag:$0x9], $0x10, s11, s29, $0xb8;
	[tilespmem:$0x1F000] =	vst v63  }
0x92: {  	_ =	swait.ge [sflag:s25], $0x800  }
0x93: {  	[sflag:s25] =	ssyncset.done $0x0  }
0x94: {  	[sflag:s25] =	ssyncadd.s32 $0xFFFFF800  }
0x95: {  	_ =	swait.ge [sflag:s12], $0x2000  }
0x96: {  	[sflag:s12] =	ssyncset.done $0x0  }
0x97: {  	s22 =	simm.s32 $0x200;
	[sflag:s12] =	ssyncadd.s32 $0xFFFFE000  }
0x98: {  	[tilespmem:s24], [sflag:$0x1] =	stream.indirect.gather [hbm4b:s6+s29], $0x40, s22, s29, $0xb8;
	[tilespmem:$0x1F000] =	vst v63  }
0x99: {  	_ =	swait.ge [sflag:s13], $0x2000  }
0x9a: {  	[sflag:s13] =	ssyncset.done $0x0  }
0x9b: {  	[sflag:s13] =	ssyncadd.s32 $0xFFFFE000  }
0x9c: {  	[spmem:s3] =	stream.indirect.scatter.add.f32 [tilespmem:s7], [sflag:$0x8], $0x40, s14, s29, $0xb8;
	[tilespmem:$0x1F000] =	vst v63  }
0x9d: {  	_ = 	snop  }
0x9e: {  	[spmem:s4] =	stream.indirect.scatter.add.f32 [tilespmem:s26], [sflag:$0x9], $0x10, s14, s29, $0xb8;
	[tilespmem:$0x1F000] =	vst v63  }
0x9f: {  	_ =	swait.ge [sflag:s25], $0x800  }
0xa0: {  	[sflag:s25] =	ssyncset.done $0x0  }
0xa1: {  	[sflag:s25] =	ssyncadd.s32 $0xFFFFF800  }
0xa2: {  	_ =	swait.ge [sflag:s15], $0x2000  }
0xa3: {  	[sflag:s15] =	ssyncset.done $0x0  }
0xa4: {  	s19 =	simm.s32 $0x0;
	s23 =	simm.s32 $0x280;
	[sflag:s15] =	ssyncadd.s32 $0xFFFFE000  }
0xa5: {  	[tilespmem:s30], [sflag:$0x2] =	stream.indirect.gather [hbm4b:s6+s29], $0x40, s23, s29, $0xb8;
	[tilespmem:$0x1F000] =	vst v63  }
.LBB2_2:
0xa6: {  	_ =	swait.ge [sflag:s31], $0x2000  }
0xa7: {  	s20 =	sshra.s32 s19, $0x2;
	[sflag:s31] =	ssyncset.done $0x0  }
0xa8: {  	s21 =	sadd.s32 $0x5200, s20;
	[sflag:s31] =	ssyncadd.s32 $0xFFFFE000  }
0xa9: {  	[spmem:s3] =	stream.indirect.scatter.add.f32 [tilespmem:s24], [sflag:$0x5], $0x40, s21, s29, $0xb8;
	[tilespmem:$0x1F000] =	vst v63  }
0xaa: {  	_ = 	snop  }
0xab: {  	[spmem:s4] =	stream.indirect.scatter.add.f32 [tilespmem:s26], [sflag:$0x9], $0x10, s21, s29, $0xb8;
	[tilespmem:$0x1F000] =	vst v63  }
0xac: {  	_ =	swait.ge [sflag:s25], $0x800  }
0xad: {  	[sflag:s25] =	ssyncset.done $0x0  }
0xae: {  	[sflag:s25] =	ssyncadd.s32 $0xFFFFF800  }
0xaf: {  	_ =	swait.ge [sflag:s16], $0x2000  }
0xb0: {  	[sflag:s16] =	ssyncset.done $0x0  }
0xb1: {  	s23 =	sadd.s32 $0x300, s20;
	[sflag:s16] =	ssyncadd.s32 $0xFFFFE000  }
0xb2: {  	[tilespmem:s1], [sflag:$0x3] =	stream.indirect.gather [hbm4b:s6+s29], $0x40, s23, s29, $0xb8;
	[tilespmem:$0x1F000] =	vst v63  }
0xb3: {  	_ =	swait.ge [sflag:s2], $0x2000  }
0xb4: {  	[sflag:s2] =	ssyncset.done $0x0  }
0xb5: {  	s22 =	sadd.s32 $0x5280, s20;
	[sflag:s2] =	ssyncadd.s32 $0xFFFFE000  }
0xb6: {  	[spmem:s3] =	stream.indirect.scatter.add.f32 [tilespmem:s30], [sflag:$0x6], $0x40, s22, s29, $0xb8;
	[tilespmem:$0x1F000] =	vst v63  }
0xb7: {  	_ = 	snop  }
0xb8: {  	[spmem:s4] =	stream.indirect.scatter.add.f32 [tilespmem:s26], [sflag:$0x9], $0x10, s22, s29, $0xb8;
	[tilespmem:$0x1F000] =	vst v63  }
0xb9: {  	_ =	swait.ge [sflag:s25], $0x800  }
0xba: {  	[sflag:s25] =	ssyncset.done $0x0  }
0xbb: {  	[sflag:s25] =	ssyncadd.s32 $0xFFFFF800  }
0xbc: {  	_ =	swait.ge [sflag:s17], $0x2000  }
0xbd: {  	[sflag:s17] =	ssyncset.done $0x0  }
0xbe: {  	s23 =	sadd.s32 $0x380, s20;
	[sflag:s17] =	ssyncadd.s32 $0xFFFFE000  }
0xbf: {  	[tilespmem:s7], [sflag:$0x4] =	stream.indirect.gather [hbm4b:s6+s29], $0x40, s23, s29, $0xb8;
	[tilespmem:$0x1F000] =	vst v63  }
0xc0: {  	_ =	swait.ge [sflag:s8], $0x2000  }
0xc1: {  	[sflag:s8] =	ssyncset.done $0x0  }
0xc2: {  	s22 =	sadd.s32 $0x5300, s20;
	[sflag:s8] =	ssyncadd.s32 $0xFFFFE000  }
0xc3: {  	[spmem:s3] =	stream.indirect.scatter.add.f32 [tilespmem:s1], [sflag:$0x7], $0x40, s22, s29, $0xb8;
	[tilespmem:$0x1F000] =	vst v63  }
0xc4: {  	_ = 	snop  }
0xc5: {  	[spmem:s4] =	stream.indirect.scatter.add.f32 [tilespmem:s26], [sflag:$0x9], $0x10, s22, s29, $0xb8;
	[tilespmem:$0x1F000] =	vst v63  }
0xc6: {  	_ =	swait.ge [sflag:s25], $0x800  }
0xc7: {  	[sflag:s25] =	ssyncset.done $0x0  }
0xc8: {  	p0 =	seq.s32 s19, $0x13000;
	[sflag:s25] =	ssyncadd.s32 $0xFFFFF800  }
0xc9: {  	s21 =	sshra.s32 @!p0 s19, $0x2;
	_ =	swait.ge [sflag:s12], $0x2000  }
0xca: {  	s21 =	sadd.s32 @!p0 $0x400, s21;
	[sflag:s12] =	ssyncset.done $0x0  }
0xcb: {  	s23 =	simm.s32 @!p0 $0xA000;
	s22 =	simm.s32 @!p0 $0x80;
	[sflag:s12] =	ssyncadd.s32 $0xFFFFE000  }
0xcc: {  	[tilespmem:s23], [sflag:$0x1] =	stream.indirect.gather @!p0 [hbm4b:s6+s22], $0x40, s21, s22, $0xb8;
	[tilespmem:$0x1F000] =	vst v63  }
0xcd: {  	_ =	swait.ge [sflag:s13], $0x2000  }
0xce: {  	[sflag:s13] =	ssyncset.done $0x0  }
0xcf: {  	s23 =	sadd.s32 $0x5380, s20;
	[sflag:s13] =	ssyncadd.s32 $0xFFFFE000  }
0xd0: {  	[spmem:s3] =	stream.indirect.scatter.add.f32 [tilespmem:s7], [sflag:$0x8], $0x40, s23, s29, $0xb8;
	[tilespmem:$0x1F000] =	vst v63  }
0xd1: {  	_ = 	snop  }
0xd2: {  	[spmem:s4] =	stream.indirect.scatter.add.f32 [tilespmem:s26], [sflag:$0x9], $0x10, s23, s29, $0xb8;
	[tilespmem:$0x1F000] =	vst v63  }
0xd3: {  	_ =	swait.ge [sflag:s25], $0x800  }
.Ltmp2:
0xd4: {  	[sflag:s25] =	ssyncset.done $0x0;
	(pc) =	sbr.rel @p0 .LBB2_4-.Ltmp2, $4  }
0xd5: {  	[sflag:s25] =	ssyncadd.s32 $0xFFFFF800  }
0xd6: {  	_ =	swait.ge [sflag:s15], $0x2000  }
0xd7: {  	[sflag:s15] =	ssyncset.done $0x0  }
0xd8: {  	[sflag:s15] =	ssyncadd.s32 $0xFFFFE000  }
.Ltmp3:
0xd9: {  	(pc) =	sbr.rel .LBB2_2-.Ltmp3, $3  }
0xda: {  	_ =	sdelay $0x1  }
0xdb: {  	s20 =	sadd.s32 $0x480, s20;
	s19 =	sadd.s32 $0x800, s19  }
0xdc: {  	[tilespmem:s30], [sflag:$0x2] =	stream.indirect.gather [hbm4b:s6+s29], $0x40, s20, s29, $0xb8;
	[tilespmem:$0x1F000] =	vst v63  }
.LBB2_5:
0xdd: {  	_ =	sfence.sel $0x180000  }
0xde: {  	[bflag:$0x0] =	sbarrier.arrive $0xFFFF  }
0xdf: {  	_ =	strace $0x90000047  }
0xe0: {  	s0 =	stileid.u32;
	[bflag:$0x2] =	sbarrier.arrive $0xFFFF  }
0xe1: {  	p0 =	sne.s32 s0, $0x0;
	s0 =	rddreg [dreg:$0x4]  }
0xe2: {  	s0 =	sadd.s32 @!p0 $0x100000, s0  }
0xe3: {  	[sflag:s0] =	ssyncadd.tile.s32 @!p0 $0x1;
	_ =	shalt  }
.Lfunc_end2:
_tile_overlayer_lowered:
.L_overlay_start_2:
0xe4: {  	(tag) =	ssettag $0x2  }
0xe5: {  	s0 =	rddreg [dreg:$0x0];
	s2 =	stileid.u32  }
0xe6: {  	s1 =	rddreg [dreg:$0x1];
	p0 =	sne.s32 s2, $0x0  }
0xe7: {  	s3 =	rddreg [dreg:$0x2];
	[bflag:$0x3] =	sbarrier.arrive $0xFFFF;
	s2 =	simm.s32 @!p0 $0x1C09  }
0xe8: {  	[timem:s3], [sflag:s2] =	dma.local @!p0 [hbm:s0], s1  }
0xe9: {  	s0 =	simm.s32 @!p0 $0x9  }
0xea: {  	_ =	swait.ge @!p0 [sflag:s0], s1  }
0xeb: {  	s1 =	ssub.s32 @!p0 $0x0, s1;
	[sflag:s0] =	ssyncset.done @!p0 $0x0  }
0xec: {  	[sflag:s0] =	ssyncadd.s32 @!p0 s1  }
0xed: {  	[bflag:$0x3] =	sbarrier.arrive $0xFFFF  }
0xee: {  	_ =	shalt  }

// kernel: kernel.20.cloned.1.call-start
scs
__scs_entry_jumppad:
0x0: {  	(pc) =	sbr.rel $0x88, $3  }
0x1: {  	(tag) =	ssettag $0x0;
	lr =	simm.s32 $0x1  }
0x2: {  	[smem:$0x3F79] =	sst lr;
	_ =	strace $0xD0000000  }
0x3: {  	_ = 	snop  }
0x4: {  	_ = 	snop  }
0x5: {  	_ = 	snop  }
0x6: {  	_ = 	snop  }
0x7: {  	_ = 	snop  }
__scs_overlays_trampoline_lowered:
0x8: {  	[smem:$0x3F88] =	sst s0  }
0x9: {  	[smem:$0x3F89] =	sst s1  }
0xa: {  	[smem:$0x3F8A] =	sst s2  }
0xb: {  	[smem:$0x3F8B] =	sst s3  }
0xc: {  	[smem:$0x3F8C] =	sst s4  }
0xd: {  	[smem:$0x3F8D] =	sst s5  }
0xe: {  	[smem:$0x3F8E] =	sst s6  }
0xf: {  	[smem:$0x3F8F] =	sst s7  }
0x10: {  	[smem:$0x3F90] =	sst s8  }
0x11: {  	[smem:$0x3F91] =	sst s9;
	s0 =	simm.s32 @!p0 $0x0  }
0x12: {  	s1 =	sld [smem:$0x3F77];
	s0 =	simm.s32 @p0 $0x1  }
0x13: {  	[smem:$0x3F92] =	sst s0;
	s0 =	simm.s32 @!p1 $0x0  }
0x14: {  	s2 =	sld [smem:$0x3F76];
	s0 =	simm.s32 @p1 $0x1  }
0x15: {  	[smem:$0x3F93] =	sst s0;
	s0 =	simm.s32 @!p2 $0x0  }
0x16: {  	s3 =	sld [smem:$0x3FDB];
	s0 =	simm.s32 @p2 $0x1  }
0x17: {  	s4 =	simm.s32 $0x1BF5;
	[smem:$0x3F95] =	sst s0  }
0x18: {  	s0 =	sld [smem:$0x3F78];
	_ =	swait.ge [sflag:s4], $0x0  }
0x19: {  	s7 =	sld [smem:$0x3F79]  }
0x1a: {  	s8 =	sadd.s32 $0xFFFFE003, lr  }
0x1b: {  	s9 =	sadd.s32 $0xFFFFFEF7, lr;
	s5 =	simm.s32 $0xFFFFFFFF;
	p2 =	slt.u32 s8, $0xFFFFF086  }
0x1c: {  	p1 =	slt.u32 s9, $0xF7A;
	s5 =	simm.s32 @!p2 $0x0  }
0x1d: {  	s5 =	simm.s32 @p1 $0x1;
	p0 =	seq.s32 s7, s2  }
0x1e: {  	s7 =	smul.u32 @!p0 $0xF7A, s2;
	p2 =	seq.s32 @!p0 s5, $0x0  }
0x1f: {  	s9 =	smul.u32 $0xF7A, s1;
	s8 =	simm.s32 @!p0 $0x1BF5;
	p2 =	por !p2, p0  }
0x20: {  	[sflag:s8] =	ssyncset.s32 @!p0 $0xFFFFF086;
	s6 =	sadd.s32 @!p0 s3, s7;
	s7 =	simm.s32 @!p0 $0x108  }
0x21: {  	s3 =	sadd.s32 s3, s9;
	s6 =	sadd.s32 @!p0 $0x88, s6;
	s7 =	simm.s32 @p2 $0x1082  }
0x22: {  	[simem:s7], [sflag:s8] =	dma.local @!p0 [hbm:s6], $0xF7A  }
0x23: {  	s9 =	sor.u32 $0xD0000000, s2;
	s6 =	simm.s32 $0x108;
	_ =	swait.ge @!p0 [sflag:s8], $0x0  }
0x24: {  	s3 =	sadd.s32 $0x88, s3;
	s6 =	simm.s32 @!p1 $0x1082;
	[sflag:s4] =	ssyncset.s32 $0xFFFFF086  }
0x25: {  	[simem:s6], [sflag:s4] =	dma.local [hbm:s3], $0xF7A  }
0x26: {  	[smem:$0x3F79] =	sst s1;
	(tag) =	ssettag s2;
	_ =	strace s9  }
0x27: {  	s1 =	sld [smem:$0x3F89]  }
0x28: {  	s2 =	sld [smem:$0x3F8A]  }
0x29: {  	s4 =	sld [smem:$0x3F8C]  }
0x2a: {  	p0 =	seq.s32 s5, $0x0;
	s5 =	sld [smem:$0x3F8D]  }
0x2b: {  	s6 =	sld [smem:$0x3F8E]  }
0x2c: {  	s7 =	sld [smem:$0x3F8F]  }
0x2d: {  	s3 =	simm.s32 $0x108;
	s8 =	sld [smem:$0x3F90]  }
0x2e: {  	s3 =	simm.s32 @!p0 $0x1082;
	s9 =	sld [smem:$0x3F91]  }
0x2f: {  	lr =	sadd.s32 s0, s3;
	s0 =	sld [smem:$0x3F88]  }
0x30: {  	s3 =	sld [smem:$0x3F8B]  }
0x31: {  	[smem:$0x3F94] =	sst s10  }
0x32: {  	s10 =	sld [smem:$0x3F92];
	_ =	sdelay $0x3  }
0x33: {  	p0 =	seq.s32 s10, $0x1;
	s10 =	sld [smem:$0x3F94];
	_ =	sdelay $0x3  }
0x34: {  	[smem:$0x3F94] =	sst s10  }
0x35: {  	s10 =	sld [smem:$0x3F93];
	_ =	sdelay $0x3  }
0x36: {  	p1 =	seq.s32 s10, $0x1;
	s10 =	sld [smem:$0x3F94];
	_ =	sdelay $0x3  }
0x37: {  	[smem:$0x3F94] =	sst s10  }
0x38: {  	s10 =	sld [smem:$0x3F95]  }
0x39: {  	_ = 	snop;
	(pc) =	sbr.ind lr, $3  }
0x3a: {  	_ = 	snop  }
0x3b: {  	_ = 	snop  }
0x3c: {  	p2 =	seq.s32 s10, $0x1;
	s10 =	sld [smem:$0x3F94]  }
0x3d: {  	_ =	shalt  }
0x3e: {  	_ =	shalt  }
0x3f: {  	_ =	shalt  }
0x40: {  	_ =	shalt  }
0x41: {  	_ =	shalt  }
0x42: {  	_ =	shalt  }
0x43: {  	_ =	shalt  }
0x44: {  	_ =	shalt  }
0x45: {  	_ =	shalt  }
0x46: {  	_ =	shalt  }
0x47: {  	_ =	shalt  }
0x48: {  	_ =	shalt  }
0x49: {  	_ =	shalt  }
0x4a: {  	_ =	shalt  }
0x4b: {  	_ =	shalt  }
0x4c: {  	_ =	shalt  }
0x4d: {  	_ =	shalt  }
0x4e: {  	_ =	shalt  }
0x4f: {  	_ =	shalt  }
0x50: {  	_ =	shalt  }
0x51: {  	_ =	shalt  }
0x52: {  	_ =	shalt  }
0x53: {  	_ =	shalt  }
0x54: {  	_ =	shalt  }
0x55: {  	_ =	shalt  }
0x56: {  	_ =	shalt  }
0x57: {  	_ =	shalt  }
0x58: {  	_ =	shalt  }
0x59: {  	_ =	shalt  }
0x5a: {  	_ =	shalt  }
0x5b: {  	_ =	shalt  }
0x5c: {  	_ =	shalt  }
0x5d: {  	_ =	shalt  }
0x5e: {  	_ =	shalt  }
0x5f: {  	_ =	shalt  }
0x60: {  	_ =	shalt  }
0x61: {  	_ =	shalt  }
0x62: {  	_ =	shalt  }
0x63: {  	_ =	shalt  }
0x64: {  	_ =	shalt  }
0x65: {  	_ =	shalt  }
0x66: {  	_ =	shalt  }
0x67: {  	_ =	shalt  }
0x68: {  	_ =	shalt  }
0x69: {  	_ =	shalt  }
0x6a: {  	_ =	shalt  }
0x6b: {  	_ =	shalt  }
0x6c: {  	_ =	shalt  }
0x6d: {  	_ =	shalt  }
0x6e: {  	_ =	shalt  }
0x6f: {  	_ =	shalt  }
0x70: {  	_ =	shalt  }
0x71: {  	_ =	shalt  }
0x72: {  	_ =	shalt  }
0x73: {  	_ =	shalt  }
0x74: {  	_ =	shalt  }
0x75: {  	_ =	shalt  }
0x76: {  	_ =	shalt  }
0x77: {  	_ =	shalt  }
0x78: {  	_ =	shalt  }
0x79: {  	_ =	shalt  }
0x7a: {  	_ =	shalt  }
0x7b: {  	_ =	shalt  }
0x7c: {  	_ =	shalt  }
0x7d: {  	_ =	shalt  }
0x7e: {  	_ =	shalt  }
0x7f: {  	_ =	shalt  }
0x80: {  	_ =	shalt  }
0x81: {  	_ =	shalt  }
0x82: {  	_ =	shalt  }
0x83: {  	_ =	shalt  }
0x84: {  	_ =	shalt  }
0x85: {  	_ =	shalt  }
0x86: {  	_ =	shalt  }
0x87: {  	_ =	shalt  }
.Lfunc_end0:
.L_simem_size_0:
called_computation.4_lowered:
.L_overlay_start_0:
0x88: {  	s2 =	sld [smem:$0x3FD9]  }
0x89: {  	s3 =	sld [smem:$0x3FFE];
	_ =	sdelay $0x1  }
0x8a: {  	s1 =	srdreg.scid  }
0x8b: {  	s0 =	sand.u32 $0x1, s1  }
0x8c: {  	s17 =	sshll.u32 s0, $0xA;
	s2 =	sadd.s32 s3, s2  }
0x8d: {  	s2 =	sadd.s32 s2, s17  }
0x8e: {  	[smem:$0x3FA0] =	sst s2  }
0x8f: {  	_ = 	snop  }
0x90: {  	s18 =	sld [smem:$0x3FD0];
	(tm) =	ssettm $0x1  }
0x91: {  	s19 =	sld [smem:$0x3FFB];
	_ =	sdelay $0x3  }
0x92: {  	_ =	strace s19  }
0x93: {  	s2 =	sld [smem:$0x3FFC];
	_ =	sdelay $0x3  }
0x94: {  	_ =	strace s2  }
0x95: {  	s2 =	sld [smem:$0x3FFD];
	_ =	sdelay $0x3  }
0x96: {  	_ =	strace s2  }
0x97: {  	_ =	strace $0x8FFFFFFF  }
0x98: {  	s20 =	sld [smem:$0x3FDB];
	_ =	sdelay $0x1  }
0x99: {  	s4 =	simm.s32 $_scs_section_size  }
0x9a: {  	s5 =	simm.s32 $_size__tile_overlayer_lowered;
	s6 =	simm.s32 $_tile_overlayer_lowered  }
0x9b: {  	s7 =	simm.s32 $0x1BFF;
	s21 =	sshll.u32 s6, $0x1;
	s4 =	sadd.s32 s4, s20  }
0x9c: {  	s22 =	simm.s32 $0x0;
	s5 =	sshll.u32 s5, $0x1;
	s6 =	sadd.s32 s21, s4  }
0x9d: {  	[timem:s22], [sflag:s7] =	dma.local [hbm:s6], s5  }
0x9e: {  	_ =	swait.ge [sflag:s7], s5  }
0x9f: {  	s5 =	ssub.s32 $0x0, s5;
	[sflag:s7] =	ssyncset.done $0x0  }
0xa0: {  	[sflag:s7] =	ssyncadd.s32 s5;
	_ =	sdelay $0x1  }
0xa1: {  	s23 =	simm.s32 $0x1B8B  }
0xa2: {  	_ =	swait.ge [sflag:s23], $0x1  }
0xa3: {  	[sflag:s23] =	ssyncset.done $0x0  }
0xa4: {  	[sflag:s23] =	ssyncadd.s32 $0xFFFFFFFF  }
0xa5: {  	s5 =	sld [smem:$0x0]  }
0xa6: {  	s6 =	sand.u32 $0xFFFFFFFE, s1  }
0xa7: {  	p0 =	sne.s32 s1, s6  }
0xa8: {  	s6 =	sshll.u32 @p0 s6, $0xE  }
0xa9: {  	s6 =	sadd.s32 @p0 $0x11B8D, s6;
	s7 =	sshll.u32 @p0 s5, $0x11  }
0xaa: {  	s6 =	sor.u32 @p0 s7, s6  }
0xab: {  	[sflag:s6] =	ssyncadd.remote.s32 @p0 $0x1;
	_ =	sdelay $0x1  }
0xac: {  	s6 =	simm.s32 @p0 $0x1B8D  }
0xad: {  	_ =	swait.eq @p0 [sflag:s6], $0x1  }
0xae: {  	[sflag:s6] =	ssyncadd.s32 @p0 $0xFFFFFFFF  }
0xaf: {  	s7 =	sshll.u32 @!p0 s1, $0xE  }
0xb0: {  	s7 =	sor.u32 @!p0 $0x4000, s7;
	s6 =	simm.s32 @!p0 $0x1B8D  }
0xb1: {  	s5 =	sshll.u32 @!p0 s5, $0x11;
	s7 =	sadd.s32 @!p0 $0x11B8D, s7;
	_ =	swait.eq @!p0 [sflag:s6], $0x1  }
0xb2: {  	s5 =	sor.u32 @!p0 s5, s7;
	[sflag:s6] =	ssyncadd.s32 @!p0 $0xFFFFFFFF  }
0xb3: {  	s25 =	simm.s32 $0x1B8E;
	s24 =	sld [smem:$0x3FFE];
	[sflag:s5] =	ssyncadd.remote.s32 @!p0 $0x1  }
0xb4: {  	s26 =	simm.s32 $execute0_lowered;
	[smem:$0x3FD2] =	sst s25  }
0xb5: {  	s6 =	sshll.u32 s26, $0x1;
	_ =	strace $0x8000004C;
	[dreg:$0x1] =	wrdreg $0xFFFFFFFF  }
0xb6: {  	s28 =	simm.s32 $_size_execute0_lowered;
	s4 =	sadd.s32 s4, s6;
	[dreg:$0x0] =	wrdreg $0x0  }
0xb7: {  	s6 =	sshll.u32 s28, $0x1;
	[dreg:$0x2] =	wrdreg s4  }
0xb8: {  	[dreg:$0x3] =	wrdreg s6  }
0xb9: {  	[dreg:$0x4] =	wrdreg $0xC0  }
0xba: {  	_ =	task [dreg:s22], $0x5FFFF  }
0xbb: {  	[dreg:$0x1] =	wrdreg $0xFFFFFFFF  }
0xbc: {  	[dreg:$0x0] =	wrdreg $0x60  }
0xbd: {  	[dreg:$0x2] =	wrdreg s24  }
0xbe: {  	[dreg:$0x3] =	wrdreg s18  }
0xbf: {  	[dreg:$0x4] =	wrdreg $0x120000  }
0xc0: {  	[dreg:$0x5] =	wrdreg $0xA  }
0xc1: {  	_ =	task.clear_ibuf [dreg:s22], $0x6FFFF;
	_ =	strace $0x9000004C  }
0xc2: {  	s29 =	simm.s32 $0xA;
	_ =	strace $0x8000004E  }
0xc3: {  	_ =	swait.ge [sflag:s29], $0x1  }
0xc4: {  	[sflag:s29] =	ssyncadd.s32 $0xFFFFFFFF  }
0xc5: {  	_ =	strace $0x9000004E  }
0xc6: {  	_ =	sfence  }
0xc7: {  	s30 =	sld [smem:$0x0];
	_ =	sdelay $0x2  }
0xc8: {  	s31 =	sshll.u32 s1, $0xD;
	s1 =	sshrl.u32 s1, $0x2  }
0xc9: {  	s4 =	sand.u32 $0x4000, s31;
	s1 =	sadd.s32 s1, s30  }
0xca: {  	s0 =	sor.u32 s4, s0;
	s1 =	sshll.u32 s1, $0x11  }
0xcb: {  	s0 =	sor.u32 s1, s0  }
0xcc: {  	s0 =	sadd.s32 $0x8F2B, s0  }
0xcd: {  	[sflag:s0] =	ssyncadd.remote.s32 $0x1  }
0xce: {  	_ =	sfence.sel $0xFFFF  }
0xcf: {  	[dreg:$0x0] =	wrdreg $0xFFFFFFFF;
	(pc) =	sbr.abs _section_cstart, $3  }
0xd0: {  	[dreg:$0x1] =	wrdreg $0xFFFFFFFF  }
0xd1: {  	_ =	task.clear_ibuf [dreg:s22], $0x2FFFF;
	_ =	strace $0x9FFFFFFF  }
0xd2: {  	(tm) =	ssettm $0x7FFFFFFF  }
0xd3: {  	_ =	shalt  }
tec
execute0_lowered:
.L_overlay_start_1:
0x0: {  	(tag) =	ssettag $0x1  }
0x1: {  	s0 =	rddreg [dreg:$0x0]  }
0x2: {  	s3 =	rddreg [dreg:$0x2];
	s1 =	srdreg.scid  }
0x3: {  	s9 =	stileid.u32;
	s4 =	simm.s32 $0x0;
	s15 =	simm.s32 $0xA000  }
0x4: {  	s16 =	simm.s32 $0x9;
	s17 =	simm.s32 $0x5000;
	s18 =	simm.s32 $0x80  }
0x5: {  	s19 =	simm.s32 $0xC000;
	s20 =	simm.s32 $0x1;
	s22 =	simm.s32 $0xE000  }
0x6: {  	s23 =	simm.s32 $0x2;
	s28 =	simm.s32 $0x3;
	s2 =	smul.u32 $0x5000, s9  }
0x7: {  	s30 =	simm.s32 $0x5;
	s29 =	simm.s32 $0x0;
	s7 =	smul.u32 $0xA000, s9  }
0x8: {  	s1 =	sand.u32 $0x1, s1;
	[smem:$0x7FF] =	sst s4;
	s9 =	smul.u32 $0x28000, s9  }
0x9: {  	s5 =	sadd.s32 $0x1A600, s0;
	s6 =	smul.u32 $0x50000, s1;
	_ =	strace $0x8000004D  }
0xa: {  	s8 =	smul.u32 $0xA0000, s1;
	s1 =	ssub.s32 $0x2, s1;
	s25 =	sshrl.u32 s9, $0x2  }
0xb: {  	s26 =	sshrl.u32 s1, $0x1;
	s6 =	sadd.s32 s2, s6;
	s2 =	sshrl.u32 s2, $0x3  }
0xc: {  	s24 =	sadd.s32 s7, s8;
	s10 =	sadd.s32 s25, s3;
	s1 =	ssub.s32 s1, s26  }
0xd: {  	s26 =	simm.s32 $0x10000;
	s25 =	simm.s32 $0x8;
	s6 =	sshrl.u32 s6, $0x3  }
0xe: {  	s2 =	sadd.s32 s2, s0;
	s31 =	sadd.s32 $0x2000, s10;
	s8 =	sadd.s32 $0x4000, s10  }
.Ltmp0:
0xf: {  	s9 =	sadd.s32 $0x6000, s10;
	s10 =	sadd.s32 $0x8000, s10;
	(pc) =	sbr.rel .LBB2_1-.Ltmp0, $4  }
0x10: {  	s14 =	smax.u32 s1, $0x1;
	s1 =	simm.s32 $0x6;
	s11 =	sadd.s32 s6, s0  }
0x11: {  	s6 =	sshrl.u32 s24, $0x3;
	[dreg:$0x4] =	wrdreg s31;
	s12 =	sadd.s32 $0x41800, s2  }
0x12: {  	s24 =	simm.s32 $0x7;
	s0 =	sadd.s32 s6, s0;
	s6 =	sadd.s32 s7, s3  }
0x13: {  	s11 =	sadd.s32 $0x6600, s11;
	s13 =	sadd.s32 $0x4BC00, s0;
	s0 =	simm.s32 $0x4  }
.LBB2_4:
0x14: {  	_ =	swait.ge [sflag:s0], $0x2000  }
0x15: {  	[sflag:s0] =	ssyncset.done $0x0  }
0x16: {  	[sflag:s0] =	ssyncadd.s32 $0xFFFFE000  }
0x17: {  	[spmem:s3] =	stream.indirect.scatter.add.f32 [tilespmem:s26], [sflag:$0x8], $0x40, s21, s18, $0xb8;
	[tilespmem:$0x1C000] =	vst v63  }
0x18: {  	_ =	swait.ge [sflag:s1], $0x2000  }
0x19: {  	[sflag:s1] =	ssyncset.done $0x0  }
0x1a: {  	[sflag:s1] =	ssyncadd.s32 $0xFFFFE000  }
0x1b: {  	_ =	swait.ge [sflag:s24], $0x2000  }
0x1c: {  	[sflag:s24] =	ssyncset.done $0x0  }
0x1d: {  	[sflag:s24] =	ssyncadd.s32 $0xFFFFE000  }
0x1e: {  	s2 =	stileid.u32;
	_ =	swait.ge [sflag:s25], $0x2000  }
0x1f: {  	s7 =	sshrl.u32 s6, $0x3;
	s29 =	sadd.s32 $0x1, s29;
	[sflag:s25] =	ssyncset.done $0x0  }
0x20: {  	s2 =	sshll.u32 s2, $0x6;
	p0 =	sne.s32 s29, s14;
	[sflag:s25] =	ssyncadd.s32 $0xFFFFE000  }
.Ltmp1:
0x21: {  	s2 =	sor.u32 $0x1C09, s2;
	[bflag:$0x0] =	sbarrier.arrive $0xFFFF;
	(pc) =	sbr.rel @!p0 .LBB2_5-.Ltmp1, $4  }
0x22: {  	[hbm:s13], [sflag:s2] =	dma.local [spmem:s7], $0x1400  }
0x23: {  	_ =	swait.ge [sflag:s16], $0x1400  }
0x24: {  	[sflag:s16] =	ssyncset.done $0x0  }
0x25: {  	[sflag:s16] =	ssyncadd.s32 $0xFFFFEC00  }
.LBB2_1:
0x26: {  	s2 =	rddreg [dreg:$0x1]  }
0x27: {  	[tilespmem:s15], [sflag:$0x9] =	stream.linear.gather [hbm4b:s2+s4], $0x2000, $0x38;
	[tilespmem:$0x1C000] =	vst v63  }
0x28: {  	_ =	swait.ge [sflag:s16], $0x2000  }
0x29: {  	[sflag:s16] =	ssyncset.done $0x0  }
0x2a: {  	[sflag:s16] =	ssyncadd.s32 $0xFFFFE000  }
0x2b: {  	[spmem:s6] =	stream.linear.scatter [tilespmem:s15], [sflag:$0x9], $0x2000, $0x38;
	[tilespmem:$0x1C000] =	vst v63  }
0x2c: {  	_ =	swait.ge [sflag:s16], $0x2000  }
0x2d: {  	[sflag:s16] =	ssyncset.done $0x0  }
0x2e: {  	s7 =	rddreg [dreg:$0x4];
	[sflag:s16] =	ssyncadd.s32 $0xFFFFE000  }
0x2f: {  	[spmem:s7] =	stream.linear.scatter [tilespmem:s15], [sflag:$0x9], $0x2000, $0x38;
	[tilespmem:$0x1C000] =	vst v63  }
0x30: {  	_ =	swait.ge [sflag:s16], $0x2000  }
0x31: {  	[sflag:s16] =	ssyncset.done $0x0  }
0x32: {  	[sflag:s16] =	ssyncadd.s32 $0xFFFFE000  }
0x33: {  	[spmem:s8] =	stream.linear.scatter [tilespmem:s15], [sflag:$0x9], $0x2000, $0x38;
	[tilespmem:$0x1C000] =	vst v63  }
0x34: {  	_ =	swait.ge [sflag:s16], $0x2000  }
0x35: {  	[sflag:s16] =	ssyncset.done $0x0  }
0x36: {  	[sflag:s16] =	ssyncadd.s32 $0xFFFFE000  }
0x37: {  	[spmem:s9] =	stream.linear.scatter [tilespmem:s15], [sflag:$0x9], $0x2000, $0x38;
	[tilespmem:$0x1C000] =	vst v63  }
0x38: {  	_ =	swait.ge [sflag:s16], $0x2000  }
0x39: {  	[sflag:s16] =	ssyncset.done $0x0  }
0x3a: {  	[sflag:s16] =	ssyncadd.s32 $0xFFFFE000  }
0x3b: {  	[spmem:s10] =	stream.linear.scatter [tilespmem:s15], [sflag:$0x9], $0x2000, $0x38;
	[tilespmem:$0x1C000] =	vst v63  }
0x3c: {  	_ =	swait.ge [sflag:s16], $0x2000  }
0x3d: {  	[sflag:s16] =	ssyncset.done $0x0  }
0x3e: {  	[sflag:s16] =	ssyncadd.s32 $0xFFFFE000  }
0x3f: {  	[tilespmem:s4], [sflag:$0x9] =	stream.linear.gather [hbm4b:s11+s4], $0x5000, $0x38;
	[tilespmem:$0x1C000] =	vst v63  }
0x40: {  	_ =	swait.ge [sflag:s16], $0x5000  }
0x41: {  	[sflag:s16] =	ssyncset.done $0x0  }
0x42: {  	[sflag:s16] =	ssyncadd.s32 $0xFFFFB000  }
0x43: {  	[tilespmem:s17], [sflag:$0x9] =	stream.linear.gather [hbm4b:s12+s4], $0x5000, $0x38;
	[tilespmem:$0x1C000] =	vst v63  }
0x44: {  	_ =	swait.ge [sflag:s16], $0x5000  }
0x45: {  	[sflag:s16] =	ssyncset.done $0x0  }
0x46: {  	[sflag:s16] =	ssyncadd.s32 $0xFFFFB000  }
0x47: {  	[bflag:$0x0] =	sbarrier.arrive $0xFFFF  }
0x48: {  	[tilespmem:s15], [sflag:$0x1] =	stream.indirect.gather [hbm4b:s5+s18], $0x40, s4, s18, $0xb8;
	[tilespmem:$0x1C000] =	vst v63  }
0x49: {  	_ = 	snop  }
0x4a: {  	[tilespmem:s19], [sflag:$0x2] =	stream.indirect.gather [hbm4b:s5+s18], $0x40, s18, s18, $0xb8;
	[tilespmem:$0x1C000] =	vst v63  }
0x4b: {  	_ =	swait.ge [sflag:s20], $0x2000  }
0x4c: {  	[sflag:s20] =	ssyncset.done $0x0  }
0x4d: {  	[sflag:s20] =	ssyncadd.s32 $0xFFFFE000  }
0x4e: {  	[spmem:s3] =	stream.indirect.scatter.add.f32 [tilespmem:s15], [sflag:$0x5], $0x40, s17, s18, $0xb8;
	[tilespmem:$0x1C000] =	vst v63  }
0x4f: {  	s21 =	simm.s32 $0x100  }
0x50: {  	[tilespmem:s22], [sflag:$0x3] =	stream.indirect.gather [hbm4b:s5+s18], $0x40, s21, s18, $0xb8;
	[tilespmem:$0x1C000] =	vst v63  }
0x51: {  	_ =	swait.ge [sflag:s23], $0x2000  }
0x52: {  	[sflag:s23] =	ssyncset.done $0x0  }
0x53: {  	s7 =	simm.s32 $0x5080;
	[sflag:s23] =	ssyncadd.s32 $0xFFFFE000  }
0x54: {  	[spmem:s3] =	stream.indirect.scatter.add.f32 [tilespmem:s19], [sflag:$0x6], $0x40, s7, s18, $0xb8;
	[tilespmem:$0x1C000] =	vst v63  }
0x55: {  	s21 =	simm.s32 $0x180  }
0x56: {  	[tilespmem:s26], [sflag:$0x4] =	stream.indirect.gather [hbm4b:s5+s18], $0x40, s21, s18, $0xb8;
	[tilespmem:$0x1C000] =	vst v63  }
0x57: {  	_ =	swait.ge [sflag:s28], $0x2000  }
0x58: {  	[sflag:s28] =	ssyncset.done $0x0  }
0x59: {  	s7 =	simm.s32 $0x5100;
	[sflag:s28] =	ssyncadd.s32 $0xFFFFE000  }
0x5a: {  	[spmem:s3] =	stream.indirect.scatter.add.f32 [tilespmem:s22], [sflag:$0x7], $0x40, s7, s18, $0xb8;
	[tilespmem:$0x1C000] =	vst v63  }
0x5b: {  	_ =	swait.ge [sflag:s30], $0x2000  }
0x5c: {  	[sflag:s30] =	ssyncset.done $0x0  }
0x5d: {  	s21 =	simm.s32 $0x200;
	[sflag:s30] =	ssyncadd.s32 $0xFFFFE000  }
0x5e: {  	[tilespmem:s15], [sflag:$0x1] =	stream.indirect.gather [hbm4b:s5+s18], $0x40, s21, s18, $0xb8;
	[tilespmem:$0x1C000] =	vst v63  }
0x5f: {  	_ =	swait.ge [sflag:s0], $0x2000  }
0x60: {  	[sflag:s0] =	ssyncset.done $0x0  }
0x61: {  	s7 =	simm.s32 $0x5180;
	[sflag:s0] =	ssyncadd.s32 $0xFFFFE000  }
0x62: {  	[spmem:s3] =	stream.indirect.scatter.add.f32 [tilespmem:s26], [sflag:$0x8], $0x40, s7, s18, $0xb8;
	[tilespmem:$0x1C000] =	vst v63  }
0x63: {  	_ =	swait.ge [sflag:s1], $0x2000  }
0x64: {  	[sflag:s1] =	ssyncset.done $0x0  }
0x65: {  	s31 =	simm.s32 $0x0;
	s21 =	simm.s32 $0x280;
	[sflag:s1] =	ssyncadd.s32 $0xFFFFE000  }
0x66: {  	[tilespmem:s19], [sflag:$0x2] =	stream.indirect.gather [hbm4b:s5+s18], $0x40, s21, s18, $0xb8;
	[tilespmem:$0x1C000] =	vst v63  }
.LBB2_2:
0x67: {  	_ =	swait.ge [sflag:s20], $0x2000  }
0x68: {  	s2 =	sshra.s32 s31, $0x2;
	[sflag:s20] =	ssyncset.done $0x0  }
0x69: {  	s21 =	sadd.s32 $0x5200, s2;
	[sflag:s20] =	ssyncadd.s32 $0xFFFFE000  }
0x6a: {  	[spmem:s3] =	stream.indirect.scatter.add.f32 [tilespmem:s15], [sflag:$0x5], $0x40, s21, s18, $0xb8;
	[tilespmem:$0x1C000] =	vst v63  }
0x6b: {  	_ =	swait.ge [sflag:s24], $0x2000  }
0x6c: {  	[sflag:s24] =	ssyncset.done $0x0  }
0x6d: {  	s7 =	sadd.s32 $0x300, s2;
	[sflag:s24] =	ssyncadd.s32 $0xFFFFE000  }
0x6e: {  	[tilespmem:s22], [sflag:$0x3] =	stream.indirect.gather [hbm4b:s5+s18], $0x40, s7, s18, $0xb8;
	[tilespmem:$0x1C000] =	vst v63  }
0x6f: {  	_ =	swait.ge [sflag:s23], $0x2000  }
0x70: {  	[sflag:s23] =	ssyncset.done $0x0  }
0x71: {  	s7 =	sadd.s32 $0x5280, s2;
	[sflag:s23] =	ssyncadd.s32 $0xFFFFE000  }
0x72: {  	[spmem:s3] =	stream.indirect.scatter.add.f32 [tilespmem:s19], [sflag:$0x6], $0x40, s7, s18, $0xb8;
	[tilespmem:$0x1C000] =	vst v63  }
0x73: {  	_ =	swait.ge [sflag:s25], $0x2000  }
0x74: {  	[sflag:s25] =	ssyncset.done $0x0  }
0x75: {  	s7 =	sadd.s32 $0x380, s2;
	[sflag:s25] =	ssyncadd.s32 $0xFFFFE000  }
0x76: {  	[tilespmem:s26], [sflag:$0x4] =	stream.indirect.gather [hbm4b:s5+s18], $0x40, s7, s18, $0xb8;
	[tilespmem:$0x1C000] =	vst v63  }
0x77: {  	_ =	swait.ge [sflag:s28], $0x2000  }
0x78: {  	p0 =	seq.s32 s31, $0x13000;
	[sflag:s28] =	ssyncset.done $0x0  }
.Ltmp2:
0x79: {  	s7 =	sadd.s32 $0x5300, s2;
	[sflag:s28] =	ssyncadd.s32 $0xFFFFE000;
	(pc) =	sbr.rel @p0 .LBB2_4-.Ltmp2, $4  }
0x7a: {  	[spmem:s3] =	stream.indirect.scatter.add.f32 [tilespmem:s22], [sflag:$0x7], $0x40, s7, s18, $0xb8;
	[tilespmem:$0x1C000] =	vst v63  }
0x7b: {  	_ =	swait.ge [sflag:s30], $0x2000  }
0x7c: {  	[sflag:s30] =	ssyncset.done $0x0  }
0x7d: {  	s21 =	sadd.s32 $0x5380, s2;
	[sflag:s30] =	ssyncadd.s32 $0xFFFFE000  }
0x7e: {  	s7 =	sadd.s32 $0x400, s2  }
0x7f: {  	[tilespmem:s15], [sflag:$0x1] =	stream.indirect.gather [hbm4b:s5+s18], $0x40, s7, s18, $0xb8;
	[tilespmem:$0x1C000] =	vst v63  }
0x80: {  	_ =	swait.ge [sflag:s0], $0x2000  }
0x81: {  	[sflag:s0] =	ssyncset.done $0x0  }
0x82: {  	[sflag:s0] =	ssyncadd.s32 $0xFFFFE000  }
0x83: {  	[spmem:s3] =	stream.indirect.scatter.add.f32 [tilespmem:s26], [sflag:$0x8], $0x40, s21, s18, $0xb8;
	[tilespmem:$0x1C000] =	vst v63  }
.Ltmp3:
0x84: {  	_ = 	snop;
	(pc) =	sbr.rel .LBB2_2-.Ltmp3, $4  }
0x85: {  	_ =	swait.ge [sflag:s1], $0x2000  }
0x86: {  	[sflag:s1] =	ssyncset.done $0x0  }
0x87: {  	s31 =	sadd.s32 $0x800, s31;
	s21 =	sadd.s32 $0x480, s2;
	[sflag:s1] =	ssyncadd.s32 $0xFFFFE000  }
0x88: {  	[tilespmem:s19], [sflag:$0x2] =	stream.indirect.gather [hbm4b:s5+s18], $0x40, s21, s18, $0xb8;
	[tilespmem:$0x1C000] =	vst v63  }
.LBB2_5:
0x89: {  	_ =	sfence.sel $0x180000  }
0x8a: {  	[bflag:$0x0] =	sbarrier.arrive $0xFFFF  }
0x8b: {  	_ =	strace $0x9000004D  }
0x8c: {  	s0 =	stileid.u32;
	[bflag:$0x2] =	sbarrier.arrive $0xFFFF  }
0x8d: {  	p0 =	sne.s32 s0, $0x0;
	s0 =	rddreg [dreg:$0x3]  }
0x8e: {  	s0 =	sadd.s32 @!p0 $0x100000, s0  }
0x8f: {  	[sflag:s0] =	ssyncadd.tile.s32 @!p0 $0x1;
	_ =	shalt  }
.Lfunc_end2:
_tile_overlayer_lowered:
.L_overlay_start_2:
0x90: {  	(tag) =	ssettag $0x2  }
0x91: {  	s0 =	rddreg [dreg:$0x0];
	s2 =	stileid.u32  }
0x92: {  	s1 =	rddreg [dreg:$0x1];
	p0 =	sne.s32 s2, $0x0  }
0x93: {  	s3 =	rddreg [dreg:$0x2];
	[bflag:$0x3] =	sbarrier.arrive $0xFFFF;
	s2 =	simm.s32 @!p0 $0x1C09  }
0x94: {  	[timem:s3], [sflag:s2] =	dma.local @!p0 [hbm:s0], s1  }
0x95: {  	s0 =	simm.s32 @!p0 $0x9  }
0x96: {  	_ =	swait.ge @!p0 [sflag:s0], s1  }
0x97: {  	s1 =	ssub.s32 @!p0 $0x0, s1;
	[sflag:s0] =	ssyncset.done @!p0 $0x0  }
0x98: {  	[sflag:s0] =	ssyncadd.s32 @!p0 s1  }
0x99: {  	[bflag:$0x3] =	sbarrier.arrive $0xFFFF  }
0x9a: {  	_ =	shalt  }

// kernel: scatter_offload_async_start
scs
__scs_entry_jumppad:
0x0: {  	(pc) =	sbr.rel $0x88, $3  }
0x1: {  	(tag) =	ssettag $0x0;
	lr =	simm.s32 $0x1  }
0x2: {  	[smem:$0x3F79] =	sst lr;
	_ =	strace $0xD0000000  }
0x3: {  	_ = 	snop  }
0x4: {  	_ = 	snop  }
0x5: {  	_ = 	snop  }
0x6: {  	_ = 	snop  }
0x7: {  	_ = 	snop  }
__scs_overlays_trampoline_lowered:
0x8: {  	[smem:$0x3F88] =	sst s0  }
0x9: {  	[smem:$0x3F89] =	sst s1  }
0xa: {  	[smem:$0x3F8A] =	sst s2  }
0xb: {  	[smem:$0x3F8B] =	sst s3  }
0xc: {  	[smem:$0x3F8C] =	sst s4  }
0xd: {  	[smem:$0x3F8D] =	sst s5  }
0xe: {  	[smem:$0x3F8E] =	sst s6  }
0xf: {  	[smem:$0x3F8F] =	sst s7  }
0x10: {  	[smem:$0x3F90] =	sst s8  }
0x11: {  	[smem:$0x3F91] =	sst s9;
	s0 =	simm.s32 @!p0 $0x0  }
0x12: {  	s1 =	sld [smem:$0x3F77];
	s0 =	simm.s32 @p0 $0x1  }
0x13: {  	[smem:$0x3F92] =	sst s0;
	s0 =	simm.s32 @!p1 $0x0  }
0x14: {  	s2 =	sld [smem:$0x3F76];
	s0 =	simm.s32 @p1 $0x1  }
0x15: {  	[smem:$0x3F93] =	sst s0;
	s0 =	simm.s32 @!p2 $0x0  }
0x16: {  	s3 =	sld [smem:$0x3FDB];
	s0 =	simm.s32 @p2 $0x1  }
0x17: {  	s4 =	simm.s32 $0x1BF5;
	[smem:$0x3F95] =	sst s0  }
0x18: {  	s0 =	sld [smem:$0x3F78];
	_ =	swait.ge [sflag:s4], $0x0  }
0x19: {  	s7 =	sld [smem:$0x3F79]  }
0x1a: {  	s8 =	sadd.s32 $0xFFFFE003, lr  }
0x1b: {  	s9 =	sadd.s32 $0xFFFFFEF7, lr;
	s5 =	simm.s32 $0xFFFFFFFF;
	p2 =	slt.u32 s8, $0xFFFFF086  }
0x1c: {  	p1 =	slt.u32 s9, $0xF7A;
	s5 =	simm.s32 @!p2 $0x0  }
0x1d: {  	s5 =	simm.s32 @p1 $0x1;
	p0 =	seq.s32 s7, s2  }
0x1e: {  	s7 =	smul.u32 @!p0 $0xF7A, s2;
	p2 =	seq.s32 @!p0 s5, $0x0  }
0x1f: {  	s9 =	smul.u32 $0xF7A, s1;
	s8 =	simm.s32 @!p0 $0x1BF5;
	p2 =	por !p2, p0  }
0x20: {  	[sflag:s8] =	ssyncset.s32 @!p0 $0xFFFFF086;
	s6 =	sadd.s32 @!p0 s3, s7;
	s7 =	simm.s32 @!p0 $0x108  }
0x21: {  	s3 =	sadd.s32 s3, s9;
	s6 =	sadd.s32 @!p0 $0x88, s6;
	s7 =	simm.s32 @p2 $0x1082  }
0x22: {  	[simem:s7], [sflag:s8] =	dma.local @!p0 [hbm:s6], $0xF7A  }
0x23: {  	s9 =	sor.u32 $0xD0000000, s2;
	s6 =	simm.s32 $0x108;
	_ =	swait.ge @!p0 [sflag:s8], $0x0  }
0x24: {  	s3 =	sadd.s32 $0x88, s3;
	s6 =	simm.s32 @!p1 $0x1082;
	[sflag:s4] =	ssyncset.s32 $0xFFFFF086  }
0x25: {  	[simem:s6], [sflag:s4] =	dma.local [hbm:s3], $0xF7A  }
0x26: {  	[smem:$0x3F79] =	sst s1;
	(tag) =	ssettag s2;
	_ =	strace s9  }
0x27: {  	s1 =	sld [smem:$0x3F89]  }
0x28: {  	s2 =	sld [smem:$0x3F8A]  }
0x29: {  	s4 =	sld [smem:$0x3F8C]  }
0x2a: {  	p0 =	seq.s32 s5, $0x0;
	s5 =	sld [smem:$0x3F8D]  }
0x2b: {  	s6 =	sld [smem:$0x3F8E]  }
0x2c: {  	s7 =	sld [smem:$0x3F8F]  }
0x2d: {  	s3 =	simm.s32 $0x108;
	s8 =	sld [smem:$0x3F90]  }
0x2e: {  	s3 =	simm.s32 @!p0 $0x1082;
	s9 =	sld [smem:$0x3F91]  }
0x2f: {  	lr =	sadd.s32 s0, s3;
	s0 =	sld [smem:$0x3F88]  }
0x30: {  	s3 =	sld [smem:$0x3F8B]  }
0x31: {  	[smem:$0x3F94] =	sst s10  }
0x32: {  	s10 =	sld [smem:$0x3F92];
	_ =	sdelay $0x3  }
0x33: {  	p0 =	seq.s32 s10, $0x1;
	s10 =	sld [smem:$0x3F94];
	_ =	sdelay $0x3  }
0x34: {  	[smem:$0x3F94] =	sst s10  }
0x35: {  	s10 =	sld [smem:$0x3F93];
	_ =	sdelay $0x3  }
0x36: {  	p1 =	seq.s32 s10, $0x1;
	s10 =	sld [smem:$0x3F94];
	_ =	sdelay $0x3  }
0x37: {  	[smem:$0x3F94] =	sst s10  }
0x38: {  	s10 =	sld [smem:$0x3F95]  }
0x39: {  	_ = 	snop;
	(pc) =	sbr.ind lr, $3  }
0x3a: {  	_ = 	snop  }
0x3b: {  	_ = 	snop  }
0x3c: {  	p2 =	seq.s32 s10, $0x1;
	s10 =	sld [smem:$0x3F94]  }
0x3d: {  	_ =	shalt  }
0x3e: {  	_ =	shalt  }
0x3f: {  	_ =	shalt  }
0x40: {  	_ =	shalt  }
0x41: {  	_ =	shalt  }
0x42: {  	_ =	shalt  }
0x43: {  	_ =	shalt  }
0x44: {  	_ =	shalt  }
0x45: {  	_ =	shalt  }
0x46: {  	_ =	shalt  }
0x47: {  	_ =	shalt  }
0x48: {  	_ =	shalt  }
0x49: {  	_ =	shalt  }
0x4a: {  	_ =	shalt  }
0x4b: {  	_ =	shalt  }
0x4c: {  	_ =	shalt  }
0x4d: {  	_ =	shalt  }
0x4e: {  	_ =	shalt  }
0x4f: {  	_ =	shalt  }
0x50: {  	_ =	shalt  }
0x51: {  	_ =	shalt  }
0x52: {  	_ =	shalt  }
0x53: {  	_ =	shalt  }
0x54: {  	_ =	shalt  }
0x55: {  	_ =	shalt  }
0x56: {  	_ =	shalt  }
0x57: {  	_ =	shalt  }
0x58: {  	_ =	shalt  }
0x59: {  	_ =	shalt  }
0x5a: {  	_ =	shalt  }
0x5b: {  	_ =	shalt  }
0x5c: {  	_ =	shalt  }
0x5d: {  	_ =	shalt  }
0x5e: {  	_ =	shalt  }
0x5f: {  	_ =	shalt  }
0x60: {  	_ =	shalt  }
0x61: {  	_ =	shalt  }
0x62: {  	_ =	shalt  }
0x63: {  	_ =	shalt  }
0x64: {  	_ =	shalt  }
0x65: {  	_ =	shalt  }
0x66: {  	_ =	shalt  }
0x67: {  	_ =	shalt  }
0x68: {  	_ =	shalt  }
0x69: {  	_ =	shalt  }
0x6a: {  	_ =	shalt  }
0x6b: {  	_ =	shalt  }
0x6c: {  	_ =	shalt  }
0x6d: {  	_ =	shalt  }
0x6e: {  	_ =	shalt  }
0x6f: {  	_ =	shalt  }
0x70: {  	_ =	shalt  }
0x71: {  	_ =	shalt  }
0x72: {  	_ =	shalt  }
0x73: {  	_ =	shalt  }
0x74: {  	_ =	shalt  }
0x75: {  	_ =	shalt  }
0x76: {  	_ =	shalt  }
0x77: {  	_ =	shalt  }
0x78: {  	_ =	shalt  }
0x79: {  	_ =	shalt  }
0x7a: {  	_ =	shalt  }
0x7b: {  	_ =	shalt  }
0x7c: {  	_ =	shalt  }
0x7d: {  	_ =	shalt  }
0x7e: {  	_ =	shalt  }
0x7f: {  	_ =	shalt  }
0x80: {  	_ =	shalt  }
0x81: {  	_ =	shalt  }
0x82: {  	_ =	shalt  }
0x83: {  	_ =	shalt  }
0x84: {  	_ =	shalt  }
0x85: {  	_ =	shalt  }
0x86: {  	_ =	shalt  }
0x87: {  	_ =	shalt  }
.Lfunc_end0:
.L_simem_size_0:
called_computation_lowered:
.L_overlay_start_0:
0x88: {  	s0 =	sld [smem:$0x3FD9]  }
0x89: {  	s1 =	sld [smem:$0x3FFE];
	_ =	sdelay $0x3  }
0x8a: {  	s0 =	sadd.s32 s1, s0  }
0x8b: {  	[smem:$0x3FA0] =	sst s0  }
0x8c: {  	_ = 	snop  }
0x8d: {  	(tm) =	ssettm $0x1  }
0x8e: {  	s15 =	sld [smem:$0x3FFB];
	_ =	sdelay $0x3  }
0x8f: {  	_ =	strace s15  }
0x90: {  	s0 =	sld [smem:$0x3FFC];
	_ =	sdelay $0x3  }
0x91: {  	_ =	strace s0  }
0x92: {  	s0 =	sld [smem:$0x3FFD];
	_ =	sdelay $0x3  }
0x93: {  	_ =	strace s0  }
0x94: {  	_ =	strace $0x8FFFFFFF  }
0x95: {  	s16 =	sld [smem:$0x3FDB];
	_ =	sdelay $0x1  }
0x96: {  	s17 =	simm.s32 $_scs_section_size  }
0x97: {  	s2 =	simm.s32 $_size__tile_overlayer_lowered;
	s3 =	simm.s32 $_tile_overlayer_lowered  }
0x98: {  	s20 =	simm.s32 $0x1BFF;
	s19 =	sshll.u32 s3, $0x1;
	s0 =	sadd.s32 s17, s16  }
0x99: {  	s4 =	simm.s32 $0x0;
	s18 =	sshll.u32 s2, $0x1;
	s2 =	sadd.s32 s19, s0  }
0x9a: {  	[timem:s4], [sflag:s20] =	dma.local [hbm:s2], s18  }
0x9b: {  	_ =	swait.ge [sflag:s20], s18  }
0x9c: {  	s1 =	ssub.s32 $0x0, s18;
	[sflag:s20] =	ssyncset.done $0x0  }
0x9d: {  	[sflag:s20] =	ssyncadd.s32 s1;
	_ =	sdelay $0x1  }
0x9e: {  	s21 =	simm.s32 $0x1B8B  }
0x9f: {  	_ =	swait.ge [sflag:s21], $0x1  }
0xa0: {  	[sflag:s21] =	ssyncset.done $0x0  }
0xa1: {  	s23 =	simm.s32 $0x1B8E;
	s22 =	sld [smem:$0x3FFE];
	[sflag:s21] =	ssyncadd.s32 $0xFFFFFFFF  }
0xa2: {  	s24 =	simm.s32 $execute0_lowered;
	[smem:$0x3FD2] =	sst s23  }
0xa3: {  	s2 =	sshll.u32 s24, $0x1;
	_ =	strace $0x80000049;
	[dreg:$0x1] =	wrdreg $0xFFFFFFFF  }
0xa4: {  	s25 =	simm.s32 $_size_execute0_lowered;
	s0 =	sadd.s32 s0, s2;
	[dreg:$0x0] =	wrdreg $0x0  }
0xa5: {  	s2 =	sshll.u32 s25, $0x1;
	[dreg:$0x2] =	wrdreg s0  }
0xa6: {  	[dreg:$0x3] =	wrdreg s2  }
0xa7: {  	[dreg:$0x4] =	wrdreg $0xC0  }
0xa8: {  	_ =	task [dreg:s4], $0x5FFFF  }
0xa9: {  	[dreg:$0x1] =	wrdreg $0xFFFFFFFF  }
0xaa: {  	[dreg:$0x0] =	wrdreg $0x60  }
0xab: {  	[dreg:$0x2] =	wrdreg s22  }
0xac: {  	[dreg:$0x3] =	wrdreg $0x9  }
0xad: {  	_ =	task.clear_ibuf [dreg:s4], $0x4FFFF;
	_ =	strace $0x90000049  }
0xae: {  	s26 =	simm.s32 $0x9;
	_ =	strace $0x8000004B  }
0xaf: {  	_ =	swait.ge [sflag:s26], $0x1  }
0xb0: {  	[sflag:s26] =	ssyncadd.s32 $0xFFFFFFFF  }
0xb1: {  	_ =	strace $0x9000004B  }
0xb2: {  	_ =	sfence  }
0xb3: {  	s28 =	sld [smem:$0x0];
	_ =	sdelay $0x1  }
0xb4: {  	s29 =	srdreg.scid  }
0xb5: {  	s30 =	sshll.u32 s29, $0xD;
	s31 =	sshrl.u32 s29, $0x2  }
0xb6: {  	s1 =	sand.u32 $0x1, s29;
	s2 =	sand.u32 $0x4000, s30;
	s0 =	sadd.s32 s31, s28  }
0xb7: {  	s1 =	sor.u32 s2, s1;
	s0 =	sshll.u32 s0, $0x11  }
0xb8: {  	s0 =	sor.u32 s0, s1  }
0xb9: {  	s0 =	sadd.s32 $0x8F2B, s0  }
0xba: {  	[sflag:s0] =	ssyncadd.remote.s32 $0x1  }
0xbb: {  	_ =	sfence.sel $0xFFFF  }
0xbc: {  	[dreg:$0x0] =	wrdreg $0xFFFFFFFF;
	(pc) =	sbr.abs _section_cstart, $3  }
0xbd: {  	[dreg:$0x1] =	wrdreg $0xFFFFFFFF  }
0xbe: {  	_ =	task.clear_ibuf [dreg:s4], $0x2FFFF;
	_ =	strace $0x9FFFFFFF  }
0xbf: {  	(tm) =	ssettm $0x7FFFFFFF  }
tec
execute0_lowered:
.L_overlay_start_1:
0x0: {  	(tag) =	ssettag $0x1  }
0x1: {  	s4 =	rddreg [dreg:$0x0]  }
0x2: {  	s0 =	rddreg [dreg:$0x1];
	_ =	strace $0x8000004A;
	s5 =	stileid.u32  }
0x3: {  	s3 =	simm.s32 $0x3E;
	s1 =	sadd.s32 $0x4BA00, s4;
	p0 =	sne.s32 s5, $0x0  }
0x4: {  	[sflag:s3] =	ssyncpa.u1 $0x0;
	s6 =	simm.s32 @!p0 $0x1C3E;
	s2 =	simm.s32 @!p0 $0x0  }
0x5: {  	[spmem:s2], [sflag:s6] =	dma.local @!p0 [hbm:s1], $0x10  }
0x6: {  	s6 =	simm.s32 @!p0 $0x3E  }
0x7: {  	_ =	swait.ge @!p0 [sflag:s6], $0x10  }
0x8: {  	[sflag:s6] =	ssyncset.done @!p0 $0x0  }
0x9: {  	s13 =	simm.s32 $0x1;
	[sflag:s6] =	ssyncadd.s32 @!p0 $0xFFFFFFF0  }
0xa: {  	s7 =	simm.s32 $0x2;
	s8 =	simm.s32 $0x0;
	[bflag:$0x0] =	sbarrier.arrive $0xFFFF  }
0xb: {  	s9 =	simm.s32 $0x88;
	s14 =	sadd.s32 $0x7DC00, s4;
	[sflag:s3] =	ssyncpa.u1 $0x1  }
0xc: {  	s4 =	sadd.s32 $0x4B800, s4;
	s5 =	sshll.u32 s5, $0x4;
	[sflag:s13] =	ssyncpa.u1 $0x0  }
0xd: {  	s6 =	sadd.s32 s14, s5;
	(ifvalue) =	ssetifvalue $0x80;
	[sflag:s7] =	ssyncpa.u1 $0x0  }
0xe: {  	[tilespmem:s9], [sflag:$0x2] =	stream.linear.gather [hbm4b:s6+s8], $0x80, $0x38;
	[tilespmem:$0x208] =	vst v63  }
0xf: {  	s15 =	simm.s32 $0x188;
	s4 =	sadd.s32 s4, s5  }
0x10: {  	[tilespmem:s15], [sflag:$0x2] =	stream.linear.gather [hbm4b:s4+s8], $0x80, $0x38;
	[tilespmem:$0x208] =	vst v63  }
0x11: {  	_ =	swait.ge [sflag:s7], $0x100  }
0x12: {  	[sflag:s7] =	ssyncset.done $0x0  }
0x13: {  	[sflag:s7] =	ssyncadd.s32 $0xFFFFFF00  }
0x14: {  	v0 =	vld.msk [tilespmem:s9+$0x0 ss:$0x1], $0xffff;
	_ =	sdelay $0x4  }
0x15: {  	v0 =	vmin.u32 v0, $0x80;
	_ =	sdelay $0x3  }
0x16: {  	vm0 =	vmmov $0xffff;
	s16 =	simm.s32 $0x98  }
0x17: {  	[spmem:s8] =	stream.indirect_vreg.scatter.add.s32 [tilespmem:s15], [sflag:$0x1], $0x1, v0, vm0, $0x4038;
	[tilespmem:$0x208] =	vst v63  }
0x18: {  	v0 =	vld.msk [tilespmem:s16+$0x0 ss:$0x1], $0xffff;
	_ =	sdelay $0x4  }
0x19: {  	v0 =	vmin.u32 v0, $0x80;
	_ =	sdelay $0x3  }
0x1a: {  	s17 =	simm.s32 $0x198;
	s18 =	simm.s32 $0xA8  }
0x1b: {  	[spmem:s8] =	stream.indirect_vreg.scatter.add.s32 [tilespmem:s17], [sflag:$0x1], $0x1, v0, vm0, $0x4038;
	[tilespmem:$0x208] =	vst v63  }
0x1c: {  	v0 =	vld.msk [tilespmem:s18+$0x0 ss:$0x1], $0xffff;
	_ =	sdelay $0x4  }
0x1d: {  	v0 =	vmin.u32 v0, $0x80;
	_ =	sdelay $0x3  }
0x1e: {  	s19 =	simm.s32 $0x1A8;
	s20 =	simm.s32 $0xB8  }
0x1f: {  	[spmem:s8] =	stream.indirect_vreg.scatter.add.s32 [tilespmem:s19], [sflag:$0x1], $0x1, v0, vm0, $0x4038;
	[tilespmem:$0x208] =	vst v63  }
0x20: {  	v0 =	vld.msk [tilespmem:s20+$0x0 ss:$0x1], $0xffff;
	_ =	sdelay $0x4  }
0x21: {  	v0 =	vmin.u32 v0, $0x80;
	_ =	sdelay $0x3  }
0x22: {  	s21 =	simm.s32 $0x1B8;
	s22 =	simm.s32 $0xC8  }
0x23: {  	[spmem:s8] =	stream.indirect_vreg.scatter.add.s32 [tilespmem:s21], [sflag:$0x1], $0x1, v0, vm0, $0x4038;
	[tilespmem:$0x208] =	vst v63  }
0x24: {  	v0 =	vld.msk [tilespmem:s22+$0x0 ss:$0x1], $0xffff;
	_ =	sdelay $0x4  }
0x25: {  	v0 =	vmin.u32 v0, $0x80;
	_ =	sdelay $0x3  }
0x26: {  	s23 =	simm.s32 $0x1C8;
	s24 =	simm.s32 $0xD8  }
0x27: {  	[spmem:s8] =	stream.indirect_vreg.scatter.add.s32 [tilespmem:s23], [sflag:$0x1], $0x1, v0, vm0, $0x4038;
	[tilespmem:$0x208] =	vst v63  }
0x28: {  	v0 =	vld.msk [tilespmem:s24+$0x0 ss:$0x1], $0xffff;
	_ =	sdelay $0x4  }
0x29: {  	v0 =	vmin.u32 v0, $0x80;
	_ =	sdelay $0x3  }
0x2a: {  	s25 =	simm.s32 $0x1D8;
	s26 =	simm.s32 $0xE8  }
0x2b: {  	[spmem:s8] =	stream.indirect_vreg.scatter.add.s32 [tilespmem:s25], [sflag:$0x1], $0x1, v0, vm0, $0x4038;
	[tilespmem:$0x208] =	vst v63  }
0x2c: {  	v0 =	vld.msk [tilespmem:s26+$0x0 ss:$0x1], $0xffff;
	_ =	sdelay $0x4  }
0x2d: {  	v0 =	vmin.u32 v0, $0x80;
	_ =	sdelay $0x3  }
0x2e: {  	s28 =	simm.s32 $0x1E8;
	s29 =	simm.s32 $0xF8  }
0x2f: {  	[spmem:s8] =	stream.indirect_vreg.scatter.add.s32 [tilespmem:s28], [sflag:$0x1], $0x1, v0, vm0, $0x4038;
	[tilespmem:$0x208] =	vst v63  }
0x30: {  	v0 =	vld.msk [tilespmem:s29+$0x0 ss:$0x1], $0xffff;
	_ =	sdelay $0x4  }
0x31: {  	v0 =	vmin.u32 v0, $0x80;
	_ =	sdelay $0x3  }
0x32: {  	s30 =	simm.s32 $0x1F8  }
0x33: {  	[spmem:s8] =	stream.indirect_vreg.scatter.add.s32 [tilespmem:s30], [sflag:$0x1], $0x1, v0, vm0, $0x4038;
	[tilespmem:$0x208] =	vst v63  }
0x34: {  	_ =	swait.ge [sflag:s13], $0x80  }
0x35: {  	[sflag:s13] =	ssyncset.done $0x0  }
0x36: {  	[sflag:s13] =	ssyncadd.s32 $0xFFFFFF80  }
0x37: {  	_ =	sfence.sel $0x180000  }
0x38: {  	[bflag:$0x0] =	sbarrier.arrive $0xFFFF  }
0x39: {  	[sflag:s7] =	ssyncpa.u1 $0x1  }
0x3a: {  	[sflag:s13] =	ssyncpa.u1 $0x1  }
0x3b: {  	_ =	sfence.stream.spmem  }
0x3c: {  	s31 =	simm.s32 $0x3D;
	[bflag:$0x0] =	sbarrier.arrive $0xFFFF  }
0x3d: {  	s3 =	simm.s32 @p0 $0x3D;
	[sflag:s31] =	ssyncpa.u1 $0x0  }
0x3e: {  	[sflag:s3] =	ssyncpa.u1 @p0 $0x1  }
0x3f: {  	[bflag:$0x0] =	sbarrier.arrive @p0 $0xFFFF  }
0x40: {  	_ =	strace @p0 $0x9000004A  }
0x41: {  	s3 =	simm.s32 @!p0 $0x1C3D;
	[bflag:$0x2] =	sbarrier.arrive @p0 $0xFFFF  }
0x42: {  	[hbm:s1], [sflag:s3] =	dma.local @!p0 [spmem:s2], $0x10  }
0x43: {  	s1 =	simm.s32 @!p0 $0x3D  }
0x44: {  	_ =	swait.ge @!p0 [sflag:s1], $0x10  }
0x45: {  	[sflag:s1] =	ssyncset.done @!p0 $0x0  }
0x46: {  	[sflag:s1] =	ssyncadd.s32 @!p0 $0xFFFFFFF0  }
0x47: {  	[sflag:s1] =	ssyncpa.u1 @!p0 $0x1  }
0x48: {  	[bflag:$0x0] =	sbarrier.arrive @!p0 $0xFFFF  }
0x49: {  	_ =	strace @!p0 $0x9000004A  }
0x4a: {  	s0 =	sadd.s32 @!p0 $0x100000, s0;
	[bflag:$0x2] =	sbarrier.arrive @!p0 $0xFFFF  }
0x4b: {  	[sflag:s0] =	ssyncadd.tile.s32 @!p0 $0x1;
	_ =	shalt  }
.Lfunc_end2:
_tile_overlayer_lowered:
.L_overlay_start_2:
0x4c: {  	(tag) =	ssettag $0x2  }
0x4d: {  	s0 =	rddreg [dreg:$0x0];
	s2 =	stileid.u32  }
0x4e: {  	s1 =	rddreg [dreg:$0x1];
	p0 =	sne.s32 s2, $0x0  }
0x4f: {  	s3 =	rddreg [dreg:$0x2];
	[bflag:$0x3] =	sbarrier.arrive $0xFFFF;
	s2 =	simm.s32 @!p0 $0x1C01  }
0x50: {  	[timem:s3], [sflag:s2] =	dma.local @!p0 [hbm:s0], s1  }
0x51: {  	s0 =	simm.s32 @!p0 $0x1  }
0x52: {  	_ =	swait.ge @!p0 [sflag:s0], s1  }
0x53: {  	s1 =	ssub.s32 @!p0 $0x0, s1;
	[sflag:s0] =	ssyncset.done @!p0 $0x0  }
0x54: {  	[sflag:s0] =	ssyncadd.s32 @!p0 s1  }
0x55: {  	[bflag:$0x3] =	sbarrier.arrive $0xFFFF  }
0x56: {  	_ =	shalt  }

</sc_bundles>
